<compile_context>
chip_gen: v7x
topology: tpu7x:2x2x1
jax: 0.10.2.dev20260603
libtpu: 0.0.44.dev20260713+nightly
codegen_flags: <defaults>
</compile_context>

<pallas_src>
import functools
import math

import jax
import jax.numpy as jnp
from jax import lax
from jax.experimental import pallas as pl
from jax.experimental.pallas import tpu as pltpu
from jax.experimental.pallas import tpu_sc as plsc


def _ssp(v):
    return jnp.maximum(v, 0.0) + jnp.log1p(jnp.exp(-jnp.abs(v))) - math.log(2.0)


def _in2f_body(x_ref, w_ref, o_ref):
    o_ref[...] = jnp.dot(x_ref[...], w_ref[...],
                         preferred_element_type=jnp.float32)


def _in2f(x, w):
    n, d = x.shape
    f = w.shape[1]
    blk = 2000
    return pl.pallas_call(
        _in2f_body,
        grid=(n // blk,),
        in_specs=[
            pl.BlockSpec((blk, d), lambda i: (i, 0)),
            pl.BlockSpec((d, f), lambda i: (0, 0)),
        ],
        out_specs=pl.BlockSpec((blk, f), lambda i: (i, 0)),
        out_shape=jax.ShapeDtypeStruct((n, f), jnp.float32),
    )(x, w)


_NC, _NS = 2, 16
_NW = _NC * _NS
_CH = 128
_K = 3
_PH = _CH * _K


def _sc_gather(table, idx, eoff, ecnt):
    n, f = table.shape
    per_w = ecnt // _NW
    nphase = per_w // _PH
    tail = per_w - nphase * _PH
    assert tail % 8 == 0 and tail <= _CH
    mesh = plsc.VectorSubcoreMesh(core_axis_name="c", subcore_axis_name="s")

    @functools.partial(
        pl.kernel,
        out_type=jax.ShapeDtypeStruct((ecnt, f), jnp.float32),
        mesh=mesh,
        scratch_types=[
            pltpu.VMEM((per_w,), jnp.int32),
            pltpu.VMEM((_PH, f), jnp.float32),
            pltpu.VMEM((_PH, f), jnp.float32),
            pltpu.SemaphoreType.DMA,
            pltpu.SemaphoreType.DMA,
        ],
    )
    def k(table_hbm, idx_hbm, out_hbm, idx_v, buf_a, buf_b, sem_a, sem_b):
        wid = lax.axis_index("s") * _NC + lax.axis_index("c")
        base = wid * per_w
        pltpu.sync_copy(idx_hbm.at[pl.ds(eoff + base, per_w)], idx_v)

        def fire(buf, sem, p):
            for j in range(_K):
                pltpu.async_copy(
                    table_hbm.at[idx_v.at[pl.ds(p * _PH + j * _CH, _CH)]],
                    buf.at[pl.ds(j * _CH, _CH)], sem)

        def drain(buf, sem):
            pltpu.make_async_copy(
                table_hbm.at[pl.ds(0, _PH)], buf, sem).wait()

        def flush(buf, p):
            pltpu.sync_copy(buf, out_hbm.at[pl.ds(base + p * _PH, _PH)])

        last = nphase - 1
        fire(buf_a, sem_a, 0)

        def body(i, carry):
            p = 2 * i
            fire(buf_b, sem_b, p + 1)
            drain(buf_a, sem_a)
            flush(buf_a, p)
            fire(buf_a, sem_a, jnp.minimum(p + 2, last))
            drain(buf_b, sem_b)
            flush(buf_b, p + 1)
            return carry

        lax.fori_loop(0, nphase // 2, body, 0, unroll=False)
        drain(buf_a, sem_a)
        if nphase % 2:
            flush(buf_a, last)
        if tail:
            pltpu.async_copy(
                table_hbm.at[idx_v.at[pl.ds(nphase * _PH, tail)]],
                buf_a.at[pl.ds(0, tail)], sem_a).wait()
            pltpu.sync_copy(buf_a.at[pl.ds(0, tail)],
                            out_hbm.at[pl.ds(base + nphase * _PH, tail)])

    return k(table, idx)


def _fused_body(dre_ref, dr_ref, pm_ref, gat_ref,
                fw1_ref, fb1_ref, fw2_ref, fb2_ref,
                f2o_ref, f2ob_ref, ow_ref, ob_ref, o_ref,
                *, blk_n, nbh):
    h3 = lax.dot_general(dre_ref[...], fw1_ref[...], (((0,), (0,)), ((), ())),
                         preferred_element_type=jnp.float32)
    h3 = _ssp(h3 + fb1_ref[...])
    w3 = lax.dot_general(h3, fw2_ref[...], (((2,), (0,)), ((), ())),
                         preferred_element_type=jnp.float32) + fb2_ref[...]
    dr = dr_ref[...]
    cut_t = 0.5 * (jnp.cos(dr * (math.pi / 5.0)) + 1.0)
    cut_t = cut_t * (dr < 5.0).astype(jnp.float32) * pm_ref[...]
    z3 = gat_ref[...] * w3 * cut_t[:, :, None]
    za = z3.sum(axis=0)
    ya = _ssp(jnp.dot(za, f2o_ref[...],
                      preferred_element_type=jnp.float32) + f2ob_ref[...])
    o_ref[...] = jnp.dot(ya, ow_ref[...],
                         preferred_element_type=jnp.float32) + ob_ref[...]


def _fused(dre_t, dr_t, pm_t, gat3, weights, noff, ncnt, nbh, d, f, g):
    fw1, fb1, fw2, fb2, f2o, f2ob, ow, ob = weights
    blk_n = 512
    b0 = noff // blk_n
    grid = (ncnt // blk_n,)
    body = functools.partial(_fused_body, blk_n=blk_n, nbh=nbh)
    return pl.pallas_call(
        body,
        grid=grid,
        in_specs=[
            pl.BlockSpec((g, nbh, blk_n), lambda i: (0, 0, i + b0)),
            pl.BlockSpec((nbh, blk_n), lambda i: (0, i + b0)),
            pl.BlockSpec((nbh, blk_n), lambda i: (0, i + b0)),
            pl.BlockSpec((nbh, blk_n, f), lambda i: (0, i, 0)),
            pl.BlockSpec((g, f), lambda i: (0, 0)),
            pl.BlockSpec((1, f), lambda i: (0, 0)),
            pl.BlockSpec((f, f), lambda i: (0, 0)),
            pl.BlockSpec((1, f), lambda i: (0, 0)),
            pl.BlockSpec((f, d), lambda i: (0, 0)),
            pl.BlockSpec((1, d), lambda i: (0, 0)),
            pl.BlockSpec((d, d), lambda i: (0, 0)),
            pl.BlockSpec((1, d), lambda i: (0, 0)),
        ],
        out_specs=pl.BlockSpec((blk_n, d), lambda i: (i, 0)),
        out_shape=jax.ShapeDtypeStruct((ncnt, d), jnp.float32),
    )(dre_t, dr_t, pm_t, gat3, fw1, fb1, fw2, fb2, f2o, f2ob, ow, ob)


_NCHUNK = 5


def kernel(x, dR, neighbors, pairwise_mask, dR_expanded,
           fW1, fb1, fW2, fb2, in2f_W, f2out_W, f2out_b, out_W, out_b):
    n, nbh = neighbors.shape
    d = x.shape[1]
    f = in2f_W.shape[1]
    g = dR_expanded.shape[2]

    y = _in2f(x, in2f_W)
    np_ = 10240 if n == 10000 else ((n + 639) // 640) * 640
    pad = np_ - n
    nc = np_ // _NCHUNK
    ec = nc * nbh
    pad_idx = jnp.broadcast_to(((jnp.arange(pad) * 977) % n)[None, :],
                               (nbh, pad)).astype(jnp.int32)
    nt = jnp.concatenate([neighbors.T.astype(jnp.int32), pad_idx], axis=1)
    idx = jnp.transpose(nt.reshape(nbh, _NCHUNK, nc), (1, 0, 2)).reshape(-1)
    dre_t = jnp.transpose(jnp.pad(dR_expanded, ((0, pad), (0, 0), (0, 0))),
                          (2, 1, 0))
    dr_t = jnp.pad(dR.T, ((0, 0), (0, pad)))
    pm_t = jnp.pad(pairwise_mask.T, ((0, 0), (0, pad)))
    weights = (fW1, fb1.reshape(1, f), fW2, fb2.reshape(1, f),
               f2out_W, f2out_b.reshape(1, d), out_W, out_b.reshape(1, d))

    outs = []
    for c in range(_NCHUNK):
        gat = _sc_gather(y, idx, c * ec, ec)
        outs.append(_fused(dre_t, dr_t, pm_t, gat.reshape(nbh, nc, f),
                           weights, c * nc, nc, nbh, d, f, g))
    return jnp.concatenate(outs, axis=0)[:n]

# --- scband reference (transcript-rebuilt; emitter-appended) ---
"""Pipeline reference for scband-interaction-65575560675820 (READ-ONLY COPY).

The authoritative reference and input builder live on the scoring server;
editing this copy changes nothing except your own understanding.
"""

import jax, jax.numpy as jnp
import numpy as np


def shifted_softplus(x):
    return jnp.logaddexp(x, 0.0) - jnp.log(2.0)


def setup_inputs(seed: int = 0) -> dict:
    key = jax.random.key(seed)
    ks = jax.random.split(key, 14)
    N, NBH, D, F, G = 10000, 32, 128, 128, 25
    x = jax.random.normal(ks[0], (N, D), dtype=jnp.float32)
    dR = jax.random.uniform(ks[1], (N, NBH), dtype=jnp.float32)
    neighbors = jax.random.randint(ks[2], (N, NBH), 0, N)
    pairwise_mask = jnp.ones((N, NBH), dtype=jnp.float32)
    dR_expanded = jax.random.uniform(ks[3], (N, NBH, G), dtype=jnp.float32)
    # learned parameters (CFConv filter network, in2f, f2out, and output Dense)
    fW1 = jax.random.normal(ks[4], (G, F), dtype=jnp.float32) * 0.1
    fb1 = jnp.zeros((F,), dtype=jnp.float32)
    fW2 = jax.random.normal(ks[5], (F, F), dtype=jnp.float32) * 0.1
    fb2 = jnp.zeros((F,), dtype=jnp.float32)
    in2f_W = jax.random.normal(ks[6], (D, F), dtype=jnp.float32) * 0.1
    f2out_W = jax.random.normal(ks[7], (F, D), dtype=jnp.float32) * 0.1
    f2out_b = jnp.zeros((D,), dtype=jnp.float32)
    out_W = jax.random.normal(ks[8], (D, D), dtype=jnp.float32) * 0.1
    out_b = jnp.zeros((D,), dtype=jnp.float32)
    return {
        'x': x, 'dR': dR, 'neighbors': neighbors,
        'pairwise_mask': pairwise_mask, 'dR_expanded': dR_expanded,
        'fW1': fW1, 'fb1': fb1, 'fW2': fW2, 'fb2': fb2,
        'in2f_W': in2f_W, 'f2out_W': f2out_W, 'f2out_b': f2out_b,
        'out_W': out_W, 'out_b': out_b,
    }


def reference(x, dR, neighbors, pairwise_mask, dR_expanded,
              fW1, fb1, fW2, fb2, in2f_W, f2out_W, f2out_b, out_W, out_b):
    r_cutoff = 5.0
    # --- CFConv ---
    # filter network on expanded distances: Dense+ssp, Dense
    W = shifted_softplus(jnp.dot(dR_expanded, fW1) + fb1)
    W = jnp.dot(W, fW2) + fb2  # (N, NBH, F)
    # cosine cutoff on raw distances
    C = 0.5 * (jnp.cos(dR * jnp.pi / r_cutoff) + 1.0)
    C = C * (dR < r_cutoff).astype(x.dtype)
    W = W * C[..., None]
    # in2f (no bias), then gather neighbor features
    y = jnp.dot(x, in2f_W)            # (N, F)
    y_nbh = jnp.take(y, neighbors, axis=0)  # (N, NBH, F) gather
    y_nbh = y_nbh * W
    y_nbh = y_nbh * pairwise_mask[..., None]
    y_agg = jnp.sum(y_nbh, axis=1)    # (N, F) aggregate over neighbors
    # f2out with activation
    y_out = shifted_softplus(jnp.dot(y_agg, f2out_W) + f2out_b)  # (N, D)
    # --- Output Dense ---
    out = jnp.dot(y_out, out_W) + out_b  # (N, D)
    return out

if __name__ == "__main__":
    import jax
    _d = setup_inputs()
    print(jax.jit(kernel)(*tuple(_d.values())))

</pallas_src>

<mosaic_0001>
#map = affine_map<(d0, d1) -> (0, 0)>
#map1 = affine_map<(d0, d1) -> (0)>
module attributes {stable_mosaic.version = 14 : i64} {
  func.func @k(%arg0: i32, %arg1: i32, %arg2: memref<10000x128xf32, #tpu.memory_space<hbm>>, %arg3: memref<327680xi32, #tpu.memory_space<hbm>>, %arg4: memref<65536x128xf32, #tpu.memory_space<hbm>>, %arg5: memref<2048xi32, #tpu.memory_space<vmem>>, %arg6: memref<384x128xf32, #tpu.memory_space<vmem>>, %arg7: memref<384x128xf32, #tpu.memory_space<vmem>>, %arg8: memref<!tpu.dma_semaphore, #tpu.memory_space<semaphore_mem>>, %arg9: memref<!tpu.dma_semaphore, #tpu.memory_space<semaphore_mem>>) attributes {dimension_semantics = [#tpu.dimension_semantics<core_parallel>, #tpu.dimension_semantics<subcore_parallel>], iteration_bounds = array<i64: 2, 16>, scalar_prefetch = 0 : i64, scratch_operands = 5 : i64, tpu.core_type = #tpu.core_type<sc_vector_subcore>, window_params = [{transform_indices = #map}, {transform_indices = #map1}, {transform_indices = #map}]} {
    %mul3A = arith.constant 2 : i32
    %mul3A_0 = arith.muli %arg1, %mul3A : i32
    %add3A = arith.addi %mul3A_0, %arg0 : i32
    %mul3A_1 = arith.constant 2048 : i32
    %mul3A_2 = arith.muli %add3A, %mul3A_1 : i32
    %add3A_3 = arith.constant 262144 : i32
    %add3A_4 = arith.addi %add3A_3, %mul3A_2 : i32
    "tpu.region"() ({
      %run_scoped3A = tpu.sem_alloc : memref<!tpu.dma_semaphore, #tpu.memory_space<semaphore_mem>>
      %dma_start3A_58 = tpu.memref_slice %arg3[%add3A_4] : memref<327680xi32, #tpu.memory_space<hbm>> -> memref<2048xi32, #tpu.memory_space<hbm>>
      %dma_start3A_59 = tpu.memref_slice %arg3[%add3A_4] : memref<327680xi32, #tpu.memory_space<hbm>> -> memref<2048xi32, #tpu.memory_space<hbm>>
      tpu.enqueue_dma source(%dma_start3A_59 : memref<2048xi32, #tpu.memory_space<hbm>>) target(%arg5 : memref<2048xi32, #tpu.memory_space<vmem>>) target_semaphore(%run_scoped3A : memref<!tpu.dma_semaphore, #tpu.memory_space<semaphore_mem>>)
      %dma_wait3A_60 = tpu.memref_slice %arg3[%add3A_4] : memref<327680xi32, #tpu.memory_space<hbm>> -> memref<2048xi32, #tpu.memory_space<hbm>>
      %dma_wait3A_61 = tpu.memref_slice %arg3[%add3A_4] : memref<327680xi32, #tpu.memory_space<hbm>> -> memref<2048xi32, #tpu.memory_space<hbm>>
      tpu.wait_dma2 semaphore(%run_scoped3A : memref<!tpu.dma_semaphore, #tpu.memory_space<semaphore_mem>>) src(%dma_wait3A_61 : memref<2048xi32, #tpu.memory_space<hbm>>) dst(%arg5 : memref<2048xi32, #tpu.memory_space<vmem>>)
      tpu.yield
    }) : () -> ()
    %dma_start3A = arith.constant 0 : i32
    %dma_start3A_5 = arith.constant 0 : i32
    %dma_start3A_6 = tpu.memref_slice %arg6[%dma_start3A, %dma_start3A_5] : memref<384x128xf32, #tpu.memory_space<vmem>> -> memref<128x128xf32, #tpu.memory_space<vmem>>
    %dma_start3A_7 = arith.constant 0 : i32
    %dma_start3A_8 = tpu.memref_slice %arg5[%dma_start3A_7] : memref<2048xi32, #tpu.memory_space<vmem>> -> memref<128xi32, #tpu.memory_space<vmem>>
    %dma_start3A_9 = arith.constant 0 : i32
    %dma_start3A_10 = arith.constant 0 : i32
    %dma_start3A_11 = tpu.memref_slice %arg2[%dma_start3A_9, %dma_start3A_10] : memref<10000x128xf32, #tpu.memory_space<hbm>> -> memref<10000x128xf32, #tpu.memory_space<hbm>>
    tpu.enqueue_indirect_dma source(%dma_start3A_11 : memref<10000x128xf32, #tpu.memory_space<hbm>>) target(%dma_start3A_6 : memref<128x128xf32, #tpu.memory_space<vmem>>) offsets(%dma_start3A_8 : memref<128xi32, #tpu.memory_space<vmem>>) semaphore(%arg8 : memref<!tpu.dma_semaphore, #tpu.memory_space<semaphore_mem>>)
    %dma_start3A_12 = arith.constant 128 : i32
    %dma_start3A_13 = arith.constant 0 : i32
    %dma_start3A_14 = tpu.memref_slice %arg6[%dma_start3A_12, %dma_start3A_13] : memref<384x128xf32, #tpu.memory_space<vmem>> -> memref<128x128xf32, #tpu.memory_space<vmem>>
    %dma_start3A_15 = arith.constant 128 : i32
    %dma_start3A_16 = tpu.memref_slice %arg5[%dma_start3A_15] : memref<2048xi32, #tpu.memory_space<vmem>> -> memref<128xi32, #tpu.memory_space<vmem>>
    %dma_start3A_17 = arith.constant 0 : i32
    %dma_start3A_18 = arith.constant 0 : i32
    %dma_start3A_19 = tpu.memref_slice %arg2[%dma_start3A_17, %dma_start3A_18] : memref<10000x128xf32, #tpu.memory_space<hbm>> -> memref<10000x128xf32, #tpu.memory_space<hbm>>
    tpu.enqueue_indirect_dma source(%dma_start3A_19 : memref<10000x128xf32, #tpu.memory_space<hbm>>) target(%dma_start3A_14 : memref<128x128xf32, #tpu.memory_space<vmem>>) offsets(%dma_start3A_16 : memref<128xi32, #tpu.memory_space<vmem>>) semaphore(%arg8 : memref<!tpu.dma_semaphore, #tpu.memory_space<semaphore_mem>>)
    %dma_start3A_20 = arith.constant 256 : i32
    %dma_start3A_21 = arith.constant 0 : i32
    %dma_start3A_22 = tpu.memref_slice %arg6[%dma_start3A_20, %dma_start3A_21] : memref<384x128xf32, #tpu.memory_space<vmem>> -> memref<128x128xf32, #tpu.memory_space<vmem>>
    %dma_start3A_23 = arith.constant 256 : i32
    %dma_start3A_24 = tpu.memref_slice %arg5[%dma_start3A_23] : memref<2048xi32, #tpu.memory_space<vmem>> -> memref<128xi32, #tpu.memory_space<vmem>>
    %dma_start3A_25 = arith.constant 0 : i32
    %dma_start3A_26 = arith.constant 0 : i32
    %dma_start3A_27 = tpu.memref_slice %arg2[%dma_start3A_25, %dma_start3A_26] : memref<10000x128xf32, #tpu.memory_space<hbm>> -> memref<10000x128xf32, #tpu.memory_space<hbm>>
    tpu.enqueue_indirect_dma source(%dma_start3A_27 : memref<10000x128xf32, #tpu.memory_space<hbm>>) target(%dma_start3A_22 : memref<128x128xf32, #tpu.memory_space<vmem>>) offsets(%dma_start3A_24 : memref<128xi32, #tpu.memory_space<vmem>>) semaphore(%arg8 : memref<!tpu.dma_semaphore, #tpu.memory_space<semaphore_mem>>)
    %scan3A = arith.constant 0 : i32
    %scan3A_28 = arith.constant 0 : i32
    %scan3A_29 = arith.constant 2 : i32
    %scan3A_30 = arith.addi %scan3A_28, %scan3A_29 : i32
    %scan3A_31 = arith.constant 1 : i32
    scf.for %scan3A_58 = %scan3A_28 to %scan3A_30 step %scan3A_31  : i32 {
      %mul3A_59 = arith.constant 2 : i32
      %mul3A_60 = arith.muli %mul3A_59, %scan3A_58 : i32
      %add3A_61 = arith.constant 1 : i32
      %add3A_62 = arith.addi %mul3A_60, %add3A_61 : i32
      %mul3A_63 = arith.constant 384 : i32
      %mul3A_64 = arith.muli %add3A_62, %mul3A_63 : i32
      %add3A_65 = arith.constant 0 : i32
      %add3A_66 = arith.addi %mul3A_64, %add3A_65 : i32
      %dma_start3A_67 = arith.constant 0 : i32
      %dma_start3A_68 = arith.constant 0 : i32
      %dma_start3A_69 = tpu.memref_slice %arg7[%dma_start3A_67, %dma_start3A_68] : memref<384x128xf32, #tpu.memory_space<vmem>> -> memref<128x128xf32, #tpu.memory_space<vmem>>
      %dma_start3A_70 = tpu.memref_slice %arg5[%add3A_66] : memref<2048xi32, #tpu.memory_space<vmem>> -> memref<128xi32, #tpu.memory_space<vmem>>
      %dma_start3A_71 = arith.constant 0 : i32
      %dma_start3A_72 = arith.constant 0 : i32
      %dma_start3A_73 = tpu.memref_slice %arg2[%dma_start3A_71, %dma_start3A_72] : memref<10000x128xf32, #tpu.memory_space<hbm>> -> memref<10000x128xf32, #tpu.memory_space<hbm>>
      tpu.enqueue_indirect_dma source(%dma_start3A_73 : memref<10000x128xf32, #tpu.memory_space<hbm>>) target(%dma_start3A_69 : memref<128x128xf32, #tpu.memory_space<vmem>>) offsets(%dma_start3A_70 : memref<128xi32, #tpu.memory_space<vmem>>) semaphore(%arg9 : memref<!tpu.dma_semaphore, #tpu.memory_space<semaphore_mem>>)
      %mul3A_74 = arith.constant 384 : i32
      %mul3A_75 = arith.muli %add3A_62, %mul3A_74 : i32
      %add3A_76 = arith.constant 128 : i32
      %add3A_77 = arith.addi %mul3A_75, %add3A_76 : i32
      %dma_start3A_78 = arith.constant 128 : i32
      %dma_start3A_79 = arith.constant 0 : i32
      %dma_start3A_80 = tpu.memref_slice %arg7[%dma_start3A_78, %dma_start3A_79] : memref<384x128xf32, #tpu.memory_space<vmem>> -> memref<128x128xf32, #tpu.memory_space<vmem>>
      %dma_start3A_81 = tpu.memref_slice %arg5[%add3A_77] : memref<2048xi32, #tpu.memory_space<vmem>> -> memref<128xi32, #tpu.memory_space<vmem>>
      %dma_start3A_82 = arith.constant 0 : i32
      %dma_start3A_83 = arith.constant 0 : i32
      %dma_start3A_84 = tpu.memref_slice %arg2[%dma_start3A_82, %dma_start3A_83] : memref<10000x128xf32, #tpu.memory_space<hbm>> -> memref<10000x128xf32, #tpu.memory_space<hbm>>
      tpu.enqueue_indirect_dma source(%dma_start3A_84 : memref<10000x128xf32, #tpu.memory_space<hbm>>) target(%dma_start3A_80 : memref<128x128xf32, #tpu.memory_space<vmem>>) offsets(%dma_start3A_81 : memref<128xi32, #tpu.memory_space<vmem>>) semaphore(%arg9 : memref<!tpu.dma_semaphore, #tpu.memory_space<semaphore_mem>>)
      %mul3A_85 = arith.constant 384 : i32
      %mul3A_86 = arith.muli %add3A_62, %mul3A_85 : i32
      %add3A_87 = arith.constant 256 : i32
      %add3A_88 = arith.addi %mul3A_86, %add3A_87 : i32
      %dma_start3A_89 = arith.constant 256 : i32
      %dma_start3A_90 = arith.constant 0 : i32
      %dma_start3A_91 = tpu.memref_slice %arg7[%dma_start3A_89, %dma_start3A_90] : memref<384x128xf32, #tpu.memory_space<vmem>> -> memref<128x128xf32, #tpu.memory_space<vmem>>
      %dma_start3A_92 = tpu.memref_slice %arg5[%add3A_88] : memref<2048xi32, #tpu.memory_space<vmem>> -> memref<128xi32, #tpu.memory_space<vmem>>
      %dma_start3A_93 = arith.constant 0 : i32
      %dma_start3A_94 = arith.constant 0 : i32
      %dma_start3A_95 = tpu.memref_slice %arg2[%dma_start3A_93, %dma_start3A_94] : memref<10000x128xf32, #tpu.memory_space<hbm>> -> memref<10000x128xf32, #tpu.memory_space<hbm>>
      tpu.enqueue_indirect_dma source(%dma_start3A_95 : memref<10000x128xf32, #tpu.memory_space<hbm>>) target(%dma_start3A_91 : memref<128x128xf32, #tpu.memory_space<vmem>>) offsets(%dma_start3A_92 : memref<128xi32, #tpu.memory_space<vmem>>) semaphore(%arg9 : memref<!tpu.dma_semaphore, #tpu.memory_space<semaphore_mem>>)
      %dma_wait3A_96 = arith.constant 0 : i32
      %dma_wait3A_97 = arith.constant 0 : i32
      %dma_wait3A_98 = tpu.memref_slice %arg2[%dma_wait3A_96, %dma_wait3A_97] : memref<10000x128xf32, #tpu.memory_space<hbm>> -> memref<384x128xf32, #tpu.memory_space<hbm>>
      %dma_wait3A_99 = arith.constant 0 : i32
      %dma_wait3A_100 = arith.constant 0 : i32
      %dma_wait3A_101 = tpu.memref_slice %arg2[%dma_wait3A_99, %dma_wait3A_100] : memref<10000x128xf32, #tpu.memory_space<hbm>> -> memref<384x128xf32, #tpu.memory_space<hbm>>
      tpu.wait_dma2 semaphore(%arg8 : memref<!tpu.dma_semaphore, #tpu.memory_space<semaphore_mem>>) src(%dma_wait3A_101 : memref<384x128xf32, #tpu.memory_space<hbm>>) dst(%arg6 : memref<384x128xf32, #tpu.memory_space<vmem>>)
      %mul3A_102 = arith.constant 384 : i32
      %mul3A_103 = arith.muli %mul3A_60, %mul3A_102 : i32
      %add3A_104 = arith.addi %mul3A_2, %mul3A_103 : i32
      "tpu.region"() ({
        %run_scoped3A = tpu.sem_alloc : memref<!tpu.dma_semaphore, #tpu.memory_space<semaphore_mem>>
        %dma_start3A_152 = arith.constant 0 : i32
        %dma_start3A_153 = tpu.memref_slice %arg4[%add3A_104, %dma_start3A_152] : memref<65536x128xf32, #tpu.memory_space<hbm>> -> memref<384x128xf32, #tpu.memory_space<hbm>>
        %dma_start3A_154 = arith.constant 0 : i32
        %dma_start3A_155 = tpu.memref_slice %arg4[%add3A_104, %dma_start3A_154] : memref<65536x128xf32, #tpu.memory_space<hbm>> -> memref<384x128xf32, #tpu.memory_space<hbm>>
        tpu.enqueue_dma source(%arg6 : memref<384x128xf32, #tpu.memory_space<vmem>>) target(%dma_start3A_155 : memref<384x128xf32, #tpu.memory_space<hbm>>) target_semaphore(%run_scoped3A : memref<!tpu.dma_semaphore, #tpu.memory_space<semaphore_mem>>)
        %dma_wait3A_156 = arith.constant 0 : i32
        %dma_wait3A_157 = tpu.memref_slice %arg4[%add3A_104, %dma_wait3A_156] : memref<65536x128xf32, #tpu.memory_space<hbm>> -> memref<384x128xf32, #tpu.memory_space<hbm>>
        %dma_wait3A_158 = arith.constant 0 : i32
        %dma_wait3A_159 = tpu.memref_slice %arg4[%add3A_104, %dma_wait3A_158] : memref<65536x128xf32, #tpu.memory_space<hbm>> -> memref<384x128xf32, #tpu.memory_space<hbm>>
        tpu.wait_dma2 semaphore(%run_scoped3A : memref<!tpu.dma_semaphore, #tpu.memory_space<semaphore_mem>>) src(%arg6 : memref<384x128xf32, #tpu.memory_space<vmem>>) dst(%dma_wait3A_159 : memref<384x128xf32, #tpu.memory_space<hbm>>)
        tpu.yield
      }) : () -> ()
      %add3A_105 = arith.constant 2 : i32
      %add3A_106 = arith.addi %mul3A_60, %add3A_105 : i32
      %min3A = arith.constant 4 : i32
      %min3A_107 = arith.minsi %add3A_106, %min3A : i32
      %mul3A_108 = arith.constant 384 : i32
      %mul3A_109 = arith.muli %min3A_107, %mul3A_108 : i32
      %add3A_110 = arith.constant 0 : i32
      %add3A_111 = arith.addi %mul3A_109, %add3A_110 : i32
      %dma_start3A_112 = arith.constant 0 : i32
      %dma_start3A_113 = arith.constant 0 : i32
      %dma_start3A_114 = tpu.memref_slice %arg6[%dma_start3A_112, %dma_start3A_113] : memref<384x128xf32, #tpu.memory_space<vmem>> -> memref<128x128xf32, #tpu.memory_space<vmem>>
      %dma_start3A_115 = tpu.memref_slice %arg5[%add3A_111] : memref<2048xi32, #tpu.memory_space<vmem>> -> memref<128xi32, #tpu.memory_space<vmem>>
      %dma_start3A_116 = arith.constant 0 : i32
      %dma_start3A_117 = arith.constant 0 : i32
      %dma_start3A_118 = tpu.memref_slice %arg2[%dma_start3A_116, %dma_start3A_117] : memref<10000x128xf32, #tpu.memory_space<hbm>> -> memref<10000x128xf32, #tpu.memory_space<hbm>>
      tpu.enqueue_indirect_dma source(%dma_start3A_118 : memref<10000x128xf32, #tpu.memory_space<hbm>>) target(%dma_start3A_114 : memref<128x128xf32, #tpu.memory_space<vmem>>) offsets(%dma_start3A_115 : memref<128xi32, #tpu.memory_space<vmem>>) semaphore(%arg8 : memref<!tpu.dma_semaphore, #tpu.memory_space<semaphore_mem>>)
      %mul3A_119 = arith.constant 384 : i32
      %mul3A_120 = arith.muli %min3A_107, %mul3A_119 : i32
      %add3A_121 = arith.constant 128 : i32
      %add3A_122 = arith.addi %mul3A_120, %add3A_121 : i32
      %dma_start3A_123 = arith.constant 128 : i32
      %dma_start3A_124 = arith.constant 0 : i32
      %dma_start3A_125 = tpu.memref_slice %arg6[%dma_start3A_123, %dma_start3A_124] : memref<384x128xf32, #tpu.memory_space<vmem>> -> memref<128x128xf32, #tpu.memory_space<vmem>>
      %dma_start3A_126 = tpu.memref_slice %arg5[%add3A_122] : memref<2048xi32, #tpu.memory_space<vmem>> -> memref<128xi32, #tpu.memory_space<vmem>>
      %dma_start3A_127 = arith.constant 0 : i32
      %dma_start3A_128 = arith.constant 0 : i32
      %dma_start3A_129 = tpu.memref_slice %arg2[%dma_start3A_127, %dma_start3A_128] : memref<10000x128xf32, #tpu.memory_space<hbm>> -> memref<10000x128xf32, #tpu.memory_space<hbm>>
      tpu.enqueue_indirect_dma source(%dma_start3A_129 : memref<10000x128xf32, #tpu.memory_space<hbm>>) target(%dma_start3A_125 : memref<128x128xf32, #tpu.memory_space<vmem>>) offsets(%dma_start3A_126 : memref<128xi32, #tpu.memory_space<vmem>>) semaphore(%arg8 : memref<!tpu.dma_semaphore, #tpu.memory_space<semaphore_mem>>)
      %mul3A_130 = arith.constant 384 : i32
      %mul3A_131 = arith.muli %min3A_107, %mul3A_130 : i32
      %add3A_132 = arith.constant 256 : i32
      %add3A_133 = arith.addi %mul3A_131, %add3A_132 : i32
      %dma_start3A_134 = arith.constant 256 : i32
      %dma_start3A_135 = arith.constant 0 : i32
      %dma_start3A_136 = tpu.memref_slice %arg6[%dma_start3A_134, %dma_start3A_135] : memref<384x128xf32, #tpu.memory_space<vmem>> -> memref<128x128xf32, #tpu.memory_space<vmem>>
      %dma_start3A_137 = tpu.memref_slice %arg5[%add3A_133] : memref<2048xi32, #tpu.memory_space<vmem>> -> memref<128xi32, #tpu.memory_space<vmem>>
      %dma_start3A_138 = arith.constant 0 : i32
      %dma_start3A_139 = arith.constant 0 : i32
      %dma_start3A_140 = tpu.memref_slice %arg2[%dma_start3A_138, %dma_start3A_139] : memref<10000x128xf32, #tpu.memory_space<hbm>> -> memref<10000x128xf32, #tpu.memory_space<hbm>>
      tpu.enqueue_indirect_dma source(%dma_start3A_140 : memref<10000x128xf32, #tpu.memory_space<hbm>>) target(%dma_start3A_136 : memref<128x128xf32, #tpu.memory_space<vmem>>) offsets(%dma_start3A_137 : memref<128xi32, #tpu.memory_space<vmem>>) semaphore(%arg8 : memref<!tpu.dma_semaphore, #tpu.memory_space<semaphore_mem>>)
      %dma_wait3A_141 = arith.constant 0 : i32
      %dma_wait3A_142 = arith.constant 0 : i32
      %dma_wait3A_143 = tpu.memref_slice %arg2[%dma_wait3A_141, %dma_wait3A_142] : memref<10000x128xf32, #tpu.memory_space<hbm>> -> memref<384x128xf32, #tpu.memory_space<hbm>>
      %dma_wait3A_144 = arith.constant 0 : i32
      %dma_wait3A_145 = arith.constant 0 : i32
      %dma_wait3A_146 = tpu.memref_slice %arg2[%dma_wait3A_144, %dma_wait3A_145] : memref<10000x128xf32, #tpu.memory_space<hbm>> -> memref<384x128xf32, #tpu.memory_space<hbm>>
      tpu.wait_dma2 semaphore(%arg9 : memref<!tpu.dma_semaphore, #tpu.memory_space<semaphore_mem>>) src(%dma_wait3A_146 : memref<384x128xf32, #tpu.memory_space<hbm>>) dst(%arg7 : memref<384x128xf32, #tpu.memory_space<vmem>>)
      %add3A_147 = arith.constant 1 : i32
      %add3A_148 = arith.addi %mul3A_60, %add3A_147 : i32
      %mul3A_149 = arith.constant 384 : i32
      %mul3A_150 = arith.muli %add3A_148, %mul3A_149 : i32
      %add3A_151 = arith.addi %mul3A_2, %mul3A_150 : i32
      "tpu.region"() ({
        %run_scoped3A = tpu.sem_alloc : memref<!tpu.dma_semaphore, #tpu.memory_space<semaphore_mem>>
        %dma_start3A_152 = arith.constant 0 : i32
        %dma_start3A_153 = tpu.memref_slice %arg4[%add3A_151, %dma_start3A_152] : memref<65536x128xf32, #tpu.memory_space<hbm>> -> memref<384x128xf32, #tpu.memory_space<hbm>>
        %dma_start3A_154 = arith.constant 0 : i32
        %dma_start3A_155 = tpu.memref_slice %arg4[%add3A_151, %dma_start3A_154] : memref<65536x128xf32, #tpu.memory_space<hbm>> -> memref<384x128xf32, #tpu.memory_space<hbm>>
        tpu.enqueue_dma source(%arg7 : memref<384x128xf32, #tpu.memory_space<vmem>>) target(%dma_start3A_155 : memref<384x128xf32, #tpu.memory_space<hbm>>) target_semaphore(%run_scoped3A : memref<!tpu.dma_semaphore, #tpu.memory_space<semaphore_mem>>)
        %dma_wait3A_156 = arith.constant 0 : i32
        %dma_wait3A_157 = tpu.memref_slice %arg4[%add3A_151, %dma_wait3A_156] : memref<65536x128xf32, #tpu.memory_space<hbm>> -> memref<384x128xf32, #tpu.memory_space<hbm>>
        %dma_wait3A_158 = arith.constant 0 : i32
        %dma_wait3A_159 = tpu.memref_slice %arg4[%add3A_151, %dma_wait3A_158] : memref<65536x128xf32, #tpu.memory_space<hbm>> -> memref<384x128xf32, #tpu.memory_space<hbm>>
        tpu.wait_dma2 semaphore(%run_scoped3A : memref<!tpu.dma_semaphore, #tpu.memory_space<semaphore_mem>>) src(%arg7 : memref<384x128xf32, #tpu.memory_space<vmem>>) dst(%dma_wait3A_159 : memref<384x128xf32, #tpu.memory_space<hbm>>)
        tpu.yield
      }) : () -> ()
    }
    %scan3A_32 = arith.constant 2 : i32
    %dma_wait3A = arith.constant 0 : i32
    %dma_wait3A_33 = arith.constant 0 : i32
    %dma_wait3A_34 = tpu.memref_slice %arg2[%dma_wait3A, %dma_wait3A_33] : memref<10000x128xf32, #tpu.memory_space<hbm>> -> memref<384x128xf32, #tpu.memory_space<hbm>>
    %dma_wait3A_35 = arith.constant 0 : i32
    %dma_wait3A_36 = arith.constant 0 : i32
    %dma_wait3A_37 = tpu.memref_slice %arg2[%dma_wait3A_35, %dma_wait3A_36] : memref<10000x128xf32, #tpu.memory_space<hbm>> -> memref<384x128xf32, #tpu.memory_space<hbm>>
    tpu.wait_dma2 semaphore(%arg8 : memref<!tpu.dma_semaphore, #tpu.memory_space<semaphore_mem>>) src(%dma_wait3A_37 : memref<384x128xf32, #tpu.memory_space<hbm>>) dst(%arg6 : memref<384x128xf32, #tpu.memory_space<vmem>>)
    %add3A_38 = arith.constant 1536 : i32
    %add3A_39 = arith.addi %mul3A_2, %add3A_38 : i32
    "tpu.region"() ({
      %run_scoped3A = tpu.sem_alloc : memref<!tpu.dma_semaphore, #tpu.memory_space<semaphore_mem>>
      %dma_start3A_58 = arith.constant 0 : i32
      %dma_start3A_59 = tpu.memref_slice %arg4[%add3A_39, %dma_start3A_58] : memref<65536x128xf32, #tpu.memory_space<hbm>> -> memref<384x128xf32, #tpu.memory_space<hbm>>
      %dma_start3A_60 = arith.constant 0 : i32
      %dma_start3A_61 = tpu.memref_slice %arg4[%add3A_39, %dma_start3A_60] : memref<65536x128xf32, #tpu.memory_space<hbm>> -> memref<384x128xf32, #tpu.memory_space<hbm>>
      tpu.enqueue_dma source(%arg6 : memref<384x128xf32, #tpu.memory_space<vmem>>) target(%dma_start3A_61 : memref<384x128xf32, #tpu.memory_space<hbm>>) target_semaphore(%run_scoped3A : memref<!tpu.dma_semaphore, #tpu.memory_space<semaphore_mem>>)
      %dma_wait3A_62 = arith.constant 0 : i32
      %dma_wait3A_63 = tpu.memref_slice %arg4[%add3A_39, %dma_wait3A_62] : memref<65536x128xf32, #tpu.memory_space<hbm>> -> memref<384x128xf32, #tpu.memory_space<hbm>>
      %dma_wait3A_64 = arith.constant 0 : i32
      %dma_wait3A_65 = tpu.memref_slice %arg4[%add3A_39, %dma_wait3A_64] : memref<65536x128xf32, #tpu.memory_space<hbm>> -> memref<384x128xf32, #tpu.memory_space<hbm>>
      tpu.wait_dma2 semaphore(%run_scoped3A : memref<!tpu.dma_semaphore, #tpu.memory_space<semaphore_mem>>) src(%arg6 : memref<384x128xf32, #tpu.memory_space<vmem>>) dst(%dma_wait3A_65 : memref<384x128xf32, #tpu.memory_space<hbm>>)
      tpu.yield
    }) : () -> ()
    %dma_start3A_40 = arith.constant 0 : i32
    %dma_start3A_41 = arith.constant 0 : i32
    %dma_start3A_42 = tpu.memref_slice %arg6[%dma_start3A_40, %dma_start3A_41] : memref<384x128xf32, #tpu.memory_space<vmem>> -> memref<128x128xf32, #tpu.memory_space<vmem>>
    %dma_start3A_43 = arith.constant 1920 : i32
    %dma_start3A_44 = tpu.memref_slice %arg5[%dma_start3A_43] : memref<2048xi32, #tpu.memory_space<vmem>> -> memref<128xi32, #tpu.memory_space<vmem>>
    %dma_start3A_45 = arith.constant 0 : i32
    %dma_start3A_46 = arith.constant 0 : i32
    %dma_start3A_47 = tpu.memref_slice %arg2[%dma_start3A_45, %dma_start3A_46] : memref<10000x128xf32, #tpu.memory_space<hbm>> -> memref<10000x128xf32, #tpu.memory_space<hbm>>
    tpu.enqueue_indirect_dma source(%dma_start3A_47 : memref<10000x128xf32, #tpu.memory_space<hbm>>) target(%dma_start3A_42 : memref<128x128xf32, #tpu.memory_space<vmem>>) offsets(%dma_start3A_44 : memref<128xi32, #tpu.memory_space<vmem>>) semaphore(%arg8 : memref<!tpu.dma_semaphore, #tpu.memory_space<semaphore_mem>>)
    %dma_wait3A_48 = arith.constant 0 : i32
    %dma_wait3A_49 = arith.constant 0 : i32
    %dma_wait3A_50 = tpu.memref_slice %arg6[%dma_wait3A_48, %dma_wait3A_49] : memref<384x128xf32, #tpu.memory_space<vmem>> -> memref<128x128xf32, #tpu.memory_space<vmem>>
    %dma_wait3A_51 = arith.constant 1920 : i32
    %dma_wait3A_52 = tpu.memref_slice %arg5[%dma_wait3A_51] : memref<2048xi32, #tpu.memory_space<vmem>> -> memref<128xi32, #tpu.memory_space<vmem>>
    %dma_wait3A_53 = arith.constant 0 : i32
    %dma_wait3A_54 = arith.constant 0 : i32
    %dma_wait3A_55 = tpu.memref_slice %arg2[%dma_wait3A_53, %dma_wait3A_54] : memref<10000x128xf32, #tpu.memory_space<hbm>> -> memref<10000x128xf32, #tpu.memory_space<hbm>>
    tpu.wait_indirect_dma semaphore(%arg8 : memref<!tpu.dma_semaphore, #tpu.memory_space<semaphore_mem>>) src(%dma_wait3A_55 : memref<10000x128xf32, #tpu.memory_space<hbm>>) dst(%dma_wait3A_50 : memref<128x128xf32, #tpu.memory_space<vmem>>)
    %add3A_56 = arith.constant 1920 : i32
    %add3A_57 = arith.addi %mul3A_2, %add3A_56 : i32
    "tpu.region"() ({
      %run_scoped3A = tpu.sem_alloc : memref<!tpu.dma_semaphore, #tpu.memory_space<semaphore_mem>>
      %dma_start3A_58 = arith.constant 0 : i32
      %dma_start3A_59 = arith.constant 0 : i32
      %dma_start3A_60 = tpu.memref_slice %arg6[%dma_start3A_58, %dma_start3A_59] : memref<384x128xf32, #tpu.memory_space<vmem>> -> memref<128x128xf32, #tpu.memory_space<vmem>>
      %dma_start3A_61 = arith.constant 0 : i32
      %dma_start3A_62 = tpu.memref_slice %arg4[%add3A_57, %dma_start3A_61] : memref<65536x128xf32, #tpu.memory_space<hbm>> -> memref<128x128xf32, #tpu.memory_space<hbm>>
      %dma_start3A_63 = arith.constant 0 : i32
      %dma_start3A_64 = tpu.memref_slice %arg4[%add3A_57, %dma_start3A_63] : memref<65536x128xf32, #tpu.memory_space<hbm>> -> memref<128x128xf32, #tpu.memory_space<hbm>>
      %dma_start3A_65 = arith.constant 0 : i32
      %dma_start3A_66 = arith.constant 0 : i32
      %dma_start3A_67 = tpu.memref_slice %arg6[%dma_start3A_65, %dma_start3A_66] : memref<384x128xf32, #tpu.memory_space<vmem>> -> memref<128x128xf32, #tpu.memory_space<vmem>>
      tpu.enqueue_dma source(%dma_start3A_67 : memref<128x128xf32, #tpu.memory_space<vmem>>) target(%dma_start3A_64 : memref<128x128xf32, #tpu.memory_space<hbm>>) target_semaphore(%run_scoped3A : memref<!tpu.dma_semaphore, #tpu.memory_space<semaphore_mem>>)
      %dma_wait3A_68 = arith.constant 0 : i32
      %dma_wait3A_69 = arith.constant 0 : i32
      %dma_wait3A_70 = tpu.memref_slice %arg6[%dma_wait3A_68, %dma_wait3A_69] : memref<384x128xf32, #tpu.memory_space<vmem>> -> memref<128x128xf32, #tpu.memory_space<vmem>>
      %dma_wait3A_71 = arith.constant 0 : i32
      %dma_wait3A_72 = tpu.memref_slice %arg4[%add3A_57, %dma_wait3A_71] : memref<65536x128xf32, #tpu.memory_space<hbm>> -> memref<128x128xf32, #tpu.memory_space<hbm>>
      %dma_wait3A_73 = arith.constant 0 : i32
      %dma_wait3A_74 = tpu.memref_slice %arg4[%add3A_57, %dma_wait3A_73] : memref<65536x128xf32, #tpu.memory_space<hbm>> -> memref<128x128xf32, #tpu.memory_space<hbm>>
      %dma_wait3A_75 = arith.constant 0 : i32
      %dma_wait3A_76 = arith.constant 0 : i32
      %dma_wait3A_77 = tpu.memref_slice %arg6[%dma_wait3A_75, %dma_wait3A_76] : memref<384x128xf32, #tpu.memory_space<vmem>> -> memref<128x128xf32, #tpu.memory_space<vmem>>
      tpu.wait_dma2 semaphore(%run_scoped3A : memref<!tpu.dma_semaphore, #tpu.memory_space<semaphore_mem>>) src(%dma_wait3A_77 : memref<128x128xf32, #tpu.memory_space<vmem>>) dst(%dma_wait3A_74 : memref<128x128xf32, #tpu.memory_space<hbm>>)
      tpu.yield
    }) : () -> ()
    return
  }
}

#map = affine_map<(d0, d1) -> (0, 0)>
#map1 = affine_map<(d0, d1) -> (0)>
module attributes {stable_mosaic.version = 14 : i64} {
  func.func @k(%arg0: i32, %arg1: i32, %arg2: memref<10000x128xf32, #tpu.memory_space<hbm>>, %arg3: memref<327680xi32, #tpu.memory_space<hbm>>, %arg4: memref<65536x128xf32, #tpu.memory_space<hbm>>, %arg5: memref<2048xi32, #tpu.memory_space<vmem>>, %arg6: memref<384x128xf32, #tpu.memory_space<vmem>>, %arg7: memref<384x128xf32, #tpu.memory_space<vmem>>, %arg8: memref<!tpu.dma_semaphore, #tpu.memory_space<semaphore_mem>>, %arg9: memref<!tpu.dma_semaphore, #tpu.memory_space<semaphore_mem>>) attributes {dimension_semantics = [#tpu.dimension_semantics<core_parallel>, #tpu.dimension_semantics<subcore_parallel>], iteration_bounds = array<i64: 2, 16>, scalar_prefetch = 0 : i64, scratch_operands = 5 : i64, tpu.core_type = #tpu.core_type<sc_vector_subcore>, window_params = [{transform_indices = #map}, {transform_indices = #map1}, {transform_indices = #map}]} {
    %mul3A = arith.constant 2 : i32
    %mul3A_0 = arith.muli %arg1, %mul3A : i32
    %add3A = arith.addi %mul3A_0, %arg0 : i32
    %mul3A_1 = arith.constant 2048 : i32
    %mul3A_2 = arith.muli %add3A, %mul3A_1 : i32
    %add3A_3 = arith.constant 196608 : i32
    %add3A_4 = arith.addi %add3A_3, %mul3A_2 : i32
    "tpu.region"() ({
      %run_scoped3A = tpu.sem_alloc : memref<!tpu.dma_semaphore, #tpu.memory_space<semaphore_mem>>
      %dma_start3A_58 = tpu.memref_slice %arg3[%add3A_4] : memref<327680xi32, #tpu.memory_space<hbm>> -> memref<2048xi32, #tpu.memory_space<hbm>>
      %dma_start3A_59 = tpu.memref_slice %arg3[%add3A_4] : memref<327680xi32, #tpu.memory_space<hbm>> -> memref<2048xi32, #tpu.memory_space<hbm>>
      tpu.enqueue_dma source(%dma_start3A_59 : memref<2048xi32, #tpu.memory_space<hbm>>) target(%arg5 : memref<2048xi32, #tpu.memory_space<vmem>>) target_semaphore(%run_scoped3A : memref<!tpu.dma_semaphore, #tpu.memory_space<semaphore_mem>>)
      %dma_wait3A_60 = tpu.memref_slice %arg3[%add3A_4] : memref<327680xi32, #tpu.memory_space<hbm>> -> memref<2048xi32, #tpu.memory_space<hbm>>
      %dma_wait3A_61 = tpu.memref_slice %arg3[%add3A_4] : memref<327680xi32, #tpu.memory_space<hbm>> -> memref<2048xi32, #tpu.memory_space<hbm>>
      tpu.wait_dma2 semaphore(%run_scoped3A : memref<!tpu.dma_semaphore, #tpu.memory_space<semaphore_mem>>) src(%dma_wait3A_61 : memref<2048xi32, #tpu.memory_space<hbm>>) dst(%arg5 : memref<2048xi32, #tpu.memory_space<vmem>>)
      tpu.yield
    }) : () -> ()
    %dma_start3A = arith.constant 0 : i32
    %dma_start3A_5 = arith.constant 0 : i32
    %dma_start3A_6 = tpu.memref_slice %arg6[%dma_start3A, %dma_start3A_5] : memref<384x128xf32, #tpu.memory_space<vmem>> -> memref<128x128xf32, #tpu.memory_space<vmem>>
    %dma_start3A_7 = arith.constant 0 : i32
    %dma_start3A_8 = tpu.memref_slice %arg5[%dma_start3A_7] : memref<2048xi32, #tpu.memory_space<vmem>> -> memref<128xi32, #tpu.memory_space<vmem>>
    %dma_start3A_9 = arith.constant 0 : i32
    %dma_start3A_10 = arith.constant 0 : i32
    %dma_start3A_11 = tpu.memref_slice %arg2[%dma_start3A_9, %dma_start3A_10] : memref<10000x128xf32, #tpu.memory_space<hbm>> -> memref<10000x128xf32, #tpu.memory_space<hbm>>
    tpu.enqueue_indirect_dma source(%dma_start3A_11 : memref<10000x128xf32, #tpu.memory_space<hbm>>) target(%dma_start3A_6 : memref<128x128xf32, #tpu.memory_space<vmem>>) offsets(%dma_start3A_8 : memref<128xi32, #tpu.memory_space<vmem>>) semaphore(%arg8 : memref<!tpu.dma_semaphore, #tpu.memory_space<semaphore_mem>>)
    %dma_start3A_12 = arith.constant 128 : i32
    %dma_start3A_13 = arith.constant 0 : i32
    %dma_start3A_14 = tpu.memref_slice %arg6[%dma_start3A_12, %dma_start3A_13] : memref<384x128xf32, #tpu.memory_space<vmem>> -> memref<128x128xf32, #tpu.memory_space<vmem>>
    %dma_start3A_15 = arith.constant 128 : i32
    %dma_start3A_16 = tpu.memref_slice %arg5[%dma_start3A_15] : memref<2048xi32, #tpu.memory_space<vmem>> -> memref<128xi32, #tpu.memory_space<vmem>>
    %dma_start3A_17 = arith.constant 0 : i32
    %dma_start3A_18 = arith.constant 0 : i32
    %dma_start3A_19 = tpu.memref_slice %arg2[%dma_start3A_17, %dma_start3A_18] : memref<10000x128xf32, #tpu.memory_space<hbm>> -> memref<10000x128xf32, #tpu.memory_space<hbm>>
    tpu.enqueue_indirect_dma source(%dma_start3A_19 : memref<10000x128xf32, #tpu.memory_space<hbm>>) target(%dma_start3A_14 : memref<128x128xf32, #tpu.memory_space<vmem>>) offsets(%dma_start3A_16 : memref<128xi32, #tpu.memory_space<vmem>>) semaphore(%arg8 : memref<!tpu.dma_semaphore, #tpu.memory_space<semaphore_mem>>)
    %dma_start3A_20 = arith.constant 256 : i32
    %dma_start3A_21 = arith.constant 0 : i32
    %dma_start3A_22 = tpu.memref_slice %arg6[%dma_start3A_20, %dma_start3A_21] : memref<384x128xf32, #tpu.memory_space<vmem>> -> memref<128x128xf32, #tpu.memory_space<vmem>>
    %dma_start3A_23 = arith.constant 256 : i32
    %dma_start3A_24 = tpu.memref_slice %arg5[%dma_start3A_23] : memref<2048xi32, #tpu.memory_space<vmem>> -> memref<128xi32, #tpu.memory_space<vmem>>
    %dma_start3A_25 = arith.constant 0 : i32
    %dma_start3A_26 = arith.constant 0 : i32
    %dma_start3A_27 = tpu.memref_slice %arg2[%dma_start3A_25, %dma_start3A_26] : memref<10000x128xf32, #tpu.memory_space<hbm>> -> memref<10000x128xf32, #tpu.memory_space<hbm>>
    tpu.enqueue_indirect_dma source(%dma_start3A_27 : memref<10000x128xf32, #tpu.memory_space<hbm>>) target(%dma_start3A_22 : memref<128x128xf32, #tpu.memory_space<vmem>>) offsets(%dma_start3A_24 : memref<128xi32, #tpu.memory_space<vmem>>) semaphore(%arg8 : memref<!tpu.dma_semaphore, #tpu.memory_space<semaphore_mem>>)
    %scan3A = arith.constant 0 : i32
    %scan3A_28 = arith.constant 0 : i32
    %scan3A_29 = arith.constant 2 : i32
    %scan3A_30 = arith.addi %scan3A_28, %scan3A_29 : i32
    %scan3A_31 = arith.constant 1 : i32
    scf.for %scan3A_58 = %scan3A_28 to %scan3A_30 step %scan3A_31  : i32 {
      %mul3A_59 = arith.constant 2 : i32
      %mul3A_60 = arith.muli %mul3A_59, %scan3A_58 : i32
      %add3A_61 = arith.constant 1 : i32
      %add3A_62 = arith.addi %mul3A_60, %add3A_61 : i32
      %mul3A_63 = arith.constant 384 : i32
      %mul3A_64 = arith.muli %add3A_62, %mul3A_63 : i32
      %add3A_65 = arith.constant 0 : i32
      %add3A_66 = arith.addi %mul3A_64, %add3A_65 : i32
      %dma_start3A_67 = arith.constant 0 : i32
      %dma_start3A_68 = arith.constant 0 : i32
      %dma_start3A_69 = tpu.memref_slice %arg7[%dma_start3A_67, %dma_start3A_68] : memref<384x128xf32, #tpu.memory_space<vmem>> -> memref<128x128xf32, #tpu.memory_space<vmem>>
      %dma_start3A_70 = tpu.memref_slice %arg5[%add3A_66] : memref<2048xi32, #tpu.memory_space<vmem>> -> memref<128xi32, #tpu.memory_space<vmem>>
      %dma_start3A_71 = arith.constant 0 : i32
      %dma_start3A_72 = arith.constant 0 : i32
      %dma_start3A_73 = tpu.memref_slice %arg2[%dma_start3A_71, %dma_start3A_72] : memref<10000x128xf32, #tpu.memory_space<hbm>> -> memref<10000x128xf32, #tpu.memory_space<hbm>>
      tpu.enqueue_indirect_dma source(%dma_start3A_73 : memref<10000x128xf32, #tpu.memory_space<hbm>>) target(%dma_start3A_69 : memref<128x128xf32, #tpu.memory_space<vmem>>) offsets(%dma_start3A_70 : memref<128xi32, #tpu.memory_space<vmem>>) semaphore(%arg9 : memref<!tpu.dma_semaphore, #tpu.memory_space<semaphore_mem>>)
      %mul3A_74 = arith.constant 384 : i32
      %mul3A_75 = arith.muli %add3A_62, %mul3A_74 : i32
      %add3A_76 = arith.constant 128 : i32
      %add3A_77 = arith.addi %mul3A_75, %add3A_76 : i32
      %dma_start3A_78 = arith.constant 128 : i32
      %dma_start3A_79 = arith.constant 0 : i32
      %dma_start3A_80 = tpu.memref_slice %arg7[%dma_start3A_78, %dma_start3A_79] : memref<384x128xf32, #tpu.memory_space<vmem>> -> memref<128x128xf32, #tpu.memory_space<vmem>>
      %dma_start3A_81 = tpu.memref_slice %arg5[%add3A_77] : memref<2048xi32, #tpu.memory_space<vmem>> -> memref<128xi32, #tpu.memory_space<vmem>>
      %dma_start3A_82 = arith.constant 0 : i32
      %dma_start3A_83 = arith.constant 0 : i32
      %dma_start3A_84 = tpu.memref_slice %arg2[%dma_start3A_82, %dma_start3A_83] : memref<10000x128xf32, #tpu.memory_space<hbm>> -> memref<10000x128xf32, #tpu.memory_space<hbm>>
      tpu.enqueue_indirect_dma source(%dma_start3A_84 : memref<10000x128xf32, #tpu.memory_space<hbm>>) target(%dma_start3A_80 : memref<128x128xf32, #tpu.memory_space<vmem>>) offsets(%dma_start3A_81 : memref<128xi32, #tpu.memory_space<vmem>>) semaphore(%arg9 : memref<!tpu.dma_semaphore, #tpu.memory_space<semaphore_mem>>)
      %mul3A_85 = arith.constant 384 : i32
      %mul3A_86 = arith.muli %add3A_62, %mul3A_85 : i32
      %add3A_87 = arith.constant 256 : i32
      %add3A_88 = arith.addi %mul3A_86, %add3A_87 : i32
      %dma_start3A_89 = arith.constant 256 : i32
      %dma_start3A_90 = arith.constant 0 : i32
      %dma_start3A_91 = tpu.memref_slice %arg7[%dma_start3A_89, %dma_start3A_90] : memref<384x128xf32, #tpu.memory_space<vmem>> -> memref<128x128xf32, #tpu.memory_space<vmem>>
      %dma_start3A_92 = tpu.memref_slice %arg5[%add3A_88] : memref<2048xi32, #tpu.memory_space<vmem>> -> memref<128xi32, #tpu.memory_space<vmem>>
      %dma_start3A_93 = arith.constant 0 : i32
      %dma_start3A_94 = arith.constant 0 : i32
      %dma_start3A_95 = tpu.memref_slice %arg2[%dma_start3A_93, %dma_start3A_94] : memref<10000x128xf32, #tpu.memory_space<hbm>> -> memref<10000x128xf32, #tpu.memory_space<hbm>>
      tpu.enqueue_indirect_dma source(%dma_start3A_95 : memref<10000x128xf32, #tpu.memory_space<hbm>>) target(%dma_start3A_91 : memref<128x128xf32, #tpu.memory_space<vmem>>) offsets(%dma_start3A_92 : memref<128xi32, #tpu.memory_space<vmem>>) semaphore(%arg9 : memref<!tpu.dma_semaphore, #tpu.memory_space<semaphore_mem>>)
      %dma_wait3A_96 = arith.constant 0 : i32
      %dma_wait3A_97 = arith.constant 0 : i32
      %dma_wait3A_98 = tpu.memref_slice %arg2[%dma_wait3A_96, %dma_wait3A_97] : memref<10000x128xf32, #tpu.memory_space<hbm>> -> memref<384x128xf32, #tpu.memory_space<hbm>>
      %dma_wait3A_99 = arith.constant 0 : i32
      %dma_wait3A_100 = arith.constant 0 : i32
      %dma_wait3A_101 = tpu.memref_slice %arg2[%dma_wait3A_99, %dma_wait3A_100] : memref<10000x128xf32, #tpu.memory_space<hbm>> -> memref<384x128xf32, #tpu.memory_space<hbm>>
      tpu.wait_dma2 semaphore(%arg8 : memref<!tpu.dma_semaphore, #tpu.memory_space<semaphore_mem>>) src(%dma_wait3A_101 : memref<384x128xf32, #tpu.memory_space<hbm>>) dst(%arg6 : memref<384x128xf32, #tpu.memory_space<vmem>>)
      %mul3A_102 = arith.constant 384 : i32
      %mul3A_103 = arith.muli %mul3A_60, %mul3A_102 : i32
      %add3A_104 = arith.addi %mul3A_2, %mul3A_103 : i32
      "tpu.region"() ({
        %run_scoped3A = tpu.sem_alloc : memref<!tpu.dma_semaphore, #tpu.memory_space<semaphore_mem>>
        %dma_start3A_152 = arith.constant 0 : i32
        %dma_start3A_153 = tpu.memref_slice %arg4[%add3A_104, %dma_start3A_152] : memref<65536x128xf32, #tpu.memory_space<hbm>> -> memref<384x128xf32, #tpu.memory_space<hbm>>
        %dma_start3A_154 = arith.constant 0 : i32
        %dma_start3A_155 = tpu.memref_slice %arg4[%add3A_104, %dma_start3A_154] : memref<65536x128xf32, #tpu.memory_space<hbm>> -> memref<384x128xf32, #tpu.memory_space<hbm>>
        tpu.enqueue_dma source(%arg6 : memref<384x128xf32, #tpu.memory_space<vmem>>) target(%dma_start3A_155 : memref<384x128xf32, #tpu.memory_space<hbm>>) target_semaphore(%run_scoped3A : memref<!tpu.dma_semaphore, #tpu.memory_space<semaphore_mem>>)
        %dma_wait3A_156 = arith.constant 0 : i32
        %dma_wait3A_157 = tpu.memref_slice %arg4[%add3A_104, %dma_wait3A_156] : memref<65536x128xf32, #tpu.memory_space<hbm>> -> memref<384x128xf32, #tpu.memory_space<hbm>>
        %dma_wait3A_158 = arith.constant 0 : i32
        %dma_wait3A_159 = tpu.memref_slice %arg4[%add3A_104, %dma_wait3A_158] : memref<65536x128xf32, #tpu.memory_space<hbm>> -> memref<384x128xf32, #tpu.memory_space<hbm>>
        tpu.wait_dma2 semaphore(%run_scoped3A : memref<!tpu.dma_semaphore, #tpu.memory_space<semaphore_mem>>) src(%arg6 : memref<384x128xf32, #tpu.memory_space<vmem>>) dst(%dma_wait3A_159 : memref<384x128xf32, #tpu.memory_space<hbm>>)
        tpu.yield
      }) : () -> ()
      %add3A_105 = arith.constant 2 : i32
      %add3A_106 = arith.addi %mul3A_60, %add3A_105 : i32
      %min3A = arith.constant 4 : i32
      %min3A_107 = arith.minsi %add3A_106, %min3A : i32
      %mul3A_108 = arith.constant 384 : i32
      %mul3A_109 = arith.muli %min3A_107, %mul3A_108 : i32
      %add3A_110 = arith.constant 0 : i32
      %add3A_111 = arith.addi %mul3A_109, %add3A_110 : i32
      %dma_start3A_112 = arith.constant 0 : i32
      %dma_start3A_113 = arith.constant 0 : i32
      %dma_start3A_114 = tpu.memref_slice %arg6[%dma_start3A_112, %dma_start3A_113] : memref<384x128xf32, #tpu.memory_space<vmem>> -> memref<128x128xf32, #tpu.memory_space<vmem>>
      %dma_start3A_115 = tpu.memref_slice %arg5[%add3A_111] : memref<2048xi32, #tpu.memory_space<vmem>> -> memref<128xi32, #tpu.memory_space<vmem>>
      %dma_start3A_116 = arith.constant 0 : i32
      %dma_start3A_117 = arith.constant 0 : i32
      %dma_start3A_118 = tpu.memref_slice %arg2[%dma_start3A_116, %dma_start3A_117] : memref<10000x128xf32, #tpu.memory_space<hbm>> -> memref<10000x128xf32, #tpu.memory_space<hbm>>
      tpu.enqueue_indirect_dma source(%dma_start3A_118 : memref<10000x128xf32, #tpu.memory_space<hbm>>) target(%dma_start3A_114 : memref<128x128xf32, #tpu.memory_space<vmem>>) offsets(%dma_start3A_115 : memref<128xi32, #tpu.memory_space<vmem>>) semaphore(%arg8 : memref<!tpu.dma_semaphore, #tpu.memory_space<semaphore_mem>>)
      %mul3A_119 = arith.constant 384 : i32
      %mul3A_120 = arith.muli %min3A_107, %mul3A_119 : i32
      %add3A_121 = arith.constant 128 : i32
      %add3A_122 = arith.addi %mul3A_120, %add3A_121 : i32
      %dma_start3A_123 = arith.constant 128 : i32
      %dma_start3A_124 = arith.constant 0 : i32
      %dma_start3A_125 = tpu.memref_slice %arg6[%dma_start3A_123, %dma_start3A_124] : memref<384x128xf32, #tpu.memory_space<vmem>> -> memref<128x128xf32, #tpu.memory_space<vmem>>
      %dma_start3A_126 = tpu.memref_slice %arg5[%add3A_122] : memref<2048xi32, #tpu.memory_space<vmem>> -> memref<128xi32, #tpu.memory_space<vmem>>
      %dma_start3A_127 = arith.constant 0 : i32
      %dma_start3A_128 = arith.constant 0 : i32
      %dma_start3A_129 = tpu.memref_slice %arg2[%dma_start3A_127, %dma_start3A_128] : memref<10000x128xf32, #tpu.memory_space<hbm>> -> memref<10000x128xf32, #tpu.memory_space<hbm>>
      tpu.enqueue_indirect_dma source(%dma_start3A_129 : memref<10000x128xf32, #tpu.memory_space<hbm>>) target(%dma_start3A_125 : memref<128x128xf32, #tpu.memory_space<vmem>>) offsets(%dma_start3A_126 : memref<128xi32, #tpu.memory_space<vmem>>) semaphore(%arg8 : memref<!tpu.dma_semaphore, #tpu.memory_space<semaphore_mem>>)
      %mul3A_130 = arith.constant 384 : i32
      %mul3A_131 = arith.muli %min3A_107, %mul3A_130 : i32
      %add3A_132 = arith.constant 256 : i32
      %add3A_133 = arith.addi %mul3A_131, %add3A_132 : i32
      %dma_start3A_134 = arith.constant 256 : i32
      %dma_start3A_135 = arith.constant 0 : i32
      %dma_start3A_136 = tpu.memref_slice %arg6[%dma_start3A_134, %dma_start3A_135] : memref<384x128xf32, #tpu.memory_space<vmem>> -> memref<128x128xf32, #tpu.memory_space<vmem>>
      %dma_start3A_137 = tpu.memref_slice %arg5[%add3A_133] : memref<2048xi32, #tpu.memory_space<vmem>> -> memref<128xi32, #tpu.memory_space<vmem>>
      %dma_start3A_138 = arith.constant 0 : i32
      %dma_start3A_139 = arith.constant 0 : i32
      %dma_start3A_140 = tpu.memref_slice %arg2[%dma_start3A_138, %dma_start3A_139] : memref<10000x128xf32, #tpu.memory_space<hbm>> -> memref<10000x128xf32, #tpu.memory_space<hbm>>
      tpu.enqueue_indirect_dma source(%dma_start3A_140 : memref<10000x128xf32, #tpu.memory_space<hbm>>) target(%dma_start3A_136 : memref<128x128xf32, #tpu.memory_space<vmem>>) offsets(%dma_start3A_137 : memref<128xi32, #tpu.memory_space<vmem>>) semaphore(%arg8 : memref<!tpu.dma_semaphore, #tpu.memory_space<semaphore_mem>>)
      %dma_wait3A_141 = arith.constant 0 : i32
      %dma_wait3A_142 = arith.constant 0 : i32
      %dma_wait3A_143 = tpu.memref_slice %arg2[%dma_wait3A_141, %dma_wait3A_142] : memref<10000x128xf32, #tpu.memory_space<hbm>> -> memref<384x128xf32, #tpu.memory_space<hbm>>
      %dma_wait3A_144 = arith.constant 0 : i32
      %dma_wait3A_145 = arith.constant 0 : i32
      %dma_wait3A_146 = tpu.memref_slice %arg2[%dma_wait3A_144, %dma_wait3A_145] : memref<10000x128xf32, #tpu.memory_space<hbm>> -> memref<384x128xf32, #tpu.memory_space<hbm>>
      tpu.wait_dma2 semaphore(%arg9 : memref<!tpu.dma_semaphore, #tpu.memory_space<semaphore_mem>>) src(%dma_wait3A_146 : memref<384x128xf32, #tpu.memory_space<hbm>>) dst(%arg7 : memref<384x128xf32, #tpu.memory_space<vmem>>)
      %add3A_147 = arith.constant 1 : i32
      %add3A_148 = arith.addi %mul3A_60, %add3A_147 : i32
      %mul3A_149 = arith.constant 384 : i32
      %mul3A_150 = arith.muli %add3A_148, %mul3A_149 : i32
      %add3A_151 = arith.addi %mul3A_2, %mul3A_150 : i32
      "tpu.region"() ({
        %run_scoped3A = tpu.sem_alloc : memref<!tpu.dma_semaphore, #tpu.memory_space<semaphore_mem>>
        %dma_start3A_152 = arith.constant 0 : i32
        %dma_start3A_153 = tpu.memref_slice %arg4[%add3A_151, %dma_start3A_152] : memref<65536x128xf32, #tpu.memory_space<hbm>> -> memref<384x128xf32, #tpu.memory_space<hbm>>
        %dma_start3A_154 = arith.constant 0 : i32
        %dma_start3A_155 = tpu.memref_slice %arg4[%add3A_151, %dma_start3A_154] : memref<65536x128xf32, #tpu.memory_space<hbm>> -> memref<384x128xf32, #tpu.memory_space<hbm>>
        tpu.enqueue_dma source(%arg7 : memref<384x128xf32, #tpu.memory_space<vmem>>) target(%dma_start3A_155 : memref<384x128xf32, #tpu.memory_space<hbm>>) target_semaphore(%run_scoped3A : memref<!tpu.dma_semaphore, #tpu.memory_space<semaphore_mem>>)
        %dma_wait3A_156 = arith.constant 0 : i32
        %dma_wait3A_157 = tpu.memref_slice %arg4[%add3A_151, %dma_wait3A_156] : memref<65536x128xf32, #tpu.memory_space<hbm>> -> memref<384x128xf32, #tpu.memory_space<hbm>>
        %dma_wait3A_158 = arith.constant 0 : i32
        %dma_wait3A_159 = tpu.memref_slice %arg4[%add3A_151, %dma_wait3A_158] : memref<65536x128xf32, #tpu.memory_space<hbm>> -> memref<384x128xf32, #tpu.memory_space<hbm>>
        tpu.wait_dma2 semaphore(%run_scoped3A : memref<!tpu.dma_semaphore, #tpu.memory_space<semaphore_mem>>) src(%arg7 : memref<384x128xf32, #tpu.memory_space<vmem>>) dst(%dma_wait3A_159 : memref<384x128xf32, #tpu.memory_space<hbm>>)
        tpu.yield
      }) : () -> ()
    }
    %scan3A_32 = arith.constant 2 : i32
    %dma_wait3A = arith.constant 0 : i32
    %dma_wait3A_33 = arith.constant 0 : i32
    %dma_wait3A_34 = tpu.memref_slice %arg2[%dma_wait3A, %dma_wait3A_33] : memref<10000x128xf32, #tpu.memory_space<hbm>> -> memref<384x128xf32, #tpu.memory_space<hbm>>
    %dma_wait3A_35 = arith.constant 0 : i32
    %dma_wait3A_36 = arith.constant 0 : i32
    %dma_wait3A_37 = tpu.memref_slice %arg2[%dma_wait3A_35, %dma_wait3A_36] : memref<10000x128xf32, #tpu.memory_space<hbm>> -> memref<384x128xf32, #tpu.memory_space<hbm>>
    tpu.wait_dma2 semaphore(%arg8 : memref<!tpu.dma_semaphore, #tpu.memory_space<semaphore_mem>>) src(%dma_wait3A_37 : memref<384x128xf32, #tpu.memory_space<hbm>>) dst(%arg6 : memref<384x128xf32, #tpu.memory_space<vmem>>)
    %add3A_38 = arith.constant 1536 : i32
    %add3A_39 = arith.addi %mul3A_2, %add3A_38 : i32
    "tpu.region"() ({
      %run_scoped3A = tpu.sem_alloc : memref<!tpu.dma_semaphore, #tpu.memory_space<semaphore_mem>>
      %dma_start3A_58 = arith.constant 0 : i32
      %dma_start3A_59 = tpu.memref_slice %arg4[%add3A_39, %dma_start3A_58] : memref<65536x128xf32, #tpu.memory_space<hbm>> -> memref<384x128xf32, #tpu.memory_space<hbm>>
      %dma_start3A_60 = arith.constant 0 : i32
      %dma_start3A_61 = tpu.memref_slice %arg4[%add3A_39, %dma_start3A_60] : memref<65536x128xf32, #tpu.memory_space<hbm>> -> memref<384x128xf32, #tpu.memory_space<hbm>>
      tpu.enqueue_dma source(%arg6 : memref<384x128xf32, #tpu.memory_space<vmem>>) target(%dma_start3A_61 : memref<384x128xf32, #tpu.memory_space<hbm>>) target_semaphore(%run_scoped3A : memref<!tpu.dma_semaphore, #tpu.memory_space<semaphore_mem>>)
      %dma_wait3A_62 = arith.constant 0 : i32
      %dma_wait3A_63 = tpu.memref_slice %arg4[%add3A_39, %dma_wait3A_62] : memref<65536x128xf32, #tpu.memory_space<hbm>> -> memref<384x128xf32, #tpu.memory_space<hbm>>
      %dma_wait3A_64 = arith.constant 0 : i32
      %dma_wait3A_65 = tpu.memref_slice %arg4[%add3A_39, %dma_wait3A_64] : memref<65536x128xf32, #tpu.memory_space<hbm>> -> memref<384x128xf32, #tpu.memory_space<hbm>>
      tpu.wait_dma2 semaphore(%run_scoped3A : memref<!tpu.dma_semaphore, #tpu.memory_space<semaphore_mem>>) src(%arg6 : memref<384x128xf32, #tpu.memory_space<vmem>>) dst(%dma_wait3A_65 : memref<384x128xf32, #tpu.memory_space<hbm>>)
      tpu.yield
    }) : () -> ()
    %dma_start3A_40 = arith.constant 0 : i32
    %dma_start3A_41 = arith.constant 0 : i32
    %dma_start3A_42 = tpu.memref_slice %arg6[%dma_start3A_40, %dma_start3A_41] : memref<384x128xf32, #tpu.memory_space<vmem>> -> memref<128x128xf32, #tpu.memory_space<vmem>>
    %dma_start3A_43 = arith.constant 1920 : i32
    %dma_start3A_44 = tpu.memref_slice %arg5[%dma_start3A_43] : memref<2048xi32, #tpu.memory_space<vmem>> -> memref<128xi32, #tpu.memory_space<vmem>>
    %dma_start3A_45 = arith.constant 0 : i32
    %dma_start3A_46 = arith.constant 0 : i32
    %dma_start3A_47 = tpu.memref_slice %arg2[%dma_start3A_45, %dma_start3A_46] : memref<10000x128xf32, #tpu.memory_space<hbm>> -> memref<10000x128xf32, #tpu.memory_space<hbm>>
    tpu.enqueue_indirect_dma source(%dma_start3A_47 : memref<10000x128xf32, #tpu.memory_space<hbm>>) target(%dma_start3A_42 : memref<128x128xf32, #tpu.memory_space<vmem>>) offsets(%dma_start3A_44 : memref<128xi32, #tpu.memory_space<vmem>>) semaphore(%arg8 : memref<!tpu.dma_semaphore, #tpu.memory_space<semaphore_mem>>)
    %dma_wait3A_48 = arith.constant 0 : i32
    %dma_wait3A_49 = arith.constant 0 : i32
    %dma_wait3A_50 = tpu.memref_slice %arg6[%dma_wait3A_48, %dma_wait3A_49] : memref<384x128xf32, #tpu.memory_space<vmem>> -> memref<128x128xf32, #tpu.memory_space<vmem>>
    %dma_wait3A_51 = arith.constant 1920 : i32
    %dma_wait3A_52 = tpu.memref_slice %arg5[%dma_wait3A_51] : memref<2048xi32, #tpu.memory_space<vmem>> -> memref<128xi32, #tpu.memory_space<vmem>>
    %dma_wait3A_53 = arith.constant 0 : i32
    %dma_wait3A_54 = arith.constant 0 : i32
    %dma_wait3A_55 = tpu.memref_slice %arg2[%dma_wait3A_53, %dma_wait3A_54] : memref<10000x128xf32, #tpu.memory_space<hbm>> -> memref<10000x128xf32, #tpu.memory_space<hbm>>
    tpu.wait_indirect_dma semaphore(%arg8 : memref<!tpu.dma_semaphore, #tpu.memory_space<semaphore_mem>>) src(%dma_wait3A_55 : memref<10000x128xf32, #tpu.memory_space<hbm>>) dst(%dma_wait3A_50 : memref<128x128xf32, #tpu.memory_space<vmem>>)
    %add3A_56 = arith.constant 1920 : i32
    %add3A_57 = arith.addi %mul3A_2, %add3A_56 : i32
    "tpu.region"() ({
      %run_scoped3A = tpu.sem_alloc : memref<!tpu.dma_semaphore, #tpu.memory_space<semaphore_mem>>
      %dma_start3A_58 = arith.constant 0 : i32
      %dma_start3A_59 = arith.constant 0 : i32
      %dma_start3A_60 = tpu.memref_slice %arg6[%dma_start3A_58, %dma_start3A_59] : memref<384x128xf32, #tpu.memory_space<vmem>> -> memref<128x128xf32, #tpu.memory_space<vmem>>
      %dma_start3A_61 = arith.constant 0 : i32
      %dma_start3A_62 = tpu.memref_slice %arg4[%add3A_57, %dma_start3A_61] : memref<65536x128xf32, #tpu.memory_space<hbm>> -> memref<128x128xf32, #tpu.memory_space<hbm>>
      %dma_start3A_63 = arith.constant 0 : i32
      %dma_start3A_64 = tpu.memref_slice %arg4[%add3A_57, %dma_start3A_63] : memref<65536x128xf32, #tpu.memory_space<hbm>> -> memref<128x128xf32, #tpu.memory_space<hbm>>
      %dma_start3A_65 = arith.constant 0 : i32
      %dma_start3A_66 = arith.constant 0 : i32
      %dma_start3A_67 = tpu.memref_slice %arg6[%dma_start3A_65, %dma_start3A_66] : memref<384x128xf32, #tpu.memory_space<vmem>> -> memref<128x128xf32, #tpu.memory_space<vmem>>
      tpu.enqueue_dma source(%dma_start3A_67 : memref<128x128xf32, #tpu.memory_space<vmem>>) target(%dma_start3A_64 : memref<128x128xf32, #tpu.memory_space<hbm>>) target_semaphore(%run_scoped3A : memref<!tpu.dma_semaphore, #tpu.memory_space<semaphore_mem>>)
      %dma_wait3A_68 = arith.constant 0 : i32
      %dma_wait3A_69 = arith.constant 0 : i32
      %dma_wait3A_70 = tpu.memref_slice %arg6[%dma_wait3A_68, %dma_wait3A_69] : memref<384x128xf32, #tpu.memory_space<vmem>> -> memref<128x128xf32, #tpu.memory_space<vmem>>
      %dma_wait3A_71 = arith.constant 0 : i32
      %dma_wait3A_72 = tpu.memref_slice %arg4[%add3A_57, %dma_wait3A_71] : memref<65536x128xf32, #tpu.memory_space<hbm>> -> memref<128x128xf32, #tpu.memory_space<hbm>>
      %dma_wait3A_73 = arith.constant 0 : i32
      %dma_wait3A_74 = tpu.memref_slice %arg4[%add3A_57, %dma_wait3A_73] : memref<65536x128xf32, #tpu.memory_space<hbm>> -> memref<128x128xf32, #tpu.memory_space<hbm>>
      %dma_wait3A_75 = arith.constant 0 : i32
      %dma_wait3A_76 = arith.constant 0 : i32
      %dma_wait3A_77 = tpu.memref_slice %arg6[%dma_wait3A_75, %dma_wait3A_76] : memref<384x128xf32, #tpu.memory_space<vmem>> -> memref<128x128xf32, #tpu.memory_space<vmem>>
      tpu.wait_dma2 semaphore(%run_scoped3A : memref<!tpu.dma_semaphore, #tpu.memory_space<semaphore_mem>>) src(%dma_wait3A_77 : memref<128x128xf32, #tpu.memory_space<vmem>>) dst(%dma_wait3A_74 : memref<128x128xf32, #tpu.memory_space<hbm>>)
      tpu.yield
    }) : () -> ()
    return
  }
}

#map = affine_map<(d0, d1) -> (0, 0)>
#map1 = affine_map<(d0, d1) -> (0)>
module attributes {stable_mosaic.version = 14 : i64} {
  func.func @k(%arg0: i32, %arg1: i32, %arg2: memref<10000x128xf32, #tpu.memory_space<hbm>>, %arg3: memref<327680xi32, #tpu.memory_space<hbm>>, %arg4: memref<65536x128xf32, #tpu.memory_space<hbm>>, %arg5: memref<2048xi32, #tpu.memory_space<vmem>>, %arg6: memref<384x128xf32, #tpu.memory_space<vmem>>, %arg7: memref<384x128xf32, #tpu.memory_space<vmem>>, %arg8: memref<!tpu.dma_semaphore, #tpu.memory_space<semaphore_mem>>, %arg9: memref<!tpu.dma_semaphore, #tpu.memory_space<semaphore_mem>>) attributes {dimension_semantics = [#tpu.dimension_semantics<core_parallel>, #tpu.dimension_semantics<subcore_parallel>], iteration_bounds = array<i64: 2, 16>, scalar_prefetch = 0 : i64, scratch_operands = 5 : i64, tpu.core_type = #tpu.core_type<sc_vector_subcore>, window_params = [{transform_indices = #map}, {transform_indices = #map1}, {transform_indices = #map}]} {
    %mul3A = arith.constant 2 : i32
    %mul3A_0 = arith.muli %arg1, %mul3A : i32
    %add3A = arith.addi %mul3A_0, %arg0 : i32
    %mul3A_1 = arith.constant 2048 : i32
    %mul3A_2 = arith.muli %add3A, %mul3A_1 : i32
    %add3A_3 = arith.constant 131072 : i32
    %add3A_4 = arith.addi %add3A_3, %mul3A_2 : i32
    "tpu.region"() ({
      %run_scoped3A = tpu.sem_alloc : memref<!tpu.dma_semaphore, #tpu.memory_space<semaphore_mem>>
      %dma_start3A_58 = tpu.memref_slice %arg3[%add3A_4] : memref<327680xi32, #tpu.memory_space<hbm>> -> memref<2048xi32, #tpu.memory_space<hbm>>
      %dma_start3A_59 = tpu.memref_slice %arg3[%add3A_4] : memref<327680xi32, #tpu.memory_space<hbm>> -> memref<2048xi32, #tpu.memory_space<hbm>>
      tpu.enqueue_dma source(%dma_start3A_59 : memref<2048xi32, #tpu.memory_space<hbm>>) target(%arg5 : memref<2048xi32, #tpu.memory_space<vmem>>) target_semaphore(%run_scoped3A : memref<!tpu.dma_semaphore, #tpu.memory_space<semaphore_mem>>)
      %dma_wait3A_60 = tpu.memref_slice %arg3[%add3A_4] : memref<327680xi32, #tpu.memory_space<hbm>> -> memref<2048xi32, #tpu.memory_space<hbm>>
      %dma_wait3A_61 = tpu.memref_slice %arg3[%add3A_4] : memref<327680xi32, #tpu.memory_space<hbm>> -> memref<2048xi32, #tpu.memory_space<hbm>>
      tpu.wait_dma2 semaphore(%run_scoped3A : memref<!tpu.dma_semaphore, #tpu.memory_space<semaphore_mem>>) src(%dma_wait3A_61 : memref<2048xi32, #tpu.memory_space<hbm>>) dst(%arg5 : memref<2048xi32, #tpu.memory_space<vmem>>)
      tpu.yield
    }) : () -> ()
    %dma_start3A = arith.constant 0 : i32
    %dma_start3A_5 = arith.constant 0 : i32
    %dma_start3A_6 = tpu.memref_slice %arg6[%dma_start3A, %dma_start3A_5] : memref<384x128xf32, #tpu.memory_space<vmem>> -> memref<128x128xf32, #tpu.memory_space<vmem>>
    %dma_start3A_7 = arith.constant 0 : i32
    %dma_start3A_8 = tpu.memref_slice %arg5[%dma_start3A_7] : memref<2048xi32, #tpu.memory_space<vmem>> -> memref<128xi32, #tpu.memory_space<vmem>>
    %dma_start3A_9 = arith.constant 0 : i32
    %dma_start3A_10 = arith.constant 0 : i32
    %dma_start3A_11 = tpu.memref_slice %arg2[%dma_start3A_9, %dma_start3A_10] : memref<10000x128xf32, #tpu.memory_space<hbm>> -> memref<10000x128xf32, #tpu.memory_space<hbm>>
    tpu.enqueue_indirect_dma source(%dma_start3A_11 : memref<10000x128xf32, #tpu.memory_space<hbm>>) target(%dma_start3A_6 : memref<128x128xf32, #tpu.memory_space<vmem>>) offsets(%dma_start3A_8 : memref<128xi32, #tpu.memory_space<vmem>>) semaphore(%arg8 : memref<!tpu.dma_semaphore, #tpu.memory_space<semaphore_mem>>)
    %dma_start3A_12 = arith.constant 128 : i32
    %dma_start3A_13 = arith.constant 0 : i32
    %dma_start3A_14 = tpu.memref_slice %arg6[%dma_start3A_12, %dma_start3A_13] : memref<384x128xf32, #tpu.memory_space<vmem>> -> memref<128x128xf32, #tpu.memory_space<vmem>>
    %dma_start3A_15 = arith.constant 128 : i32
    %dma_start3A_16 = tpu.memref_slice %arg5[%dma_start3A_15] : memref<2048xi32, #tpu.memory_space<vmem>> -> memref<128xi32, #tpu.memory_space<vmem>>
    %dma_start3A_17 = arith.constant 0 : i32
    %dma_start3A_18 = arith.constant 0 : i32
    %dma_start3A_19 = tpu.memref_slice %arg2[%dma_start3A_17, %dma_start3A_18] : memref<10000x128xf32, #tpu.memory_space<hbm>> -> memref<10000x128xf32, #tpu.memory_space<hbm>>
    tpu.enqueue_indirect_dma source(%dma_start3A_19 : memref<10000x128xf32, #tpu.memory_space<hbm>>) target(%dma_start3A_14 : memref<128x128xf32, #tpu.memory_space<vmem>>) offsets(%dma_start3A_16 : memref<128xi32, #tpu.memory_space<vmem>>) semaphore(%arg8 : memref<!tpu.dma_semaphore, #tpu.memory_space<semaphore_mem>>)
    %dma_start3A_20 = arith.constant 256 : i32
    %dma_start3A_21 = arith.constant 0 : i32
    %dma_start3A_22 = tpu.memref_slice %arg6[%dma_start3A_20, %dma_start3A_21] : memref<384x128xf32, #tpu.memory_space<vmem>> -> memref<128x128xf32, #tpu.memory_space<vmem>>
    %dma_start3A_23 = arith.constant 256 : i32
    %dma_start3A_24 = tpu.memref_slice %arg5[%dma_start3A_23] : memref<2048xi32, #tpu.memory_space<vmem>> -> memref<128xi32, #tpu.memory_space<vmem>>
    %dma_start3A_25 = arith.constant 0 : i32
    %dma_start3A_26 = arith.constant 0 : i32
    %dma_start3A_27 = tpu.memref_slice %arg2[%dma_start3A_25, %dma_start3A_26] : memref<10000x128xf32, #tpu.memory_space<hbm>> -> memref<10000x128xf32, #tpu.memory_space<hbm>>
    tpu.enqueue_indirect_dma source(%dma_start3A_27 : memref<10000x128xf32, #tpu.memory_space<hbm>>) target(%dma_start3A_22 : memref<128x128xf32, #tpu.memory_space<vmem>>) offsets(%dma_start3A_24 : memref<128xi32, #tpu.memory_space<vmem>>) semaphore(%arg8 : memref<!tpu.dma_semaphore, #tpu.memory_space<semaphore_mem>>)
    %scan3A = arith.constant 0 : i32
    %scan3A_28 = arith.constant 0 : i32
    %scan3A_29 = arith.constant 2 : i32
    %scan3A_30 = arith.addi %scan3A_28, %scan3A_29 : i32
    %scan3A_31 = arith.constant 1 : i32
    scf.for %scan3A_58 = %scan3A_28 to %scan3A_30 step %scan3A_31  : i32 {
      %mul3A_59 = arith.constant 2 : i32
      %mul3A_60 = arith.muli %mul3A_59, %scan3A_58 : i32
      %add3A_61 = arith.constant 1 : i32
      %add3A_62 = arith.addi %mul3A_60, %add3A_61 : i32
      %mul3A_63 = arith.constant 384 : i32
      %mul3A_64 = arith.muli %add3A_62, %mul3A_63 : i32
      %add3A_65 = arith.constant 0 : i32
      %add3A_66 = arith.addi %mul3A_64, %add3A_65 : i32
      %dma_start3A_67 = arith.constant 0 : i32
      %dma_start3A_68 = arith.constant 0 : i32
      %dma_start3A_69 = tpu.memref_slice %arg7[%dma_start3A_67, %dma_start3A_68] : memref<384x128xf32, #tpu.memory_space<vmem>> -> memref<128x128xf32, #tpu.memory_space<vmem>>
      %dma_start3A_70 = tpu.memref_slice %arg5[%add3A_66] : memref<2048xi32, #tpu.memory_space<vmem>> -> memref<128xi32, #tpu.memory_space<vmem>>
      %dma_start3A_71 = arith.constant 0 : i32
      %dma_start3A_72 = arith.constant 0 : i32
      %dma_start3A_73 = tpu.memref_slice %arg2[%dma_start3A_71, %dma_start3A_72] : memref<10000x128xf32, #tpu.memory_space<hbm>> -> memref<10000x128xf32, #tpu.memory_space<hbm>>
      tpu.enqueue_indirect_dma source(%dma_start3A_73 : memref<10000x128xf32, #tpu.memory_space<hbm>>) target(%dma_start3A_69 : memref<128x128xf32, #tpu.memory_space<vmem>>) offsets(%dma_start3A_70 : memref<128xi32, #tpu.memory_space<vmem>>) semaphore(%arg9 : memref<!tpu.dma_semaphore, #tpu.memory_space<semaphore_mem>>)
      %mul3A_74 = arith.constant 384 : i32
      %mul3A_75 = arith.muli %add3A_62, %mul3A_74 : i32
      %add3A_76 = arith.constant 128 : i32
      %add3A_77 = arith.addi %mul3A_75, %add3A_76 : i32
      %dma_start3A_78 = arith.constant 128 : i32
      %dma_start3A_79 = arith.constant 0 : i32
      %dma_start3A_80 = tpu.memref_slice %arg7[%dma_start3A_78, %dma_start3A_79] : memref<384x128xf32, #tpu.memory_space<vmem>> -> memref<128x128xf32, #tpu.memory_space<vmem>>
      %dma_start3A_81 = tpu.memref_slice %arg5[%add3A_77] : memref<2048xi32, #tpu.memory_space<vmem>> -> memref<128xi32, #tpu.memory_space<vmem>>
      %dma_start3A_82 = arith.constant 0 : i32
      %dma_start3A_83 = arith.constant 0 : i32
      %dma_start3A_84 = tpu.memref_slice %arg2[%dma_start3A_82, %dma_start3A_83] : memref<10000x128xf32, #tpu.memory_space<hbm>> -> memref<10000x128xf32, #tpu.memory_space<hbm>>
      tpu.enqueue_indirect_dma source(%dma_start3A_84 : memref<10000x128xf32, #tpu.memory_space<hbm>>) target(%dma_start3A_80 : memref<128x128xf32, #tpu.memory_space<vmem>>) offsets(%dma_start3A_81 : memref<128xi32, #tpu.memory_space<vmem>>) semaphore(%arg9 : memref<!tpu.dma_semaphore, #tpu.memory_space<semaphore_mem>>)
      %mul3A_85 = arith.constant 384 : i32
      %mul3A_86 = arith.muli %add3A_62, %mul3A_85 : i32
      %add3A_87 = arith.constant 256 : i32
      %add3A_88 = arith.addi %mul3A_86, %add3A_87 : i32
      %dma_start3A_89 = arith.constant 256 : i32
      %dma_start3A_90 = arith.constant 0 : i32
      %dma_start3A_91 = tpu.memref_slice %arg7[%dma_start3A_89, %dma_start3A_90] : memref<384x128xf32, #tpu.memory_space<vmem>> -> memref<128x128xf32, #tpu.memory_space<vmem>>
      %dma_start3A_92 = tpu.memref_slice %arg5[%add3A_88] : memref<2048xi32, #tpu.memory_space<vmem>> -> memref<128xi32, #tpu.memory_space<vmem>>
      %dma_start3A_93 = arith.constant 0 : i32
      %dma_start3A_94 = arith.constant 0 : i32
      %dma_start3A_95 = tpu.memref_slice %arg2[%dma_start3A_93, %dma_start3A_94] : memref<10000x128xf32, #tpu.memory_space<hbm>> -> memref<10000x128xf32, #tpu.memory_space<hbm>>
      tpu.enqueue_indirect_dma source(%dma_start3A_95 : memref<10000x128xf32, #tpu.memory_space<hbm>>) target(%dma_start3A_91 : memref<128x128xf32, #tpu.memory_space<vmem>>) offsets(%dma_start3A_92 : memref<128xi32, #tpu.memory_space<vmem>>) semaphore(%arg9 : memref<!tpu.dma_semaphore, #tpu.memory_space<semaphore_mem>>)
      %dma_wait3A_96 = arith.constant 0 : i32
      %dma_wait3A_97 = arith.constant 0 : i32
      %dma_wait3A_98 = tpu.memref_slice %arg2[%dma_wait3A_96, %dma_wait3A_97] : memref<10000x128xf32, #tpu.memory_space<hbm>> -> memref<384x128xf32, #tpu.memory_space<hbm>>
      %dma_wait3A_99 = arith.constant 0 : i32
      %dma_wait3A_100 = arith.constant 0 : i32
      %dma_wait3A_101 = tpu.memref_slice %arg2[%dma_wait3A_99, %dma_wait3A_100] : memref<10000x128xf32, #tpu.memory_space<hbm>> -> memref<384x128xf32, #tpu.memory_space<hbm>>
      tpu.wait_dma2 semaphore(%arg8 : memref<!tpu.dma_semaphore, #tpu.memory_space<semaphore_mem>>) src(%dma_wait3A_101 : memref<384x128xf32, #tpu.memory_space<hbm>>) dst(%arg6 : memref<384x128xf32, #tpu.memory_space<vmem>>)
      %mul3A_102 = arith.constant 384 : i32
      %mul3A_103 = arith.muli %mul3A_60, %mul3A_102 : i32
      %add3A_104 = arith.addi %mul3A_2, %mul3A_103 : i32
      "tpu.region"() ({
        %run_scoped3A = tpu.sem_alloc : memref<!tpu.dma_semaphore, #tpu.memory_space<semaphore_mem>>
        %dma_start3A_152 = arith.constant 0 : i32
        %dma_start3A_153 = tpu.memref_slice %arg4[%add3A_104, %dma_start3A_152] : memref<65536x128xf32, #tpu.memory_space<hbm>> -> memref<384x128xf32, #tpu.memory_space<hbm>>
        %dma_start3A_154 = arith.constant 0 : i32
        %dma_start3A_155 = tpu.memref_slice %arg4[%add3A_104, %dma_start3A_154] : memref<65536x128xf32, #tpu.memory_space<hbm>> -> memref<384x128xf32, #tpu.memory_space<hbm>>
        tpu.enqueue_dma source(%arg6 : memref<384x128xf32, #tpu.memory_space<vmem>>) target(%dma_start3A_155 : memref<384x128xf32, #tpu.memory_space<hbm>>) target_semaphore(%run_scoped3A : memref<!tpu.dma_semaphore, #tpu.memory_space<semaphore_mem>>)
        %dma_wait3A_156 = arith.constant 0 : i32
        %dma_wait3A_157 = tpu.memref_slice %arg4[%add3A_104, %dma_wait3A_156] : memref<65536x128xf32, #tpu.memory_space<hbm>> -> memref<384x128xf32, #tpu.memory_space<hbm>>
        %dma_wait3A_158 = arith.constant 0 : i32
        %dma_wait3A_159 = tpu.memref_slice %arg4[%add3A_104, %dma_wait3A_158] : memref<65536x128xf32, #tpu.memory_space<hbm>> -> memref<384x128xf32, #tpu.memory_space<hbm>>
        tpu.wait_dma2 semaphore(%run_scoped3A : memref<!tpu.dma_semaphore, #tpu.memory_space<semaphore_mem>>) src(%arg6 : memref<384x128xf32, #tpu.memory_space<vmem>>) dst(%dma_wait3A_159 : memref<384x128xf32, #tpu.memory_space<hbm>>)
        tpu.yield
      }) : () -> ()
      %add3A_105 = arith.constant 2 : i32
      %add3A_106 = arith.addi %mul3A_60, %add3A_105 : i32
      %min3A = arith.constant 4 : i32
      %min3A_107 = arith.minsi %add3A_106, %min3A : i32
      %mul3A_108 = arith.constant 384 : i32
      %mul3A_109 = arith.muli %min3A_107, %mul3A_108 : i32
      %add3A_110 = arith.constant 0 : i32
      %add3A_111 = arith.addi %mul3A_109, %add3A_110 : i32
      %dma_start3A_112 = arith.constant 0 : i32
      %dma_start3A_113 = arith.constant 0 : i32
      %dma_start3A_114 = tpu.memref_slice %arg6[%dma_start3A_112, %dma_start3A_113] : memref<384x128xf32, #tpu.memory_space<vmem>> -> memref<128x128xf32, #tpu.memory_space<vmem>>
      %dma_start3A_115 = tpu.memref_slice %arg5[%add3A_111] : memref<2048xi32, #tpu.memory_space<vmem>> -> memref<128xi32, #tpu.memory_space<vmem>>
      %dma_start3A_116 = arith.constant 0 : i32
      %dma_start3A_117 = arith.constant 0 : i32
      %dma_start3A_118 = tpu.memref_slice %arg2[%dma_start3A_116, %dma_start3A_117] : memref<10000x128xf32, #tpu.memory_space<hbm>> -> memref<10000x128xf32, #tpu.memory_space<hbm>>
      tpu.enqueue_indirect_dma source(%dma_start3A_118 : memref<10000x128xf32, #tpu.memory_space<hbm>>) target(%dma_start3A_114 : memref<128x128xf32, #tpu.memory_space<vmem>>) offsets(%dma_start3A_115 : memref<128xi32, #tpu.memory_space<vmem>>) semaphore(%arg8 : memref<!tpu.dma_semaphore, #tpu.memory_space<semaphore_mem>>)
      %mul3A_119 = arith.constant 384 : i32
      %mul3A_120 = arith.muli %min3A_107, %mul3A_119 : i32
      %add3A_121 = arith.constant 128 : i32
      %add3A_122 = arith.addi %mul3A_120, %add3A_121 : i32
      %dma_start3A_123 = arith.constant 128 : i32
      %dma_start3A_124 = arith.constant 0 : i32
      %dma_start3A_125 = tpu.memref_slice %arg6[%dma_start3A_123, %dma_start3A_124] : memref<384x128xf32, #tpu.memory_space<vmem>> -> memref<128x128xf32, #tpu.memory_space<vmem>>
      %dma_start3A_126 = tpu.memref_slice %arg5[%add3A_122] : memref<2048xi32, #tpu.memory_space<vmem>> -> memref<128xi32, #tpu.memory_space<vmem>>
      %dma_start3A_127 = arith.constant 0 : i32
      %dma_start3A_128 = arith.constant 0 : i32
      %dma_start3A_129 = tpu.memref_slice %arg2[%dma_start3A_127, %dma_start3A_128] : memref<10000x128xf32, #tpu.memory_space<hbm>> -> memref<10000x128xf32, #tpu.memory_space<hbm>>
      tpu.enqueue_indirect_dma source(%dma_start3A_129 : memref<10000x128xf32, #tpu.memory_space<hbm>>) target(%dma_start3A_125 : memref<128x128xf32, #tpu.memory_space<vmem>>) offsets(%dma_start3A_126 : memref<128xi32, #tpu.memory_space<vmem>>) semaphore(%arg8 : memref<!tpu.dma_semaphore, #tpu.memory_space<semaphore_mem>>)
      %mul3A_130 = arith.constant 384 : i32
      %mul3A_131 = arith.muli %min3A_107, %mul3A_130 : i32
      %add3A_132 = arith.constant 256 : i32
      %add3A_133 = arith.addi %mul3A_131, %add3A_132 : i32
      %dma_start3A_134 = arith.constant 256 : i32
      %dma_start3A_135 = arith.constant 0 : i32
      %dma_start3A_136 = tpu.memref_slice %arg6[%dma_start3A_134, %dma_start3A_135] : memref<384x128xf32, #tpu.memory_space<vmem>> -> memref<128x128xf32, #tpu.memory_space<vmem>>
      %dma_start3A_137 = tpu.memref_slice %arg5[%add3A_133] : memref<2048xi32, #tpu.memory_space<vmem>> -> memref<128xi32, #tpu.memory_space<vmem>>
      %dma_start3A_138 = arith.constant 0 : i32
      %dma_start3A_139 = arith.constant 0 : i32
      %dma_start3A_140 = tpu.memref_slice %arg2[%dma_start3A_138, %dma_start3A_139] : memref<10000x128xf32, #tpu.memory_space<hbm>> -> memref<10000x128xf32, #tpu.memory_space<hbm>>
      tpu.enqueue_indirect_dma source(%dma_start3A_140 : memref<10000x128xf32, #tpu.memory_space<hbm>>) target(%dma_start3A_136 : memref<128x128xf32, #tpu.memory_space<vmem>>) offsets(%dma_start3A_137 : memref<128xi32, #tpu.memory_space<vmem>>) semaphore(%arg8 : memref<!tpu.dma_semaphore, #tpu.memory_space<semaphore_mem>>)
      %dma_wait3A_141 = arith.constant 0 : i32
      %dma_wait3A_142 = arith.constant 0 : i32
      %dma_wait3A_143 = tpu.memref_slice %arg2[%dma_wait3A_141, %dma_wait3A_142] : memref<10000x128xf32, #tpu.memory_space<hbm>> -> memref<384x128xf32, #tpu.memory_space<hbm>>
      %dma_wait3A_144 = arith.constant 0 : i32
      %dma_wait3A_145 = arith.constant 0 : i32
      %dma_wait3A_146 = tpu.memref_slice %arg2[%dma_wait3A_144, %dma_wait3A_145] : memref<10000x128xf32, #tpu.memory_space<hbm>> -> memref<384x128xf32, #tpu.memory_space<hbm>>
      tpu.wait_dma2 semaphore(%arg9 : memref<!tpu.dma_semaphore, #tpu.memory_space<semaphore_mem>>) src(%dma_wait3A_146 : memref<384x128xf32, #tpu.memory_space<hbm>>) dst(%arg7 : memref<384x128xf32, #tpu.memory_space<vmem>>)
      %add3A_147 = arith.constant 1 : i32
      %add3A_148 = arith.addi %mul3A_60, %add3A_147 : i32
      %mul3A_149 = arith.constant 384 : i32
      %mul3A_150 = arith.muli %add3A_148, %mul3A_149 : i32
      %add3A_151 = arith.addi %mul3A_2, %mul3A_150 : i32
      "tpu.region"() ({
        %run_scoped3A = tpu.sem_alloc : memref<!tpu.dma_semaphore, #tpu.memory_space<semaphore_mem>>
        %dma_start3A_152 = arith.constant 0 : i32
        %dma_start3A_153 = tpu.memref_slice %arg4[%add3A_151, %dma_start3A_152] : memref<65536x128xf32, #tpu.memory_space<hbm>> -> memref<384x128xf32, #tpu.memory_space<hbm>>
        %dma_start3A_154 = arith.constant 0 : i32
        %dma_start3A_155 = tpu.memref_slice %arg4[%add3A_151, %dma_start3A_154] : memref<65536x128xf32, #tpu.memory_space<hbm>> -> memref<384x128xf32, #tpu.memory_space<hbm>>
        tpu.enqueue_dma source(%arg7 : memref<384x128xf32, #tpu.memory_space<vmem>>) target(%dma_start3A_155 : memref<384x128xf32, #tpu.memory_space<hbm>>) target_semaphore(%run_scoped3A : memref<!tpu.dma_semaphore, #tpu.memory_space<semaphore_mem>>)
        %dma_wait3A_156 = arith.constant 0 : i32
        %dma_wait3A_157 = tpu.memref_slice %arg4[%add3A_151, %dma_wait3A_156] : memref<65536x128xf32, #tpu.memory_space<hbm>> -> memref<384x128xf32, #tpu.memory_space<hbm>>
        %dma_wait3A_158 = arith.constant 0 : i32
        %dma_wait3A_159 = tpu.memref_slice %arg4[%add3A_151, %dma_wait3A_158] : memref<65536x128xf32, #tpu.memory_space<hbm>> -> memref<384x128xf32, #tpu.memory_space<hbm>>
        tpu.wait_dma2 semaphore(%run_scoped3A : memref<!tpu.dma_semaphore, #tpu.memory_space<semaphore_mem>>) src(%arg7 : memref<384x128xf32, #tpu.memory_space<vmem>>) dst(%dma_wait3A_159 : memref<384x128xf32, #tpu.memory_space<hbm>>)
        tpu.yield
      }) : () -> ()
    }
    %scan3A_32 = arith.constant 2 : i32
    %dma_wait3A = arith.constant 0 : i32
    %dma_wait3A_33 = arith.constant 0 : i32
    %dma_wait3A_34 = tpu.memref_slice %arg2[%dma_wait3A, %dma_wait3A_33] : memref<10000x128xf32, #tpu.memory_space<hbm>> -> memref<384x128xf32, #tpu.memory_space<hbm>>
    %dma_wait3A_35 = arith.constant 0 : i32
    %dma_wait3A_36 = arith.constant 0 : i32
    %dma_wait3A_37 = tpu.memref_slice %arg2[%dma_wait3A_35, %dma_wait3A_36] : memref<10000x128xf32, #tpu.memory_space<hbm>> -> memref<384x128xf32, #tpu.memory_space<hbm>>
    tpu.wait_dma2 semaphore(%arg8 : memref<!tpu.dma_semaphore, #tpu.memory_space<semaphore_mem>>) src(%dma_wait3A_37 : memref<384x128xf32, #tpu.memory_space<hbm>>) dst(%arg6 : memref<384x128xf32, #tpu.memory_space<vmem>>)
    %add3A_38 = arith.constant 1536 : i32
    %add3A_39 = arith.addi %mul3A_2, %add3A_38 : i32
    "tpu.region"() ({
      %run_scoped3A = tpu.sem_alloc : memref<!tpu.dma_semaphore, #tpu.memory_space<semaphore_mem>>
      %dma_start3A_58 = arith.constant 0 : i32
      %dma_start3A_59 = tpu.memref_slice %arg4[%add3A_39, %dma_start3A_58] : memref<65536x128xf32, #tpu.memory_space<hbm>> -> memref<384x128xf32, #tpu.memory_space<hbm>>
      %dma_start3A_60 = arith.constant 0 : i32
      %dma_start3A_61 = tpu.memref_slice %arg4[%add3A_39, %dma_start3A_60] : memref<65536x128xf32, #tpu.memory_space<hbm>> -> memref<384x128xf32, #tpu.memory_space<hbm>>
      tpu.enqueue_dma source(%arg6 : memref<384x128xf32, #tpu.memory_space<vmem>>) target(%dma_start3A_61 : memref<384x128xf32, #tpu.memory_space<hbm>>) target_semaphore(%run_scoped3A : memref<!tpu.dma_semaphore, #tpu.memory_space<semaphore_mem>>)
      %dma_wait3A_62 = arith.constant 0 : i32
      %dma_wait3A_63 = tpu.memref_slice %arg4[%add3A_39, %dma_wait3A_62] : memref<65536x128xf32, #tpu.memory_space<hbm>> -> memref<384x128xf32, #tpu.memory_space<hbm>>
      %dma_wait3A_64 = arith.constant 0 : i32
      %dma_wait3A_65 = tpu.memref_slice %arg4[%add3A_39, %dma_wait3A_64] : memref<65536x128xf32, #tpu.memory_space<hbm>> -> memref<384x128xf32, #tpu.memory_space<hbm>>
      tpu.wait_dma2 semaphore(%run_scoped3A : memref<!tpu.dma_semaphore, #tpu.memory_space<semaphore_mem>>) src(%arg6 : memref<384x128xf32, #tpu.memory_space<vmem>>) dst(%dma_wait3A_65 : memref<384x128xf32, #tpu.memory_space<hbm>>)
      tpu.yield
    }) : () -> ()
    %dma_start3A_40 = arith.constant 0 : i32
    %dma_start3A_41 = arith.constant 0 : i32
    %dma_start3A_42 = tpu.memref_slice %arg6[%dma_start3A_40, %dma_start3A_41] : memref<384x128xf32, #tpu.memory_space<vmem>> -> memref<128x128xf32, #tpu.memory_space<vmem>>
    %dma_start3A_43 = arith.constant 1920 : i32
    %dma_start3A_44 = tpu.memref_slice %arg5[%dma_start3A_43] : memref<2048xi32, #tpu.memory_space<vmem>> -> memref<128xi32, #tpu.memory_space<vmem>>
    %dma_start3A_45 = arith.constant 0 : i32
    %dma_start3A_46 = arith.constant 0 : i32
    %dma_start3A_47 = tpu.memref_slice %arg2[%dma_start3A_45, %dma_start3A_46] : memref<10000x128xf32, #tpu.memory_space<hbm>> -> memref<10000x128xf32, #tpu.memory_space<hbm>>
    tpu.enqueue_indirect_dma source(%dma_start3A_47 : memref<10000x128xf32, #tpu.memory_space<hbm>>) target(%dma_start3A_42 : memref<128x128xf32, #tpu.memory_space<vmem>>) offsets(%dma_start3A_44 : memref<128xi32, #tpu.memory_space<vmem>>) semaphore(%arg8 : memref<!tpu.dma_semaphore, #tpu.memory_space<semaphore_mem>>)
    %dma_wait3A_48 = arith.constant 0 : i32
    %dma_wait3A_49 = arith.constant 0 : i32
    %dma_wait3A_50 = tpu.memref_slice %arg6[%dma_wait3A_48, %dma_wait3A_49] : memref<384x128xf32, #tpu.memory_space<vmem>> -> memref<128x128xf32, #tpu.memory_space<vmem>>
    %dma_wait3A_51 = arith.constant 1920 : i32
    %dma_wait3A_52 = tpu.memref_slice %arg5[%dma_wait3A_51] : memref<2048xi32, #tpu.memory_space<vmem>> -> memref<128xi32, #tpu.memory_space<vmem>>
    %dma_wait3A_53 = arith.constant 0 : i32
    %dma_wait3A_54 = arith.constant 0 : i32
    %dma_wait3A_55 = tpu.memref_slice %arg2[%dma_wait3A_53, %dma_wait3A_54] : memref<10000x128xf32, #tpu.memory_space<hbm>> -> memref<10000x128xf32, #tpu.memory_space<hbm>>
    tpu.wait_indirect_dma semaphore(%arg8 : memref<!tpu.dma_semaphore, #tpu.memory_space<semaphore_mem>>) src(%dma_wait3A_55 : memref<10000x128xf32, #tpu.memory_space<hbm>>) dst(%dma_wait3A_50 : memref<128x128xf32, #tpu.memory_space<vmem>>)
    %add3A_56 = arith.constant 1920 : i32
    %add3A_57 = arith.addi %mul3A_2, %add3A_56 : i32
    "tpu.region"() ({
      %run_scoped3A = tpu.sem_alloc : memref<!tpu.dma_semaphore, #tpu.memory_space<semaphore_mem>>
      %dma_start3A_58 = arith.constant 0 : i32
      %dma_start3A_59 = arith.constant 0 : i32
      %dma_start3A_60 = tpu.memref_slice %arg6[%dma_start3A_58, %dma_start3A_59] : memref<384x128xf32, #tpu.memory_space<vmem>> -> memref<128x128xf32, #tpu.memory_space<vmem>>
      %dma_start3A_61 = arith.constant 0 : i32
      %dma_start3A_62 = tpu.memref_slice %arg4[%add3A_57, %dma_start3A_61] : memref<65536x128xf32, #tpu.memory_space<hbm>> -> memref<128x128xf32, #tpu.memory_space<hbm>>
      %dma_start3A_63 = arith.constant 0 : i32
      %dma_start3A_64 = tpu.memref_slice %arg4[%add3A_57, %dma_start3A_63] : memref<65536x128xf32, #tpu.memory_space<hbm>> -> memref<128x128xf32, #tpu.memory_space<hbm>>
      %dma_start3A_65 = arith.constant 0 : i32
      %dma_start3A_66 = arith.constant 0 : i32
      %dma_start3A_67 = tpu.memref_slice %arg6[%dma_start3A_65, %dma_start3A_66] : memref<384x128xf32, #tpu.memory_space<vmem>> -> memref<128x128xf32, #tpu.memory_space<vmem>>
      tpu.enqueue_dma source(%dma_start3A_67 : memref<128x128xf32, #tpu.memory_space<vmem>>) target(%dma_start3A_64 : memref<128x128xf32, #tpu.memory_space<hbm>>) target_semaphore(%run_scoped3A : memref<!tpu.dma_semaphore, #tpu.memory_space<semaphore_mem>>)
      %dma_wait3A_68 = arith.constant 0 : i32
      %dma_wait3A_69 = arith.constant 0 : i32
      %dma_wait3A_70 = tpu.memref_slice %arg6[%dma_wait3A_68, %dma_wait3A_69] : memref<384x128xf32, #tpu.memory_space<vmem>> -> memref<128x128xf32, #tpu.memory_space<vmem>>
      %dma_wait3A_71 = arith.constant 0 : i32
      %dma_wait3A_72 = tpu.memref_slice %arg4[%add3A_57, %dma_wait3A_71] : memref<65536x128xf32, #tpu.memory_space<hbm>> -> memref<128x128xf32, #tpu.memory_space<hbm>>
      %dma_wait3A_73 = arith.constant 0 : i32
      %dma_wait3A_74 = tpu.memref_slice %arg4[%add3A_57, %dma_wait3A_73] : memref<65536x128xf32, #tpu.memory_space<hbm>> -> memref<128x128xf32, #tpu.memory_space<hbm>>
      %dma_wait3A_75 = arith.constant 0 : i32
      %dma_wait3A_76 = arith.constant 0 : i32
      %dma_wait3A_77 = tpu.memref_slice %arg6[%dma_wait3A_75, %dma_wait3A_76] : memref<384x128xf32, #tpu.memory_space<vmem>> -> memref<128x128xf32, #tpu.memory_space<vmem>>
      tpu.wait_dma2 semaphore(%run_scoped3A : memref<!tpu.dma_semaphore, #tpu.memory_space<semaphore_mem>>) src(%dma_wait3A_77 : memref<128x128xf32, #tpu.memory_space<vmem>>) dst(%dma_wait3A_74 : memref<128x128xf32, #tpu.memory_space<hbm>>)
      tpu.yield
    }) : () -> ()
    return
  }
}

#map = affine_map<(d0, d1) -> (0, 0)>
#map1 = affine_map<(d0, d1) -> (0)>
module attributes {stable_mosaic.version = 14 : i64} {
  func.func @k(%arg0: i32, %arg1: i32, %arg2: memref<10000x128xf32, #tpu.memory_space<hbm>>, %arg3: memref<327680xi32, #tpu.memory_space<hbm>>, %arg4: memref<65536x128xf32, #tpu.memory_space<hbm>>, %arg5: memref<2048xi32, #tpu.memory_space<vmem>>, %arg6: memref<384x128xf32, #tpu.memory_space<vmem>>, %arg7: memref<384x128xf32, #tpu.memory_space<vmem>>, %arg8: memref<!tpu.dma_semaphore, #tpu.memory_space<semaphore_mem>>, %arg9: memref<!tpu.dma_semaphore, #tpu.memory_space<semaphore_mem>>) attributes {dimension_semantics = [#tpu.dimension_semantics<core_parallel>, #tpu.dimension_semantics<subcore_parallel>], iteration_bounds = array<i64: 2, 16>, scalar_prefetch = 0 : i64, scratch_operands = 5 : i64, tpu.core_type = #tpu.core_type<sc_vector_subcore>, window_params = [{transform_indices = #map}, {transform_indices = #map1}, {transform_indices = #map}]} {
    %mul3A = arith.constant 2 : i32
    %mul3A_0 = arith.muli %arg1, %mul3A : i32
    %add3A = arith.addi %mul3A_0, %arg0 : i32
    %mul3A_1 = arith.constant 2048 : i32
    %mul3A_2 = arith.muli %add3A, %mul3A_1 : i32
    %add3A_3 = arith.constant 65536 : i32
    %add3A_4 = arith.addi %add3A_3, %mul3A_2 : i32
    "tpu.region"() ({
      %run_scoped3A = tpu.sem_alloc : memref<!tpu.dma_semaphore, #tpu.memory_space<semaphore_mem>>
      %dma_start3A_58 = tpu.memref_slice %arg3[%add3A_4] : memref<327680xi32, #tpu.memory_space<hbm>> -> memref<2048xi32, #tpu.memory_space<hbm>>
      %dma_start3A_59 = tpu.memref_slice %arg3[%add3A_4] : memref<327680xi32, #tpu.memory_space<hbm>> -> memref<2048xi32, #tpu.memory_space<hbm>>
      tpu.enqueue_dma source(%dma_start3A_59 : memref<2048xi32, #tpu.memory_space<hbm>>) target(%arg5 : memref<2048xi32, #tpu.memory_space<vmem>>) target_semaphore(%run_scoped3A : memref<!tpu.dma_semaphore, #tpu.memory_space<semaphore_mem>>)
      %dma_wait3A_60 = tpu.memref_slice %arg3[%add3A_4] : memref<327680xi32, #tpu.memory_space<hbm>> -> memref<2048xi32, #tpu.memory_space<hbm>>
      %dma_wait3A_61 = tpu.memref_slice %arg3[%add3A_4] : memref<327680xi32, #tpu.memory_space<hbm>> -> memref<2048xi32, #tpu.memory_space<hbm>>
      tpu.wait_dma2 semaphore(%run_scoped3A : memref<!tpu.dma_semaphore, #tpu.memory_space<semaphore_mem>>) src(%dma_wait3A_61 : memref<2048xi32, #tpu.memory_space<hbm>>) dst(%arg5 : memref<2048xi32, #tpu.memory_space<vmem>>)
      tpu.yield
    }) : () -> ()
    %dma_start3A = arith.constant 0 : i32
    %dma_start3A_5 = arith.constant 0 : i32
    %dma_start3A_6 = tpu.memref_slice %arg6[%dma_start3A, %dma_start3A_5] : memref<384x128xf32, #tpu.memory_space<vmem>> -> memref<128x128xf32, #tpu.memory_space<vmem>>
    %dma_start3A_7 = arith.constant 0 : i32
    %dma_start3A_8 = tpu.memref_slice %arg5[%dma_start3A_7] : memref<2048xi32, #tpu.memory_space<vmem>> -> memref<128xi32, #tpu.memory_space<vmem>>
    %dma_start3A_9 = arith.constant 0 : i32
    %dma_start3A_10 = arith.constant 0 : i32
    %dma_start3A_11 = tpu.memref_slice %arg2[%dma_start3A_9, %dma_start3A_10] : memref<10000x128xf32, #tpu.memory_space<hbm>> -> memref<10000x128xf32, #tpu.memory_space<hbm>>
    tpu.enqueue_indirect_dma source(%dma_start3A_11 : memref<10000x128xf32, #tpu.memory_space<hbm>>) target(%dma_start3A_6 : memref<128x128xf32, #tpu.memory_space<vmem>>) offsets(%dma_start3A_8 : memref<128xi32, #tpu.memory_space<vmem>>) semaphore(%arg8 : memref<!tpu.dma_semaphore, #tpu.memory_space<semaphore_mem>>)
    %dma_start3A_12 = arith.constant 128 : i32
    %dma_start3A_13 = arith.constant 0 : i32
    %dma_start3A_14 = tpu.memref_slice %arg6[%dma_start3A_12, %dma_start3A_13] : memref<384x128xf32, #tpu.memory_space<vmem>> -> memref<128x128xf32, #tpu.memory_space<vmem>>
    %dma_start3A_15 = arith.constant 128 : i32
    %dma_start3A_16 = tpu.memref_slice %arg5[%dma_start3A_15] : memref<2048xi32, #tpu.memory_space<vmem>> -> memref<128xi32, #tpu.memory_space<vmem>>
    %dma_start3A_17 = arith.constant 0 : i32
    %dma_start3A_18 = arith.constant 0 : i32
    %dma_start3A_19 = tpu.memref_slice %arg2[%dma_start3A_17, %dma_start3A_18] : memref<10000x128xf32, #tpu.memory_space<hbm>> -> memref<10000x128xf32, #tpu.memory_space<hbm>>
    tpu.enqueue_indirect_dma source(%dma_start3A_19 : memref<10000x128xf32, #tpu.memory_space<hbm>>) target(%dma_start3A_14 : memref<128x128xf32, #tpu.memory_space<vmem>>) offsets(%dma_start3A_16 : memref<128xi32, #tpu.memory_space<vmem>>) semaphore(%arg8 : memref<!tpu.dma_semaphore, #tpu.memory_space<semaphore_mem>>)
    %dma_start3A_20 = arith.constant 256 : i32
    %dma_start3A_21 = arith.constant 0 : i32
    %dma_start3A_22 = tpu.memref_slice %arg6[%dma_start3A_20, %dma_start3A_21] : memref<384x128xf32, #tpu.memory_space<vmem>> -> memref<128x128xf32, #tpu.memory_space<vmem>>
    %dma_start3A_23 = arith.constant 256 : i32
    %dma_start3A_24 = tpu.memref_slice %arg5[%dma_start3A_23] : memref<2048xi32, #tpu.memory_space<vmem>> -> memref<128xi32, #tpu.memory_space<vmem>>
    %dma_start3A_25 = arith.constant 0 : i32
    %dma_start3A_26 = arith.constant 0 : i32
    %dma_start3A_27 = tpu.memref_slice %arg2[%dma_start3A_25, %dma_start3A_26] : memref<10000x128xf32, #tpu.memory_space<hbm>> -> memref<10000x128xf32, #tpu.memory_space<hbm>>
    tpu.enqueue_indirect_dma source(%dma_start3A_27 : memref<10000x128xf32, #tpu.memory_space<hbm>>) target(%dma_start3A_22 : memref<128x128xf32, #tpu.memory_space<vmem>>) offsets(%dma_start3A_24 : memref<128xi32, #tpu.memory_space<vmem>>) semaphore(%arg8 : memref<!tpu.dma_semaphore, #tpu.memory_space<semaphore_mem>>)
    %scan3A = arith.constant 0 : i32
    %scan3A_28 = arith.constant 0 : i32
    %scan3A_29 = arith.constant 2 : i32
    %scan3A_30 = arith.addi %scan3A_28, %scan3A_29 : i32
    %scan3A_31 = arith.constant 1 : i32
    scf.for %scan3A_58 = %scan3A_28 to %scan3A_30 step %scan3A_31  : i32 {
      %mul3A_59 = arith.constant 2 : i32
      %mul3A_60 = arith.muli %mul3A_59, %scan3A_58 : i32
      %add3A_61 = arith.constant 1 : i32
      %add3A_62 = arith.addi %mul3A_60, %add3A_61 : i32
      %mul3A_63 = arith.constant 384 : i32
      %mul3A_64 = arith.muli %add3A_62, %mul3A_63 : i32
      %add3A_65 = arith.constant 0 : i32
      %add3A_66 = arith.addi %mul3A_64, %add3A_65 : i32
      %dma_start3A_67 = arith.constant 0 : i32
      %dma_start3A_68 = arith.constant 0 : i32
      %dma_start3A_69 = tpu.memref_slice %arg7[%dma_start3A_67, %dma_start3A_68] : memref<384x128xf32, #tpu.memory_space<vmem>> -> memref<128x128xf32, #tpu.memory_space<vmem>>
      %dma_start3A_70 = tpu.memref_slice %arg5[%add3A_66] : memref<2048xi32, #tpu.memory_space<vmem>> -> memref<128xi32, #tpu.memory_space<vmem>>
      %dma_start3A_71 = arith.constant 0 : i32
      %dma_start3A_72 = arith.constant 0 : i32
      %dma_start3A_73 = tpu.memref_slice %arg2[%dma_start3A_71, %dma_start3A_72] : memref<10000x128xf32, #tpu.memory_space<hbm>> -> memref<10000x128xf32, #tpu.memory_space<hbm>>
      tpu.enqueue_indirect_dma source(%dma_start3A_73 : memref<10000x128xf32, #tpu.memory_space<hbm>>) target(%dma_start3A_69 : memref<128x128xf32, #tpu.memory_space<vmem>>) offsets(%dma_start3A_70 : memref<128xi32, #tpu.memory_space<vmem>>) semaphore(%arg9 : memref<!tpu.dma_semaphore, #tpu.memory_space<semaphore_mem>>)
      %mul3A_74 = arith.constant 384 : i32
      %mul3A_75 = arith.muli %add3A_62, %mul3A_74 : i32
      %add3A_76 = arith.constant 128 : i32
      %add3A_77 = arith.addi %mul3A_75, %add3A_76 : i32
      %dma_start3A_78 = arith.constant 128 : i32
      %dma_start3A_79 = arith.constant 0 : i32
      %dma_start3A_80 = tpu.memref_slice %arg7[%dma_start3A_78, %dma_start3A_79] : memref<384x128xf32, #tpu.memory_space<vmem>> -> memref<128x128xf32, #tpu.memory_space<vmem>>
      %dma_start3A_81 = tpu.memref_slice %arg5[%add3A_77] : memref<2048xi32, #tpu.memory_space<vmem>> -> memref<128xi32, #tpu.memory_space<vmem>>
      %dma_start3A_82 = arith.constant 0 : i32
      %dma_start3A_83 = arith.constant 0 : i32
      %dma_start3A_84 = tpu.memref_slice %arg2[%dma_start3A_82, %dma_start3A_83] : memref<10000x128xf32, #tpu.memory_space<hbm>> -> memref<10000x128xf32, #tpu.memory_space<hbm>>
      tpu.enqueue_indirect_dma source(%dma_start3A_84 : memref<10000x128xf32, #tpu.memory_space<hbm>>) target(%dma_start3A_80 : memref<128x128xf32, #tpu.memory_space<vmem>>) offsets(%dma_start3A_81 : memref<128xi32, #tpu.memory_space<vmem>>) semaphore(%arg9 : memref<!tpu.dma_semaphore, #tpu.memory_space<semaphore_mem>>)
      %mul3A_85 = arith.constant 384 : i32
      %mul3A_86 = arith.muli %add3A_62, %mul3A_85 : i32
      %add3A_87 = arith.constant 256 : i32
      %add3A_88 = arith.addi %mul3A_86, %add3A_87 : i32
      %dma_start3A_89 = arith.constant 256 : i32
      %dma_start3A_90 = arith.constant 0 : i32
      %dma_start3A_91 = tpu.memref_slice %arg7[%dma_start3A_89, %dma_start3A_90] : memref<384x128xf32, #tpu.memory_space<vmem>> -> memref<128x128xf32, #tpu.memory_space<vmem>>
      %dma_start3A_92 = tpu.memref_slice %arg5[%add3A_88] : memref<2048xi32, #tpu.memory_space<vmem>> -> memref<128xi32, #tpu.memory_space<vmem>>
      %dma_start3A_93 = arith.constant 0 : i32
      %dma_start3A_94 = arith.constant 0 : i32
      %dma_start3A_95 = tpu.memref_slice %arg2[%dma_start3A_93, %dma_start3A_94] : memref<10000x128xf32, #tpu.memory_space<hbm>> -> memref<10000x128xf32, #tpu.memory_space<hbm>>
      tpu.enqueue_indirect_dma source(%dma_start3A_95 : memref<10000x128xf32, #tpu.memory_space<hbm>>) target(%dma_start3A_91 : memref<128x128xf32, #tpu.memory_space<vmem>>) offsets(%dma_start3A_92 : memref<128xi32, #tpu.memory_space<vmem>>) semaphore(%arg9 : memref<!tpu.dma_semaphore, #tpu.memory_space<semaphore_mem>>)
      %dma_wait3A_96 = arith.constant 0 : i32
      %dma_wait3A_97 = arith.constant 0 : i32
      %dma_wait3A_98 = tpu.memref_slice %arg2[%dma_wait3A_96, %dma_wait3A_97] : memref<10000x128xf32, #tpu.memory_space<hbm>> -> memref<384x128xf32, #tpu.memory_space<hbm>>
      %dma_wait3A_99 = arith.constant 0 : i32
      %dma_wait3A_100 = arith.constant 0 : i32
      %dma_wait3A_101 = tpu.memref_slice %arg2[%dma_wait3A_99, %dma_wait3A_100] : memref<10000x128xf32, #tpu.memory_space<hbm>> -> memref<384x128xf32, #tpu.memory_space<hbm>>
      tpu.wait_dma2 semaphore(%arg8 : memref<!tpu.dma_semaphore, #tpu.memory_space<semaphore_mem>>) src(%dma_wait3A_101 : memref<384x128xf32, #tpu.memory_space<hbm>>) dst(%arg6 : memref<384x128xf32, #tpu.memory_space<vmem>>)
      %mul3A_102 = arith.constant 384 : i32
      %mul3A_103 = arith.muli %mul3A_60, %mul3A_102 : i32
      %add3A_104 = arith.addi %mul3A_2, %mul3A_103 : i32
      "tpu.region"() ({
        %run_scoped3A = tpu.sem_alloc : memref<!tpu.dma_semaphore, #tpu.memory_space<semaphore_mem>>
        %dma_start3A_152 = arith.constant 0 : i32
        %dma_start3A_153 = tpu.memref_slice %arg4[%add3A_104, %dma_start3A_152] : memref<65536x128xf32, #tpu.memory_space<hbm>> -> memref<384x128xf32, #tpu.memory_space<hbm>>
        %dma_start3A_154 = arith.constant 0 : i32
        %dma_start3A_155 = tpu.memref_slice %arg4[%add3A_104, %dma_start3A_154] : memref<65536x128xf32, #tpu.memory_space<hbm>> -> memref<384x128xf32, #tpu.memory_space<hbm>>
        tpu.enqueue_dma source(%arg6 : memref<384x128xf32, #tpu.memory_space<vmem>>) target(%dma_start3A_155 : memref<384x128xf32, #tpu.memory_space<hbm>>) target_semaphore(%run_scoped3A : memref<!tpu.dma_semaphore, #tpu.memory_space<semaphore_mem>>)
        %dma_wait3A_156 = arith.constant 0 : i32
        %dma_wait3A_157 = tpu.memref_slice %arg4[%add3A_104, %dma_wait3A_156] : memref<65536x128xf32, #tpu.memory_space<hbm>> -> memref<384x128xf32, #tpu.memory_space<hbm>>
        %dma_wait3A_158 = arith.constant 0 : i32
        %dma_wait3A_159 = tpu.memref_slice %arg4[%add3A_104, %dma_wait3A_158] : memref<65536x128xf32, #tpu.memory_space<hbm>> -> memref<384x128xf32, #tpu.memory_space<hbm>>
        tpu.wait_dma2 semaphore(%run_scoped3A : memref<!tpu.dma_semaphore, #tpu.memory_space<semaphore_mem>>) src(%arg6 : memref<384x128xf32, #tpu.memory_space<vmem>>) dst(%dma_wait3A_159 : memref<384x128xf32, #tpu.memory_space<hbm>>)
        tpu.yield
      }) : () -> ()
      %add3A_105 = arith.constant 2 : i32
      %add3A_106 = arith.addi %mul3A_60, %add3A_105 : i32
      %min3A = arith.constant 4 : i32
      %min3A_107 = arith.minsi %add3A_106, %min3A : i32
      %mul3A_108 = arith.constant 384 : i32
      %mul3A_109 = arith.muli %min3A_107, %mul3A_108 : i32
      %add3A_110 = arith.constant 0 : i32
      %add3A_111 = arith.addi %mul3A_109, %add3A_110 : i32
      %dma_start3A_112 = arith.constant 0 : i32
      %dma_start3A_113 = arith.constant 0 : i32
      %dma_start3A_114 = tpu.memref_slice %arg6[%dma_start3A_112, %dma_start3A_113] : memref<384x128xf32, #tpu.memory_space<vmem>> -> memref<128x128xf32, #tpu.memory_space<vmem>>
      %dma_start3A_115 = tpu.memref_slice %arg5[%add3A_111] : memref<2048xi32, #tpu.memory_space<vmem>> -> memref<128xi32, #tpu.memory_space<vmem>>
      %dma_start3A_116 = arith.constant 0 : i32
      %dma_start3A_117 = arith.constant 0 : i32
      %dma_start3A_118 = tpu.memref_slice %arg2[%dma_start3A_116, %dma_start3A_117] : memref<10000x128xf32, #tpu.memory_space<hbm>> -> memref<10000x128xf32, #tpu.memory_space<hbm>>
      tpu.enqueue_indirect_dma source(%dma_start3A_118 : memref<10000x128xf32, #tpu.memory_space<hbm>>) target(%dma_start3A_114 : memref<128x128xf32, #tpu.memory_space<vmem>>) offsets(%dma_start3A_115 : memref<128xi32, #tpu.memory_space<vmem>>) semaphore(%arg8 : memref<!tpu.dma_semaphore, #tpu.memory_space<semaphore_mem>>)
      %mul3A_119 = arith.constant 384 : i32
      %mul3A_120 = arith.muli %min3A_107, %mul3A_119 : i32
      %add3A_121 = arith.constant 128 : i32
      %add3A_122 = arith.addi %mul3A_120, %add3A_121 : i32
      %dma_start3A_123 = arith.constant 128 : i32
      %dma_start3A_124 = arith.constant 0 : i32
      %dma_start3A_125 = tpu.memref_slice %arg6[%dma_start3A_123, %dma_start3A_124] : memref<384x128xf32, #tpu.memory_space<vmem>> -> memref<128x128xf32, #tpu.memory_space<vmem>>
      %dma_start3A_126 = tpu.memref_slice %arg5[%add3A_122] : memref<2048xi32, #tpu.memory_space<vmem>> -> memref<128xi32, #tpu.memory_space<vmem>>
      %dma_start3A_127 = arith.constant 0 : i32
      %dma_start3A_128 = arith.constant 0 : i32
      %dma_start3A_129 = tpu.memref_slice %arg2[%dma_start3A_127, %dma_start3A_128] : memref<10000x128xf32, #tpu.memory_space<hbm>> -> memref<10000x128xf32, #tpu.memory_space<hbm>>
      tpu.enqueue_indirect_dma source(%dma_start3A_129 : memref<10000x128xf32, #tpu.memory_space<hbm>>) target(%dma_start3A_125 : memref<128x128xf32, #tpu.memory_space<vmem>>) offsets(%dma_start3A_126 : memref<128xi32, #tpu.memory_space<vmem>>) semaphore(%arg8 : memref<!tpu.dma_semaphore, #tpu.memory_space<semaphore_mem>>)
      %mul3A_130 = arith.constant 384 : i32
      %mul3A_131 = arith.muli %min3A_107, %mul3A_130 : i32
      %add3A_132 = arith.constant 256 : i32
      %add3A_133 = arith.addi %mul3A_131, %add3A_132 : i32
      %dma_start3A_134 = arith.constant 256 : i32
      %dma_start3A_135 = arith.constant 0 : i32
      %dma_start3A_136 = tpu.memref_slice %arg6[%dma_start3A_134, %dma_start3A_135] : memref<384x128xf32, #tpu.memory_space<vmem>> -> memref<128x128xf32, #tpu.memory_space<vmem>>
      %dma_start3A_137 = tpu.memref_slice %arg5[%add3A_133] : memref<2048xi32, #tpu.memory_space<vmem>> -> memref<128xi32, #tpu.memory_space<vmem>>
      %dma_start3A_138 = arith.constant 0 : i32
      %dma_start3A_139 = arith.constant 0 : i32
      %dma_start3A_140 = tpu.memref_slice %arg2[%dma_start3A_138, %dma_start3A_139] : memref<10000x128xf32, #tpu.memory_space<hbm>> -> memref<10000x128xf32, #tpu.memory_space<hbm>>
      tpu.enqueue_indirect_dma source(%dma_start3A_140 : memref<10000x128xf32, #tpu.memory_space<hbm>>) target(%dma_start3A_136 : memref<128x128xf32, #tpu.memory_space<vmem>>) offsets(%dma_start3A_137 : memref<128xi32, #tpu.memory_space<vmem>>) semaphore(%arg8 : memref<!tpu.dma_semaphore, #tpu.memory_space<semaphore_mem>>)
      %dma_wait3A_141 = arith.constant 0 : i32
      %dma_wait3A_142 = arith.constant 0 : i32
      %dma_wait3A_143 = tpu.memref_slice %arg2[%dma_wait3A_141, %dma_wait3A_142] : memref<10000x128xf32, #tpu.memory_space<hbm>> -> memref<384x128xf32, #tpu.memory_space<hbm>>
      %dma_wait3A_144 = arith.constant 0 : i32
      %dma_wait3A_145 = arith.constant 0 : i32
      %dma_wait3A_146 = tpu.memref_slice %arg2[%dma_wait3A_144, %dma_wait3A_145] : memref<10000x128xf32, #tpu.memory_space<hbm>> -> memref<384x128xf32, #tpu.memory_space<hbm>>
      tpu.wait_dma2 semaphore(%arg9 : memref<!tpu.dma_semaphore, #tpu.memory_space<semaphore_mem>>) src(%dma_wait3A_146 : memref<384x128xf32, #tpu.memory_space<hbm>>) dst(%arg7 : memref<384x128xf32, #tpu.memory_space<vmem>>)
      %add3A_147 = arith.constant 1 : i32
      %add3A_148 = arith.addi %mul3A_60, %add3A_147 : i32
      %mul3A_149 = arith.constant 384 : i32
      %mul3A_150 = arith.muli %add3A_148, %mul3A_149 : i32
      %add3A_151 = arith.addi %mul3A_2, %mul3A_150 : i32
      "tpu.region"() ({
        %run_scoped3A = tpu.sem_alloc : memref<!tpu.dma_semaphore, #tpu.memory_space<semaphore_mem>>
        %dma_start3A_152 = arith.constant 0 : i32
        %dma_start3A_153 = tpu.memref_slice %arg4[%add3A_151, %dma_start3A_152] : memref<65536x128xf32, #tpu.memory_space<hbm>> -> memref<384x128xf32, #tpu.memory_space<hbm>>
        %dma_start3A_154 = arith.constant 0 : i32
        %dma_start3A_155 = tpu.memref_slice %arg4[%add3A_151, %dma_start3A_154] : memref<65536x128xf32, #tpu.memory_space<hbm>> -> memref<384x128xf32, #tpu.memory_space<hbm>>
        tpu.enqueue_dma source(%arg7 : memref<384x128xf32, #tpu.memory_space<vmem>>) target(%dma_start3A_155 : memref<384x128xf32, #tpu.memory_space<hbm>>) target_semaphore(%run_scoped3A : memref<!tpu.dma_semaphore, #tpu.memory_space<semaphore_mem>>)
        %dma_wait3A_156 = arith.constant 0 : i32
        %dma_wait3A_157 = tpu.memref_slice %arg4[%add3A_151, %dma_wait3A_156] : memref<65536x128xf32, #tpu.memory_space<hbm>> -> memref<384x128xf32, #tpu.memory_space<hbm>>
        %dma_wait3A_158 = arith.constant 0 : i32
        %dma_wait3A_159 = tpu.memref_slice %arg4[%add3A_151, %dma_wait3A_158] : memref<65536x128xf32, #tpu.memory_space<hbm>> -> memref<384x128xf32, #tpu.memory_space<hbm>>
        tpu.wait_dma2 semaphore(%run_scoped3A : memref<!tpu.dma_semaphore, #tpu.memory_space<semaphore_mem>>) src(%arg7 : memref<384x128xf32, #tpu.memory_space<vmem>>) dst(%dma_wait3A_159 : memref<384x128xf32, #tpu.memory_space<hbm>>)
        tpu.yield
      }) : () -> ()
    }
    %scan3A_32 = arith.constant 2 : i32
    %dma_wait3A = arith.constant 0 : i32
    %dma_wait3A_33 = arith.constant 0 : i32
    %dma_wait3A_34 = tpu.memref_slice %arg2[%dma_wait3A, %dma_wait3A_33] : memref<10000x128xf32, #tpu.memory_space<hbm>> -> memref<384x128xf32, #tpu.memory_space<hbm>>
    %dma_wait3A_35 = arith.constant 0 : i32
    %dma_wait3A_36 = arith.constant 0 : i32
    %dma_wait3A_37 = tpu.memref_slice %arg2[%dma_wait3A_35, %dma_wait3A_36] : memref<10000x128xf32, #tpu.memory_space<hbm>> -> memref<384x128xf32, #tpu.memory_space<hbm>>
    tpu.wait_dma2 semaphore(%arg8 : memref<!tpu.dma_semaphore, #tpu.memory_space<semaphore_mem>>) src(%dma_wait3A_37 : memref<384x128xf32, #tpu.memory_space<hbm>>) dst(%arg6 : memref<384x128xf32, #tpu.memory_space<vmem>>)
    %add3A_38 = arith.constant 1536 : i32
    %add3A_39 = arith.addi %mul3A_2, %add3A_38 : i32
    "tpu.region"() ({
      %run_scoped3A = tpu.sem_alloc : memref<!tpu.dma_semaphore, #tpu.memory_space<semaphore_mem>>
      %dma_start3A_58 = arith.constant 0 : i32
      %dma_start3A_59 = tpu.memref_slice %arg4[%add3A_39, %dma_start3A_58] : memref<65536x128xf32, #tpu.memory_space<hbm>> -> memref<384x128xf32, #tpu.memory_space<hbm>>
      %dma_start3A_60 = arith.constant 0 : i32
      %dma_start3A_61 = tpu.memref_slice %arg4[%add3A_39, %dma_start3A_60] : memref<65536x128xf32, #tpu.memory_space<hbm>> -> memref<384x128xf32, #tpu.memory_space<hbm>>
      tpu.enqueue_dma source(%arg6 : memref<384x128xf32, #tpu.memory_space<vmem>>) target(%dma_start3A_61 : memref<384x128xf32, #tpu.memory_space<hbm>>) target_semaphore(%run_scoped3A : memref<!tpu.dma_semaphore, #tpu.memory_space<semaphore_mem>>)
      %dma_wait3A_62 = arith.constant 0 : i32
      %dma_wait3A_63 = tpu.memref_slice %arg4[%add3A_39, %dma_wait3A_62] : memref<65536x128xf32, #tpu.memory_space<hbm>> -> memref<384x128xf32, #tpu.memory_space<hbm>>
      %dma_wait3A_64 = arith.constant 0 : i32
      %dma_wait3A_65 = tpu.memref_slice %arg4[%add3A_39, %dma_wait3A_64] : memref<65536x128xf32, #tpu.memory_space<hbm>> -> memref<384x128xf32, #tpu.memory_space<hbm>>
      tpu.wait_dma2 semaphore(%run_scoped3A : memref<!tpu.dma_semaphore, #tpu.memory_space<semaphore_mem>>) src(%arg6 : memref<384x128xf32, #tpu.memory_space<vmem>>) dst(%dma_wait3A_65 : memref<384x128xf32, #tpu.memory_space<hbm>>)
      tpu.yield
    }) : () -> ()
    %dma_start3A_40 = arith.constant 0 : i32
    %dma_start3A_41 = arith.constant 0 : i32
    %dma_start3A_42 = tpu.memref_slice %arg6[%dma_start3A_40, %dma_start3A_41] : memref<384x128xf32, #tpu.memory_space<vmem>> -> memref<128x128xf32, #tpu.memory_space<vmem>>
    %dma_start3A_43 = arith.constant 1920 : i32
    %dma_start3A_44 = tpu.memref_slice %arg5[%dma_start3A_43] : memref<2048xi32, #tpu.memory_space<vmem>> -> memref<128xi32, #tpu.memory_space<vmem>>
    %dma_start3A_45 = arith.constant 0 : i32
    %dma_start3A_46 = arith.constant 0 : i32
    %dma_start3A_47 = tpu.memref_slice %arg2[%dma_start3A_45, %dma_start3A_46] : memref<10000x128xf32, #tpu.memory_space<hbm>> -> memref<10000x128xf32, #tpu.memory_space<hbm>>
    tpu.enqueue_indirect_dma source(%dma_start3A_47 : memref<10000x128xf32, #tpu.memory_space<hbm>>) target(%dma_start3A_42 : memref<128x128xf32, #tpu.memory_space<vmem>>) offsets(%dma_start3A_44 : memref<128xi32, #tpu.memory_space<vmem>>) semaphore(%arg8 : memref<!tpu.dma_semaphore, #tpu.memory_space<semaphore_mem>>)
    %dma_wait3A_48 = arith.constant 0 : i32
    %dma_wait3A_49 = arith.constant 0 : i32
    %dma_wait3A_50 = tpu.memref_slice %arg6[%dma_wait3A_48, %dma_wait3A_49] : memref<384x128xf32, #tpu.memory_space<vmem>> -> memref<128x128xf32, #tpu.memory_space<vmem>>
    %dma_wait3A_51 = arith.constant 1920 : i32
    %dma_wait3A_52 = tpu.memref_slice %arg5[%dma_wait3A_51] : memref<2048xi32, #tpu.memory_space<vmem>> -> memref<128xi32, #tpu.memory_space<vmem>>
    %dma_wait3A_53 = arith.constant 0 : i32
    %dma_wait3A_54 = arith.constant 0 : i32
    %dma_wait3A_55 = tpu.memref_slice %arg2[%dma_wait3A_53, %dma_wait3A_54] : memref<10000x128xf32, #tpu.memory_space<hbm>> -> memref<10000x128xf32, #tpu.memory_space<hbm>>
    tpu.wait_indirect_dma semaphore(%arg8 : memref<!tpu.dma_semaphore, #tpu.memory_space<semaphore_mem>>) src(%dma_wait3A_55 : memref<10000x128xf32, #tpu.memory_space<hbm>>) dst(%dma_wait3A_50 : memref<128x128xf32, #tpu.memory_space<vmem>>)
    %add3A_56 = arith.constant 1920 : i32
    %add3A_57 = arith.addi %mul3A_2, %add3A_56 : i32
    "tpu.region"() ({
      %run_scoped3A = tpu.sem_alloc : memref<!tpu.dma_semaphore, #tpu.memory_space<semaphore_mem>>
      %dma_start3A_58 = arith.constant 0 : i32
      %dma_start3A_59 = arith.constant 0 : i32
      %dma_start3A_60 = tpu.memref_slice %arg6[%dma_start3A_58, %dma_start3A_59] : memref<384x128xf32, #tpu.memory_space<vmem>> -> memref<128x128xf32, #tpu.memory_space<vmem>>
      %dma_start3A_61 = arith.constant 0 : i32
      %dma_start3A_62 = tpu.memref_slice %arg4[%add3A_57, %dma_start3A_61] : memref<65536x128xf32, #tpu.memory_space<hbm>> -> memref<128x128xf32, #tpu.memory_space<hbm>>
      %dma_start3A_63 = arith.constant 0 : i32
      %dma_start3A_64 = tpu.memref_slice %arg4[%add3A_57, %dma_start3A_63] : memref<65536x128xf32, #tpu.memory_space<hbm>> -> memref<128x128xf32, #tpu.memory_space<hbm>>
      %dma_start3A_65 = arith.constant 0 : i32
      %dma_start3A_66 = arith.constant 0 : i32
      %dma_start3A_67 = tpu.memref_slice %arg6[%dma_start3A_65, %dma_start3A_66] : memref<384x128xf32, #tpu.memory_space<vmem>> -> memref<128x128xf32, #tpu.memory_space<vmem>>
      tpu.enqueue_dma source(%dma_start3A_67 : memref<128x128xf32, #tpu.memory_space<vmem>>) target(%dma_start3A_64 : memref<128x128xf32, #tpu.memory_space<hbm>>) target_semaphore(%run_scoped3A : memref<!tpu.dma_semaphore, #tpu.memory_space<semaphore_mem>>)
      %dma_wait3A_68 = arith.constant 0 : i32
      %dma_wait3A_69 = arith.constant 0 : i32
      %dma_wait3A_70 = tpu.memref_slice %arg6[%dma_wait3A_68, %dma_wait3A_69] : memref<384x128xf32, #tpu.memory_space<vmem>> -> memref<128x128xf32, #tpu.memory_space<vmem>>
      %dma_wait3A_71 = arith.constant 0 : i32
      %dma_wait3A_72 = tpu.memref_slice %arg4[%add3A_57, %dma_wait3A_71] : memref<65536x128xf32, #tpu.memory_space<hbm>> -> memref<128x128xf32, #tpu.memory_space<hbm>>
      %dma_wait3A_73 = arith.constant 0 : i32
      %dma_wait3A_74 = tpu.memref_slice %arg4[%add3A_57, %dma_wait3A_73] : memref<65536x128xf32, #tpu.memory_space<hbm>> -> memref<128x128xf32, #tpu.memory_space<hbm>>
      %dma_wait3A_75 = arith.constant 0 : i32
      %dma_wait3A_76 = arith.constant 0 : i32
      %dma_wait3A_77 = tpu.memref_slice %arg6[%dma_wait3A_75, %dma_wait3A_76] : memref<384x128xf32, #tpu.memory_space<vmem>> -> memref<128x128xf32, #tpu.memory_space<vmem>>
      tpu.wait_dma2 semaphore(%run_scoped3A : memref<!tpu.dma_semaphore, #tpu.memory_space<semaphore_mem>>) src(%dma_wait3A_77 : memref<128x128xf32, #tpu.memory_space<vmem>>) dst(%dma_wait3A_74 : memref<128x128xf32, #tpu.memory_space<hbm>>)
      tpu.yield
    }) : () -> ()
    return
  }
}

#map = affine_map<(d0, d1) -> (0, 0)>
#map1 = affine_map<(d0, d1) -> (0)>
module attributes {stable_mosaic.version = 14 : i64} {
  func.func @k(%arg0: i32, %arg1: i32, %arg2: memref<10000x128xf32, #tpu.memory_space<hbm>>, %arg3: memref<327680xi32, #tpu.memory_space<hbm>>, %arg4: memref<65536x128xf32, #tpu.memory_space<hbm>>, %arg5: memref<2048xi32, #tpu.memory_space<vmem>>, %arg6: memref<384x128xf32, #tpu.memory_space<vmem>>, %arg7: memref<384x128xf32, #tpu.memory_space<vmem>>, %arg8: memref<!tpu.dma_semaphore, #tpu.memory_space<semaphore_mem>>, %arg9: memref<!tpu.dma_semaphore, #tpu.memory_space<semaphore_mem>>) attributes {dimension_semantics = [#tpu.dimension_semantics<core_parallel>, #tpu.dimension_semantics<subcore_parallel>], iteration_bounds = array<i64: 2, 16>, scalar_prefetch = 0 : i64, scratch_operands = 5 : i64, tpu.core_type = #tpu.core_type<sc_vector_subcore>, window_params = [{transform_indices = #map}, {transform_indices = #map1}, {transform_indices = #map}]} {
    %mul3A = arith.constant 2 : i32
    %mul3A_0 = arith.muli %arg1, %mul3A : i32
    %add3A = arith.addi %mul3A_0, %arg0 : i32
    %mul3A_1 = arith.constant 2048 : i32
    %mul3A_2 = arith.muli %add3A, %mul3A_1 : i32
    %add3A_3 = arith.constant 0 : i32
    %add3A_4 = arith.addi %add3A_3, %mul3A_2 : i32
    "tpu.region"() ({
      %run_scoped3A = tpu.sem_alloc : memref<!tpu.dma_semaphore, #tpu.memory_space<semaphore_mem>>
      %dma_start3A_58 = tpu.memref_slice %arg3[%add3A_4] : memref<327680xi32, #tpu.memory_space<hbm>> -> memref<2048xi32, #tpu.memory_space<hbm>>
      %dma_start3A_59 = tpu.memref_slice %arg3[%add3A_4] : memref<327680xi32, #tpu.memory_space<hbm>> -> memref<2048xi32, #tpu.memory_space<hbm>>
      tpu.enqueue_dma source(%dma_start3A_59 : memref<2048xi32, #tpu.memory_space<hbm>>) target(%arg5 : memref<2048xi32, #tpu.memory_space<vmem>>) target_semaphore(%run_scoped3A : memref<!tpu.dma_semaphore, #tpu.memory_space<semaphore_mem>>)
      %dma_wait3A_60 = tpu.memref_slice %arg3[%add3A_4] : memref<327680xi32, #tpu.memory_space<hbm>> -> memref<2048xi32, #tpu.memory_space<hbm>>
      %dma_wait3A_61 = tpu.memref_slice %arg3[%add3A_4] : memref<327680xi32, #tpu.memory_space<hbm>> -> memref<2048xi32, #tpu.memory_space<hbm>>
      tpu.wait_dma2 semaphore(%run_scoped3A : memref<!tpu.dma_semaphore, #tpu.memory_space<semaphore_mem>>) src(%dma_wait3A_61 : memref<2048xi32, #tpu.memory_space<hbm>>) dst(%arg5 : memref<2048xi32, #tpu.memory_space<vmem>>)
      tpu.yield
    }) : () -> ()
    %dma_start3A = arith.constant 0 : i32
    %dma_start3A_5 = arith.constant 0 : i32
    %dma_start3A_6 = tpu.memref_slice %arg6[%dma_start3A, %dma_start3A_5] : memref<384x128xf32, #tpu.memory_space<vmem>> -> memref<128x128xf32, #tpu.memory_space<vmem>>
    %dma_start3A_7 = arith.constant 0 : i32
    %dma_start3A_8 = tpu.memref_slice %arg5[%dma_start3A_7] : memref<2048xi32, #tpu.memory_space<vmem>> -> memref<128xi32, #tpu.memory_space<vmem>>
    %dma_start3A_9 = arith.constant 0 : i32
    %dma_start3A_10 = arith.constant 0 : i32
    %dma_start3A_11 = tpu.memref_slice %arg2[%dma_start3A_9, %dma_start3A_10] : memref<10000x128xf32, #tpu.memory_space<hbm>> -> memref<10000x128xf32, #tpu.memory_space<hbm>>
    tpu.enqueue_indirect_dma source(%dma_start3A_11 : memref<10000x128xf32, #tpu.memory_space<hbm>>) target(%dma_start3A_6 : memref<128x128xf32, #tpu.memory_space<vmem>>) offsets(%dma_start3A_8 : memref<128xi32, #tpu.memory_space<vmem>>) semaphore(%arg8 : memref<!tpu.dma_semaphore, #tpu.memory_space<semaphore_mem>>)
    %dma_start3A_12 = arith.constant 128 : i32
    %dma_start3A_13 = arith.constant 0 : i32
    %dma_start3A_14 = tpu.memref_slice %arg6[%dma_start3A_12, %dma_start3A_13] : memref<384x128xf32, #tpu.memory_space<vmem>> -> memref<128x128xf32, #tpu.memory_space<vmem>>
    %dma_start3A_15 = arith.constant 128 : i32
    %dma_start3A_16 = tpu.memref_slice %arg5[%dma_start3A_15] : memref<2048xi32, #tpu.memory_space<vmem>> -> memref<128xi32, #tpu.memory_space<vmem>>
    %dma_start3A_17 = arith.constant 0 : i32
    %dma_start3A_18 = arith.constant 0 : i32
    %dma_start3A_19 = tpu.memref_slice %arg2[%dma_start3A_17, %dma_start3A_18] : memref<10000x128xf32, #tpu.memory_space<hbm>> -> memref<10000x128xf32, #tpu.memory_space<hbm>>
    tpu.enqueue_indirect_dma source(%dma_start3A_19 : memref<10000x128xf32, #tpu.memory_space<hbm>>) target(%dma_start3A_14 : memref<128x128xf32, #tpu.memory_space<vmem>>) offsets(%dma_start3A_16 : memref<128xi32, #tpu.memory_space<vmem>>) semaphore(%arg8 : memref<!tpu.dma_semaphore, #tpu.memory_space<semaphore_mem>>)
    %dma_start3A_20 = arith.constant 256 : i32
    %dma_start3A_21 = arith.constant 0 : i32
    %dma_start3A_22 = tpu.memref_slice %arg6[%dma_start3A_20, %dma_start3A_21] : memref<384x128xf32, #tpu.memory_space<vmem>> -> memref<128x128xf32, #tpu.memory_space<vmem>>
    %dma_start3A_23 = arith.constant 256 : i32
    %dma_start3A_24 = tpu.memref_slice %arg5[%dma_start3A_23] : memref<2048xi32, #tpu.memory_space<vmem>> -> memref<128xi32, #tpu.memory_space<vmem>>
    %dma_start3A_25 = arith.constant 0 : i32
    %dma_start3A_26 = arith.constant 0 : i32
    %dma_start3A_27 = tpu.memref_slice %arg2[%dma_start3A_25, %dma_start3A_26] : memref<10000x128xf32, #tpu.memory_space<hbm>> -> memref<10000x128xf32, #tpu.memory_space<hbm>>
    tpu.enqueue_indirect_dma source(%dma_start3A_27 : memref<10000x128xf32, #tpu.memory_space<hbm>>) target(%dma_start3A_22 : memref<128x128xf32, #tpu.memory_space<vmem>>) offsets(%dma_start3A_24 : memref<128xi32, #tpu.memory_space<vmem>>) semaphore(%arg8 : memref<!tpu.dma_semaphore, #tpu.memory_space<semaphore_mem>>)
    %scan3A = arith.constant 0 : i32
    %scan3A_28 = arith.constant 0 : i32
    %scan3A_29 = arith.constant 2 : i32
    %scan3A_30 = arith.addi %scan3A_28, %scan3A_29 : i32
    %scan3A_31 = arith.constant 1 : i32
    scf.for %scan3A_58 = %scan3A_28 to %scan3A_30 step %scan3A_31  : i32 {
      %mul3A_59 = arith.constant 2 : i32
      %mul3A_60 = arith.muli %mul3A_59, %scan3A_58 : i32
      %add3A_61 = arith.constant 1 : i32
      %add3A_62 = arith.addi %mul3A_60, %add3A_61 : i32
      %mul3A_63 = arith.constant 384 : i32
      %mul3A_64 = arith.muli %add3A_62, %mul3A_63 : i32
      %add3A_65 = arith.constant 0 : i32
      %add3A_66 = arith.addi %mul3A_64, %add3A_65 : i32
      %dma_start3A_67 = arith.constant 0 : i32
      %dma_start3A_68 = arith.constant 0 : i32
      %dma_start3A_69 = tpu.memref_slice %arg7[%dma_start3A_67, %dma_start3A_68] : memref<384x128xf32, #tpu.memory_space<vmem>> -> memref<128x128xf32, #tpu.memory_space<vmem>>
      %dma_start3A_70 = tpu.memref_slice %arg5[%add3A_66] : memref<2048xi32, #tpu.memory_space<vmem>> -> memref<128xi32, #tpu.memory_space<vmem>>
      %dma_start3A_71 = arith.constant 0 : i32
      %dma_start3A_72 = arith.constant 0 : i32
      %dma_start3A_73 = tpu.memref_slice %arg2[%dma_start3A_71, %dma_start3A_72] : memref<10000x128xf32, #tpu.memory_space<hbm>> -> memref<10000x128xf32, #tpu.memory_space<hbm>>
      tpu.enqueue_indirect_dma source(%dma_start3A_73 : memref<10000x128xf32, #tpu.memory_space<hbm>>) target(%dma_start3A_69 : memref<128x128xf32, #tpu.memory_space<vmem>>) offsets(%dma_start3A_70 : memref<128xi32, #tpu.memory_space<vmem>>) semaphore(%arg9 : memref<!tpu.dma_semaphore, #tpu.memory_space<semaphore_mem>>)
      %mul3A_74 = arith.constant 384 : i32
      %mul3A_75 = arith.muli %add3A_62, %mul3A_74 : i32
      %add3A_76 = arith.constant 128 : i32
      %add3A_77 = arith.addi %mul3A_75, %add3A_76 : i32
      %dma_start3A_78 = arith.constant 128 : i32
      %dma_start3A_79 = arith.constant 0 : i32
      %dma_start3A_80 = tpu.memref_slice %arg7[%dma_start3A_78, %dma_start3A_79] : memref<384x128xf32, #tpu.memory_space<vmem>> -> memref<128x128xf32, #tpu.memory_space<vmem>>
      %dma_start3A_81 = tpu.memref_slice %arg5[%add3A_77] : memref<2048xi32, #tpu.memory_space<vmem>> -> memref<128xi32, #tpu.memory_space<vmem>>
      %dma_start3A_82 = arith.constant 0 : i32
      %dma_start3A_83 = arith.constant 0 : i32
      %dma_start3A_84 = tpu.memref_slice %arg2[%dma_start3A_82, %dma_start3A_83] : memref<10000x128xf32, #tpu.memory_space<hbm>> -> memref<10000x128xf32, #tpu.memory_space<hbm>>
      tpu.enqueue_indirect_dma source(%dma_start3A_84 : memref<10000x128xf32, #tpu.memory_space<hbm>>) target(%dma_start3A_80 : memref<128x128xf32, #tpu.memory_space<vmem>>) offsets(%dma_start3A_81 : memref<128xi32, #tpu.memory_space<vmem>>) semaphore(%arg9 : memref<!tpu.dma_semaphore, #tpu.memory_space<semaphore_mem>>)
      %mul3A_85 = arith.constant 384 : i32
      %mul3A_86 = arith.muli %add3A_62, %mul3A_85 : i32
      %add3A_87 = arith.constant 256 : i32
      %add3A_88 = arith.addi %mul3A_86, %add3A_87 : i32
      %dma_start3A_89 = arith.constant 256 : i32
      %dma_start3A_90 = arith.constant 0 : i32
      %dma_start3A_91 = tpu.memref_slice %arg7[%dma_start3A_89, %dma_start3A_90] : memref<384x128xf32, #tpu.memory_space<vmem>> -> memref<128x128xf32, #tpu.memory_space<vmem>>
      %dma_start3A_92 = tpu.memref_slice %arg5[%add3A_88] : memref<2048xi32, #tpu.memory_space<vmem>> -> memref<128xi32, #tpu.memory_space<vmem>>
      %dma_start3A_93 = arith.constant 0 : i32
      %dma_start3A_94 = arith.constant 0 : i32
      %dma_start3A_95 = tpu.memref_slice %arg2[%dma_start3A_93, %dma_start3A_94] : memref<10000x128xf32, #tpu.memory_space<hbm>> -> memref<10000x128xf32, #tpu.memory_space<hbm>>
      tpu.enqueue_indirect_dma source(%dma_start3A_95 : memref<10000x128xf32, #tpu.memory_space<hbm>>) target(%dma_start3A_91 : memref<128x128xf32, #tpu.memory_space<vmem>>) offsets(%dma_start3A_92 : memref<128xi32, #tpu.memory_space<vmem>>) semaphore(%arg9 : memref<!tpu.dma_semaphore, #tpu.memory_space<semaphore_mem>>)
      %dma_wait3A_96 = arith.constant 0 : i32
      %dma_wait3A_97 = arith.constant 0 : i32
      %dma_wait3A_98 = tpu.memref_slice %arg2[%dma_wait3A_96, %dma_wait3A_97] : memref<10000x128xf32, #tpu.memory_space<hbm>> -> memref<384x128xf32, #tpu.memory_space<hbm>>
      %dma_wait3A_99 = arith.constant 0 : i32
      %dma_wait3A_100 = arith.constant 0 : i32
      %dma_wait3A_101 = tpu.memref_slice %arg2[%dma_wait3A_99, %dma_wait3A_100] : memref<10000x128xf32, #tpu.memory_space<hbm>> -> memref<384x128xf32, #tpu.memory_space<hbm>>
      tpu.wait_dma2 semaphore(%arg8 : memref<!tpu.dma_semaphore, #tpu.memory_space<semaphore_mem>>) src(%dma_wait3A_101 : memref<384x128xf32, #tpu.memory_space<hbm>>) dst(%arg6 : memref<384x128xf32, #tpu.memory_space<vmem>>)
      %mul3A_102 = arith.constant 384 : i32
      %mul3A_103 = arith.muli %mul3A_60, %mul3A_102 : i32
      %add3A_104 = arith.addi %mul3A_2, %mul3A_103 : i32
      "tpu.region"() ({
        %run_scoped3A = tpu.sem_alloc : memref<!tpu.dma_semaphore, #tpu.memory_space<semaphore_mem>>
        %dma_start3A_152 = arith.constant 0 : i32
        %dma_start3A_153 = tpu.memref_slice %arg4[%add3A_104, %dma_start3A_152] : memref<65536x128xf32, #tpu.memory_space<hbm>> -> memref<384x128xf32, #tpu.memory_space<hbm>>
        %dma_start3A_154 = arith.constant 0 : i32
        %dma_start3A_155 = tpu.memref_slice %arg4[%add3A_104, %dma_start3A_154] : memref<65536x128xf32, #tpu.memory_space<hbm>> -> memref<384x128xf32, #tpu.memory_space<hbm>>
        tpu.enqueue_dma source(%arg6 : memref<384x128xf32, #tpu.memory_space<vmem>>) target(%dma_start3A_155 : memref<384x128xf32, #tpu.memory_space<hbm>>) target_semaphore(%run_scoped3A : memref<!tpu.dma_semaphore, #tpu.memory_space<semaphore_mem>>)
        %dma_wait3A_156 = arith.constant 0 : i32
        %dma_wait3A_157 = tpu.memref_slice %arg4[%add3A_104, %dma_wait3A_156] : memref<65536x128xf32, #tpu.memory_space<hbm>> -> memref<384x128xf32, #tpu.memory_space<hbm>>
        %dma_wait3A_158 = arith.constant 0 : i32
        %dma_wait3A_159 = tpu.memref_slice %arg4[%add3A_104, %dma_wait3A_158] : memref<65536x128xf32, #tpu.memory_space<hbm>> -> memref<384x128xf32, #tpu.memory_space<hbm>>
        tpu.wait_dma2 semaphore(%run_scoped3A : memref<!tpu.dma_semaphore, #tpu.memory_space<semaphore_mem>>) src(%arg6 : memref<384x128xf32, #tpu.memory_space<vmem>>) dst(%dma_wait3A_159 : memref<384x128xf32, #tpu.memory_space<hbm>>)
        tpu.yield
      }) : () -> ()
      %add3A_105 = arith.constant 2 : i32
      %add3A_106 = arith.addi %mul3A_60, %add3A_105 : i32
      %min3A = arith.constant 4 : i32
      %min3A_107 = arith.minsi %add3A_106, %min3A : i32
      %mul3A_108 = arith.constant 384 : i32
      %mul3A_109 = arith.muli %min3A_107, %mul3A_108 : i32
      %add3A_110 = arith.constant 0 : i32
      %add3A_111 = arith.addi %mul3A_109, %add3A_110 : i32
      %dma_start3A_112 = arith.constant 0 : i32
      %dma_start3A_113 = arith.constant 0 : i32
      %dma_start3A_114 = tpu.memref_slice %arg6[%dma_start3A_112, %dma_start3A_113] : memref<384x128xf32, #tpu.memory_space<vmem>> -> memref<128x128xf32, #tpu.memory_space<vmem>>
      %dma_start3A_115 = tpu.memref_slice %arg5[%add3A_111] : memref<2048xi32, #tpu.memory_space<vmem>> -> memref<128xi32, #tpu.memory_space<vmem>>
      %dma_start3A_116 = arith.constant 0 : i32
      %dma_start3A_117 = arith.constant 0 : i32
      %dma_start3A_118 = tpu.memref_slice %arg2[%dma_start3A_116, %dma_start3A_117] : memref<10000x128xf32, #tpu.memory_space<hbm>> -> memref<10000x128xf32, #tpu.memory_space<hbm>>
      tpu.enqueue_indirect_dma source(%dma_start3A_118 : memref<10000x128xf32, #tpu.memory_space<hbm>>) target(%dma_start3A_114 : memref<128x128xf32, #tpu.memory_space<vmem>>) offsets(%dma_start3A_115 : memref<128xi32, #tpu.memory_space<vmem>>) semaphore(%arg8 : memref<!tpu.dma_semaphore, #tpu.memory_space<semaphore_mem>>)
      %mul3A_119 = arith.constant 384 : i32
      %mul3A_120 = arith.muli %min3A_107, %mul3A_119 : i32
      %add3A_121 = arith.constant 128 : i32
      %add3A_122 = arith.addi %mul3A_120, %add3A_121 : i32
      %dma_start3A_123 = arith.constant 128 : i32
      %dma_start3A_124 = arith.constant 0 : i32
      %dma_start3A_125 = tpu.memref_slice %arg6[%dma_start3A_123, %dma_start3A_124] : memref<384x128xf32, #tpu.memory_space<vmem>> -> memref<128x128xf32, #tpu.memory_space<vmem>>
      %dma_start3A_126 = tpu.memref_slice %arg5[%add3A_122] : memref<2048xi32, #tpu.memory_space<vmem>> -> memref<128xi32, #tpu.memory_space<vmem>>
      %dma_start3A_127 = arith.constant 0 : i32
      %dma_start3A_128 = arith.constant 0 : i32
      %dma_start3A_129 = tpu.memref_slice %arg2[%dma_start3A_127, %dma_start3A_128] : memref<10000x128xf32, #tpu.memory_space<hbm>> -> memref<10000x128xf32, #tpu.memory_space<hbm>>
      tpu.enqueue_indirect_dma source(%dma_start3A_129 : memref<10000x128xf32, #tpu.memory_space<hbm>>) target(%dma_start3A_125 : memref<128x128xf32, #tpu.memory_space<vmem>>) offsets(%dma_start3A_126 : memref<128xi32, #tpu.memory_space<vmem>>) semaphore(%arg8 : memref<!tpu.dma_semaphore, #tpu.memory_space<semaphore_mem>>)
      %mul3A_130 = arith.constant 384 : i32
      %mul3A_131 = arith.muli %min3A_107, %mul3A_130 : i32
      %add3A_132 = arith.constant 256 : i32
      %add3A_133 = arith.addi %mul3A_131, %add3A_132 : i32
      %dma_start3A_134 = arith.constant 256 : i32
      %dma_start3A_135 = arith.constant 0 : i32
      %dma_start3A_136 = tpu.memref_slice %arg6[%dma_start3A_134, %dma_start3A_135] : memref<384x128xf32, #tpu.memory_space<vmem>> -> memref<128x128xf32, #tpu.memory_space<vmem>>
      %dma_start3A_137 = tpu.memref_slice %arg5[%add3A_133] : memref<2048xi32, #tpu.memory_space<vmem>> -> memref<128xi32, #tpu.memory_space<vmem>>
      %dma_start3A_138 = arith.constant 0 : i32
      %dma_start3A_139 = arith.constant 0 : i32
      %dma_start3A_140 = tpu.memref_slice %arg2[%dma_start3A_138, %dma_start3A_139] : memref<10000x128xf32, #tpu.memory_space<hbm>> -> memref<10000x128xf32, #tpu.memory_space<hbm>>
      tpu.enqueue_indirect_dma source(%dma_start3A_140 : memref<10000x128xf32, #tpu.memory_space<hbm>>) target(%dma_start3A_136 : memref<128x128xf32, #tpu.memory_space<vmem>>) offsets(%dma_start3A_137 : memref<128xi32, #tpu.memory_space<vmem>>) semaphore(%arg8 : memref<!tpu.dma_semaphore, #tpu.memory_space<semaphore_mem>>)
      %dma_wait3A_141 = arith.constant 0 : i32
      %dma_wait3A_142 = arith.constant 0 : i32
      %dma_wait3A_143 = tpu.memref_slice %arg2[%dma_wait3A_141, %dma_wait3A_142] : memref<10000x128xf32, #tpu.memory_space<hbm>> -> memref<384x128xf32, #tpu.memory_space<hbm>>
      %dma_wait3A_144 = arith.constant 0 : i32
      %dma_wait3A_145 = arith.constant 0 : i32
      %dma_wait3A_146 = tpu.memref_slice %arg2[%dma_wait3A_144, %dma_wait3A_145] : memref<10000x128xf32, #tpu.memory_space<hbm>> -> memref<384x128xf32, #tpu.memory_space<hbm>>
      tpu.wait_dma2 semaphore(%arg9 : memref<!tpu.dma_semaphore, #tpu.memory_space<semaphore_mem>>) src(%dma_wait3A_146 : memref<384x128xf32, #tpu.memory_space<hbm>>) dst(%arg7 : memref<384x128xf32, #tpu.memory_space<vmem>>)
      %add3A_147 = arith.constant 1 : i32
      %add3A_148 = arith.addi %mul3A_60, %add3A_147 : i32
      %mul3A_149 = arith.constant 384 : i32
      %mul3A_150 = arith.muli %add3A_148, %mul3A_149 : i32
      %add3A_151 = arith.addi %mul3A_2, %mul3A_150 : i32
      "tpu.region"() ({
        %run_scoped3A = tpu.sem_alloc : memref<!tpu.dma_semaphore, #tpu.memory_space<semaphore_mem>>
        %dma_start3A_152 = arith.constant 0 : i32
        %dma_start3A_153 = tpu.memref_slice %arg4[%add3A_151, %dma_start3A_152] : memref<65536x128xf32, #tpu.memory_space<hbm>> -> memref<384x128xf32, #tpu.memory_space<hbm>>
        %dma_start3A_154 = arith.constant 0 : i32
        %dma_start3A_155 = tpu.memref_slice %arg4[%add3A_151, %dma_start3A_154] : memref<65536x128xf32, #tpu.memory_space<hbm>> -> memref<384x128xf32, #tpu.memory_space<hbm>>
        tpu.enqueue_dma source(%arg7 : memref<384x128xf32, #tpu.memory_space<vmem>>) target(%dma_start3A_155 : memref<384x128xf32, #tpu.memory_space<hbm>>) target_semaphore(%run_scoped3A : memref<!tpu.dma_semaphore, #tpu.memory_space<semaphore_mem>>)
        %dma_wait3A_156 = arith.constant 0 : i32
        %dma_wait3A_157 = tpu.memref_slice %arg4[%add3A_151, %dma_wait3A_156] : memref<65536x128xf32, #tpu.memory_space<hbm>> -> memref<384x128xf32, #tpu.memory_space<hbm>>
        %dma_wait3A_158 = arith.constant 0 : i32
        %dma_wait3A_159 = tpu.memref_slice %arg4[%add3A_151, %dma_wait3A_158] : memref<65536x128xf32, #tpu.memory_space<hbm>> -> memref<384x128xf32, #tpu.memory_space<hbm>>
        tpu.wait_dma2 semaphore(%run_scoped3A : memref<!tpu.dma_semaphore, #tpu.memory_space<semaphore_mem>>) src(%arg7 : memref<384x128xf32, #tpu.memory_space<vmem>>) dst(%dma_wait3A_159 : memref<384x128xf32, #tpu.memory_space<hbm>>)
        tpu.yield
      }) : () -> ()
    }
    %scan3A_32 = arith.constant 2 : i32
    %dma_wait3A = arith.constant 0 : i32
    %dma_wait3A_33 = arith.constant 0 : i32
    %dma_wait3A_34 = tpu.memref_slice %arg2[%dma_wait3A, %dma_wait3A_33] : memref<10000x128xf32, #tpu.memory_space<hbm>> -> memref<384x128xf32, #tpu.memory_space<hbm>>
    %dma_wait3A_35 = arith.constant 0 : i32
    %dma_wait3A_36 = arith.constant 0 : i32
    %dma_wait3A_37 = tpu.memref_slice %arg2[%dma_wait3A_35, %dma_wait3A_36] : memref<10000x128xf32, #tpu.memory_space<hbm>> -> memref<384x128xf32, #tpu.memory_space<hbm>>
    tpu.wait_dma2 semaphore(%arg8 : memref<!tpu.dma_semaphore, #tpu.memory_space<semaphore_mem>>) src(%dma_wait3A_37 : memref<384x128xf32, #tpu.memory_space<hbm>>) dst(%arg6 : memref<384x128xf32, #tpu.memory_space<vmem>>)
    %add3A_38 = arith.constant 1536 : i32
    %add3A_39 = arith.addi %mul3A_2, %add3A_38 : i32
    "tpu.region"() ({
      %run_scoped3A = tpu.sem_alloc : memref<!tpu.dma_semaphore, #tpu.memory_space<semaphore_mem>>
      %dma_start3A_58 = arith.constant 0 : i32
      %dma_start3A_59 = tpu.memref_slice %arg4[%add3A_39, %dma_start3A_58] : memref<65536x128xf32, #tpu.memory_space<hbm>> -> memref<384x128xf32, #tpu.memory_space<hbm>>
      %dma_start3A_60 = arith.constant 0 : i32
      %dma_start3A_61 = tpu.memref_slice %arg4[%add3A_39, %dma_start3A_60] : memref<65536x128xf32, #tpu.memory_space<hbm>> -> memref<384x128xf32, #tpu.memory_space<hbm>>
      tpu.enqueue_dma source(%arg6 : memref<384x128xf32, #tpu.memory_space<vmem>>) target(%dma_start3A_61 : memref<384x128xf32, #tpu.memory_space<hbm>>) target_semaphore(%run_scoped3A : memref<!tpu.dma_semaphore, #tpu.memory_space<semaphore_mem>>)
      %dma_wait3A_62 = arith.constant 0 : i32
      %dma_wait3A_63 = tpu.memref_slice %arg4[%add3A_39, %dma_wait3A_62] : memref<65536x128xf32, #tpu.memory_space<hbm>> -> memref<384x128xf32, #tpu.memory_space<hbm>>
      %dma_wait3A_64 = arith.constant 0 : i32
      %dma_wait3A_65 = tpu.memref_slice %arg4[%add3A_39, %dma_wait3A_64] : memref<65536x128xf32, #tpu.memory_space<hbm>> -> memref<384x128xf32, #tpu.memory_space<hbm>>
      tpu.wait_dma2 semaphore(%run_scoped3A : memref<!tpu.dma_semaphore, #tpu.memory_space<semaphore_mem>>) src(%arg6 : memref<384x128xf32, #tpu.memory_space<vmem>>) dst(%dma_wait3A_65 : memref<384x128xf32, #tpu.memory_space<hbm>>)
      tpu.yield
    }) : () -> ()
    %dma_start3A_40 = arith.constant 0 : i32
    %dma_start3A_41 = arith.constant 0 : i32
    %dma_start3A_42 = tpu.memref_slice %arg6[%dma_start3A_40, %dma_start3A_41] : memref<384x128xf32, #tpu.memory_space<vmem>> -> memref<128x128xf32, #tpu.memory_space<vmem>>
    %dma_start3A_43 = arith.constant 1920 : i32
    %dma_start3A_44 = tpu.memref_slice %arg5[%dma_start3A_43] : memref<2048xi32, #tpu.memory_space<vmem>> -> memref<128xi32, #tpu.memory_space<vmem>>
    %dma_start3A_45 = arith.constant 0 : i32
    %dma_start3A_46 = arith.constant 0 : i32
    %dma_start3A_47 = tpu.memref_slice %arg2[%dma_start3A_45, %dma_start3A_46] : memref<10000x128xf32, #tpu.memory_space<hbm>> -> memref<10000x128xf32, #tpu.memory_space<hbm>>
    tpu.enqueue_indirect_dma source(%dma_start3A_47 : memref<10000x128xf32, #tpu.memory_space<hbm>>) target(%dma_start3A_42 : memref<128x128xf32, #tpu.memory_space<vmem>>) offsets(%dma_start3A_44 : memref<128xi32, #tpu.memory_space<vmem>>) semaphore(%arg8 : memref<!tpu.dma_semaphore, #tpu.memory_space<semaphore_mem>>)
    %dma_wait3A_48 = arith.constant 0 : i32
    %dma_wait3A_49 = arith.constant 0 : i32
    %dma_wait3A_50 = tpu.memref_slice %arg6[%dma_wait3A_48, %dma_wait3A_49] : memref<384x128xf32, #tpu.memory_space<vmem>> -> memref<128x128xf32, #tpu.memory_space<vmem>>
    %dma_wait3A_51 = arith.constant 1920 : i32
    %dma_wait3A_52 = tpu.memref_slice %arg5[%dma_wait3A_51] : memref<2048xi32, #tpu.memory_space<vmem>> -> memref<128xi32, #tpu.memory_space<vmem>>
    %dma_wait3A_53 = arith.constant 0 : i32
    %dma_wait3A_54 = arith.constant 0 : i32
    %dma_wait3A_55 = tpu.memref_slice %arg2[%dma_wait3A_53, %dma_wait3A_54] : memref<10000x128xf32, #tpu.memory_space<hbm>> -> memref<10000x128xf32, #tpu.memory_space<hbm>>
    tpu.wait_indirect_dma semaphore(%arg8 : memref<!tpu.dma_semaphore, #tpu.memory_space<semaphore_mem>>) src(%dma_wait3A_55 : memref<10000x128xf32, #tpu.memory_space<hbm>>) dst(%dma_wait3A_50 : memref<128x128xf32, #tpu.memory_space<vmem>>)
    %add3A_56 = arith.constant 1920 : i32
    %add3A_57 = arith.addi %mul3A_2, %add3A_56 : i32
    "tpu.region"() ({
      %run_scoped3A = tpu.sem_alloc : memref<!tpu.dma_semaphore, #tpu.memory_space<semaphore_mem>>
      %dma_start3A_58 = arith.constant 0 : i32
      %dma_start3A_59 = arith.constant 0 : i32
      %dma_start3A_60 = tpu.memref_slice %arg6[%dma_start3A_58, %dma_start3A_59] : memref<384x128xf32, #tpu.memory_space<vmem>> -> memref<128x128xf32, #tpu.memory_space<vmem>>
      %dma_start3A_61 = arith.constant 0 : i32
      %dma_start3A_62 = tpu.memref_slice %arg4[%add3A_57, %dma_start3A_61] : memref<65536x128xf32, #tpu.memory_space<hbm>> -> memref<128x128xf32, #tpu.memory_space<hbm>>
      %dma_start3A_63 = arith.constant 0 : i32
      %dma_start3A_64 = tpu.memref_slice %arg4[%add3A_57, %dma_start3A_63] : memref<65536x128xf32, #tpu.memory_space<hbm>> -> memref<128x128xf32, #tpu.memory_space<hbm>>
      %dma_start3A_65 = arith.constant 0 : i32
      %dma_start3A_66 = arith.constant 0 : i32
      %dma_start3A_67 = tpu.memref_slice %arg6[%dma_start3A_65, %dma_start3A_66] : memref<384x128xf32, #tpu.memory_space<vmem>> -> memref<128x128xf32, #tpu.memory_space<vmem>>
      tpu.enqueue_dma source(%dma_start3A_67 : memref<128x128xf32, #tpu.memory_space<vmem>>) target(%dma_start3A_64 : memref<128x128xf32, #tpu.memory_space<hbm>>) target_semaphore(%run_scoped3A : memref<!tpu.dma_semaphore, #tpu.memory_space<semaphore_mem>>)
      %dma_wait3A_68 = arith.constant 0 : i32
      %dma_wait3A_69 = arith.constant 0 : i32
      %dma_wait3A_70 = tpu.memref_slice %arg6[%dma_wait3A_68, %dma_wait3A_69] : memref<384x128xf32, #tpu.memory_space<vmem>> -> memref<128x128xf32, #tpu.memory_space<vmem>>
      %dma_wait3A_71 = arith.constant 0 : i32
      %dma_wait3A_72 = tpu.memref_slice %arg4[%add3A_57, %dma_wait3A_71] : memref<65536x128xf32, #tpu.memory_space<hbm>> -> memref<128x128xf32, #tpu.memory_space<hbm>>
      %dma_wait3A_73 = arith.constant 0 : i32
      %dma_wait3A_74 = tpu.memref_slice %arg4[%add3A_57, %dma_wait3A_73] : memref<65536x128xf32, #tpu.memory_space<hbm>> -> memref<128x128xf32, #tpu.memory_space<hbm>>
      %dma_wait3A_75 = arith.constant 0 : i32
      %dma_wait3A_76 = arith.constant 0 : i32
      %dma_wait3A_77 = tpu.memref_slice %arg6[%dma_wait3A_75, %dma_wait3A_76] : memref<384x128xf32, #tpu.memory_space<vmem>> -> memref<128x128xf32, #tpu.memory_space<vmem>>
      tpu.wait_dma2 semaphore(%run_scoped3A : memref<!tpu.dma_semaphore, #tpu.memory_space<semaphore_mem>>) src(%dma_wait3A_77 : memref<128x128xf32, #tpu.memory_space<vmem>>) dst(%dma_wait3A_74 : memref<128x128xf32, #tpu.memory_space<hbm>>)
      tpu.yield
    }) : () -> ()
    return
  }
}

module attributes {stable_mosaic.version = 14 : i64} {
  func.func @_in2f_body(%arg0: i32, %arg1: memref<2000x128xf32, #tpu.memory_space<vmem>>, %arg2: memref<128x128xf32, #tpu.memory_space<vmem>>, %arg3: memref<2000x128xf32, #tpu.memory_space<vmem>>) attributes {dimension_semantics = [#tpu.dimension_semantics<arbitrary>], iteration_bounds = array<i64: 5>, scalar_prefetch = 0 : i64, scratch_operands = 0 : i64, tpu.core_type = #tpu.core_type<tc>, window_params = [{transform_indices = @transform_0, window_bounds = array<i64: 2000, 128>}, {pipeline_mode = #tpu.pipeline_mode<synchronous>, transform_indices = @transform_1, window_bounds = array<i64: 128, 128>}, {transform_indices = @transform_2, window_bounds = array<i64: 2000, 128>}]} {
    %get3A = arith.constant 0 : index
    %get3A_0 = arith.constant 0 : index
    %get3A_1 = vector.load %arg1[%get3A, %get3A_0] : memref<2000x128xf32, #tpu.memory_space<vmem>>, vector<2000x128xf32>
    %get3A_2 = arith.constant 0 : index
    %get3A_3 = arith.constant 0 : index
    %get3A_4 = vector.load %arg2[%get3A_2, %get3A_3] : memref<128x128xf32, #tpu.memory_space<vmem>>, vector<128x128xf32>
    %dot_general3A = arith.constant dense<0.000000e+00> : vector<2000x128xf32>
    %dot_general3A_5 = tpu.matmul %get3A_1, %get3A_4, %dot_general3A {dimension_numbers = #tpu.dot_dimension_numbers<[1], [0], [0], [1], [0, 0, 1, 1], [], []>, transpose_lhs_hint = false} : vector<2000x128xf32>, vector<128x128xf32>, vector<2000x128xf32> -> vector<2000x128xf32>
    %swap3A = arith.constant 0 : index
    %swap3A_6 = arith.constant 0 : index
    %swap3A_7 = vector.load %arg3[%swap3A, %swap3A_6] : memref<2000x128xf32, #tpu.memory_space<vmem>>, vector<2000x128xf32>
    tpu.vector_store %arg3[%swap3A, %swap3A_6], %dot_general3A_5 {strides = array<i32>} : memref<2000x128xf32, #tpu.memory_space<vmem>>, vector<2000x128xf32>,
    return
  }
  func.func @transform_0(%arg0: i32) -> (i32, i32) {
    %c0_i32 = arith.constant 0 : i32
    %c0_i32_0 = arith.constant 0 : i32
    return %arg0, %c0_i32 : i32, i32
  }
  func.func @transform_1(%arg0: i32) -> (i32, i32) {
    %c0_i32 = arith.constant 0 : i32
    %c0_i32_0 = arith.constant 0 : i32
    %c0_i32_1 = arith.constant 0 : i32
    return %c0_i32, %c0_i32_0 : i32, i32
  }
  func.func @transform_2(%arg0: i32) -> (i32, i32) {
    %c0_i32 = arith.constant 0 : i32
    %c0_i32_0 = arith.constant 0 : i32
    return %arg0, %c0_i32 : i32, i32
  }
}

module attributes {stable_mosaic.version = 14 : i64} {
  func.func @_fused_body(%arg0: i32, %arg1: memref<25x32x512xf32, #tpu.memory_space<vmem>>, %arg2: memref<32x512xf32, #tpu.memory_space<vmem>>, %arg3: memref<32x512xf32, #tpu.memory_space<vmem>>, %arg4: memref<32x512x128xf32, #tpu.memory_space<vmem>>, %arg5: memref<25x128xf32, #tpu.memory_space<vmem>>, %arg6: memref<1x128xf32, #tpu.memory_space<vmem>>, %arg7: memref<128x128xf32, #tpu.memory_space<vmem>>, %arg8: memref<1x128xf32, #tpu.memory_space<vmem>>, %arg9: memref<128x128xf32, #tpu.memory_space<vmem>>, %arg10: memref<1x128xf32, #tpu.memory_space<vmem>>, %arg11: memref<128x128xf32, #tpu.memory_space<vmem>>, %arg12: memref<1x128xf32, #tpu.memory_space<vmem>>, %arg13: memref<512x128xf32, #tpu.memory_space<vmem>>) attributes {dimension_semantics = [#tpu.dimension_semantics<arbitrary>], iteration_bounds = array<i64: 4>, scalar_prefetch = 0 : i64, scratch_operands = 0 : i64, tpu.core_type = #tpu.core_type<tc>, window_params = [{transform_indices = @transform_0, window_bounds = array<i64: 25, 32, 512>}, {transform_indices = @transform_1, window_bounds = array<i64: 32, 512>}, {transform_indices = @transform_2, window_bounds = array<i64: 32, 512>}, {transform_indices = @transform_3, window_bounds = array<i64: 32, 512, 128>}, {pipeline_mode = #tpu.pipeline_mode<synchronous>, transform_indices = @transform_4, window_bounds = array<i64: 25, 128>}, {pipeline_mode = #tpu.pipeline_mode<synchronous>, transform_indices = @transform_5, window_bounds = array<i64: 1, 128>}, {pipeline_mode = #tpu.pipeline_mode<synchronous>, transform_indices = @transform_6, window_bounds = array<i64: 128, 128>}, {pipeline_mode = #tpu.pipeline_mode<synchronous>, transform_indices = @transform_7, window_bounds = array<i64: 1, 128>}, {pipeline_mode = #tpu.pipeline_mode<synchronous>, transform_indices = @transform_8, window_bounds = array<i64: 128, 128>}, {pipeline_mode = #tpu.pipeline_mode<synchronous>, transform_indices = @transform_9, window_bounds = array<i64: 1, 128>}, {pipeline_mode = #tpu.pipeline_mode<synchronous>, transform_indices = @transform_10, window_bounds = array<i64: 128, 128>}, {pipeline_mode = #tpu.pipeline_mode<synchronous>, transform_indices = @transform_11, window_bounds = array<i64: 1, 128>}, {transform_indices = @transform_12, window_bounds = array<i64: 512, 128>}]} {
    %get3A = arith.constant 0 : index
    %get3A_0 = arith.constant 0 : index
    %get3A_1 = arith.constant 0 : index
    %get3A_2 = vector.load %arg1[%get3A, %get3A_0, %get3A_1] : memref<25x32x512xf32, #tpu.memory_space<vmem>>, vector<25x32x512xf32>
    %get3A_3 = arith.constant 0 : index
    %get3A_4 = arith.constant 0 : index
    %get3A_5 = vector.load %arg5[%get3A_3, %get3A_4] : memref<25x128xf32, #tpu.memory_space<vmem>>, vector<25x128xf32>
    %dot_general3A = arith.constant dense<0.000000e+00> : vector<32x512x128xf32>
    %dot_general3A_6 = tpu.matmul %get3A_2, %get3A_5, %dot_general3A {dimension_numbers = #tpu.dot_dimension_numbers<[0], [0], [1, 2], [1], [0, 1, 0, 2, 1, 1], [], []>, transpose_lhs_hint = false} : vector<25x32x512xf32>, vector<25x128xf32>, vector<32x512x128xf32> -> vector<32x512x128xf32>
    %get3A_7 = arith.constant 0 : index
    %get3A_8 = arith.constant 0 : index
    %get3A_9 = vector.load %arg6[%get3A_7, %get3A_8] : memref<1x128xf32, #tpu.memory_space<vmem>>, vector<1x128xf32>
    %broadcast_in_dim3A = vector.shape_cast %get3A_9 : vector<1x128xf32> to vector<1x1x128xf32>
    %add3A = vector.broadcast %broadcast_in_dim3A : vector<1x1x128xf32> to vector<32x512x128xf32>
    %add3A_10 = arith.addf %dot_general3A_6, %add3A : vector<32x512x128xf32>
    %max3A = arith.constant 0.000000e+00 : f32
    %max3A_11 = vector.broadcast %max3A : f32 to vector<32x512x128xf32>
    %max3A_12 = arith.maximumf %add3A_10, %max3A_11 : vector<32x512x128xf32>
    %abs3A = math.absf %add3A_10 : vector<32x512x128xf32>
    %neg3A = arith.constant 0.000000e+00 : f32
    %neg3A_13 = vector.broadcast %neg3A : f32 to vector<32x512x128xf32>
    %neg3A_14 = arith.subf %neg3A_13, %abs3A : vector<32x512x128xf32>
    %exp3A = math.exp %neg3A_14 : vector<32x512x128xf32>
    %log1p3A = math.log1p %exp3A : vector<32x512x128xf32>
    %add3A_15 = arith.addf %max3A_12, %log1p3A : vector<32x512x128xf32>
    %sub3A = arith.constant 0.693147182 : f32
    %sub3A_16 = vector.broadcast %sub3A : f32 to vector<32x512x128xf32>
    %sub3A_17 = arith.subf %add3A_15, %sub3A_16 : vector<32x512x128xf32>
    %get3A_18 = arith.constant 0 : index
    %get3A_19 = arith.constant 0 : index
    %get3A_20 = vector.load %arg7[%get3A_18, %get3A_19] : memref<128x128xf32, #tpu.memory_space<vmem>>, vector<128x128xf32>
    %dot_general3A_21 = arith.constant dense<0.000000e+00> : vector<32x512x128xf32>
    %dot_general3A_22 = tpu.matmul %sub3A_17, %get3A_20, %dot_general3A_21 {dimension_numbers = #tpu.dot_dimension_numbers<[2], [0], [0, 1], [1], [0, 0, 0, 1, 1, 1], [], []>, transpose_lhs_hint = false} : vector<32x512x128xf32>, vector<128x128xf32>, vector<32x512x128xf32> -> vector<32x512x128xf32>
    %get3A_23 = arith.constant 0 : index
    %get3A_24 = arith.constant 0 : index
    %get3A_25 = vector.load %arg8[%get3A_23, %get3A_24] : memref<1x128xf32, #tpu.memory_space<vmem>>, vector<1x128xf32>
    %broadcast_in_dim3A_26 = vector.shape_cast %get3A_25 : vector<1x128xf32> to vector<1x1x128xf32>
    %add3A_27 = vector.broadcast %broadcast_in_dim3A_26 : vector<1x1x128xf32> to vector<32x512x128xf32>
    %add3A_28 = arith.addf %dot_general3A_22, %add3A_27 : vector<32x512x128xf32>
    %get3A_29 = arith.constant 0 : index
    %get3A_30 = arith.constant 0 : index
    %get3A_31 = vector.load %arg2[%get3A_29, %get3A_30] : memref<32x512xf32, #tpu.memory_space<vmem>>, vector<32x512xf32>
    %mul3A = arith.constant 0.628318548 : f32
    %mul3A_32 = vector.broadcast %mul3A : f32 to vector<32x512xf32>
    %mul3A_33 = arith.mulf %get3A_31, %mul3A_32 : vector<32x512xf32>
    %cos3A = math.cos %mul3A_33 : vector<32x512xf32>
    %add3A_34 = arith.constant 1.000000e+00 : f32
    %add3A_35 = vector.broadcast %add3A_34 : f32 to vector<32x512xf32>
    %add3A_36 = arith.addf %cos3A, %add3A_35 : vector<32x512xf32>
    %mul3A_37 = arith.constant 5.000000e-01 : f32
    %mul3A_38 = vector.broadcast %mul3A_37 : f32 to vector<32x512xf32>
    %mul3A_39 = arith.mulf %mul3A_38, %add3A_36 : vector<32x512xf32>
    %lt3A = arith.constant 5.000000e+00 : f32
    %lt3A_40 = vector.broadcast %lt3A : f32 to vector<32x512xf32>
    %lt3A_41 = arith.cmpf olt, %get3A_31, %lt3A_40 : vector<32x512xf32>
    %convert_element_type3A = arith.extui %lt3A_41 : vector<32x512xi1> to vector<32x512xi32>
    %convert_element_type3A_42 = arith.sitofp %convert_element_type3A : vector<32x512xi32> to vector<32x512xf32>
    %mul3A_43 = arith.mulf %mul3A_39, %convert_element_type3A_42 : vector<32x512xf32>
    %get3A_44 = arith.constant 0 : index
    %get3A_45 = arith.constant 0 : index
    %get3A_46 = vector.load %arg3[%get3A_44, %get3A_45] : memref<32x512xf32, #tpu.memory_space<vmem>>, vector<32x512xf32>
    %mul3A_47 = arith.mulf %mul3A_43, %get3A_46 : vector<32x512xf32>
    %get3A_48 = arith.constant 0 : index
    %get3A_49 = arith.constant 0 : index
    %get3A_50 = arith.constant 0 : index
    %get3A_51 = vector.load %arg4[%get3A_48, %get3A_49, %get3A_50] : memref<32x512x128xf32, #tpu.memory_space<vmem>>, vector<32x512x128xf32>
    %mul3A_52 = arith.mulf %get3A_51, %add3A_28 : vector<32x512x128xf32>
    %broadcast_in_dim3A_53 = vector.shape_cast %mul3A_47 : vector<32x512xf32> to vector<32x512x1xf32>
    %mul3A_54 = vector.broadcast %broadcast_in_dim3A_53 : vector<32x512x1xf32> to vector<32x512x128xf32>
    %mul3A_55 = arith.mulf %mul3A_52, %mul3A_54 : vector<32x512x128xf32>
    %reduce_sum3A = arith.constant dense<0.000000e+00> : vector<512x128xf32>
    %reduce_sum3A_56 = vector.multi_reduction <add>, %mul3A_55, %reduce_sum3A [0] : vector<32x512x128xf32> to vector<512x128xf32>
    %get3A_57 = arith.constant 0 : index
    %get3A_58 = arith.constant 0 : index
    %get3A_59 = vector.load %arg9[%get3A_57, %get3A_58] : memref<128x128xf32, #tpu.memory_space<vmem>>, vector<128x128xf32>
    %dot_general3A_60 = arith.constant dense<0.000000e+00> : vector<512x128xf32>
    %dot_general3A_61 = tpu.matmul %reduce_sum3A_56, %get3A_59, %dot_general3A_60 {dimension_numbers = #tpu.dot_dimension_numbers<[1], [0], [0], [1], [0, 0, 1, 1], [], []>, transpose_lhs_hint = false} : vector<512x128xf32>, vector<128x128xf32>, vector<512x128xf32> -> vector<512x128xf32>
    %get3A_62 = arith.constant 0 : index
    %get3A_63 = arith.constant 0 : index
    %get3A_64 = vector.load %arg10[%get3A_62, %get3A_63] : memref<1x128xf32, #tpu.memory_space<vmem>>, vector<1x128xf32>
    %add3A_65 = vector.broadcast %get3A_64 : vector<1x128xf32> to vector<512x128xf32>
    %add3A_66 = arith.addf %dot_general3A_61, %add3A_65 : vector<512x128xf32>
    %max3A_67 = arith.constant 0.000000e+00 : f32
    %max3A_68 = vector.broadcast %max3A_67 : f32 to vector<512x128xf32>
    %max3A_69 = arith.maximumf %add3A_66, %max3A_68 : vector<512x128xf32>
    %abs3A_70 = math.absf %add3A_66 : vector<512x128xf32>
    %neg3A_71 = arith.constant 0.000000e+00 : f32
    %neg3A_72 = vector.broadcast %neg3A_71 : f32 to vector<512x128xf32>
    %neg3A_73 = arith.subf %neg3A_72, %abs3A_70 : vector<512x128xf32>
    %exp3A_74 = math.exp %neg3A_73 : vector<512x128xf32>
    %log1p3A_75 = math.log1p %exp3A_74 : vector<512x128xf32>
    %add3A_76 = arith.addf %max3A_69, %log1p3A_75 : vector<512x128xf32>
    %sub3A_77 = arith.constant 0.693147182 : f32
    %sub3A_78 = vector.broadcast %sub3A_77 : f32 to vector<512x128xf32>
    %sub3A_79 = arith.subf %add3A_76, %sub3A_78 : vector<512x128xf32>
    %get3A_80 = arith.constant 0 : index
    %get3A_81 = arith.constant 0 : index
    %get3A_82 = vector.load %arg11[%get3A_80, %get3A_81] : memref<128x128xf32, #tpu.memory_space<vmem>>, vector<128x128xf32>
    %dot_general3A_83 = arith.constant dense<0.000000e+00> : vector<512x128xf32>
    %dot_general3A_84 = tpu.matmul %sub3A_79, %get3A_82, %dot_general3A_83 {dimension_numbers = #tpu.dot_dimension_numbers<[1], [0], [0], [1], [0, 0, 1, 1], [], []>, transpose_lhs_hint = false} : vector<512x128xf32>, vector<128x128xf32>, vector<512x128xf32> -> vector<512x128xf32>
    %get3A_85 = arith.constant 0 : index
    %get3A_86 = arith.constant 0 : index
    %get3A_87 = vector.load %arg12[%get3A_85, %get3A_86] : memref<1x128xf32, #tpu.memory_space<vmem>>, vector<1x128xf32>
    %add3A_88 = vector.broadcast %get3A_87 : vector<1x128xf32> to vector<512x128xf32>
    %add3A_89 = arith.addf %dot_general3A_84, %add3A_88 : vector<512x128xf32>
    %swap3A = arith.constant 0 : index
    %swap3A_90 = arith.constant 0 : index
    %swap3A_91 = vector.load %arg13[%swap3A, %swap3A_90] : memref<512x128xf32, #tpu.memory_space<vmem>>, vector<512x128xf32>
    tpu.vector_store %arg13[%swap3A, %swap3A_90], %add3A_89 {strides = array<i32>} : memref<512x128xf32, #tpu.memory_space<vmem>>, vector<512x128xf32>,
    return
  }
  func.func @transform_0(%arg0: i32) -> (i32, i32, i32) {
    %add3A = arith.constant 12 : i32
    %add3A_0 = arith.addi %arg0, %add3A : i32
    %c0_i32 = arith.constant 0 : i32
    %c0_i32_1 = arith.constant 0 : i32
    %c0_i32_2 = arith.constant 0 : i32
    return %c0_i32, %c0_i32_1, %add3A_0 : i32, i32, i32
  }
  func.func @transform_1(%arg0: i32) -> (i32, i32) {
    %add3A = arith.constant 12 : i32
    %add3A_0 = arith.addi %arg0, %add3A : i32
    %c0_i32 = arith.constant 0 : i32
    %c0_i32_1 = arith.constant 0 : i32
    return %c0_i32, %add3A_0 : i32, i32
  }
  func.func @transform_2(%arg0: i32) -> (i32, i32) {
    %add3A = arith.constant 12 : i32
    %add3A_0 = arith.addi %arg0, %add3A : i32
    %c0_i32 = arith.constant 0 : i32
    %c0_i32_1 = arith.constant 0 : i32
    return %c0_i32, %add3A_0 : i32, i32
  }
  func.func @transform_3(%arg0: i32) -> (i32, i32, i32) {
    %c0_i32 = arith.constant 0 : i32
    %c0_i32_0 = arith.constant 0 : i32
    %c0_i32_1 = arith.constant 0 : i32
    return %c0_i32, %arg0, %c0_i32_0 : i32, i32, i32
  }
  func.func @transform_4(%arg0: i32) -> (i32, i32) {
    %c0_i32 = arith.constant 0 : i32
    %c0_i32_0 = arith.constant 0 : i32
    %c0_i32_1 = arith.constant 0 : i32
    return %c0_i32, %c0_i32_0 : i32, i32
  }
  func.func @transform_5(%arg0: i32) -> (i32, i32) {
    %c0_i32 = arith.constant 0 : i32
    %c0_i32_0 = arith.constant 0 : i32
    %c0_i32_1 = arith.constant 0 : i32
    return %c0_i32, %c0_i32_0 : i32, i32
  }
  func.func @transform_6(%arg0: i32) -> (i32, i32) {
    %c0_i32 = arith.constant 0 : i32
    %c0_i32_0 = arith.constant 0 : i32
    %c0_i32_1 = arith.constant 0 : i32
    return %c0_i32, %c0_i32_0 : i32, i32
  }
  func.func @transform_7(%arg0: i32) -> (i32, i32) {
    %c0_i32 = arith.constant 0 : i32
    %c0_i32_0 = arith.constant 0 : i32
    %c0_i32_1 = arith.constant 0 : i32
    return %c0_i32, %c0_i32_0 : i32, i32
  }
  func.func @transform_8(%arg0: i32) -> (i32, i32) {
    %c0_i32 = arith.constant 0 : i32
    %c0_i32_0 = arith.constant 0 : i32
    %c0_i32_1 = arith.constant 0 : i32
    return %c0_i32, %c0_i32_0 : i32, i32
  }
  func.func @transform_9(%arg0: i32) -> (i32, i32) {
    %c0_i32 = arith.constant 0 : i32
    %c0_i32_0 = arith.constant 0 : i32
    %c0_i32_1 = arith.constant 0 : i32
    return %c0_i32, %c0_i32_0 : i32, i32
  }
  func.func @transform_10(%arg0: i32) -> (i32, i32) {
    %c0_i32 = arith.constant 0 : i32
    %c0_i32_0 = arith.constant 0 : i32
    %c0_i32_1 = arith.constant 0 : i32
    return %c0_i32, %c0_i32_0 : i32, i32
  }
  func.func @transform_11(%arg0: i32) -> (i32, i32) {
    %c0_i32 = arith.constant 0 : i32
    %c0_i32_0 = arith.constant 0 : i32
    %c0_i32_1 = arith.constant 0 : i32
    return %c0_i32, %c0_i32_0 : i32, i32
  }
  func.func @transform_12(%arg0: i32) -> (i32, i32) {
    %c0_i32 = arith.constant 0 : i32
    %c0_i32_0 = arith.constant 0 : i32
    return %arg0, %c0_i32 : i32, i32
  }
}

module attributes {stable_mosaic.version = 14 : i64} {
  func.func @_fused_body(%arg0: i32, %arg1: memref<25x32x512xf32, #tpu.memory_space<vmem>>, %arg2: memref<32x512xf32, #tpu.memory_space<vmem>>, %arg3: memref<32x512xf32, #tpu.memory_space<vmem>>, %arg4: memref<32x512x128xf32, #tpu.memory_space<vmem>>, %arg5: memref<25x128xf32, #tpu.memory_space<vmem>>, %arg6: memref<1x128xf32, #tpu.memory_space<vmem>>, %arg7: memref<128x128xf32, #tpu.memory_space<vmem>>, %arg8: memref<1x128xf32, #tpu.memory_space<vmem>>, %arg9: memref<128x128xf32, #tpu.memory_space<vmem>>, %arg10: memref<1x128xf32, #tpu.memory_space<vmem>>, %arg11: memref<128x128xf32, #tpu.memory_space<vmem>>, %arg12: memref<1x128xf32, #tpu.memory_space<vmem>>, %arg13: memref<512x128xf32, #tpu.memory_space<vmem>>) attributes {dimension_semantics = [#tpu.dimension_semantics<arbitrary>], iteration_bounds = array<i64: 4>, scalar_prefetch = 0 : i64, scratch_operands = 0 : i64, tpu.core_type = #tpu.core_type<tc>, window_params = [{transform_indices = @transform_0, window_bounds = array<i64: 25, 32, 512>}, {transform_indices = @transform_1, window_bounds = array<i64: 32, 512>}, {transform_indices = @transform_2, window_bounds = array<i64: 32, 512>}, {transform_indices = @transform_3, window_bounds = array<i64: 32, 512, 128>}, {pipeline_mode = #tpu.pipeline_mode<synchronous>, transform_indices = @transform_4, window_bounds = array<i64: 25, 128>}, {pipeline_mode = #tpu.pipeline_mode<synchronous>, transform_indices = @transform_5, window_bounds = array<i64: 1, 128>}, {pipeline_mode = #tpu.pipeline_mode<synchronous>, transform_indices = @transform_6, window_bounds = array<i64: 128, 128>}, {pipeline_mode = #tpu.pipeline_mode<synchronous>, transform_indices = @transform_7, window_bounds = array<i64: 1, 128>}, {pipeline_mode = #tpu.pipeline_mode<synchronous>, transform_indices = @transform_8, window_bounds = array<i64: 128, 128>}, {pipeline_mode = #tpu.pipeline_mode<synchronous>, transform_indices = @transform_9, window_bounds = array<i64: 1, 128>}, {pipeline_mode = #tpu.pipeline_mode<synchronous>, transform_indices = @transform_10, window_bounds = array<i64: 128, 128>}, {pipeline_mode = #tpu.pipeline_mode<synchronous>, transform_indices = @transform_11, window_bounds = array<i64: 1, 128>}, {transform_indices = @transform_12, window_bounds = array<i64: 512, 128>}]} {
    %get3A = arith.constant 0 : index
    %get3A_0 = arith.constant 0 : index
    %get3A_1 = arith.constant 0 : index
    %get3A_2 = vector.load %arg1[%get3A, %get3A_0, %get3A_1] : memref<25x32x512xf32, #tpu.memory_space<vmem>>, vector<25x32x512xf32>
    %get3A_3 = arith.constant 0 : index
    %get3A_4 = arith.constant 0 : index
    %get3A_5 = vector.load %arg5[%get3A_3, %get3A_4] : memref<25x128xf32, #tpu.memory_space<vmem>>, vector<25x128xf32>
    %dot_general3A = arith.constant dense<0.000000e+00> : vector<32x512x128xf32>
    %dot_general3A_6 = tpu.matmul %get3A_2, %get3A_5, %dot_general3A {dimension_numbers = #tpu.dot_dimension_numbers<[0], [0], [1, 2], [1], [0, 1, 0, 2, 1, 1], [], []>, transpose_lhs_hint = false} : vector<25x32x512xf32>, vector<25x128xf32>, vector<32x512x128xf32> -> vector<32x512x128xf32>
    %get3A_7 = arith.constant 0 : index
    %get3A_8 = arith.constant 0 : index
    %get3A_9 = vector.load %arg6[%get3A_7, %get3A_8] : memref<1x128xf32, #tpu.memory_space<vmem>>, vector<1x128xf32>
    %broadcast_in_dim3A = vector.shape_cast %get3A_9 : vector<1x128xf32> to vector<1x1x128xf32>
    %add3A = vector.broadcast %broadcast_in_dim3A : vector<1x1x128xf32> to vector<32x512x128xf32>
    %add3A_10 = arith.addf %dot_general3A_6, %add3A : vector<32x512x128xf32>
    %max3A = arith.constant 0.000000e+00 : f32
    %max3A_11 = vector.broadcast %max3A : f32 to vector<32x512x128xf32>
    %max3A_12 = arith.maximumf %add3A_10, %max3A_11 : vector<32x512x128xf32>
    %abs3A = math.absf %add3A_10 : vector<32x512x128xf32>
    %neg3A = arith.constant 0.000000e+00 : f32
    %neg3A_13 = vector.broadcast %neg3A : f32 to vector<32x512x128xf32>
    %neg3A_14 = arith.subf %neg3A_13, %abs3A : vector<32x512x128xf32>
    %exp3A = math.exp %neg3A_14 : vector<32x512x128xf32>
    %log1p3A = math.log1p %exp3A : vector<32x512x128xf32>
    %add3A_15 = arith.addf %max3A_12, %log1p3A : vector<32x512x128xf32>
    %sub3A = arith.constant 0.693147182 : f32
    %sub3A_16 = vector.broadcast %sub3A : f32 to vector<32x512x128xf32>
    %sub3A_17 = arith.subf %add3A_15, %sub3A_16 : vector<32x512x128xf32>
    %get3A_18 = arith.constant 0 : index
    %get3A_19 = arith.constant 0 : index
    %get3A_20 = vector.load %arg7[%get3A_18, %get3A_19] : memref<128x128xf32, #tpu.memory_space<vmem>>, vector<128x128xf32>
    %dot_general3A_21 = arith.constant dense<0.000000e+00> : vector<32x512x128xf32>
    %dot_general3A_22 = tpu.matmul %sub3A_17, %get3A_20, %dot_general3A_21 {dimension_numbers = #tpu.dot_dimension_numbers<[2], [0], [0, 1], [1], [0, 0, 0, 1, 1, 1], [], []>, transpose_lhs_hint = false} : vector<32x512x128xf32>, vector<128x128xf32>, vector<32x512x128xf32> -> vector<32x512x128xf32>
    %get3A_23 = arith.constant 0 : index
    %get3A_24 = arith.constant 0 : index
    %get3A_25 = vector.load %arg8[%get3A_23, %get3A_24] : memref<1x128xf32, #tpu.memory_space<vmem>>, vector<1x128xf32>
    %broadcast_in_dim3A_26 = vector.shape_cast %get3A_25 : vector<1x128xf32> to vector<1x1x128xf32>
    %add3A_27 = vector.broadcast %broadcast_in_dim3A_26 : vector<1x1x128xf32> to vector<32x512x128xf32>
    %add3A_28 = arith.addf %dot_general3A_22, %add3A_27 : vector<32x512x128xf32>
    %get3A_29 = arith.constant 0 : index
    %get3A_30 = arith.constant 0 : index
    %get3A_31 = vector.load %arg2[%get3A_29, %get3A_30] : memref<32x512xf32, #tpu.memory_space<vmem>>, vector<32x512xf32>
    %mul3A = arith.constant 0.628318548 : f32
    %mul3A_32 = vector.broadcast %mul3A : f32 to vector<32x512xf32>
    %mul3A_33 = arith.mulf %get3A_31, %mul3A_32 : vector<32x512xf32>
    %cos3A = math.cos %mul3A_33 : vector<32x512xf32>
    %add3A_34 = arith.constant 1.000000e+00 : f32
    %add3A_35 = vector.broadcast %add3A_34 : f32 to vector<32x512xf32>
    %add3A_36 = arith.addf %cos3A, %add3A_35 : vector<32x512xf32>
    %mul3A_37 = arith.constant 5.000000e-01 : f32
    %mul3A_38 = vector.broadcast %mul3A_37 : f32 to vector<32x512xf32>
    %mul3A_39 = arith.mulf %mul3A_38, %add3A_36 : vector<32x512xf32>
    %lt3A = arith.constant 5.000000e+00 : f32
    %lt3A_40 = vector.broadcast %lt3A : f32 to vector<32x512xf32>
    %lt3A_41 = arith.cmpf olt, %get3A_31, %lt3A_40 : vector<32x512xf32>
    %convert_element_type3A = arith.extui %lt3A_41 : vector<32x512xi1> to vector<32x512xi32>
    %convert_element_type3A_42 = arith.sitofp %convert_element_type3A : vector<32x512xi32> to vector<32x512xf32>
    %mul3A_43 = arith.mulf %mul3A_39, %convert_element_type3A_42 : vector<32x512xf32>
    %get3A_44 = arith.constant 0 : index
    %get3A_45 = arith.constant 0 : index
    %get3A_46 = vector.load %arg3[%get3A_44, %get3A_45] : memref<32x512xf32, #tpu.memory_space<vmem>>, vector<32x512xf32>
    %mul3A_47 = arith.mulf %mul3A_43, %get3A_46 : vector<32x512xf32>
    %get3A_48 = arith.constant 0 : index
    %get3A_49 = arith.constant 0 : index
    %get3A_50 = arith.constant 0 : index
    %get3A_51 = vector.load %arg4[%get3A_48, %get3A_49, %get3A_50] : memref<32x512x128xf32, #tpu.memory_space<vmem>>, vector<32x512x128xf32>
    %mul3A_52 = arith.mulf %get3A_51, %add3A_28 : vector<32x512x128xf32>
    %broadcast_in_dim3A_53 = vector.shape_cast %mul3A_47 : vector<32x512xf32> to vector<32x512x1xf32>
    %mul3A_54 = vector.broadcast %broadcast_in_dim3A_53 : vector<32x512x1xf32> to vector<32x512x128xf32>
    %mul3A_55 = arith.mulf %mul3A_52, %mul3A_54 : vector<32x512x128xf32>
    %reduce_sum3A = arith.constant dense<0.000000e+00> : vector<512x128xf32>
    %reduce_sum3A_56 = vector.multi_reduction <add>, %mul3A_55, %reduce_sum3A [0] : vector<32x512x128xf32> to vector<512x128xf32>
    %get3A_57 = arith.constant 0 : index
    %get3A_58 = arith.constant 0 : index
    %get3A_59 = vector.load %arg9[%get3A_57, %get3A_58] : memref<128x128xf32, #tpu.memory_space<vmem>>, vector<128x128xf32>
    %dot_general3A_60 = arith.constant dense<0.000000e+00> : vector<512x128xf32>
    %dot_general3A_61 = tpu.matmul %reduce_sum3A_56, %get3A_59, %dot_general3A_60 {dimension_numbers = #tpu.dot_dimension_numbers<[1], [0], [0], [1], [0, 0, 1, 1], [], []>, transpose_lhs_hint = false} : vector<512x128xf32>, vector<128x128xf32>, vector<512x128xf32> -> vector<512x128xf32>
    %get3A_62 = arith.constant 0 : index
    %get3A_63 = arith.constant 0 : index
    %get3A_64 = vector.load %arg10[%get3A_62, %get3A_63] : memref<1x128xf32, #tpu.memory_space<vmem>>, vector<1x128xf32>
    %add3A_65 = vector.broadcast %get3A_64 : vector<1x128xf32> to vector<512x128xf32>
    %add3A_66 = arith.addf %dot_general3A_61, %add3A_65 : vector<512x128xf32>
    %max3A_67 = arith.constant 0.000000e+00 : f32
    %max3A_68 = vector.broadcast %max3A_67 : f32 to vector<512x128xf32>
    %max3A_69 = arith.maximumf %add3A_66, %max3A_68 : vector<512x128xf32>
    %abs3A_70 = math.absf %add3A_66 : vector<512x128xf32>
    %neg3A_71 = arith.constant 0.000000e+00 : f32
    %neg3A_72 = vector.broadcast %neg3A_71 : f32 to vector<512x128xf32>
    %neg3A_73 = arith.subf %neg3A_72, %abs3A_70 : vector<512x128xf32>
    %exp3A_74 = math.exp %neg3A_73 : vector<512x128xf32>
    %log1p3A_75 = math.log1p %exp3A_74 : vector<512x128xf32>
    %add3A_76 = arith.addf %max3A_69, %log1p3A_75 : vector<512x128xf32>
    %sub3A_77 = arith.constant 0.693147182 : f32
    %sub3A_78 = vector.broadcast %sub3A_77 : f32 to vector<512x128xf32>
    %sub3A_79 = arith.subf %add3A_76, %sub3A_78 : vector<512x128xf32>
    %get3A_80 = arith.constant 0 : index
    %get3A_81 = arith.constant 0 : index
    %get3A_82 = vector.load %arg11[%get3A_80, %get3A_81] : memref<128x128xf32, #tpu.memory_space<vmem>>, vector<128x128xf32>
    %dot_general3A_83 = arith.constant dense<0.000000e+00> : vector<512x128xf32>
    %dot_general3A_84 = tpu.matmul %sub3A_79, %get3A_82, %dot_general3A_83 {dimension_numbers = #tpu.dot_dimension_numbers<[1], [0], [0], [1], [0, 0, 1, 1], [], []>, transpose_lhs_hint = false} : vector<512x128xf32>, vector<128x128xf32>, vector<512x128xf32> -> vector<512x128xf32>
    %get3A_85 = arith.constant 0 : index
    %get3A_86 = arith.constant 0 : index
    %get3A_87 = vector.load %arg12[%get3A_85, %get3A_86] : memref<1x128xf32, #tpu.memory_space<vmem>>, vector<1x128xf32>
    %add3A_88 = vector.broadcast %get3A_87 : vector<1x128xf32> to vector<512x128xf32>
    %add3A_89 = arith.addf %dot_general3A_84, %add3A_88 : vector<512x128xf32>
    %swap3A = arith.constant 0 : index
    %swap3A_90 = arith.constant 0 : index
    %swap3A_91 = vector.load %arg13[%swap3A, %swap3A_90] : memref<512x128xf32, #tpu.memory_space<vmem>>, vector<512x128xf32>
    tpu.vector_store %arg13[%swap3A, %swap3A_90], %add3A_89 {strides = array<i32>} : memref<512x128xf32, #tpu.memory_space<vmem>>, vector<512x128xf32>,
    return
  }
  func.func @transform_0(%arg0: i32) -> (i32, i32, i32) {
    %add3A = arith.constant 16 : i32
    %add3A_0 = arith.addi %arg0, %add3A : i32
    %c0_i32 = arith.constant 0 : i32
    %c0_i32_1 = arith.constant 0 : i32
    %c0_i32_2 = arith.constant 0 : i32
    return %c0_i32, %c0_i32_1, %add3A_0 : i32, i32, i32
  }
  func.func @transform_1(%arg0: i32) -> (i32, i32) {
    %add3A = arith.constant 16 : i32
    %add3A_0 = arith.addi %arg0, %add3A : i32
    %c0_i32 = arith.constant 0 : i32
    %c0_i32_1 = arith.constant 0 : i32
    return %c0_i32, %add3A_0 : i32, i32
  }
  func.func @transform_2(%arg0: i32) -> (i32, i32) {
    %add3A = arith.constant 16 : i32
    %add3A_0 = arith.addi %arg0, %add3A : i32
    %c0_i32 = arith.constant 0 : i32
    %c0_i32_1 = arith.constant 0 : i32
    return %c0_i32, %add3A_0 : i32, i32
  }
  func.func @transform_3(%arg0: i32) -> (i32, i32, i32) {
    %c0_i32 = arith.constant 0 : i32
    %c0_i32_0 = arith.constant 0 : i32
    %c0_i32_1 = arith.constant 0 : i32
    return %c0_i32, %arg0, %c0_i32_0 : i32, i32, i32
  }
  func.func @transform_4(%arg0: i32) -> (i32, i32) {
    %c0_i32 = arith.constant 0 : i32
    %c0_i32_0 = arith.constant 0 : i32
    %c0_i32_1 = arith.constant 0 : i32
    return %c0_i32, %c0_i32_0 : i32, i32
  }
  func.func @transform_5(%arg0: i32) -> (i32, i32) {
    %c0_i32 = arith.constant 0 : i32
    %c0_i32_0 = arith.constant 0 : i32
    %c0_i32_1 = arith.constant 0 : i32
    return %c0_i32, %c0_i32_0 : i32, i32
  }
  func.func @transform_6(%arg0: i32) -> (i32, i32) {
    %c0_i32 = arith.constant 0 : i32
    %c0_i32_0 = arith.constant 0 : i32
    %c0_i32_1 = arith.constant 0 : i32
    return %c0_i32, %c0_i32_0 : i32, i32
  }
  func.func @transform_7(%arg0: i32) -> (i32, i32) {
    %c0_i32 = arith.constant 0 : i32
    %c0_i32_0 = arith.constant 0 : i32
    %c0_i32_1 = arith.constant 0 : i32
    return %c0_i32, %c0_i32_0 : i32, i32
  }
  func.func @transform_8(%arg0: i32) -> (i32, i32) {
    %c0_i32 = arith.constant 0 : i32
    %c0_i32_0 = arith.constant 0 : i32
    %c0_i32_1 = arith.constant 0 : i32
    return %c0_i32, %c0_i32_0 : i32, i32
  }
  func.func @transform_9(%arg0: i32) -> (i32, i32) {
    %c0_i32 = arith.constant 0 : i32
    %c0_i32_0 = arith.constant 0 : i32
    %c0_i32_1 = arith.constant 0 : i32
    return %c0_i32, %c0_i32_0 : i32, i32
  }
  func.func @transform_10(%arg0: i32) -> (i32, i32) {
    %c0_i32 = arith.constant 0 : i32
    %c0_i32_0 = arith.constant 0 : i32
    %c0_i32_1 = arith.constant 0 : i32
    return %c0_i32, %c0_i32_0 : i32, i32
  }
  func.func @transform_11(%arg0: i32) -> (i32, i32) {
    %c0_i32 = arith.constant 0 : i32
    %c0_i32_0 = arith.constant 0 : i32
    %c0_i32_1 = arith.constant 0 : i32
    return %c0_i32, %c0_i32_0 : i32, i32
  }
  func.func @transform_12(%arg0: i32) -> (i32, i32) {
    %c0_i32 = arith.constant 0 : i32
    %c0_i32_0 = arith.constant 0 : i32
    return %arg0, %c0_i32 : i32, i32
  }
}

module attributes {stable_mosaic.version = 14 : i64} {
  func.func @_fused_body(%arg0: i32, %arg1: memref<25x32x512xf32, #tpu.memory_space<vmem>>, %arg2: memref<32x512xf32, #tpu.memory_space<vmem>>, %arg3: memref<32x512xf32, #tpu.memory_space<vmem>>, %arg4: memref<32x512x128xf32, #tpu.memory_space<vmem>>, %arg5: memref<25x128xf32, #tpu.memory_space<vmem>>, %arg6: memref<1x128xf32, #tpu.memory_space<vmem>>, %arg7: memref<128x128xf32, #tpu.memory_space<vmem>>, %arg8: memref<1x128xf32, #tpu.memory_space<vmem>>, %arg9: memref<128x128xf32, #tpu.memory_space<vmem>>, %arg10: memref<1x128xf32, #tpu.memory_space<vmem>>, %arg11: memref<128x128xf32, #tpu.memory_space<vmem>>, %arg12: memref<1x128xf32, #tpu.memory_space<vmem>>, %arg13: memref<512x128xf32, #tpu.memory_space<vmem>>) attributes {dimension_semantics = [#tpu.dimension_semantics<arbitrary>], iteration_bounds = array<i64: 4>, scalar_prefetch = 0 : i64, scratch_operands = 0 : i64, tpu.core_type = #tpu.core_type<tc>, window_params = [{transform_indices = @transform_0, window_bounds = array<i64: 25, 32, 512>}, {transform_indices = @transform_1, window_bounds = array<i64: 32, 512>}, {transform_indices = @transform_2, window_bounds = array<i64: 32, 512>}, {transform_indices = @transform_3, window_bounds = array<i64: 32, 512, 128>}, {pipeline_mode = #tpu.pipeline_mode<synchronous>, transform_indices = @transform_4, window_bounds = array<i64: 25, 128>}, {pipeline_mode = #tpu.pipeline_mode<synchronous>, transform_indices = @transform_5, window_bounds = array<i64: 1, 128>}, {pipeline_mode = #tpu.pipeline_mode<synchronous>, transform_indices = @transform_6, window_bounds = array<i64: 128, 128>}, {pipeline_mode = #tpu.pipeline_mode<synchronous>, transform_indices = @transform_7, window_bounds = array<i64: 1, 128>}, {pipeline_mode = #tpu.pipeline_mode<synchronous>, transform_indices = @transform_8, window_bounds = array<i64: 128, 128>}, {pipeline_mode = #tpu.pipeline_mode<synchronous>, transform_indices = @transform_9, window_bounds = array<i64: 1, 128>}, {pipeline_mode = #tpu.pipeline_mode<synchronous>, transform_indices = @transform_10, window_bounds = array<i64: 128, 128>}, {pipeline_mode = #tpu.pipeline_mode<synchronous>, transform_indices = @transform_11, window_bounds = array<i64: 1, 128>}, {transform_indices = @transform_12, window_bounds = array<i64: 512, 128>}]} {
    %get3A = arith.constant 0 : index
    %get3A_0 = arith.constant 0 : index
    %get3A_1 = arith.constant 0 : index
    %get3A_2 = vector.load %arg1[%get3A, %get3A_0, %get3A_1] : memref<25x32x512xf32, #tpu.memory_space<vmem>>, vector<25x32x512xf32>
    %get3A_3 = arith.constant 0 : index
    %get3A_4 = arith.constant 0 : index
    %get3A_5 = vector.load %arg5[%get3A_3, %get3A_4] : memref<25x128xf32, #tpu.memory_space<vmem>>, vector<25x128xf32>
    %dot_general3A = arith.constant dense<0.000000e+00> : vector<32x512x128xf32>
    %dot_general3A_6 = tpu.matmul %get3A_2, %get3A_5, %dot_general3A {dimension_numbers = #tpu.dot_dimension_numbers<[0], [0], [1, 2], [1], [0, 1, 0, 2, 1, 1], [], []>, transpose_lhs_hint = false} : vector<25x32x512xf32>, vector<25x128xf32>, vector<32x512x128xf32> -> vector<32x512x128xf32>
    %get3A_7 = arith.constant 0 : index
    %get3A_8 = arith.constant 0 : index
    %get3A_9 = vector.load %arg6[%get3A_7, %get3A_8] : memref<1x128xf32, #tpu.memory_space<vmem>>, vector<1x128xf32>
    %broadcast_in_dim3A = vector.shape_cast %get3A_9 : vector<1x128xf32> to vector<1x1x128xf32>
    %add3A = vector.broadcast %broadcast_in_dim3A : vector<1x1x128xf32> to vector<32x512x128xf32>
    %add3A_10 = arith.addf %dot_general3A_6, %add3A : vector<32x512x128xf32>
    %max3A = arith.constant 0.000000e+00 : f32
    %max3A_11 = vector.broadcast %max3A : f32 to vector<32x512x128xf32>
    %max3A_12 = arith.maximumf %add3A_10, %max3A_11 : vector<32x512x128xf32>
    %abs3A = math.absf %add3A_10 : vector<32x512x128xf32>
    %neg3A = arith.constant 0.000000e+00 : f32
    %neg3A_13 = vector.broadcast %neg3A : f32 to vector<32x512x128xf32>
    %neg3A_14 = arith.subf %neg3A_13, %abs3A : vector<32x512x128xf32>
    %exp3A = math.exp %neg3A_14 : vector<32x512x128xf32>
    %log1p3A = math.log1p %exp3A : vector<32x512x128xf32>
    %add3A_15 = arith.addf %max3A_12, %log1p3A : vector<32x512x128xf32>
    %sub3A = arith.constant 0.693147182 : f32
    %sub3A_16 = vector.broadcast %sub3A : f32 to vector<32x512x128xf32>
    %sub3A_17 = arith.subf %add3A_15, %sub3A_16 : vector<32x512x128xf32>
    %get3A_18 = arith.constant 0 : index
    %get3A_19 = arith.constant 0 : index
    %get3A_20 = vector.load %arg7[%get3A_18, %get3A_19] : memref<128x128xf32, #tpu.memory_space<vmem>>, vector<128x128xf32>
    %dot_general3A_21 = arith.constant dense<0.000000e+00> : vector<32x512x128xf32>
    %dot_general3A_22 = tpu.matmul %sub3A_17, %get3A_20, %dot_general3A_21 {dimension_numbers = #tpu.dot_dimension_numbers<[2], [0], [0, 1], [1], [0, 0, 0, 1, 1, 1], [], []>, transpose_lhs_hint = false} : vector<32x512x128xf32>, vector<128x128xf32>, vector<32x512x128xf32> -> vector<32x512x128xf32>
    %get3A_23 = arith.constant 0 : index
    %get3A_24 = arith.constant 0 : index
    %get3A_25 = vector.load %arg8[%get3A_23, %get3A_24] : memref<1x128xf32, #tpu.memory_space<vmem>>, vector<1x128xf32>
    %broadcast_in_dim3A_26 = vector.shape_cast %get3A_25 : vector<1x128xf32> to vector<1x1x128xf32>
    %add3A_27 = vector.broadcast %broadcast_in_dim3A_26 : vector<1x1x128xf32> to vector<32x512x128xf32>
    %add3A_28 = arith.addf %dot_general3A_22, %add3A_27 : vector<32x512x128xf32>
    %get3A_29 = arith.constant 0 : index
    %get3A_30 = arith.constant 0 : index
    %get3A_31 = vector.load %arg2[%get3A_29, %get3A_30] : memref<32x512xf32, #tpu.memory_space<vmem>>, vector<32x512xf32>
    %mul3A = arith.constant 0.628318548 : f32
    %mul3A_32 = vector.broadcast %mul3A : f32 to vector<32x512xf32>
    %mul3A_33 = arith.mulf %get3A_31, %mul3A_32 : vector<32x512xf32>
    %cos3A = math.cos %mul3A_33 : vector<32x512xf32>
    %add3A_34 = arith.constant 1.000000e+00 : f32
    %add3A_35 = vector.broadcast %add3A_34 : f32 to vector<32x512xf32>
    %add3A_36 = arith.addf %cos3A, %add3A_35 : vector<32x512xf32>
    %mul3A_37 = arith.constant 5.000000e-01 : f32
    %mul3A_38 = vector.broadcast %mul3A_37 : f32 to vector<32x512xf32>
    %mul3A_39 = arith.mulf %mul3A_38, %add3A_36 : vector<32x512xf32>
    %lt3A = arith.constant 5.000000e+00 : f32
    %lt3A_40 = vector.broadcast %lt3A : f32 to vector<32x512xf32>
    %lt3A_41 = arith.cmpf olt, %get3A_31, %lt3A_40 : vector<32x512xf32>
    %convert_element_type3A = arith.extui %lt3A_41 : vector<32x512xi1> to vector<32x512xi32>
    %convert_element_type3A_42 = arith.sitofp %convert_element_type3A : vector<32x512xi32> to vector<32x512xf32>
    %mul3A_43 = arith.mulf %mul3A_39, %convert_element_type3A_42 : vector<32x512xf32>
    %get3A_44 = arith.constant 0 : index
    %get3A_45 = arith.constant 0 : index
    %get3A_46 = vector.load %arg3[%get3A_44, %get3A_45] : memref<32x512xf32, #tpu.memory_space<vmem>>, vector<32x512xf32>
    %mul3A_47 = arith.mulf %mul3A_43, %get3A_46 : vector<32x512xf32>
    %get3A_48 = arith.constant 0 : index
    %get3A_49 = arith.constant 0 : index
    %get3A_50 = arith.constant 0 : index
    %get3A_51 = vector.load %arg4[%get3A_48, %get3A_49, %get3A_50] : memref<32x512x128xf32, #tpu.memory_space<vmem>>, vector<32x512x128xf32>
    %mul3A_52 = arith.mulf %get3A_51, %add3A_28 : vector<32x512x128xf32>
    %broadcast_in_dim3A_53 = vector.shape_cast %mul3A_47 : vector<32x512xf32> to vector<32x512x1xf32>
    %mul3A_54 = vector.broadcast %broadcast_in_dim3A_53 : vector<32x512x1xf32> to vector<32x512x128xf32>
    %mul3A_55 = arith.mulf %mul3A_52, %mul3A_54 : vector<32x512x128xf32>
    %reduce_sum3A = arith.constant dense<0.000000e+00> : vector<512x128xf32>
    %reduce_sum3A_56 = vector.multi_reduction <add>, %mul3A_55, %reduce_sum3A [0] : vector<32x512x128xf32> to vector<512x128xf32>
    %get3A_57 = arith.constant 0 : index
    %get3A_58 = arith.constant 0 : index
    %get3A_59 = vector.load %arg9[%get3A_57, %get3A_58] : memref<128x128xf32, #tpu.memory_space<vmem>>, vector<128x128xf32>
    %dot_general3A_60 = arith.constant dense<0.000000e+00> : vector<512x128xf32>
    %dot_general3A_61 = tpu.matmul %reduce_sum3A_56, %get3A_59, %dot_general3A_60 {dimension_numbers = #tpu.dot_dimension_numbers<[1], [0], [0], [1], [0, 0, 1, 1], [], []>, transpose_lhs_hint = false} : vector<512x128xf32>, vector<128x128xf32>, vector<512x128xf32> -> vector<512x128xf32>
    %get3A_62 = arith.constant 0 : index
    %get3A_63 = arith.constant 0 : index
    %get3A_64 = vector.load %arg10[%get3A_62, %get3A_63] : memref<1x128xf32, #tpu.memory_space<vmem>>, vector<1x128xf32>
    %add3A_65 = vector.broadcast %get3A_64 : vector<1x128xf32> to vector<512x128xf32>
    %add3A_66 = arith.addf %dot_general3A_61, %add3A_65 : vector<512x128xf32>
    %max3A_67 = arith.constant 0.000000e+00 : f32
    %max3A_68 = vector.broadcast %max3A_67 : f32 to vector<512x128xf32>
    %max3A_69 = arith.maximumf %add3A_66, %max3A_68 : vector<512x128xf32>
    %abs3A_70 = math.absf %add3A_66 : vector<512x128xf32>
    %neg3A_71 = arith.constant 0.000000e+00 : f32
    %neg3A_72 = vector.broadcast %neg3A_71 : f32 to vector<512x128xf32>
    %neg3A_73 = arith.subf %neg3A_72, %abs3A_70 : vector<512x128xf32>
    %exp3A_74 = math.exp %neg3A_73 : vector<512x128xf32>
    %log1p3A_75 = math.log1p %exp3A_74 : vector<512x128xf32>
    %add3A_76 = arith.addf %max3A_69, %log1p3A_75 : vector<512x128xf32>
    %sub3A_77 = arith.constant 0.693147182 : f32
    %sub3A_78 = vector.broadcast %sub3A_77 : f32 to vector<512x128xf32>
    %sub3A_79 = arith.subf %add3A_76, %sub3A_78 : vector<512x128xf32>
    %get3A_80 = arith.constant 0 : index
    %get3A_81 = arith.constant 0 : index
    %get3A_82 = vector.load %arg11[%get3A_80, %get3A_81] : memref<128x128xf32, #tpu.memory_space<vmem>>, vector<128x128xf32>
    %dot_general3A_83 = arith.constant dense<0.000000e+00> : vector<512x128xf32>
    %dot_general3A_84 = tpu.matmul %sub3A_79, %get3A_82, %dot_general3A_83 {dimension_numbers = #tpu.dot_dimension_numbers<[1], [0], [0], [1], [0, 0, 1, 1], [], []>, transpose_lhs_hint = false} : vector<512x128xf32>, vector<128x128xf32>, vector<512x128xf32> -> vector<512x128xf32>
    %get3A_85 = arith.constant 0 : index
    %get3A_86 = arith.constant 0 : index
    %get3A_87 = vector.load %arg12[%get3A_85, %get3A_86] : memref<1x128xf32, #tpu.memory_space<vmem>>, vector<1x128xf32>
    %add3A_88 = vector.broadcast %get3A_87 : vector<1x128xf32> to vector<512x128xf32>
    %add3A_89 = arith.addf %dot_general3A_84, %add3A_88 : vector<512x128xf32>
    %swap3A = arith.constant 0 : index
    %swap3A_90 = arith.constant 0 : index
    %swap3A_91 = vector.load %arg13[%swap3A, %swap3A_90] : memref<512x128xf32, #tpu.memory_space<vmem>>, vector<512x128xf32>
    tpu.vector_store %arg13[%swap3A, %swap3A_90], %add3A_89 {strides = array<i32>} : memref<512x128xf32, #tpu.memory_space<vmem>>, vector<512x128xf32>,
    return
  }
  func.func @transform_0(%arg0: i32) -> (i32, i32, i32) {
    %add3A = arith.constant 8 : i32
    %add3A_0 = arith.addi %arg0, %add3A : i32
    %c0_i32 = arith.constant 0 : i32
    %c0_i32_1 = arith.constant 0 : i32
    %c0_i32_2 = arith.constant 0 : i32
    return %c0_i32, %c0_i32_1, %add3A_0 : i32, i32, i32
  }
  func.func @transform_1(%arg0: i32) -> (i32, i32) {
    %add3A = arith.constant 8 : i32
    %add3A_0 = arith.addi %arg0, %add3A : i32
    %c0_i32 = arith.constant 0 : i32
    %c0_i32_1 = arith.constant 0 : i32
    return %c0_i32, %add3A_0 : i32, i32
  }
  func.func @transform_2(%arg0: i32) -> (i32, i32) {
    %add3A = arith.constant 8 : i32
    %add3A_0 = arith.addi %arg0, %add3A : i32
    %c0_i32 = arith.constant 0 : i32
    %c0_i32_1 = arith.constant 0 : i32
    return %c0_i32, %add3A_0 : i32, i32
  }
  func.func @transform_3(%arg0: i32) -> (i32, i32, i32) {
    %c0_i32 = arith.constant 0 : i32
    %c0_i32_0 = arith.constant 0 : i32
    %c0_i32_1 = arith.constant 0 : i32
    return %c0_i32, %arg0, %c0_i32_0 : i32, i32, i32
  }
  func.func @transform_4(%arg0: i32) -> (i32, i32) {
    %c0_i32 = arith.constant 0 : i32
    %c0_i32_0 = arith.constant 0 : i32
    %c0_i32_1 = arith.constant 0 : i32
    return %c0_i32, %c0_i32_0 : i32, i32
  }
  func.func @transform_5(%arg0: i32) -> (i32, i32) {
    %c0_i32 = arith.constant 0 : i32
    %c0_i32_0 = arith.constant 0 : i32
    %c0_i32_1 = arith.constant 0 : i32
    return %c0_i32, %c0_i32_0 : i32, i32
  }
  func.func @transform_6(%arg0: i32) -> (i32, i32) {
    %c0_i32 = arith.constant 0 : i32
    %c0_i32_0 = arith.constant 0 : i32
    %c0_i32_1 = arith.constant 0 : i32
    return %c0_i32, %c0_i32_0 : i32, i32
  }
  func.func @transform_7(%arg0: i32) -> (i32, i32) {
    %c0_i32 = arith.constant 0 : i32
    %c0_i32_0 = arith.constant 0 : i32
    %c0_i32_1 = arith.constant 0 : i32
    return %c0_i32, %c0_i32_0 : i32, i32
  }
  func.func @transform_8(%arg0: i32) -> (i32, i32) {
    %c0_i32 = arith.constant 0 : i32
    %c0_i32_0 = arith.constant 0 : i32
    %c0_i32_1 = arith.constant 0 : i32
    return %c0_i32, %c0_i32_0 : i32, i32
  }
  func.func @transform_9(%arg0: i32) -> (i32, i32) {
    %c0_i32 = arith.constant 0 : i32
    %c0_i32_0 = arith.constant 0 : i32
    %c0_i32_1 = arith.constant 0 : i32
    return %c0_i32, %c0_i32_0 : i32, i32
  }
  func.func @transform_10(%arg0: i32) -> (i32, i32) {
    %c0_i32 = arith.constant 0 : i32
    %c0_i32_0 = arith.constant 0 : i32
    %c0_i32_1 = arith.constant 0 : i32
    return %c0_i32, %c0_i32_0 : i32, i32
  }
  func.func @transform_11(%arg0: i32) -> (i32, i32) {
    %c0_i32 = arith.constant 0 : i32
    %c0_i32_0 = arith.constant 0 : i32
    %c0_i32_1 = arith.constant 0 : i32
    return %c0_i32, %c0_i32_0 : i32, i32
  }
  func.func @transform_12(%arg0: i32) -> (i32, i32) {
    %c0_i32 = arith.constant 0 : i32
    %c0_i32_0 = arith.constant 0 : i32
    return %arg0, %c0_i32 : i32, i32
  }
}

module attributes {stable_mosaic.version = 14 : i64} {
  func.func @_fused_body(%arg0: i32, %arg1: memref<25x32x512xf32, #tpu.memory_space<vmem>>, %arg2: memref<32x512xf32, #tpu.memory_space<vmem>>, %arg3: memref<32x512xf32, #tpu.memory_space<vmem>>, %arg4: memref<32x512x128xf32, #tpu.memory_space<vmem>>, %arg5: memref<25x128xf32, #tpu.memory_space<vmem>>, %arg6: memref<1x128xf32, #tpu.memory_space<vmem>>, %arg7: memref<128x128xf32, #tpu.memory_space<vmem>>, %arg8: memref<1x128xf32, #tpu.memory_space<vmem>>, %arg9: memref<128x128xf32, #tpu.memory_space<vmem>>, %arg10: memref<1x128xf32, #tpu.memory_space<vmem>>, %arg11: memref<128x128xf32, #tpu.memory_space<vmem>>, %arg12: memref<1x128xf32, #tpu.memory_space<vmem>>, %arg13: memref<512x128xf32, #tpu.memory_space<vmem>>) attributes {dimension_semantics = [#tpu.dimension_semantics<arbitrary>], iteration_bounds = array<i64: 4>, scalar_prefetch = 0 : i64, scratch_operands = 0 : i64, tpu.core_type = #tpu.core_type<tc>, window_params = [{transform_indices = @transform_0, window_bounds = array<i64: 25, 32, 512>}, {transform_indices = @transform_1, window_bounds = array<i64: 32, 512>}, {transform_indices = @transform_2, window_bounds = array<i64: 32, 512>}, {transform_indices = @transform_3, window_bounds = array<i64: 32, 512, 128>}, {pipeline_mode = #tpu.pipeline_mode<synchronous>, transform_indices = @transform_4, window_bounds = array<i64: 25, 128>}, {pipeline_mode = #tpu.pipeline_mode<synchronous>, transform_indices = @transform_5, window_bounds = array<i64: 1, 128>}, {pipeline_mode = #tpu.pipeline_mode<synchronous>, transform_indices = @transform_6, window_bounds = array<i64: 128, 128>}, {pipeline_mode = #tpu.pipeline_mode<synchronous>, transform_indices = @transform_7, window_bounds = array<i64: 1, 128>}, {pipeline_mode = #tpu.pipeline_mode<synchronous>, transform_indices = @transform_8, window_bounds = array<i64: 128, 128>}, {pipeline_mode = #tpu.pipeline_mode<synchronous>, transform_indices = @transform_9, window_bounds = array<i64: 1, 128>}, {pipeline_mode = #tpu.pipeline_mode<synchronous>, transform_indices = @transform_10, window_bounds = array<i64: 128, 128>}, {pipeline_mode = #tpu.pipeline_mode<synchronous>, transform_indices = @transform_11, window_bounds = array<i64: 1, 128>}, {transform_indices = @transform_12, window_bounds = array<i64: 512, 128>}]} {
    %get3A = arith.constant 0 : index
    %get3A_0 = arith.constant 0 : index
    %get3A_1 = arith.constant 0 : index
    %get3A_2 = vector.load %arg1[%get3A, %get3A_0, %get3A_1] : memref<25x32x512xf32, #tpu.memory_space<vmem>>, vector<25x32x512xf32>
    %get3A_3 = arith.constant 0 : index
    %get3A_4 = arith.constant 0 : index
    %get3A_5 = vector.load %arg5[%get3A_3, %get3A_4] : memref<25x128xf32, #tpu.memory_space<vmem>>, vector<25x128xf32>
    %dot_general3A = arith.constant dense<0.000000e+00> : vector<32x512x128xf32>
    %dot_general3A_6 = tpu.matmul %get3A_2, %get3A_5, %dot_general3A {dimension_numbers = #tpu.dot_dimension_numbers<[0], [0], [1, 2], [1], [0, 1, 0, 2, 1, 1], [], []>, transpose_lhs_hint = false} : vector<25x32x512xf32>, vector<25x128xf32>, vector<32x512x128xf32> -> vector<32x512x128xf32>
    %get3A_7 = arith.constant 0 : index
    %get3A_8 = arith.constant 0 : index
    %get3A_9 = vector.load %arg6[%get3A_7, %get3A_8] : memref<1x128xf32, #tpu.memory_space<vmem>>, vector<1x128xf32>
    %broadcast_in_dim3A = vector.shape_cast %get3A_9 : vector<1x128xf32> to vector<1x1x128xf32>
    %add3A = vector.broadcast %broadcast_in_dim3A : vector<1x1x128xf32> to vector<32x512x128xf32>
    %add3A_10 = arith.addf %dot_general3A_6, %add3A : vector<32x512x128xf32>
    %max3A = arith.constant 0.000000e+00 : f32
    %max3A_11 = vector.broadcast %max3A : f32 to vector<32x512x128xf32>
    %max3A_12 = arith.maximumf %add3A_10, %max3A_11 : vector<32x512x128xf32>
    %abs3A = math.absf %add3A_10 : vector<32x512x128xf32>
    %neg3A = arith.constant 0.000000e+00 : f32
    %neg3A_13 = vector.broadcast %neg3A : f32 to vector<32x512x128xf32>
    %neg3A_14 = arith.subf %neg3A_13, %abs3A : vector<32x512x128xf32>
    %exp3A = math.exp %neg3A_14 : vector<32x512x128xf32>
    %log1p3A = math.log1p %exp3A : vector<32x512x128xf32>
    %add3A_15 = arith.addf %max3A_12, %log1p3A : vector<32x512x128xf32>
    %sub3A = arith.constant 0.693147182 : f32
    %sub3A_16 = vector.broadcast %sub3A : f32 to vector<32x512x128xf32>
    %sub3A_17 = arith.subf %add3A_15, %sub3A_16 : vector<32x512x128xf32>
    %get3A_18 = arith.constant 0 : index
    %get3A_19 = arith.constant 0 : index
    %get3A_20 = vector.load %arg7[%get3A_18, %get3A_19] : memref<128x128xf32, #tpu.memory_space<vmem>>, vector<128x128xf32>
    %dot_general3A_21 = arith.constant dense<0.000000e+00> : vector<32x512x128xf32>
    %dot_general3A_22 = tpu.matmul %sub3A_17, %get3A_20, %dot_general3A_21 {dimension_numbers = #tpu.dot_dimension_numbers<[2], [0], [0, 1], [1], [0, 0, 0, 1, 1, 1], [], []>, transpose_lhs_hint = false} : vector<32x512x128xf32>, vector<128x128xf32>, vector<32x512x128xf32> -> vector<32x512x128xf32>
    %get3A_23 = arith.constant 0 : index
    %get3A_24 = arith.constant 0 : index
    %get3A_25 = vector.load %arg8[%get3A_23, %get3A_24] : memref<1x128xf32, #tpu.memory_space<vmem>>, vector<1x128xf32>
    %broadcast_in_dim3A_26 = vector.shape_cast %get3A_25 : vector<1x128xf32> to vector<1x1x128xf32>
    %add3A_27 = vector.broadcast %broadcast_in_dim3A_26 : vector<1x1x128xf32> to vector<32x512x128xf32>
    %add3A_28 = arith.addf %dot_general3A_22, %add3A_27 : vector<32x512x128xf32>
    %get3A_29 = arith.constant 0 : index
    %get3A_30 = arith.constant 0 : index
    %get3A_31 = vector.load %arg2[%get3A_29, %get3A_30] : memref<32x512xf32, #tpu.memory_space<vmem>>, vector<32x512xf32>
    %mul3A = arith.constant 0.628318548 : f32
    %mul3A_32 = vector.broadcast %mul3A : f32 to vector<32x512xf32>
    %mul3A_33 = arith.mulf %get3A_31, %mul3A_32 : vector<32x512xf32>
    %cos3A = math.cos %mul3A_33 : vector<32x512xf32>
    %add3A_34 = arith.constant 1.000000e+00 : f32
    %add3A_35 = vector.broadcast %add3A_34 : f32 to vector<32x512xf32>
    %add3A_36 = arith.addf %cos3A, %add3A_35 : vector<32x512xf32>
    %mul3A_37 = arith.constant 5.000000e-01 : f32
    %mul3A_38 = vector.broadcast %mul3A_37 : f32 to vector<32x512xf32>
    %mul3A_39 = arith.mulf %mul3A_38, %add3A_36 : vector<32x512xf32>
    %lt3A = arith.constant 5.000000e+00 : f32
    %lt3A_40 = vector.broadcast %lt3A : f32 to vector<32x512xf32>
    %lt3A_41 = arith.cmpf olt, %get3A_31, %lt3A_40 : vector<32x512xf32>
    %convert_element_type3A = arith.extui %lt3A_41 : vector<32x512xi1> to vector<32x512xi32>
    %convert_element_type3A_42 = arith.sitofp %convert_element_type3A : vector<32x512xi32> to vector<32x512xf32>
    %mul3A_43 = arith.mulf %mul3A_39, %convert_element_type3A_42 : vector<32x512xf32>
    %get3A_44 = arith.constant 0 : index
    %get3A_45 = arith.constant 0 : index
    %get3A_46 = vector.load %arg3[%get3A_44, %get3A_45] : memref<32x512xf32, #tpu.memory_space<vmem>>, vector<32x512xf32>
    %mul3A_47 = arith.mulf %mul3A_43, %get3A_46 : vector<32x512xf32>
    %get3A_48 = arith.constant 0 : index
    %get3A_49 = arith.constant 0 : index
    %get3A_50 = arith.constant 0 : index
    %get3A_51 = vector.load %arg4[%get3A_48, %get3A_49, %get3A_50] : memref<32x512x128xf32, #tpu.memory_space<vmem>>, vector<32x512x128xf32>
    %mul3A_52 = arith.mulf %get3A_51, %add3A_28 : vector<32x512x128xf32>
    %broadcast_in_dim3A_53 = vector.shape_cast %mul3A_47 : vector<32x512xf32> to vector<32x512x1xf32>
    %mul3A_54 = vector.broadcast %broadcast_in_dim3A_53 : vector<32x512x1xf32> to vector<32x512x128xf32>
    %mul3A_55 = arith.mulf %mul3A_52, %mul3A_54 : vector<32x512x128xf32>
    %reduce_sum3A = arith.constant dense<0.000000e+00> : vector<512x128xf32>
    %reduce_sum3A_56 = vector.multi_reduction <add>, %mul3A_55, %reduce_sum3A [0] : vector<32x512x128xf32> to vector<512x128xf32>
    %get3A_57 = arith.constant 0 : index
    %get3A_58 = arith.constant 0 : index
    %get3A_59 = vector.load %arg9[%get3A_57, %get3A_58] : memref<128x128xf32, #tpu.memory_space<vmem>>, vector<128x128xf32>
    %dot_general3A_60 = arith.constant dense<0.000000e+00> : vector<512x128xf32>
    %dot_general3A_61 = tpu.matmul %reduce_sum3A_56, %get3A_59, %dot_general3A_60 {dimension_numbers = #tpu.dot_dimension_numbers<[1], [0], [0], [1], [0, 0, 1, 1], [], []>, transpose_lhs_hint = false} : vector<512x128xf32>, vector<128x128xf32>, vector<512x128xf32> -> vector<512x128xf32>
    %get3A_62 = arith.constant 0 : index
    %get3A_63 = arith.constant 0 : index
    %get3A_64 = vector.load %arg10[%get3A_62, %get3A_63] : memref<1x128xf32, #tpu.memory_space<vmem>>, vector<1x128xf32>
    %add3A_65 = vector.broadcast %get3A_64 : vector<1x128xf32> to vector<512x128xf32>
    %add3A_66 = arith.addf %dot_general3A_61, %add3A_65 : vector<512x128xf32>
    %max3A_67 = arith.constant 0.000000e+00 : f32
    %max3A_68 = vector.broadcast %max3A_67 : f32 to vector<512x128xf32>
    %max3A_69 = arith.maximumf %add3A_66, %max3A_68 : vector<512x128xf32>
    %abs3A_70 = math.absf %add3A_66 : vector<512x128xf32>
    %neg3A_71 = arith.constant 0.000000e+00 : f32
    %neg3A_72 = vector.broadcast %neg3A_71 : f32 to vector<512x128xf32>
    %neg3A_73 = arith.subf %neg3A_72, %abs3A_70 : vector<512x128xf32>
    %exp3A_74 = math.exp %neg3A_73 : vector<512x128xf32>
    %log1p3A_75 = math.log1p %exp3A_74 : vector<512x128xf32>
    %add3A_76 = arith.addf %max3A_69, %log1p3A_75 : vector<512x128xf32>
    %sub3A_77 = arith.constant 0.693147182 : f32
    %sub3A_78 = vector.broadcast %sub3A_77 : f32 to vector<512x128xf32>
    %sub3A_79 = arith.subf %add3A_76, %sub3A_78 : vector<512x128xf32>
    %get3A_80 = arith.constant 0 : index
    %get3A_81 = arith.constant 0 : index
    %get3A_82 = vector.load %arg11[%get3A_80, %get3A_81] : memref<128x128xf32, #tpu.memory_space<vmem>>, vector<128x128xf32>
    %dot_general3A_83 = arith.constant dense<0.000000e+00> : vector<512x128xf32>
    %dot_general3A_84 = tpu.matmul %sub3A_79, %get3A_82, %dot_general3A_83 {dimension_numbers = #tpu.dot_dimension_numbers<[1], [0], [0], [1], [0, 0, 1, 1], [], []>, transpose_lhs_hint = false} : vector<512x128xf32>, vector<128x128xf32>, vector<512x128xf32> -> vector<512x128xf32>
    %get3A_85 = arith.constant 0 : index
    %get3A_86 = arith.constant 0 : index
    %get3A_87 = vector.load %arg12[%get3A_85, %get3A_86] : memref<1x128xf32, #tpu.memory_space<vmem>>, vector<1x128xf32>
    %add3A_88 = vector.broadcast %get3A_87 : vector<1x128xf32> to vector<512x128xf32>
    %add3A_89 = arith.addf %dot_general3A_84, %add3A_88 : vector<512x128xf32>
    %swap3A = arith.constant 0 : index
    %swap3A_90 = arith.constant 0 : index
    %swap3A_91 = vector.load %arg13[%swap3A, %swap3A_90] : memref<512x128xf32, #tpu.memory_space<vmem>>, vector<512x128xf32>
    tpu.vector_store %arg13[%swap3A, %swap3A_90], %add3A_89 {strides = array<i32>} : memref<512x128xf32, #tpu.memory_space<vmem>>, vector<512x128xf32>,
    return
  }
  func.func @transform_0(%arg0: i32) -> (i32, i32, i32) {
    %add3A = arith.constant 4 : i32
    %add3A_0 = arith.addi %arg0, %add3A : i32
    %c0_i32 = arith.constant 0 : i32
    %c0_i32_1 = arith.constant 0 : i32
    %c0_i32_2 = arith.constant 0 : i32
    return %c0_i32, %c0_i32_1, %add3A_0 : i32, i32, i32
  }
  func.func @transform_1(%arg0: i32) -> (i32, i32) {
    %add3A = arith.constant 4 : i32
    %add3A_0 = arith.addi %arg0, %add3A : i32
    %c0_i32 = arith.constant 0 : i32
    %c0_i32_1 = arith.constant 0 : i32
    return %c0_i32, %add3A_0 : i32, i32
  }
  func.func @transform_2(%arg0: i32) -> (i32, i32) {
    %add3A = arith.constant 4 : i32
    %add3A_0 = arith.addi %arg0, %add3A : i32
    %c0_i32 = arith.constant 0 : i32
    %c0_i32_1 = arith.constant 0 : i32
    return %c0_i32, %add3A_0 : i32, i32
  }
  func.func @transform_3(%arg0: i32) -> (i32, i32, i32) {
    %c0_i32 = arith.constant 0 : i32
    %c0_i32_0 = arith.constant 0 : i32
    %c0_i32_1 = arith.constant 0 : i32
    return %c0_i32, %arg0, %c0_i32_0 : i32, i32, i32
  }
  func.func @transform_4(%arg0: i32) -> (i32, i32) {
    %c0_i32 = arith.constant 0 : i32
    %c0_i32_0 = arith.constant 0 : i32
    %c0_i32_1 = arith.constant 0 : i32
    return %c0_i32, %c0_i32_0 : i32, i32
  }
  func.func @transform_5(%arg0: i32) -> (i32, i32) {
    %c0_i32 = arith.constant 0 : i32
    %c0_i32_0 = arith.constant 0 : i32
    %c0_i32_1 = arith.constant 0 : i32
    return %c0_i32, %c0_i32_0 : i32, i32
  }
  func.func @transform_6(%arg0: i32) -> (i32, i32) {
    %c0_i32 = arith.constant 0 : i32
    %c0_i32_0 = arith.constant 0 : i32
    %c0_i32_1 = arith.constant 0 : i32
    return %c0_i32, %c0_i32_0 : i32, i32
  }
  func.func @transform_7(%arg0: i32) -> (i32, i32) {
    %c0_i32 = arith.constant 0 : i32
    %c0_i32_0 = arith.constant 0 : i32
    %c0_i32_1 = arith.constant 0 : i32
    return %c0_i32, %c0_i32_0 : i32, i32
  }
  func.func @transform_8(%arg0: i32) -> (i32, i32) {
    %c0_i32 = arith.constant 0 : i32
    %c0_i32_0 = arith.constant 0 : i32
    %c0_i32_1 = arith.constant 0 : i32
    return %c0_i32, %c0_i32_0 : i32, i32
  }
  func.func @transform_9(%arg0: i32) -> (i32, i32) {
    %c0_i32 = arith.constant 0 : i32
    %c0_i32_0 = arith.constant 0 : i32
    %c0_i32_1 = arith.constant 0 : i32
    return %c0_i32, %c0_i32_0 : i32, i32
  }
  func.func @transform_10(%arg0: i32) -> (i32, i32) {
    %c0_i32 = arith.constant 0 : i32
    %c0_i32_0 = arith.constant 0 : i32
    %c0_i32_1 = arith.constant 0 : i32
    return %c0_i32, %c0_i32_0 : i32, i32
  }
  func.func @transform_11(%arg0: i32) -> (i32, i32) {
    %c0_i32 = arith.constant 0 : i32
    %c0_i32_0 = arith.constant 0 : i32
    %c0_i32_1 = arith.constant 0 : i32
    return %c0_i32, %c0_i32_0 : i32, i32
  }
  func.func @transform_12(%arg0: i32) -> (i32, i32) {
    %c0_i32 = arith.constant 0 : i32
    %c0_i32_0 = arith.constant 0 : i32
    return %arg0, %c0_i32 : i32, i32
  }
}

module attributes {stable_mosaic.version = 14 : i64} {
  func.func @_fused_body(%arg0: i32, %arg1: memref<25x32x512xf32, #tpu.memory_space<vmem>>, %arg2: memref<32x512xf32, #tpu.memory_space<vmem>>, %arg3: memref<32x512xf32, #tpu.memory_space<vmem>>, %arg4: memref<32x512x128xf32, #tpu.memory_space<vmem>>, %arg5: memref<25x128xf32, #tpu.memory_space<vmem>>, %arg6: memref<1x128xf32, #tpu.memory_space<vmem>>, %arg7: memref<128x128xf32, #tpu.memory_space<vmem>>, %arg8: memref<1x128xf32, #tpu.memory_space<vmem>>, %arg9: memref<128x128xf32, #tpu.memory_space<vmem>>, %arg10: memref<1x128xf32, #tpu.memory_space<vmem>>, %arg11: memref<128x128xf32, #tpu.memory_space<vmem>>, %arg12: memref<1x128xf32, #tpu.memory_space<vmem>>, %arg13: memref<512x128xf32, #tpu.memory_space<vmem>>) attributes {dimension_semantics = [#tpu.dimension_semantics<arbitrary>], iteration_bounds = array<i64: 4>, scalar_prefetch = 0 : i64, scratch_operands = 0 : i64, tpu.core_type = #tpu.core_type<tc>, window_params = [{transform_indices = @transform_0, window_bounds = array<i64: 25, 32, 512>}, {transform_indices = @transform_1, window_bounds = array<i64: 32, 512>}, {transform_indices = @transform_2, window_bounds = array<i64: 32, 512>}, {transform_indices = @transform_3, window_bounds = array<i64: 32, 512, 128>}, {pipeline_mode = #tpu.pipeline_mode<synchronous>, transform_indices = @transform_4, window_bounds = array<i64: 25, 128>}, {pipeline_mode = #tpu.pipeline_mode<synchronous>, transform_indices = @transform_5, window_bounds = array<i64: 1, 128>}, {pipeline_mode = #tpu.pipeline_mode<synchronous>, transform_indices = @transform_6, window_bounds = array<i64: 128, 128>}, {pipeline_mode = #tpu.pipeline_mode<synchronous>, transform_indices = @transform_7, window_bounds = array<i64: 1, 128>}, {pipeline_mode = #tpu.pipeline_mode<synchronous>, transform_indices = @transform_8, window_bounds = array<i64: 128, 128>}, {pipeline_mode = #tpu.pipeline_mode<synchronous>, transform_indices = @transform_9, window_bounds = array<i64: 1, 128>}, {pipeline_mode = #tpu.pipeline_mode<synchronous>, transform_indices = @transform_10, window_bounds = array<i64: 128, 128>}, {pipeline_mode = #tpu.pipeline_mode<synchronous>, transform_indices = @transform_11, window_bounds = array<i64: 1, 128>}, {transform_indices = @transform_12, window_bounds = array<i64: 512, 128>}]} {
    %get3A = arith.constant 0 : index
    %get3A_0 = arith.constant 0 : index
    %get3A_1 = arith.constant 0 : index
    %get3A_2 = vector.load %arg1[%get3A, %get3A_0, %get3A_1] : memref<25x32x512xf32, #tpu.memory_space<vmem>>, vector<25x32x512xf32>
    %get3A_3 = arith.constant 0 : index
    %get3A_4 = arith.constant 0 : index
    %get3A_5 = vector.load %arg5[%get3A_3, %get3A_4] : memref<25x128xf32, #tpu.memory_space<vmem>>, vector<25x128xf32>
    %dot_general3A = arith.constant dense<0.000000e+00> : vector<32x512x128xf32>
    %dot_general3A_6 = tpu.matmul %get3A_2, %get3A_5, %dot_general3A {dimension_numbers = #tpu.dot_dimension_numbers<[0], [0], [1, 2], [1], [0, 1, 0, 2, 1, 1], [], []>, transpose_lhs_hint = false} : vector<25x32x512xf32>, vector<25x128xf32>, vector<32x512x128xf32> -> vector<32x512x128xf32>
    %get3A_7 = arith.constant 0 : index
    %get3A_8 = arith.constant 0 : index
    %get3A_9 = vector.load %arg6[%get3A_7, %get3A_8] : memref<1x128xf32, #tpu.memory_space<vmem>>, vector<1x128xf32>
    %broadcast_in_dim3A = vector.shape_cast %get3A_9 : vector<1x128xf32> to vector<1x1x128xf32>
    %add3A = vector.broadcast %broadcast_in_dim3A : vector<1x1x128xf32> to vector<32x512x128xf32>
    %add3A_10 = arith.addf %dot_general3A_6, %add3A : vector<32x512x128xf32>
    %max3A = arith.constant 0.000000e+00 : f32
    %max3A_11 = vector.broadcast %max3A : f32 to vector<32x512x128xf32>
    %max3A_12 = arith.maximumf %add3A_10, %max3A_11 : vector<32x512x128xf32>
    %abs3A = math.absf %add3A_10 : vector<32x512x128xf32>
    %neg3A = arith.constant 0.000000e+00 : f32
    %neg3A_13 = vector.broadcast %neg3A : f32 to vector<32x512x128xf32>
    %neg3A_14 = arith.subf %neg3A_13, %abs3A : vector<32x512x128xf32>
    %exp3A = math.exp %neg3A_14 : vector<32x512x128xf32>
    %log1p3A = math.log1p %exp3A : vector<32x512x128xf32>
    %add3A_15 = arith.addf %max3A_12, %log1p3A : vector<32x512x128xf32>
    %sub3A = arith.constant 0.693147182 : f32
    %sub3A_16 = vector.broadcast %sub3A : f32 to vector<32x512x128xf32>
    %sub3A_17 = arith.subf %add3A_15, %sub3A_16 : vector<32x512x128xf32>
    %get3A_18 = arith.constant 0 : index
    %get3A_19 = arith.constant 0 : index
    %get3A_20 = vector.load %arg7[%get3A_18, %get3A_19] : memref<128x128xf32, #tpu.memory_space<vmem>>, vector<128x128xf32>
    %dot_general3A_21 = arith.constant dense<0.000000e+00> : vector<32x512x128xf32>
    %dot_general3A_22 = tpu.matmul %sub3A_17, %get3A_20, %dot_general3A_21 {dimension_numbers = #tpu.dot_dimension_numbers<[2], [0], [0, 1], [1], [0, 0, 0, 1, 1, 1], [], []>, transpose_lhs_hint = false} : vector<32x512x128xf32>, vector<128x128xf32>, vector<32x512x128xf32> -> vector<32x512x128xf32>
    %get3A_23 = arith.constant 0 : index
    %get3A_24 = arith.constant 0 : index
    %get3A_25 = vector.load %arg8[%get3A_23, %get3A_24] : memref<1x128xf32, #tpu.memory_space<vmem>>, vector<1x128xf32>
    %broadcast_in_dim3A_26 = vector.shape_cast %get3A_25 : vector<1x128xf32> to vector<1x1x128xf32>
    %add3A_27 = vector.broadcast %broadcast_in_dim3A_26 : vector<1x1x128xf32> to vector<32x512x128xf32>
    %add3A_28 = arith.addf %dot_general3A_22, %add3A_27 : vector<32x512x128xf32>
    %get3A_29 = arith.constant 0 : index
    %get3A_30 = arith.constant 0 : index
    %get3A_31 = vector.load %arg2[%get3A_29, %get3A_30] : memref<32x512xf32, #tpu.memory_space<vmem>>, vector<32x512xf32>
    %mul3A = arith.constant 0.628318548 : f32
    %mul3A_32 = vector.broadcast %mul3A : f32 to vector<32x512xf32>
    %mul3A_33 = arith.mulf %get3A_31, %mul3A_32 : vector<32x512xf32>
    %cos3A = math.cos %mul3A_33 : vector<32x512xf32>
    %add3A_34 = arith.constant 1.000000e+00 : f32
    %add3A_35 = vector.broadcast %add3A_34 : f32 to vector<32x512xf32>
    %add3A_36 = arith.addf %cos3A, %add3A_35 : vector<32x512xf32>
    %mul3A_37 = arith.constant 5.000000e-01 : f32
    %mul3A_38 = vector.broadcast %mul3A_37 : f32 to vector<32x512xf32>
    %mul3A_39 = arith.mulf %mul3A_38, %add3A_36 : vector<32x512xf32>
    %lt3A = arith.constant 5.000000e+00 : f32
    %lt3A_40 = vector.broadcast %lt3A : f32 to vector<32x512xf32>
    %lt3A_41 = arith.cmpf olt, %get3A_31, %lt3A_40 : vector<32x512xf32>
    %convert_element_type3A = arith.extui %lt3A_41 : vector<32x512xi1> to vector<32x512xi32>
    %convert_element_type3A_42 = arith.sitofp %convert_element_type3A : vector<32x512xi32> to vector<32x512xf32>
    %mul3A_43 = arith.mulf %mul3A_39, %convert_element_type3A_42 : vector<32x512xf32>
    %get3A_44 = arith.constant 0 : index
    %get3A_45 = arith.constant 0 : index
    %get3A_46 = vector.load %arg3[%get3A_44, %get3A_45] : memref<32x512xf32, #tpu.memory_space<vmem>>, vector<32x512xf32>
    %mul3A_47 = arith.mulf %mul3A_43, %get3A_46 : vector<32x512xf32>
    %get3A_48 = arith.constant 0 : index
    %get3A_49 = arith.constant 0 : index
    %get3A_50 = arith.constant 0 : index
    %get3A_51 = vector.load %arg4[%get3A_48, %get3A_49, %get3A_50] : memref<32x512x128xf32, #tpu.memory_space<vmem>>, vector<32x512x128xf32>
    %mul3A_52 = arith.mulf %get3A_51, %add3A_28 : vector<32x512x128xf32>
    %broadcast_in_dim3A_53 = vector.shape_cast %mul3A_47 : vector<32x512xf32> to vector<32x512x1xf32>
    %mul3A_54 = vector.broadcast %broadcast_in_dim3A_53 : vector<32x512x1xf32> to vector<32x512x128xf32>
    %mul3A_55 = arith.mulf %mul3A_52, %mul3A_54 : vector<32x512x128xf32>
    %reduce_sum3A = arith.constant dense<0.000000e+00> : vector<512x128xf32>
    %reduce_sum3A_56 = vector.multi_reduction <add>, %mul3A_55, %reduce_sum3A [0] : vector<32x512x128xf32> to vector<512x128xf32>
    %get3A_57 = arith.constant 0 : index
    %get3A_58 = arith.constant 0 : index
    %get3A_59 = vector.load %arg9[%get3A_57, %get3A_58] : memref<128x128xf32, #tpu.memory_space<vmem>>, vector<128x128xf32>
    %dot_general3A_60 = arith.constant dense<0.000000e+00> : vector<512x128xf32>
    %dot_general3A_61 = tpu.matmul %reduce_sum3A_56, %get3A_59, %dot_general3A_60 {dimension_numbers = #tpu.dot_dimension_numbers<[1], [0], [0], [1], [0, 0, 1, 1], [], []>, transpose_lhs_hint = false} : vector<512x128xf32>, vector<128x128xf32>, vector<512x128xf32> -> vector<512x128xf32>
    %get3A_62 = arith.constant 0 : index
    %get3A_63 = arith.constant 0 : index
    %get3A_64 = vector.load %arg10[%get3A_62, %get3A_63] : memref<1x128xf32, #tpu.memory_space<vmem>>, vector<1x128xf32>
    %add3A_65 = vector.broadcast %get3A_64 : vector<1x128xf32> to vector<512x128xf32>
    %add3A_66 = arith.addf %dot_general3A_61, %add3A_65 : vector<512x128xf32>
    %max3A_67 = arith.constant 0.000000e+00 : f32
    %max3A_68 = vector.broadcast %max3A_67 : f32 to vector<512x128xf32>
    %max3A_69 = arith.maximumf %add3A_66, %max3A_68 : vector<512x128xf32>
    %abs3A_70 = math.absf %add3A_66 : vector<512x128xf32>
    %neg3A_71 = arith.constant 0.000000e+00 : f32
    %neg3A_72 = vector.broadcast %neg3A_71 : f32 to vector<512x128xf32>
    %neg3A_73 = arith.subf %neg3A_72, %abs3A_70 : vector<512x128xf32>
    %exp3A_74 = math.exp %neg3A_73 : vector<512x128xf32>
    %log1p3A_75 = math.log1p %exp3A_74 : vector<512x128xf32>
    %add3A_76 = arith.addf %max3A_69, %log1p3A_75 : vector<512x128xf32>
    %sub3A_77 = arith.constant 0.693147182 : f32
    %sub3A_78 = vector.broadcast %sub3A_77 : f32 to vector<512x128xf32>
    %sub3A_79 = arith.subf %add3A_76, %sub3A_78 : vector<512x128xf32>
    %get3A_80 = arith.constant 0 : index
    %get3A_81 = arith.constant 0 : index
    %get3A_82 = vector.load %arg11[%get3A_80, %get3A_81] : memref<128x128xf32, #tpu.memory_space<vmem>>, vector<128x128xf32>
    %dot_general3A_83 = arith.constant dense<0.000000e+00> : vector<512x128xf32>
    %dot_general3A_84 = tpu.matmul %sub3A_79, %get3A_82, %dot_general3A_83 {dimension_numbers = #tpu.dot_dimension_numbers<[1], [0], [0], [1], [0, 0, 1, 1], [], []>, transpose_lhs_hint = false} : vector<512x128xf32>, vector<128x128xf32>, vector<512x128xf32> -> vector<512x128xf32>
    %get3A_85 = arith.constant 0 : index
    %get3A_86 = arith.constant 0 : index
    %get3A_87 = vector.load %arg12[%get3A_85, %get3A_86] : memref<1x128xf32, #tpu.memory_space<vmem>>, vector<1x128xf32>
    %add3A_88 = vector.broadcast %get3A_87 : vector<1x128xf32> to vector<512x128xf32>
    %add3A_89 = arith.addf %dot_general3A_84, %add3A_88 : vector<512x128xf32>
    %swap3A = arith.constant 0 : index
    %swap3A_90 = arith.constant 0 : index
    %swap3A_91 = vector.load %arg13[%swap3A, %swap3A_90] : memref<512x128xf32, #tpu.memory_space<vmem>>, vector<512x128xf32>
    tpu.vector_store %arg13[%swap3A, %swap3A_90], %add3A_89 {strides = array<i32>} : memref<512x128xf32, #tpu.memory_space<vmem>>, vector<512x128xf32>,
    return
  }
  func.func @transform_0(%arg0: i32) -> (i32, i32, i32) {
    %add3A = arith.constant 0 : i32
    %add3A_0 = arith.addi %arg0, %add3A : i32
    %c0_i32 = arith.constant 0 : i32
    %c0_i32_1 = arith.constant 0 : i32
    %c0_i32_2 = arith.constant 0 : i32
    return %c0_i32, %c0_i32_1, %add3A_0 : i32, i32, i32
  }
  func.func @transform_1(%arg0: i32) -> (i32, i32) {
    %add3A = arith.constant 0 : i32
    %add3A_0 = arith.addi %arg0, %add3A : i32
    %c0_i32 = arith.constant 0 : i32
    %c0_i32_1 = arith.constant 0 : i32
    return %c0_i32, %add3A_0 : i32, i32
  }
  func.func @transform_2(%arg0: i32) -> (i32, i32) {
    %add3A = arith.constant 0 : i32
    %add3A_0 = arith.addi %arg0, %add3A : i32
    %c0_i32 = arith.constant 0 : i32
    %c0_i32_1 = arith.constant 0 : i32
    return %c0_i32, %add3A_0 : i32, i32
  }
  func.func @transform_3(%arg0: i32) -> (i32, i32, i32) {
    %c0_i32 = arith.constant 0 : i32
    %c0_i32_0 = arith.constant 0 : i32
    %c0_i32_1 = arith.constant 0 : i32
    return %c0_i32, %arg0, %c0_i32_0 : i32, i32, i32
  }
  func.func @transform_4(%arg0: i32) -> (i32, i32) {
    %c0_i32 = arith.constant 0 : i32
    %c0_i32_0 = arith.constant 0 : i32
    %c0_i32_1 = arith.constant 0 : i32
    return %c0_i32, %c0_i32_0 : i32, i32
  }
  func.func @transform_5(%arg0: i32) -> (i32, i32) {
    %c0_i32 = arith.constant 0 : i32
    %c0_i32_0 = arith.constant 0 : i32
    %c0_i32_1 = arith.constant 0 : i32
    return %c0_i32, %c0_i32_0 : i32, i32
  }
  func.func @transform_6(%arg0: i32) -> (i32, i32) {
    %c0_i32 = arith.constant 0 : i32
    %c0_i32_0 = arith.constant 0 : i32
    %c0_i32_1 = arith.constant 0 : i32
    return %c0_i32, %c0_i32_0 : i32, i32
  }
  func.func @transform_7(%arg0: i32) -> (i32, i32) {
    %c0_i32 = arith.constant 0 : i32
    %c0_i32_0 = arith.constant 0 : i32
    %c0_i32_1 = arith.constant 0 : i32
    return %c0_i32, %c0_i32_0 : i32, i32
  }
  func.func @transform_8(%arg0: i32) -> (i32, i32) {
    %c0_i32 = arith.constant 0 : i32
    %c0_i32_0 = arith.constant 0 : i32
    %c0_i32_1 = arith.constant 0 : i32
    return %c0_i32, %c0_i32_0 : i32, i32
  }
  func.func @transform_9(%arg0: i32) -> (i32, i32) {
    %c0_i32 = arith.constant 0 : i32
    %c0_i32_0 = arith.constant 0 : i32
    %c0_i32_1 = arith.constant 0 : i32
    return %c0_i32, %c0_i32_0 : i32, i32
  }
  func.func @transform_10(%arg0: i32) -> (i32, i32) {
    %c0_i32 = arith.constant 0 : i32
    %c0_i32_0 = arith.constant 0 : i32
    %c0_i32_1 = arith.constant 0 : i32
    return %c0_i32, %c0_i32_0 : i32, i32
  }
  func.func @transform_11(%arg0: i32) -> (i32, i32) {
    %c0_i32 = arith.constant 0 : i32
    %c0_i32_0 = arith.constant 0 : i32
    %c0_i32_1 = arith.constant 0 : i32
    return %c0_i32, %c0_i32_0 : i32, i32
  }
  func.func @transform_12(%arg0: i32) -> (i32, i32) {
    %c0_i32 = arith.constant 0 : i32
    %c0_i32_0 = arith.constant 0 : i32
    return %arg0, %c0_i32 : i32, i32
  }
}

</mosaic_0001>

<sc_bundles>
// kernel: kernel.13.cloned.1.call-start
scs
__scs_entry_jumppad:
0x0: {  	(pc) =	sbr.rel $0x88, $3  }
0x1: {  	(tag) =	ssettag $0x0;
	lr =	simm.s32 $0x1  }
0x2: {  	[smem:$0x3F93] =	sst lr;
	_ =	strace $0xD0000000  }
0x3: {  	_ = 	snop  }
0x4: {  	_ = 	snop  }
0x5: {  	_ = 	snop  }
0x6: {  	_ = 	snop  }
0x7: {  	_ = 	snop  }
__scs_overlays_trampoline_lowered:
0x8: {  	[smem:$0x3FA2] =	sst s0  }
0x9: {  	[smem:$0x3FA3] =	sst s1  }
0xa: {  	[smem:$0x3FA4] =	sst s2  }
0xb: {  	[smem:$0x3FA5] =	sst s3  }
0xc: {  	[smem:$0x3FA6] =	sst s4  }
0xd: {  	[smem:$0x3FA7] =	sst s5  }
0xe: {  	[smem:$0x3FA8] =	sst s6  }
0xf: {  	[smem:$0x3FA9] =	sst s7  }
0x10: {  	[smem:$0x3FAA] =	sst s8  }
0x11: {  	[smem:$0x3FAB] =	sst s9;
	s0 =	simm.s32 @!p0 $0x0  }
0x12: {  	s1 =	sld [smem:$0x3F91];
	s0 =	simm.s32 @p0 $0x1  }
0x13: {  	[smem:$0x3FAC] =	sst s0;
	s0 =	simm.s32 @!p1 $0x0  }
0x14: {  	s2 =	sld [smem:$0x3F90];
	s0 =	simm.s32 @p1 $0x1  }
0x15: {  	[smem:$0x3FAD] =	sst s0;
	s0 =	simm.s32 @!p2 $0x0  }
0x16: {  	s3 =	sld [smem:$0x3FDB];
	s0 =	simm.s32 @p2 $0x1  }
0x17: {  	s4 =	simm.s32 $0x1BF5;
	[smem:$0x3FAF] =	sst s0  }
0x18: {  	s0 =	sld [smem:$0x3F92];
	_ =	swait.ge [sflag:s4], $0x0  }
0x19: {  	s7 =	sld [smem:$0x3F93]  }
0x1a: {  	s8 =	sadd.s32 $0xFFFFE003, lr  }
0x1b: {  	s9 =	sadd.s32 $0xFFFFFEF7, lr;
	s5 =	simm.s32 $0xFFFFFFFF;
	p2 =	slt.u32 s8, $0xFFFFF086  }
0x1c: {  	p1 =	slt.u32 s9, $0xF7A;
	s5 =	simm.s32 @!p2 $0x0  }
0x1d: {  	s5 =	simm.s32 @p1 $0x1;
	p0 =	seq.s32 s7, s2  }
0x1e: {  	s7 =	smul.u32 @!p0 $0xF7A, s2;
	p2 =	seq.s32 @!p0 s5, $0x0  }
0x1f: {  	s9 =	smul.u32 $0xF7A, s1;
	s8 =	simm.s32 @!p0 $0x1BF5;
	p2 =	por !p2, p0  }
0x20: {  	[sflag:s8] =	ssyncset.s32 @!p0 $0xFFFFF086;
	s6 =	sadd.s32 @!p0 s3, s7;
	s7 =	simm.s32 @!p0 $0x108  }
0x21: {  	s3 =	sadd.s32 s3, s9;
	s6 =	sadd.s32 @!p0 $0x88, s6;
	s7 =	simm.s32 @p2 $0x1082  }
0x22: {  	[simem:s7], [sflag:s8] =	dma.local @!p0 [hbm:s6], $0xF7A  }
0x23: {  	s9 =	sor.u32 $0xD0000000, s2;
	s6 =	simm.s32 $0x108;
	_ =	swait.ge @!p0 [sflag:s8], $0x0  }
0x24: {  	s3 =	sadd.s32 $0x88, s3;
	s6 =	simm.s32 @!p1 $0x1082;
	[sflag:s4] =	ssyncset.s32 $0xFFFFF086  }
0x25: {  	[simem:s6], [sflag:s4] =	dma.local [hbm:s3], $0xF7A  }
0x26: {  	[smem:$0x3F93] =	sst s1;
	(tag) =	ssettag s2;
	_ =	strace s9  }
0x27: {  	s1 =	sld [smem:$0x3FA3]  }
0x28: {  	s2 =	sld [smem:$0x3FA4]  }
0x29: {  	s4 =	sld [smem:$0x3FA6]  }
0x2a: {  	p0 =	seq.s32 s5, $0x0;
	s5 =	sld [smem:$0x3FA7]  }
0x2b: {  	s6 =	sld [smem:$0x3FA8]  }
0x2c: {  	s7 =	sld [smem:$0x3FA9]  }
0x2d: {  	s3 =	simm.s32 $0x108;
	s8 =	sld [smem:$0x3FAA]  }
0x2e: {  	s3 =	simm.s32 @!p0 $0x1082;
	s9 =	sld [smem:$0x3FAB]  }
0x2f: {  	lr =	sadd.s32 s0, s3;
	s0 =	sld [smem:$0x3FA2]  }
0x30: {  	s3 =	sld [smem:$0x3FA5]  }
0x31: {  	[smem:$0x3FAE] =	sst s10  }
0x32: {  	s10 =	sld [smem:$0x3FAC];
	_ =	sdelay $0x3  }
0x33: {  	p0 =	seq.s32 s10, $0x1;
	s10 =	sld [smem:$0x3FAE];
	_ =	sdelay $0x3  }
0x34: {  	[smem:$0x3FAE] =	sst s10  }
0x35: {  	s10 =	sld [smem:$0x3FAD];
	_ =	sdelay $0x3  }
0x36: {  	p1 =	seq.s32 s10, $0x1;
	s10 =	sld [smem:$0x3FAE];
	_ =	sdelay $0x3  }
0x37: {  	[smem:$0x3FAE] =	sst s10  }
0x38: {  	s10 =	sld [smem:$0x3FAF]  }
0x39: {  	_ = 	snop;
	(pc) =	sbr.ind lr, $3  }
0x3a: {  	_ = 	snop  }
0x3b: {  	_ = 	snop  }
0x3c: {  	p2 =	seq.s32 s10, $0x1;
	s10 =	sld [smem:$0x3FAE]  }
0x3d: {  	_ =	shalt  }
0x3e: {  	_ =	shalt  }
0x3f: {  	_ =	shalt  }
0x40: {  	_ =	shalt  }
0x41: {  	_ =	shalt  }
0x42: {  	_ =	shalt  }
0x43: {  	_ =	shalt  }
0x44: {  	_ =	shalt  }
0x45: {  	_ =	shalt  }
0x46: {  	_ =	shalt  }
0x47: {  	_ =	shalt  }
0x48: {  	_ =	shalt  }
0x49: {  	_ =	shalt  }
0x4a: {  	_ =	shalt  }
0x4b: {  	_ =	shalt  }
0x4c: {  	_ =	shalt  }
0x4d: {  	_ =	shalt  }
0x4e: {  	_ =	shalt  }
0x4f: {  	_ =	shalt  }
0x50: {  	_ =	shalt  }
0x51: {  	_ =	shalt  }
0x52: {  	_ =	shalt  }
0x53: {  	_ =	shalt  }
0x54: {  	_ =	shalt  }
0x55: {  	_ =	shalt  }
0x56: {  	_ =	shalt  }
0x57: {  	_ =	shalt  }
0x58: {  	_ =	shalt  }
0x59: {  	_ =	shalt  }
0x5a: {  	_ =	shalt  }
0x5b: {  	_ =	shalt  }
0x5c: {  	_ =	shalt  }
0x5d: {  	_ =	shalt  }
0x5e: {  	_ =	shalt  }
0x5f: {  	_ =	shalt  }
0x60: {  	_ =	shalt  }
0x61: {  	_ =	shalt  }
0x62: {  	_ =	shalt  }
0x63: {  	_ =	shalt  }
0x64: {  	_ =	shalt  }
0x65: {  	_ =	shalt  }
0x66: {  	_ =	shalt  }
0x67: {  	_ =	shalt  }
0x68: {  	_ =	shalt  }
0x69: {  	_ =	shalt  }
0x6a: {  	_ =	shalt  }
0x6b: {  	_ =	shalt  }
0x6c: {  	_ =	shalt  }
0x6d: {  	_ =	shalt  }
0x6e: {  	_ =	shalt  }
0x6f: {  	_ =	shalt  }
0x70: {  	_ =	shalt  }
0x71: {  	_ =	shalt  }
0x72: {  	_ =	shalt  }
0x73: {  	_ =	shalt  }
0x74: {  	_ =	shalt  }
0x75: {  	_ =	shalt  }
0x76: {  	_ =	shalt  }
0x77: {  	_ =	shalt  }
0x78: {  	_ =	shalt  }
0x79: {  	_ =	shalt  }
0x7a: {  	_ =	shalt  }
0x7b: {  	_ =	shalt  }
0x7c: {  	_ =	shalt  }
0x7d: {  	_ =	shalt  }
0x7e: {  	_ =	shalt  }
0x7f: {  	_ =	shalt  }
0x80: {  	_ =	shalt  }
0x81: {  	_ =	shalt  }
0x82: {  	_ =	shalt  }
0x83: {  	_ =	shalt  }
0x84: {  	_ =	shalt  }
0x85: {  	_ =	shalt  }
0x86: {  	_ =	shalt  }
0x87: {  	_ =	shalt  }
.Lfunc_end0:
.L_simem_size_0:
called_computation_lowered:
.L_overlay_start_0:
0x88: {  	s2 =	sld [smem:$0x3FD9]  }
0x89: {  	s3 =	sld [smem:$0x3FFE];
	_ =	sdelay $0x1  }
0x8a: {  	s1 =	srdreg.scid  }
0x8b: {  	s0 =	sand.u32 $0x1, s1  }
0x8c: {  	s17 =	sshll.u32 s0, $0xA;
	s2 =	sadd.s32 s3, s2  }
0x8d: {  	s2 =	sadd.s32 s2, s17  }
0x8e: {  	[smem:$0x3FBA] =	sst s2  }
0x8f: {  	_ = 	snop  }
0x90: {  	s18 =	sld [smem:$0x3FD0];
	(tm) =	ssettm $0x1  }
0x91: {  	s19 =	sld [smem:$0x3FFB];
	_ =	sdelay $0x3  }
0x92: {  	_ =	strace s19  }
0x93: {  	s2 =	sld [smem:$0x3FFC];
	_ =	sdelay $0x3  }
0x94: {  	_ =	strace s2  }
0x95: {  	s2 =	sld [smem:$0x3FFD];
	_ =	sdelay $0x3  }
0x96: {  	_ =	strace s2  }
0x97: {  	_ =	strace $0x8FFFFFFF  }
0x98: {  	s20 =	sld [smem:$0x3FDB];
	_ =	sdelay $0x1  }
0x99: {  	s4 =	simm.s32 $_scs_section_size  }
0x9a: {  	s5 =	simm.s32 $_size__tile_overlayer_lowered;
	s6 =	simm.s32 $_tile_overlayer_lowered  }
0x9b: {  	s7 =	simm.s32 $0x1BFF;
	s21 =	sshll.u32 s6, $0x1;
	s4 =	sadd.s32 s4, s20  }
0x9c: {  	s22 =	simm.s32 $0x0;
	s5 =	sshll.u32 s5, $0x1;
	s6 =	sadd.s32 s21, s4  }
0x9d: {  	[timem:s22], [sflag:s7] =	dma.local [hbm:s6], s5  }
0x9e: {  	_ =	swait.ge [sflag:s7], s5  }
0x9f: {  	s5 =	ssub.s32 $0x0, s5;
	[sflag:s7] =	ssyncset.done $0x0  }
0xa0: {  	[sflag:s7] =	ssyncadd.s32 s5;
	_ =	sdelay $0x1  }
0xa1: {  	s23 =	simm.s32 $0x1B8B  }
0xa2: {  	_ =	swait.ge [sflag:s23], $0x1  }
0xa3: {  	[sflag:s23] =	ssyncset.done $0x0  }
0xa4: {  	[sflag:s23] =	ssyncadd.s32 $0xFFFFFFFF  }
0xa5: {  	s5 =	sld [smem:$0x0]  }
0xa6: {  	s6 =	sand.u32 $0xFFFFFFFE, s1  }
0xa7: {  	p0 =	sne.s32 s1, s6  }
0xa8: {  	s6 =	sshll.u32 @p0 s6, $0xE  }
0xa9: {  	s6 =	sadd.s32 @p0 $0x11B8D, s6;
	s7 =	sshll.u32 @p0 s5, $0x11  }
0xaa: {  	s6 =	sor.u32 @p0 s7, s6  }
0xab: {  	[sflag:s6] =	ssyncadd.remote.s32 @p0 $0x1;
	_ =	sdelay $0x1  }
0xac: {  	s6 =	simm.s32 @p0 $0x1B8D  }
0xad: {  	_ =	swait.eq @p0 [sflag:s6], $0x1  }
0xae: {  	[sflag:s6] =	ssyncadd.s32 @p0 $0xFFFFFFFF  }
0xaf: {  	s7 =	sshll.u32 @!p0 s1, $0xE  }
0xb0: {  	s7 =	sor.u32 @!p0 $0x4000, s7;
	s6 =	simm.s32 @!p0 $0x1B8D  }
0xb1: {  	s5 =	sshll.u32 @!p0 s5, $0x11;
	s7 =	sadd.s32 @!p0 $0x11B8D, s7;
	_ =	swait.eq @!p0 [sflag:s6], $0x1  }
0xb2: {  	s5 =	sor.u32 @!p0 s5, s7;
	[sflag:s6] =	ssyncadd.s32 @!p0 $0xFFFFFFFF  }
0xb3: {  	s25 =	simm.s32 $0x1B8E;
	s24 =	sld [smem:$0x3FFE];
	[sflag:s5] =	ssyncadd.remote.s32 @!p0 $0x1  }
0xb4: {  	s26 =	simm.s32 $execute0_lowered;
	[smem:$0x3FD2] =	sst s25  }
0xb5: {  	s6 =	sshll.u32 s26, $0x1;
	_ =	strace $0x80000052;
	[dreg:$0x1] =	wrdreg $0xFFFFFFFF  }
0xb6: {  	s28 =	simm.s32 $_size_execute0_lowered;
	s4 =	sadd.s32 s4, s6;
	[dreg:$0x0] =	wrdreg $0x0  }
0xb7: {  	s6 =	sshll.u32 s28, $0x1;
	[dreg:$0x2] =	wrdreg s4  }
0xb8: {  	[dreg:$0x3] =	wrdreg s6  }
0xb9: {  	[dreg:$0x4] =	wrdreg $0xC0  }
0xba: {  	_ =	task [dreg:s22], $0x5FFFF  }
0xbb: {  	[dreg:$0x1] =	wrdreg $0xFFFFFFFF  }
0xbc: {  	[dreg:$0x0] =	wrdreg $0x60  }
0xbd: {  	[dreg:$0x2] =	wrdreg s18  }
0xbe: {  	[dreg:$0x3] =	wrdreg s24  }
0xbf: {  	[dreg:$0x4] =	wrdreg $0x9  }
0xc0: {  	_ =	task.clear_ibuf [dreg:s22], $0x5FFFF;
	_ =	strace $0x90000052  }
0xc1: {  	s29 =	simm.s32 $0x9;
	_ =	strace $0x80000054  }
0xc2: {  	_ =	swait.ge [sflag:s29], $0x1  }
0xc3: {  	[sflag:s29] =	ssyncadd.s32 $0xFFFFFFFF  }
0xc4: {  	_ =	strace $0x90000054  }
0xc5: {  	_ =	sfence  }
0xc6: {  	s30 =	sld [smem:$0x0];
	_ =	sdelay $0x2  }
0xc7: {  	s31 =	sshll.u32 s1, $0xD;
	s1 =	sshrl.u32 s1, $0x2  }
0xc8: {  	s4 =	sand.u32 $0x4000, s31;
	s1 =	sadd.s32 s1, s30  }
0xc9: {  	s0 =	sor.u32 s4, s0;
	s1 =	sshll.u32 s1, $0x11  }
0xca: {  	s0 =	sor.u32 s1, s0  }
0xcb: {  	s0 =	sadd.s32 $0x8F2B, s0  }
0xcc: {  	[sflag:s0] =	ssyncadd.remote.s32 $0x1  }
0xcd: {  	_ =	sfence.sel $0xFFFF  }
0xce: {  	[dreg:$0x0] =	wrdreg $0xFFFFFFFF;
	(pc) =	sbr.abs _section_cstart, $3  }
0xcf: {  	[dreg:$0x1] =	wrdreg $0xFFFFFFFF  }
0xd0: {  	_ =	task.clear_ibuf [dreg:s22], $0x2FFFF;
	_ =	strace $0x9FFFFFFF  }
0xd1: {  	(tm) =	ssettm $0x7FFFFFFF  }
tec
execute0_lowered:
.L_overlay_start_1:
0x0: {  	(tag) =	ssettag $0x1  }
0x1: {  	s0 =	srdreg.scid;
	s2 =	rddreg [dreg:$0x0]  }
0x2: {  	s1 =	stileid.u32;
	s4 =	rddreg [dreg:$0x1];
	s6 =	simm.s32 $0x80  }
0x3: {  	s11 =	simm.s32 $0x4800;
	s28 =	simm.s32 $0x100;
	s12 =	simm.s32 $0x8800  }
0x4: {  	s29 =	simm.s32 $0x180;
	s9 =	simm.s32 $0xC800;
	s30 =	simm.s32 $0x200  }
0x5: {  	s16 =	simm.s32 $0x10800;
	s31 =	simm.s32 $0x280;
	s17 =	simm.s32 $0x14800  }
0x6: {  	s7 =	simm.s32 $0x1;
	s15 =	simm.s32 $0x2;
	s21 =	simm.s32 $0x480  }
0x7: {  	p0 =	por $0x0, $0x0;
	s18 =	simm.s32 $0x600;
	s19 =	simm.s32 $0x680  }
0x8: {  	s20 =	simm.s32 $0x700;
	s13 =	simm.s32 $0x780;
	s0 =	sand.u32 $0x1, s0  }
0x9: {  	s1 =	sshll.u32 s1, $0xC;
	s3 =	sshll.u32 s0, $0xB;
	s0 =	ssub.s32 $0x2, s0  }
0xa: {  	s1 =	sor.u32 s3, s1;
	s3 =	simm.s32 $0x0;
	s24 =	sshrl.u32 s0, $0x1  }
0xb: {  	s5 =	sshrl.u32 s1, $0x3;
	[smem:$0x7FF] =	sst s3;
	s1 =	sshll.u32 s1, $0x4  }
0xc: {  	s0 =	ssub.s32 s0, s24;
	s24 =	simm.s32 $0x300;
	s5 =	sadd.s32 s5, s4  }
0xd: {  	_ =	strace $0x80000053;
	s1 =	sadd.s32 s1, s4;
	s0 =	smax.u32 s0, $0x1  }
0xe: {  	s4 =	simm.s32 $0x3;
	s22 =	sadd.s32 $0x3400, s5;
	s23 =	sadd.s32 $0x413400, s1  }
0xf: {  	s25 =	sadd.s32 $0x414C00, s1;
	s26 =	sadd.s32 $0x40D400, s1;
	p1 =	sne.s32 s0, $0x1  }
.Ltmp0:
0x10: {  	s14 =	sadd.s32 $0x40EC00, s1;
	[dreg:$0x3] =	wrdreg s22;
	(pc) =	sbr.rel @!p1 .LBB2_3-.Ltmp0, $4  }
0x11: {  	s10 =	sadd.s32 $0x410400, s1;
	s8 =	sadd.s32 $0x411C00, s1;
	[dreg:$0x4] =	wrdreg s23  }
0x12: {  	s5 =	simm.s32 $0x800;
	s1 =	sadd.s32 $0xFFFFFFFF, s0;
	[dreg:$0x5] =	wrdreg s25  }
0x13: {  	[dreg:$0x6] =	wrdreg s26;
	s25 =	simm.s32 $0x380;
	s26 =	simm.s32 $0x400  }
0x14: {  	s22 =	simm.s32 $0x500;
	s23 =	simm.s32 $0x580;
	s0 =	rddreg [dreg:$0x3]  }
0x15: {  	[tilespmem:s3], [sflag:$0x3] =	stream.linear.gather [hbm4b:s0+s3], $0x800, $0x38;
	[tilespmem:$0x18800] =	vst v63  }
0x16: {  	_ =	swait.ge [sflag:s4], $0x800  }
0x17: {  	[sflag:s4] =	ssyncset.done $0x0  }
0x18: {  	[sflag:s4] =	ssyncadd.s32 $0xFFFFF800  }
0x19: {  	[tilespmem:s5], [sflag:$0x1] =	stream.indirect.gather [hbm4b:s2+s6], $0x80, s3, s6, $0xb8;
	[tilespmem:$0x18800] =	vst v63  }
0x1a: {  	_ = 	snop  }
0x1b: {  	[tilespmem:s11], [sflag:$0x1] =	stream.indirect.gather [hbm4b:s2+s6], $0x80, s6, s6, $0xb8;
	[tilespmem:$0x18800] =	vst v63  }
0x1c: {  	_ = 	snop  }
0x1d: {  	[tilespmem:s12], [sflag:$0x1] =	stream.indirect.gather [hbm4b:s2+s6], $0x80, s28, s6, $0xb8;
	[tilespmem:$0x18800] =	vst v63  }
0x1e: {  	_ = 	snop  }
0x1f: {  	[tilespmem:s9], [sflag:$0x2] =	stream.indirect.gather [hbm4b:s2+s6], $0x80, s29, s6, $0xb8;
	[tilespmem:$0x18800] =	vst v63  }
0x20: {  	_ = 	snop  }
0x21: {  	[tilespmem:s16], [sflag:$0x2] =	stream.indirect.gather [hbm4b:s2+s6], $0x80, s30, s6, $0xb8;
	[tilespmem:$0x18800] =	vst v63  }
0x22: {  	_ = 	snop  }
0x23: {  	[tilespmem:s17], [sflag:$0x2] =	stream.indirect.gather [hbm4b:s2+s6], $0x80, s31, s6, $0xb8;
	[tilespmem:$0x18800] =	vst v63  }
0x24: {  	_ =	swait.ge [sflag:s7], $0xC000  }
0x25: {  	[sflag:s7] =	ssyncset.done $0x0  }
0x26: {  	s0 =	rddreg [dreg:$0x6];
	[sflag:s7] =	ssyncadd.s32 $0xFFFF4000  }
0x27: {  	[hbm4b:s0+s3] =	stream.linear.scatter [tilespmem:s5], [sflag:$0x3], $0xC000, $0x38;
	[tilespmem:$0x18800] =	vst v63  }
0x28: {  	_ =	swait.ge [sflag:s4], $0xC000  }
0x29: {  	[sflag:s4] =	ssyncset.done $0x0  }
0x2a: {  	[sflag:s4] =	ssyncadd.s32 $0xFFFF4000  }
0x2b: {  	[tilespmem:s5], [sflag:$0x1] =	stream.indirect.gather [hbm4b:s2+s6], $0x80, s24, s6, $0xb8;
	[tilespmem:$0x18800] =	vst v63  }
0x2c: {  	_ = 	snop  }
0x2d: {  	[tilespmem:s11], [sflag:$0x1] =	stream.indirect.gather [hbm4b:s2+s6], $0x80, s25, s6, $0xb8;
	[tilespmem:$0x18800] =	vst v63  }
0x2e: {  	_ = 	snop  }
0x2f: {  	[tilespmem:s12], [sflag:$0x1] =	stream.indirect.gather [hbm4b:s2+s6], $0x80, s26, s6, $0xb8;
	[tilespmem:$0x18800] =	vst v63  }
0x30: {  	_ =	swait.ge [sflag:s15], $0xC000  }
0x31: {  	[sflag:s15] =	ssyncset.done $0x0  }
0x32: {  	[sflag:s15] =	ssyncadd.s32 $0xFFFF4000  }
0x33: {  	[hbm4b:s14+s3] =	stream.linear.scatter [tilespmem:s9], [sflag:$0x3], $0xC000, $0x38;
	[tilespmem:$0x18800] =	vst v63  }
0x34: {  	_ =	swait.ge [sflag:s4], $0xC000  }
0x35: {  	[sflag:s4] =	ssyncset.done $0x0  }
0x36: {  	[sflag:s4] =	ssyncadd.s32 $0xFFFF4000  }
0x37: {  	[tilespmem:s9], [sflag:$0x2] =	stream.indirect.gather [hbm4b:s2+s6], $0x80, s21, s6, $0xb8;
	[tilespmem:$0x18800] =	vst v63  }
0x38: {  	_ = 	snop  }
0x39: {  	[tilespmem:s16], [sflag:$0x2] =	stream.indirect.gather [hbm4b:s2+s6], $0x80, s22, s6, $0xb8;
	[tilespmem:$0x18800] =	vst v63  }
0x3a: {  	_ = 	snop  }
0x3b: {  	[tilespmem:s17], [sflag:$0x2] =	stream.indirect.gather [hbm4b:s2+s6], $0x80, s23, s6, $0xb8;
	[tilespmem:$0x18800] =	vst v63  }
0x3c: {  	_ =	swait.ge [sflag:s7], $0xC000  }
0x3d: {  	[sflag:s7] =	ssyncset.done $0x0  }
0x3e: {  	[sflag:s7] =	ssyncadd.s32 $0xFFFF4000  }
0x3f: {  	[hbm4b:s10+s3] =	stream.linear.scatter [tilespmem:s5], [sflag:$0x3], $0xC000, $0x38;
	[tilespmem:$0x18800] =	vst v63  }
0x40: {  	_ =	swait.ge [sflag:s4], $0xC000  }
0x41: {  	[sflag:s4] =	ssyncset.done $0x0  }
0x42: {  	[sflag:s4] =	ssyncadd.s32 $0xFFFF4000  }
0x43: {  	[tilespmem:s5], [sflag:$0x1] =	stream.indirect.gather [hbm4b:s2+s6], $0x80, s18, s6, $0xb8;
	[tilespmem:$0x18800] =	vst v63  }
0x44: {  	_ = 	snop  }
0x45: {  	[tilespmem:s11], [sflag:$0x1] =	stream.indirect.gather [hbm4b:s2+s6], $0x80, s19, s6, $0xb8;
	[tilespmem:$0x18800] =	vst v63  }
0x46: {  	_ = 	snop  }
0x47: {  	[tilespmem:s12], [sflag:$0x1] =	stream.indirect.gather [hbm4b:s2+s6], $0x80, s20, s6, $0xb8;
	[tilespmem:$0x18800] =	vst v63  }
0x48: {  	_ =	swait.ge [sflag:s15], $0xC000  }
0x49: {  	[sflag:s15] =	ssyncset.done $0x0  }
0x4a: {  	[sflag:s15] =	ssyncadd.s32 $0xFFFF4000  }
0x4b: {  	[hbm4b:s8+s3] =	stream.linear.scatter [tilespmem:s9], [sflag:$0x3], $0xC000, $0x38;
	[tilespmem:$0x18800] =	vst v63  }
0x4c: {  	_ =	swait.ge [sflag:s4], $0xC000  }
0x4d: {  	[sflag:s4] =	ssyncset.done $0x0  }
0x4e: {  	[sflag:s4] =	ssyncadd.s32 $0xFFFF4000  }
0x4f: {  	_ =	swait.ge [sflag:s7], $0xC000  }
0x50: {  	[sflag:s7] =	ssyncset.done $0x0  }
0x51: {  	s0 =	rddreg [dreg:$0x4];
	[sflag:s7] =	ssyncadd.s32 $0xFFFF4000  }
0x52: {  	[hbm4b:s0+s3] =	stream.linear.scatter [tilespmem:s5], [sflag:$0x3], $0xC000, $0x38;
	[tilespmem:$0x18800] =	vst v63  }
0x53: {  	_ =	swait.ge [sflag:s4], $0xC000  }
0x54: {  	[sflag:s4] =	ssyncset.done $0x0  }
0x55: {  	[sflag:s4] =	ssyncadd.s32 $0xFFFF4000  }
0x56: {  	[tilespmem:s5], [sflag:$0x1] =	stream.indirect.gather [hbm4b:s2+s6], $0x80, s13, s6, $0xb8;
	[tilespmem:$0x18800] =	vst v63  }
0x57: {  	p1 =	sne.s32 s1, $0x1;
	_ =	swait.ge [sflag:s7], $0x4000  }
.Ltmp1:
0x58: {  	[sflag:s7] =	ssyncset.done $0x0;
	(pc) =	sbr.rel @!p1 .LBB2_3-.Ltmp1, $4  }
0x59: {  	s0 =	rddreg [dreg:$0x5];
	[sflag:s7] =	ssyncadd.s32 $0xFFFFC000  }
0x5a: {  	[hbm4b:s0+s3] =	stream.linear.scatter [tilespmem:s5], [sflag:$0x3], $0x4000, $0x38;
	[tilespmem:$0x18800] =	vst v63  }
0x5b: {  	s1 =	sadd.s32 $0xFFFFFFFF, s1;
	_ =	swait.ge [sflag:s4], $0x4000  }
0x5c: {  	p0 =	por $0x1, $0x1;
	s0 =	rddreg [dreg:$0x3];
	[sflag:s4] =	ssyncset.done $0x0  }
.LBB2_2:
0x5d: {  	[sflag:s4] =	ssyncadd.s32 $0xFFFFC000  }
0x5e: {  	[tilespmem:s3], [sflag:$0x3] =	stream.linear.gather [hbm4b:s0+s3], $0x800, $0x38;
	[tilespmem:$0x18800] =	vst v63  }
0x5f: {  	_ =	swait.ge [sflag:s4], $0x800  }
0x60: {  	[sflag:s4] =	ssyncset.done $0x0  }
0x61: {  	[sflag:s4] =	ssyncadd.s32 $0xFFFFF800  }
0x62: {  	[tilespmem:s5], [sflag:$0x1] =	stream.indirect.gather [hbm4b:s2+s6], $0x80, s3, s6, $0xb8;
	[tilespmem:$0x18800] =	vst v63  }
0x63: {  	_ = 	snop  }
0x64: {  	[tilespmem:s11], [sflag:$0x1] =	stream.indirect.gather [hbm4b:s2+s6], $0x80, s6, s6, $0xb8;
	[tilespmem:$0x18800] =	vst v63  }
0x65: {  	_ = 	snop  }
0x66: {  	[tilespmem:s12], [sflag:$0x1] =	stream.indirect.gather [hbm4b:s2+s6], $0x80, s28, s6, $0xb8;
	[tilespmem:$0x18800] =	vst v63  }
0x67: {  	_ = 	snop  }
0x68: {  	[tilespmem:s9], [sflag:$0x2] =	stream.indirect.gather [hbm4b:s2+s6], $0x80, s29, s6, $0xb8;
	[tilespmem:$0x18800] =	vst v63  }
0x69: {  	_ = 	snop  }
0x6a: {  	[tilespmem:s16], [sflag:$0x2] =	stream.indirect.gather [hbm4b:s2+s6], $0x80, s30, s6, $0xb8;
	[tilespmem:$0x18800] =	vst v63  }
0x6b: {  	_ = 	snop  }
0x6c: {  	[tilespmem:s17], [sflag:$0x2] =	stream.indirect.gather [hbm4b:s2+s6], $0x80, s31, s6, $0xb8;
	[tilespmem:$0x18800] =	vst v63  }
0x6d: {  	_ =	swait.ge [sflag:s7], $0xC000  }
0x6e: {  	[sflag:s7] =	ssyncset.done $0x0  }
0x6f: {  	s0 =	rddreg [dreg:$0x6];
	[sflag:s7] =	ssyncadd.s32 $0xFFFF4000  }
0x70: {  	[hbm4b:s0+s3] =	stream.linear.scatter [tilespmem:s5], [sflag:$0x3], $0xC000, $0x38;
	[tilespmem:$0x18800] =	vst v63  }
0x71: {  	_ =	swait.ge [sflag:s4], $0xC000  }
0x72: {  	[sflag:s4] =	ssyncset.done $0x0  }
0x73: {  	[sflag:s4] =	ssyncadd.s32 $0xFFFF4000  }
0x74: {  	[tilespmem:s5], [sflag:$0x1] =	stream.indirect.gather [hbm4b:s2+s6], $0x80, s24, s6, $0xb8;
	[tilespmem:$0x18800] =	vst v63  }
0x75: {  	_ = 	snop  }
0x76: {  	[tilespmem:s11], [sflag:$0x1] =	stream.indirect.gather [hbm4b:s2+s6], $0x80, s25, s6, $0xb8;
	[tilespmem:$0x18800] =	vst v63  }
0x77: {  	_ = 	snop  }
0x78: {  	[tilespmem:s12], [sflag:$0x1] =	stream.indirect.gather [hbm4b:s2+s6], $0x80, s26, s6, $0xb8;
	[tilespmem:$0x18800] =	vst v63  }
0x79: {  	_ =	swait.ge [sflag:s15], $0xC000  }
0x7a: {  	[sflag:s15] =	ssyncset.done $0x0  }
0x7b: {  	[sflag:s15] =	ssyncadd.s32 $0xFFFF4000  }
0x7c: {  	[hbm4b:s14+s3] =	stream.linear.scatter [tilespmem:s9], [sflag:$0x3], $0xC000, $0x38;
	[tilespmem:$0x18800] =	vst v63  }
0x7d: {  	_ =	swait.ge [sflag:s4], $0xC000  }
0x7e: {  	[sflag:s4] =	ssyncset.done $0x0  }
0x7f: {  	[sflag:s4] =	ssyncadd.s32 $0xFFFF4000  }
0x80: {  	[tilespmem:s9], [sflag:$0x2] =	stream.indirect.gather [hbm4b:s2+s6], $0x80, s21, s6, $0xb8;
	[tilespmem:$0x18800] =	vst v63  }
0x81: {  	_ = 	snop  }
0x82: {  	[tilespmem:s16], [sflag:$0x2] =	stream.indirect.gather [hbm4b:s2+s6], $0x80, s22, s6, $0xb8;
	[tilespmem:$0x18800] =	vst v63  }
0x83: {  	_ = 	snop  }
0x84: {  	[tilespmem:s17], [sflag:$0x2] =	stream.indirect.gather [hbm4b:s2+s6], $0x80, s23, s6, $0xb8;
	[tilespmem:$0x18800] =	vst v63  }
0x85: {  	_ =	swait.ge [sflag:s7], $0xC000  }
0x86: {  	[sflag:s7] =	ssyncset.done $0x0  }
0x87: {  	[sflag:s7] =	ssyncadd.s32 $0xFFFF4000  }
0x88: {  	[hbm4b:s10+s3] =	stream.linear.scatter [tilespmem:s5], [sflag:$0x3], $0xC000, $0x38;
	[tilespmem:$0x18800] =	vst v63  }
0x89: {  	_ =	swait.ge [sflag:s4], $0xC000  }
0x8a: {  	[sflag:s4] =	ssyncset.done $0x0  }
0x8b: {  	[sflag:s4] =	ssyncadd.s32 $0xFFFF4000  }
0x8c: {  	[tilespmem:s5], [sflag:$0x1] =	stream.indirect.gather [hbm4b:s2+s6], $0x80, s18, s6, $0xb8;
	[tilespmem:$0x18800] =	vst v63  }
0x8d: {  	_ = 	snop  }
0x8e: {  	[tilespmem:s11], [sflag:$0x1] =	stream.indirect.gather [hbm4b:s2+s6], $0x80, s19, s6, $0xb8;
	[tilespmem:$0x18800] =	vst v63  }
0x8f: {  	_ = 	snop  }
0x90: {  	[tilespmem:s12], [sflag:$0x1] =	stream.indirect.gather [hbm4b:s2+s6], $0x80, s20, s6, $0xb8;
	[tilespmem:$0x18800] =	vst v63  }
0x91: {  	_ =	swait.ge [sflag:s15], $0xC000  }
0x92: {  	[sflag:s15] =	ssyncset.done $0x0  }
0x93: {  	[sflag:s15] =	ssyncadd.s32 $0xFFFF4000  }
0x94: {  	[hbm4b:s8+s3] =	stream.linear.scatter [tilespmem:s9], [sflag:$0x3], $0xC000, $0x38;
	[tilespmem:$0x18800] =	vst v63  }
0x95: {  	_ =	swait.ge [sflag:s4], $0xC000  }
0x96: {  	[sflag:s4] =	ssyncset.done $0x0  }
0x97: {  	[sflag:s4] =	ssyncadd.s32 $0xFFFF4000  }
0x98: {  	_ =	swait.ge [sflag:s7], $0xC000  }
0x99: {  	[sflag:s7] =	ssyncset.done $0x0  }
0x9a: {  	s0 =	rddreg [dreg:$0x4];
	[sflag:s7] =	ssyncadd.s32 $0xFFFF4000  }
0x9b: {  	[hbm4b:s0+s3] =	stream.linear.scatter [tilespmem:s5], [sflag:$0x3], $0xC000, $0x38;
	[tilespmem:$0x18800] =	vst v63  }
0x9c: {  	_ =	swait.ge [sflag:s4], $0xC000  }
0x9d: {  	[sflag:s4] =	ssyncset.done $0x0  }
0x9e: {  	[sflag:s4] =	ssyncadd.s32 $0xFFFF4000  }
0x9f: {  	[tilespmem:s5], [sflag:$0x1] =	stream.indirect.gather [hbm4b:s2+s6], $0x80, s13, s6, $0xb8;
	[tilespmem:$0x18800] =	vst v63  }
0xa0: {  	p1 =	sne.s32 s1, $0x1;
	_ =	swait.ge [sflag:s7], $0x4000  }
.Ltmp2:
0xa1: {  	[sflag:s7] =	ssyncset.done $0x0;
	(pc) =	sbr.rel @p1 .LBB2_2-.Ltmp2, $4  }
0xa2: {  	s0 =	rddreg [dreg:$0x5];
	[sflag:s7] =	ssyncadd.s32 $0xFFFFC000  }
0xa3: {  	[hbm4b:s0+s3] =	stream.linear.scatter [tilespmem:s5], [sflag:$0x3], $0x4000, $0x38;
	[tilespmem:$0x18800] =	vst v63  }
0xa4: {  	_ =	swait.ge [sflag:s4], $0x4000  }
0xa5: {  	s1 =	sadd.s32 $0xFFFFFFFF, s1;
	s0 =	rddreg [dreg:$0x3];
	[sflag:s4] =	ssyncset.done $0x0  }
.LBB2_3:
0xa6: {  	[sflag:s4] =	ssyncadd.s32 @p0 $0xFFFFC000  }
0xa7: {  	[tilespmem:s3], [sflag:$0x3] =	stream.linear.gather [hbm4b:s0+s3], $0x800, $0x38;
	[tilespmem:$0x18800] =	vst v63  }
0xa8: {  	_ =	swait.ge [sflag:s4], $0x800  }
0xa9: {  	[sflag:s4] =	ssyncset.done $0x0  }
0xaa: {  	[sflag:s4] =	ssyncadd.s32 $0xFFFFF800  }
0xab: {  	[tilespmem:s5], [sflag:$0x1] =	stream.indirect.gather [hbm4b:s2+s6], $0x80, s3, s6, $0xb8;
	[tilespmem:$0x18800] =	vst v63  }
0xac: {  	_ = 	snop  }
0xad: {  	[tilespmem:s11], [sflag:$0x1] =	stream.indirect.gather [hbm4b:s2+s6], $0x80, s6, s6, $0xb8;
	[tilespmem:$0x18800] =	vst v63  }
0xae: {  	_ = 	snop  }
0xaf: {  	[tilespmem:s12], [sflag:$0x1] =	stream.indirect.gather [hbm4b:s2+s6], $0x80, s28, s6, $0xb8;
	[tilespmem:$0x18800] =	vst v63  }
0xb0: {  	_ = 	snop  }
0xb1: {  	[tilespmem:s9], [sflag:$0x2] =	stream.indirect.gather [hbm4b:s2+s6], $0x80, s29, s6, $0xb8;
	[tilespmem:$0x18800] =	vst v63  }
0xb2: {  	_ = 	snop  }
0xb3: {  	[tilespmem:s16], [sflag:$0x2] =	stream.indirect.gather [hbm4b:s2+s6], $0x80, s30, s6, $0xb8;
	[tilespmem:$0x18800] =	vst v63  }
0xb4: {  	_ = 	snop  }
0xb5: {  	[tilespmem:s17], [sflag:$0x2] =	stream.indirect.gather [hbm4b:s2+s6], $0x80, s31, s6, $0xb8;
	[tilespmem:$0x18800] =	vst v63  }
0xb6: {  	_ =	swait.ge [sflag:s7], $0xC000  }
0xb7: {  	[sflag:s7] =	ssyncset.done $0x0  }
0xb8: {  	s28 =	rddreg [dreg:$0x6];
	[sflag:s7] =	ssyncadd.s32 $0xFFFF4000  }
0xb9: {  	[hbm4b:s28+s3] =	stream.linear.scatter [tilespmem:s5], [sflag:$0x3], $0xC000, $0x38;
	[tilespmem:$0x18800] =	vst v63  }
0xba: {  	_ =	swait.ge [sflag:s4], $0xC000  }
0xbb: {  	[sflag:s4] =	ssyncset.done $0x0  }
0xbc: {  	[sflag:s4] =	ssyncadd.s32 $0xFFFF4000  }
0xbd: {  	[tilespmem:s5], [sflag:$0x1] =	stream.indirect.gather [hbm4b:s2+s6], $0x80, s24, s6, $0xb8;
	[tilespmem:$0x18800] =	vst v63  }
0xbe: {  	_ = 	snop  }
0xbf: {  	[tilespmem:s11], [sflag:$0x1] =	stream.indirect.gather [hbm4b:s2+s6], $0x80, s25, s6, $0xb8;
	[tilespmem:$0x18800] =	vst v63  }
0xc0: {  	_ = 	snop  }
0xc1: {  	[tilespmem:s12], [sflag:$0x1] =	stream.indirect.gather [hbm4b:s2+s6], $0x80, s26, s6, $0xb8;
	[tilespmem:$0x18800] =	vst v63  }
0xc2: {  	_ =	swait.ge [sflag:s15], $0xC000  }
0xc3: {  	[sflag:s15] =	ssyncset.done $0x0  }
0xc4: {  	[sflag:s15] =	ssyncadd.s32 $0xFFFF4000  }
0xc5: {  	[hbm4b:s14+s3] =	stream.linear.scatter [tilespmem:s9], [sflag:$0x3], $0xC000, $0x38;
	[tilespmem:$0x18800] =	vst v63  }
0xc6: {  	_ =	swait.ge [sflag:s4], $0xC000  }
0xc7: {  	[sflag:s4] =	ssyncset.done $0x0  }
0xc8: {  	[sflag:s4] =	ssyncadd.s32 $0xFFFF4000  }
0xc9: {  	[tilespmem:s9], [sflag:$0x2] =	stream.indirect.gather [hbm4b:s2+s6], $0x80, s21, s6, $0xb8;
	[tilespmem:$0x18800] =	vst v63  }
0xca: {  	_ = 	snop  }
0xcb: {  	[tilespmem:s16], [sflag:$0x2] =	stream.indirect.gather [hbm4b:s2+s6], $0x80, s22, s6, $0xb8;
	[tilespmem:$0x18800] =	vst v63  }
0xcc: {  	_ = 	snop  }
0xcd: {  	[tilespmem:s17], [sflag:$0x2] =	stream.indirect.gather [hbm4b:s2+s6], $0x80, s23, s6, $0xb8;
	[tilespmem:$0x18800] =	vst v63  }
0xce: {  	_ =	swait.ge [sflag:s7], $0xC000  }
0xcf: {  	[sflag:s7] =	ssyncset.done $0x0  }
0xd0: {  	[sflag:s7] =	ssyncadd.s32 $0xFFFF4000  }
0xd1: {  	[hbm4b:s10+s3] =	stream.linear.scatter [tilespmem:s5], [sflag:$0x3], $0xC000, $0x38;
	[tilespmem:$0x18800] =	vst v63  }
0xd2: {  	_ =	swait.ge [sflag:s4], $0xC000  }
0xd3: {  	[sflag:s4] =	ssyncset.done $0x0  }
0xd4: {  	[sflag:s4] =	ssyncadd.s32 $0xFFFF4000  }
0xd5: {  	[tilespmem:s5], [sflag:$0x1] =	stream.indirect.gather [hbm4b:s2+s6], $0x80, s18, s6, $0xb8;
	[tilespmem:$0x18800] =	vst v63  }
0xd6: {  	_ = 	snop  }
0xd7: {  	[tilespmem:s11], [sflag:$0x1] =	stream.indirect.gather [hbm4b:s2+s6], $0x80, s19, s6, $0xb8;
	[tilespmem:$0x18800] =	vst v63  }
0xd8: {  	_ = 	snop  }
0xd9: {  	[tilespmem:s12], [sflag:$0x1] =	stream.indirect.gather [hbm4b:s2+s6], $0x80, s20, s6, $0xb8;
	[tilespmem:$0x18800] =	vst v63  }
0xda: {  	_ =	swait.ge [sflag:s15], $0xC000  }
0xdb: {  	[sflag:s15] =	ssyncset.done $0x0  }
0xdc: {  	[sflag:s15] =	ssyncadd.s32 $0xFFFF4000  }
0xdd: {  	[hbm4b:s8+s3] =	stream.linear.scatter [tilespmem:s9], [sflag:$0x3], $0xC000, $0x38;
	[tilespmem:$0x18800] =	vst v63  }
0xde: {  	_ =	swait.ge [sflag:s4], $0xC000  }
0xdf: {  	[sflag:s4] =	ssyncset.done $0x0  }
0xe0: {  	[sflag:s4] =	ssyncadd.s32 $0xFFFF4000  }
0xe1: {  	_ =	swait.ge [sflag:s7], $0xC000  }
0xe2: {  	[sflag:s7] =	ssyncset.done $0x0  }
0xe3: {  	s29 =	rddreg [dreg:$0x4];
	[sflag:s7] =	ssyncadd.s32 $0xFFFF4000  }
0xe4: {  	[hbm4b:s29+s3] =	stream.linear.scatter [tilespmem:s5], [sflag:$0x3], $0xC000, $0x38;
	[tilespmem:$0x18800] =	vst v63  }
0xe5: {  	_ =	swait.ge [sflag:s4], $0xC000  }
0xe6: {  	[sflag:s4] =	ssyncset.done $0x0  }
0xe7: {  	[sflag:s4] =	ssyncadd.s32 $0xFFFF4000  }
0xe8: {  	[tilespmem:s5], [sflag:$0x1] =	stream.indirect.gather [hbm4b:s2+s6], $0x80, s13, s6, $0xb8;
	[tilespmem:$0x18800] =	vst v63  }
0xe9: {  	_ =	swait.ge [sflag:s7], $0x4000  }
0xea: {  	[sflag:s7] =	ssyncset.done $0x0  }
0xeb: {  	s30 =	rddreg [dreg:$0x5];
	[sflag:s7] =	ssyncadd.s32 $0xFFFFC000  }
0xec: {  	[hbm4b:s30+s3] =	stream.linear.scatter [tilespmem:s5], [sflag:$0x3], $0x4000, $0x38;
	[tilespmem:$0x18800] =	vst v63  }
0xed: {  	_ =	swait.ge [sflag:s4], $0x4000  }
0xee: {  	[sflag:s4] =	ssyncset.done $0x0  }
0xef: {  	[sflag:s4] =	ssyncadd.s32 $0xFFFFC000  }
0xf0: {  	_ =	sfence.sel $0x180000  }
0xf1: {  	[bflag:$0x0] =	sbarrier.arrive $0xFFFF  }
0xf2: {  	_ =	strace $0x90000053  }
0xf3: {  	s31 =	stileid.u32;
	[bflag:$0x2] =	sbarrier.arrive $0xFFFF  }
0xf4: {  	p0 =	sne.s32 s31, $0x0;
	s0 =	rddreg [dreg:$0x2]  }
0xf5: {  	s0 =	sadd.s32 @!p0 $0x100000, s0  }
0xf6: {  	[sflag:s0] =	ssyncadd.tile.s32 @!p0 $0x1;
	_ =	shalt  }
.Lfunc_end2:
_tile_overlayer_lowered:
.L_overlay_start_2:
0xf7: {  	(tag) =	ssettag $0x2  }
0xf8: {  	s0 =	rddreg [dreg:$0x0];
	s2 =	stileid.u32  }
0xf9: {  	s1 =	rddreg [dreg:$0x1];
	p0 =	sne.s32 s2, $0x0  }
0xfa: {  	s3 =	rddreg [dreg:$0x2];
	[bflag:$0x3] =	sbarrier.arrive $0xFFFF;
	s2 =	simm.s32 @!p0 $0x1C03  }
0xfb: {  	[timem:s3], [sflag:s2] =	dma.local @!p0 [hbm:s0], s1  }
0xfc: {  	s0 =	simm.s32 @!p0 $0x3  }
0xfd: {  	_ =	swait.ge @!p0 [sflag:s0], s1  }
0xfe: {  	s1 =	ssub.s32 @!p0 $0x0, s1;
	[sflag:s0] =	ssyncset.done @!p0 $0x0  }
0xff: {  	[sflag:s0] =	ssyncadd.s32 @!p0 s1  }
0x100: {  	[bflag:$0x3] =	sbarrier.arrive $0xFFFF  }
0x101: {  	_ =	shalt  }

// kernel: kernel.16.cloned.1.call-start
scs
__scs_entry_jumppad:
0x0: {  	(pc) =	sbr.rel $0x88, $3  }
0x1: {  	(tag) =	ssettag $0x0;
	lr =	simm.s32 $0x1  }
0x2: {  	[smem:$0x3F93] =	sst lr;
	_ =	strace $0xD0000000  }
0x3: {  	_ = 	snop  }
0x4: {  	_ = 	snop  }
0x5: {  	_ = 	snop  }
0x6: {  	_ = 	snop  }
0x7: {  	_ = 	snop  }
__scs_overlays_trampoline_lowered:
0x8: {  	[smem:$0x3FA2] =	sst s0  }
0x9: {  	[smem:$0x3FA3] =	sst s1  }
0xa: {  	[smem:$0x3FA4] =	sst s2  }
0xb: {  	[smem:$0x3FA5] =	sst s3  }
0xc: {  	[smem:$0x3FA6] =	sst s4  }
0xd: {  	[smem:$0x3FA7] =	sst s5  }
0xe: {  	[smem:$0x3FA8] =	sst s6  }
0xf: {  	[smem:$0x3FA9] =	sst s7  }
0x10: {  	[smem:$0x3FAA] =	sst s8  }
0x11: {  	[smem:$0x3FAB] =	sst s9;
	s0 =	simm.s32 @!p0 $0x0  }
0x12: {  	s1 =	sld [smem:$0x3F91];
	s0 =	simm.s32 @p0 $0x1  }
0x13: {  	[smem:$0x3FAC] =	sst s0;
	s0 =	simm.s32 @!p1 $0x0  }
0x14: {  	s2 =	sld [smem:$0x3F90];
	s0 =	simm.s32 @p1 $0x1  }
0x15: {  	[smem:$0x3FAD] =	sst s0;
	s0 =	simm.s32 @!p2 $0x0  }
0x16: {  	s3 =	sld [smem:$0x3FDB];
	s0 =	simm.s32 @p2 $0x1  }
0x17: {  	s4 =	simm.s32 $0x1BF5;
	[smem:$0x3FAF] =	sst s0  }
0x18: {  	s0 =	sld [smem:$0x3F92];
	_ =	swait.ge [sflag:s4], $0x0  }
0x19: {  	s7 =	sld [smem:$0x3F93]  }
0x1a: {  	s8 =	sadd.s32 $0xFFFFE003, lr  }
0x1b: {  	s9 =	sadd.s32 $0xFFFFFEF7, lr;
	s5 =	simm.s32 $0xFFFFFFFF;
	p2 =	slt.u32 s8, $0xFFFFF086  }
0x1c: {  	p1 =	slt.u32 s9, $0xF7A;
	s5 =	simm.s32 @!p2 $0x0  }
0x1d: {  	s5 =	simm.s32 @p1 $0x1;
	p0 =	seq.s32 s7, s2  }
0x1e: {  	s7 =	smul.u32 @!p0 $0xF7A, s2;
	p2 =	seq.s32 @!p0 s5, $0x0  }
0x1f: {  	s9 =	smul.u32 $0xF7A, s1;
	s8 =	simm.s32 @!p0 $0x1BF5;
	p2 =	por !p2, p0  }
0x20: {  	[sflag:s8] =	ssyncset.s32 @!p0 $0xFFFFF086;
	s6 =	sadd.s32 @!p0 s3, s7;
	s7 =	simm.s32 @!p0 $0x108  }
0x21: {  	s3 =	sadd.s32 s3, s9;
	s6 =	sadd.s32 @!p0 $0x88, s6;
	s7 =	simm.s32 @p2 $0x1082  }
0x22: {  	[simem:s7], [sflag:s8] =	dma.local @!p0 [hbm:s6], $0xF7A  }
0x23: {  	s9 =	sor.u32 $0xD0000000, s2;
	s6 =	simm.s32 $0x108;
	_ =	swait.ge @!p0 [sflag:s8], $0x0  }
0x24: {  	s3 =	sadd.s32 $0x88, s3;
	s6 =	simm.s32 @!p1 $0x1082;
	[sflag:s4] =	ssyncset.s32 $0xFFFFF086  }
0x25: {  	[simem:s6], [sflag:s4] =	dma.local [hbm:s3], $0xF7A  }
0x26: {  	[smem:$0x3F93] =	sst s1;
	(tag) =	ssettag s2;
	_ =	strace s9  }
0x27: {  	s1 =	sld [smem:$0x3FA3]  }
0x28: {  	s2 =	sld [smem:$0x3FA4]  }
0x29: {  	s4 =	sld [smem:$0x3FA6]  }
0x2a: {  	p0 =	seq.s32 s5, $0x0;
	s5 =	sld [smem:$0x3FA7]  }
0x2b: {  	s6 =	sld [smem:$0x3FA8]  }
0x2c: {  	s7 =	sld [smem:$0x3FA9]  }
0x2d: {  	s3 =	simm.s32 $0x108;
	s8 =	sld [smem:$0x3FAA]  }
0x2e: {  	s3 =	simm.s32 @!p0 $0x1082;
	s9 =	sld [smem:$0x3FAB]  }
0x2f: {  	lr =	sadd.s32 s0, s3;
	s0 =	sld [smem:$0x3FA2]  }
0x30: {  	s3 =	sld [smem:$0x3FA5]  }
0x31: {  	[smem:$0x3FAE] =	sst s10  }
0x32: {  	s10 =	sld [smem:$0x3FAC];
	_ =	sdelay $0x3  }
0x33: {  	p0 =	seq.s32 s10, $0x1;
	s10 =	sld [smem:$0x3FAE];
	_ =	sdelay $0x3  }
0x34: {  	[smem:$0x3FAE] =	sst s10  }
0x35: {  	s10 =	sld [smem:$0x3FAD];
	_ =	sdelay $0x3  }
0x36: {  	p1 =	seq.s32 s10, $0x1;
	s10 =	sld [smem:$0x3FAE];
	_ =	sdelay $0x3  }
0x37: {  	[smem:$0x3FAE] =	sst s10  }
0x38: {  	s10 =	sld [smem:$0x3FAF]  }
0x39: {  	_ = 	snop;
	(pc) =	sbr.ind lr, $3  }
0x3a: {  	_ = 	snop  }
0x3b: {  	_ = 	snop  }
0x3c: {  	p2 =	seq.s32 s10, $0x1;
	s10 =	sld [smem:$0x3FAE]  }
0x3d: {  	_ =	shalt  }
0x3e: {  	_ =	shalt  }
0x3f: {  	_ =	shalt  }
0x40: {  	_ =	shalt  }
0x41: {  	_ =	shalt  }
0x42: {  	_ =	shalt  }
0x43: {  	_ =	shalt  }
0x44: {  	_ =	shalt  }
0x45: {  	_ =	shalt  }
0x46: {  	_ =	shalt  }
0x47: {  	_ =	shalt  }
0x48: {  	_ =	shalt  }
0x49: {  	_ =	shalt  }
0x4a: {  	_ =	shalt  }
0x4b: {  	_ =	shalt  }
0x4c: {  	_ =	shalt  }
0x4d: {  	_ =	shalt  }
0x4e: {  	_ =	shalt  }
0x4f: {  	_ =	shalt  }
0x50: {  	_ =	shalt  }
0x51: {  	_ =	shalt  }
0x52: {  	_ =	shalt  }
0x53: {  	_ =	shalt  }
0x54: {  	_ =	shalt  }
0x55: {  	_ =	shalt  }
0x56: {  	_ =	shalt  }
0x57: {  	_ =	shalt  }
0x58: {  	_ =	shalt  }
0x59: {  	_ =	shalt  }
0x5a: {  	_ =	shalt  }
0x5b: {  	_ =	shalt  }
0x5c: {  	_ =	shalt  }
0x5d: {  	_ =	shalt  }
0x5e: {  	_ =	shalt  }
0x5f: {  	_ =	shalt  }
0x60: {  	_ =	shalt  }
0x61: {  	_ =	shalt  }
0x62: {  	_ =	shalt  }
0x63: {  	_ =	shalt  }
0x64: {  	_ =	shalt  }
0x65: {  	_ =	shalt  }
0x66: {  	_ =	shalt  }
0x67: {  	_ =	shalt  }
0x68: {  	_ =	shalt  }
0x69: {  	_ =	shalt  }
0x6a: {  	_ =	shalt  }
0x6b: {  	_ =	shalt  }
0x6c: {  	_ =	shalt  }
0x6d: {  	_ =	shalt  }
0x6e: {  	_ =	shalt  }
0x6f: {  	_ =	shalt  }
0x70: {  	_ =	shalt  }
0x71: {  	_ =	shalt  }
0x72: {  	_ =	shalt  }
0x73: {  	_ =	shalt  }
0x74: {  	_ =	shalt  }
0x75: {  	_ =	shalt  }
0x76: {  	_ =	shalt  }
0x77: {  	_ =	shalt  }
0x78: {  	_ =	shalt  }
0x79: {  	_ =	shalt  }
0x7a: {  	_ =	shalt  }
0x7b: {  	_ =	shalt  }
0x7c: {  	_ =	shalt  }
0x7d: {  	_ =	shalt  }
0x7e: {  	_ =	shalt  }
0x7f: {  	_ =	shalt  }
0x80: {  	_ =	shalt  }
0x81: {  	_ =	shalt  }
0x82: {  	_ =	shalt  }
0x83: {  	_ =	shalt  }
0x84: {  	_ =	shalt  }
0x85: {  	_ =	shalt  }
0x86: {  	_ =	shalt  }
0x87: {  	_ =	shalt  }
.Lfunc_end0:
.L_simem_size_0:
called_computation.1_lowered:
.L_overlay_start_0:
0x88: {  	s2 =	sld [smem:$0x3FD9]  }
0x89: {  	s3 =	sld [smem:$0x3FFE];
	_ =	sdelay $0x1  }
0x8a: {  	s1 =	srdreg.scid  }
0x8b: {  	s0 =	sand.u32 $0x1, s1  }
0x8c: {  	s17 =	sshll.u32 s0, $0xA;
	s2 =	sadd.s32 s3, s2  }
0x8d: {  	s2 =	sadd.s32 s2, s17  }
0x8e: {  	[smem:$0x3FBA] =	sst s2  }
0x8f: {  	_ = 	snop  }
0x90: {  	s18 =	sld [smem:$0x3FD0];
	(tm) =	ssettm $0x1  }
0x91: {  	s19 =	sld [smem:$0x3FFB];
	_ =	sdelay $0x3  }
0x92: {  	_ =	strace s19  }
0x93: {  	s2 =	sld [smem:$0x3FFC];
	_ =	sdelay $0x3  }
0x94: {  	_ =	strace s2  }
0x95: {  	s2 =	sld [smem:$0x3FFD];
	_ =	sdelay $0x3  }
0x96: {  	_ =	strace s2  }
0x97: {  	_ =	strace $0x8FFFFFFF  }
0x98: {  	s20 =	sld [smem:$0x3FDB];
	_ =	sdelay $0x1  }
0x99: {  	s4 =	simm.s32 $_scs_section_size  }
0x9a: {  	s5 =	simm.s32 $_size__tile_overlayer_lowered;
	s6 =	simm.s32 $_tile_overlayer_lowered  }
0x9b: {  	s7 =	simm.s32 $0x1BFF;
	s21 =	sshll.u32 s6, $0x1;
	s4 =	sadd.s32 s4, s20  }
0x9c: {  	s22 =	simm.s32 $0x0;
	s5 =	sshll.u32 s5, $0x1;
	s6 =	sadd.s32 s21, s4  }
0x9d: {  	[timem:s22], [sflag:s7] =	dma.local [hbm:s6], s5  }
0x9e: {  	_ =	swait.ge [sflag:s7], s5  }
0x9f: {  	s5 =	ssub.s32 $0x0, s5;
	[sflag:s7] =	ssyncset.done $0x0  }
0xa0: {  	[sflag:s7] =	ssyncadd.s32 s5;
	_ =	sdelay $0x1  }
0xa1: {  	s23 =	simm.s32 $0x1B8B  }
0xa2: {  	_ =	swait.ge [sflag:s23], $0x1  }
0xa3: {  	[sflag:s23] =	ssyncset.done $0x0  }
0xa4: {  	[sflag:s23] =	ssyncadd.s32 $0xFFFFFFFF  }
0xa5: {  	s5 =	sld [smem:$0x0]  }
0xa6: {  	s6 =	sand.u32 $0xFFFFFFFE, s1  }
0xa7: {  	p0 =	sne.s32 s1, s6  }
0xa8: {  	s6 =	sshll.u32 @p0 s6, $0xE  }
0xa9: {  	s6 =	sadd.s32 @p0 $0x11B8D, s6;
	s7 =	sshll.u32 @p0 s5, $0x11  }
0xaa: {  	s6 =	sor.u32 @p0 s7, s6  }
0xab: {  	[sflag:s6] =	ssyncadd.remote.s32 @p0 $0x1;
	_ =	sdelay $0x1  }
0xac: {  	s6 =	simm.s32 @p0 $0x1B8D  }
0xad: {  	_ =	swait.eq @p0 [sflag:s6], $0x1  }
0xae: {  	[sflag:s6] =	ssyncadd.s32 @p0 $0xFFFFFFFF  }
0xaf: {  	s7 =	sshll.u32 @!p0 s1, $0xE  }
0xb0: {  	s7 =	sor.u32 @!p0 $0x4000, s7;
	s6 =	simm.s32 @!p0 $0x1B8D  }
0xb1: {  	s5 =	sshll.u32 @!p0 s5, $0x11;
	s7 =	sadd.s32 @!p0 $0x11B8D, s7;
	_ =	swait.eq @!p0 [sflag:s6], $0x1  }
0xb2: {  	s5 =	sor.u32 @!p0 s5, s7;
	[sflag:s6] =	ssyncadd.s32 @!p0 $0xFFFFFFFF  }
0xb3: {  	s25 =	simm.s32 $0x1B8E;
	s24 =	sld [smem:$0x3FFE];
	[sflag:s5] =	ssyncadd.remote.s32 @!p0 $0x1  }
0xb4: {  	s26 =	simm.s32 $execute0_lowered;
	[smem:$0x3FD2] =	sst s25  }
0xb5: {  	s6 =	sshll.u32 s26, $0x1;
	_ =	strace $0x8000004F;
	[dreg:$0x1] =	wrdreg $0xFFFFFFFF  }
0xb6: {  	s28 =	simm.s32 $_size_execute0_lowered;
	s4 =	sadd.s32 s4, s6;
	[dreg:$0x0] =	wrdreg $0x0  }
0xb7: {  	s6 =	sshll.u32 s28, $0x1;
	[dreg:$0x2] =	wrdreg s4  }
0xb8: {  	[dreg:$0x3] =	wrdreg s6  }
0xb9: {  	[dreg:$0x4] =	wrdreg $0xC0  }
0xba: {  	_ =	task [dreg:s22], $0x5FFFF  }
0xbb: {  	[dreg:$0x1] =	wrdreg $0xFFFFFFFF  }
0xbc: {  	[dreg:$0x0] =	wrdreg $0x60  }
0xbd: {  	[dreg:$0x2] =	wrdreg s18  }
0xbe: {  	[dreg:$0x3] =	wrdreg s24  }
0xbf: {  	[dreg:$0x4] =	wrdreg $0xA  }
0xc0: {  	_ =	task.clear_ibuf [dreg:s22], $0x5FFFF;
	_ =	strace $0x9000004F  }
0xc1: {  	s29 =	simm.s32 $0xA;
	_ =	strace $0x80000051  }
0xc2: {  	_ =	swait.ge [sflag:s29], $0x1  }
0xc3: {  	[sflag:s29] =	ssyncadd.s32 $0xFFFFFFFF  }
0xc4: {  	_ =	strace $0x90000051  }
0xc5: {  	_ =	sfence  }
0xc6: {  	s30 =	sld [smem:$0x0];
	_ =	sdelay $0x2  }
0xc7: {  	s31 =	sshll.u32 s1, $0xD;
	s1 =	sshrl.u32 s1, $0x2  }
0xc8: {  	s4 =	sand.u32 $0x4000, s31;
	s1 =	sadd.s32 s1, s30  }
0xc9: {  	s0 =	sor.u32 s4, s0;
	s1 =	sshll.u32 s1, $0x11  }
0xca: {  	s0 =	sor.u32 s1, s0  }
0xcb: {  	s0 =	sadd.s32 $0x8F2B, s0  }
0xcc: {  	[sflag:s0] =	ssyncadd.remote.s32 $0x1  }
0xcd: {  	_ =	sfence.sel $0xFFFF  }
0xce: {  	[dreg:$0x0] =	wrdreg $0xFFFFFFFF;
	(pc) =	sbr.abs _section_cstart, $3  }
0xcf: {  	[dreg:$0x1] =	wrdreg $0xFFFFFFFF  }
0xd0: {  	_ =	task.clear_ibuf [dreg:s22], $0x2FFFF;
	_ =	strace $0x9FFFFFFF  }
0xd1: {  	(tm) =	ssettm $0x7FFFFFFF  }
tec
execute0_lowered:
.L_overlay_start_1:
0x0: {  	(tag) =	ssettag $0x1  }
0x1: {  	s0 =	srdreg.scid;
	s2 =	rddreg [dreg:$0x0]  }
0x2: {  	s1 =	stileid.u32;
	s4 =	rddreg [dreg:$0x1];
	s6 =	simm.s32 $0x80  }
0x3: {  	s11 =	simm.s32 $0x4800;
	s28 =	simm.s32 $0x100;
	s12 =	simm.s32 $0x8800  }
0x4: {  	s29 =	simm.s32 $0x180;
	s9 =	simm.s32 $0xC800;
	s30 =	simm.s32 $0x200  }
0x5: {  	s16 =	simm.s32 $0x10800;
	s31 =	simm.s32 $0x280;
	s17 =	simm.s32 $0x14800  }
0x6: {  	s7 =	simm.s32 $0x1;
	s15 =	simm.s32 $0x2;
	s21 =	simm.s32 $0x480  }
0x7: {  	p0 =	por $0x0, $0x0;
	s18 =	simm.s32 $0x600;
	s19 =	simm.s32 $0x680  }
0x8: {  	s20 =	simm.s32 $0x700;
	s13 =	simm.s32 $0x780;
	s0 =	sand.u32 $0x1, s0  }
0x9: {  	s1 =	sshll.u32 s1, $0xC;
	s3 =	sshll.u32 s0, $0xB;
	s0 =	ssub.s32 $0x2, s0  }
0xa: {  	s1 =	sor.u32 s3, s1;
	s3 =	simm.s32 $0x0;
	s24 =	sshrl.u32 s0, $0x1  }
0xb: {  	s5 =	sshrl.u32 s1, $0x3;
	[smem:$0x7FF] =	sst s3;
	s1 =	sshll.u32 s1, $0x4  }
0xc: {  	s0 =	ssub.s32 s0, s24;
	s24 =	simm.s32 $0x300;
	s5 =	sadd.s32 s5, s4  }
0xd: {  	_ =	strace $0x80000050;
	s1 =	sadd.s32 s1, s4;
	s0 =	smax.u32 s0, $0x1  }
0xe: {  	s4 =	simm.s32 $0x3;
	s22 =	sadd.s32 $0x5400, s5;
	s23 =	sadd.s32 $0x313400, s1  }
0xf: {  	s25 =	sadd.s32 $0x314C00, s1;
	s26 =	sadd.s32 $0x30D400, s1;
	p1 =	sne.s32 s0, $0x1  }
.Ltmp0:
0x10: {  	s14 =	sadd.s32 $0x30EC00, s1;
	[dreg:$0x3] =	wrdreg s22;
	(pc) =	sbr.rel @!p1 .LBB2_3-.Ltmp0, $4  }
0x11: {  	s10 =	sadd.s32 $0x310400, s1;
	s8 =	sadd.s32 $0x311C00, s1;
	[dreg:$0x4] =	wrdreg s23  }
0x12: {  	s5 =	simm.s32 $0x800;
	s1 =	sadd.s32 $0xFFFFFFFF, s0;
	[dreg:$0x5] =	wrdreg s25  }
0x13: {  	[dreg:$0x6] =	wrdreg s26;
	s25 =	simm.s32 $0x380;
	s26 =	simm.s32 $0x400  }
0x14: {  	s22 =	simm.s32 $0x500;
	s23 =	simm.s32 $0x580;
	s0 =	rddreg [dreg:$0x3]  }
0x15: {  	[tilespmem:s3], [sflag:$0x3] =	stream.linear.gather [hbm4b:s0+s3], $0x800, $0x38;
	[tilespmem:$0x18800] =	vst v63  }
0x16: {  	_ =	swait.ge [sflag:s4], $0x800  }
0x17: {  	[sflag:s4] =	ssyncset.done $0x0  }
0x18: {  	[sflag:s4] =	ssyncadd.s32 $0xFFFFF800  }
0x19: {  	[tilespmem:s5], [sflag:$0x1] =	stream.indirect.gather [hbm4b:s2+s6], $0x80, s3, s6, $0xb8;
	[tilespmem:$0x18800] =	vst v63  }
0x1a: {  	_ = 	snop  }
0x1b: {  	[tilespmem:s11], [sflag:$0x1] =	stream.indirect.gather [hbm4b:s2+s6], $0x80, s6, s6, $0xb8;
	[tilespmem:$0x18800] =	vst v63  }
0x1c: {  	_ = 	snop  }
0x1d: {  	[tilespmem:s12], [sflag:$0x1] =	stream.indirect.gather [hbm4b:s2+s6], $0x80, s28, s6, $0xb8;
	[tilespmem:$0x18800] =	vst v63  }
0x1e: {  	_ = 	snop  }
0x1f: {  	[tilespmem:s9], [sflag:$0x2] =	stream.indirect.gather [hbm4b:s2+s6], $0x80, s29, s6, $0xb8;
	[tilespmem:$0x18800] =	vst v63  }
0x20: {  	_ = 	snop  }
0x21: {  	[tilespmem:s16], [sflag:$0x2] =	stream.indirect.gather [hbm4b:s2+s6], $0x80, s30, s6, $0xb8;
	[tilespmem:$0x18800] =	vst v63  }
0x22: {  	_ = 	snop  }
0x23: {  	[tilespmem:s17], [sflag:$0x2] =	stream.indirect.gather [hbm4b:s2+s6], $0x80, s31, s6, $0xb8;
	[tilespmem:$0x18800] =	vst v63  }
0x24: {  	_ =	swait.ge [sflag:s7], $0xC000  }
0x25: {  	[sflag:s7] =	ssyncset.done $0x0  }
0x26: {  	s0 =	rddreg [dreg:$0x6];
	[sflag:s7] =	ssyncadd.s32 $0xFFFF4000  }
0x27: {  	[hbm4b:s0+s3] =	stream.linear.scatter [tilespmem:s5], [sflag:$0x3], $0xC000, $0x38;
	[tilespmem:$0x18800] =	vst v63  }
0x28: {  	_ =	swait.ge [sflag:s4], $0xC000  }
0x29: {  	[sflag:s4] =	ssyncset.done $0x0  }
0x2a: {  	[sflag:s4] =	ssyncadd.s32 $0xFFFF4000  }
0x2b: {  	[tilespmem:s5], [sflag:$0x1] =	stream.indirect.gather [hbm4b:s2+s6], $0x80, s24, s6, $0xb8;
	[tilespmem:$0x18800] =	vst v63  }
0x2c: {  	_ = 	snop  }
0x2d: {  	[tilespmem:s11], [sflag:$0x1] =	stream.indirect.gather [hbm4b:s2+s6], $0x80, s25, s6, $0xb8;
	[tilespmem:$0x18800] =	vst v63  }
0x2e: {  	_ = 	snop  }
0x2f: {  	[tilespmem:s12], [sflag:$0x1] =	stream.indirect.gather [hbm4b:s2+s6], $0x80, s26, s6, $0xb8;
	[tilespmem:$0x18800] =	vst v63  }
0x30: {  	_ =	swait.ge [sflag:s15], $0xC000  }
0x31: {  	[sflag:s15] =	ssyncset.done $0x0  }
0x32: {  	[sflag:s15] =	ssyncadd.s32 $0xFFFF4000  }
0x33: {  	[hbm4b:s14+s3] =	stream.linear.scatter [tilespmem:s9], [sflag:$0x3], $0xC000, $0x38;
	[tilespmem:$0x18800] =	vst v63  }
0x34: {  	_ =	swait.ge [sflag:s4], $0xC000  }
0x35: {  	[sflag:s4] =	ssyncset.done $0x0  }
0x36: {  	[sflag:s4] =	ssyncadd.s32 $0xFFFF4000  }
0x37: {  	[tilespmem:s9], [sflag:$0x2] =	stream.indirect.gather [hbm4b:s2+s6], $0x80, s21, s6, $0xb8;
	[tilespmem:$0x18800] =	vst v63  }
0x38: {  	_ = 	snop  }
0x39: {  	[tilespmem:s16], [sflag:$0x2] =	stream.indirect.gather [hbm4b:s2+s6], $0x80, s22, s6, $0xb8;
	[tilespmem:$0x18800] =	vst v63  }
0x3a: {  	_ = 	snop  }
0x3b: {  	[tilespmem:s17], [sflag:$0x2] =	stream.indirect.gather [hbm4b:s2+s6], $0x80, s23, s6, $0xb8;
	[tilespmem:$0x18800] =	vst v63  }
0x3c: {  	_ =	swait.ge [sflag:s7], $0xC000  }
0x3d: {  	[sflag:s7] =	ssyncset.done $0x0  }
0x3e: {  	[sflag:s7] =	ssyncadd.s32 $0xFFFF4000  }
0x3f: {  	[hbm4b:s10+s3] =	stream.linear.scatter [tilespmem:s5], [sflag:$0x3], $0xC000, $0x38;
	[tilespmem:$0x18800] =	vst v63  }
0x40: {  	_ =	swait.ge [sflag:s4], $0xC000  }
0x41: {  	[sflag:s4] =	ssyncset.done $0x0  }
0x42: {  	[sflag:s4] =	ssyncadd.s32 $0xFFFF4000  }
0x43: {  	[tilespmem:s5], [sflag:$0x1] =	stream.indirect.gather [hbm4b:s2+s6], $0x80, s18, s6, $0xb8;
	[tilespmem:$0x18800] =	vst v63  }
0x44: {  	_ = 	snop  }
0x45: {  	[tilespmem:s11], [sflag:$0x1] =	stream.indirect.gather [hbm4b:s2+s6], $0x80, s19, s6, $0xb8;
	[tilespmem:$0x18800] =	vst v63  }
0x46: {  	_ = 	snop  }
0x47: {  	[tilespmem:s12], [sflag:$0x1] =	stream.indirect.gather [hbm4b:s2+s6], $0x80, s20, s6, $0xb8;
	[tilespmem:$0x18800] =	vst v63  }
0x48: {  	_ =	swait.ge [sflag:s15], $0xC000  }
0x49: {  	[sflag:s15] =	ssyncset.done $0x0  }
0x4a: {  	[sflag:s15] =	ssyncadd.s32 $0xFFFF4000  }
0x4b: {  	[hbm4b:s8+s3] =	stream.linear.scatter [tilespmem:s9], [sflag:$0x3], $0xC000, $0x38;
	[tilespmem:$0x18800] =	vst v63  }
0x4c: {  	_ =	swait.ge [sflag:s4], $0xC000  }
0x4d: {  	[sflag:s4] =	ssyncset.done $0x0  }
0x4e: {  	[sflag:s4] =	ssyncadd.s32 $0xFFFF4000  }
0x4f: {  	_ =	swait.ge [sflag:s7], $0xC000  }
0x50: {  	[sflag:s7] =	ssyncset.done $0x0  }
0x51: {  	s0 =	rddreg [dreg:$0x4];
	[sflag:s7] =	ssyncadd.s32 $0xFFFF4000  }
0x52: {  	[hbm4b:s0+s3] =	stream.linear.scatter [tilespmem:s5], [sflag:$0x3], $0xC000, $0x38;
	[tilespmem:$0x18800] =	vst v63  }
0x53: {  	_ =	swait.ge [sflag:s4], $0xC000  }
0x54: {  	[sflag:s4] =	ssyncset.done $0x0  }
0x55: {  	[sflag:s4] =	ssyncadd.s32 $0xFFFF4000  }
0x56: {  	[tilespmem:s5], [sflag:$0x1] =	stream.indirect.gather [hbm4b:s2+s6], $0x80, s13, s6, $0xb8;
	[tilespmem:$0x18800] =	vst v63  }
0x57: {  	p1 =	sne.s32 s1, $0x1;
	_ =	swait.ge [sflag:s7], $0x4000  }
.Ltmp1:
0x58: {  	[sflag:s7] =	ssyncset.done $0x0;
	(pc) =	sbr.rel @!p1 .LBB2_3-.Ltmp1, $4  }
0x59: {  	s0 =	rddreg [dreg:$0x5];
	[sflag:s7] =	ssyncadd.s32 $0xFFFFC000  }
0x5a: {  	[hbm4b:s0+s3] =	stream.linear.scatter [tilespmem:s5], [sflag:$0x3], $0x4000, $0x38;
	[tilespmem:$0x18800] =	vst v63  }
0x5b: {  	s1 =	sadd.s32 $0xFFFFFFFF, s1;
	_ =	swait.ge [sflag:s4], $0x4000  }
0x5c: {  	p0 =	por $0x1, $0x1;
	s0 =	rddreg [dreg:$0x3];
	[sflag:s4] =	ssyncset.done $0x0  }
.LBB2_2:
0x5d: {  	[sflag:s4] =	ssyncadd.s32 $0xFFFFC000  }
0x5e: {  	[tilespmem:s3], [sflag:$0x3] =	stream.linear.gather [hbm4b:s0+s3], $0x800, $0x38;
	[tilespmem:$0x18800] =	vst v63  }
0x5f: {  	_ =	swait.ge [sflag:s4], $0x800  }
0x60: {  	[sflag:s4] =	ssyncset.done $0x0  }
0x61: {  	[sflag:s4] =	ssyncadd.s32 $0xFFFFF800  }
0x62: {  	[tilespmem:s5], [sflag:$0x1] =	stream.indirect.gather [hbm4b:s2+s6], $0x80, s3, s6, $0xb8;
	[tilespmem:$0x18800] =	vst v63  }
0x63: {  	_ = 	snop  }
0x64: {  	[tilespmem:s11], [sflag:$0x1] =	stream.indirect.gather [hbm4b:s2+s6], $0x80, s6, s6, $0xb8;
	[tilespmem:$0x18800] =	vst v63  }
0x65: {  	_ = 	snop  }
0x66: {  	[tilespmem:s12], [sflag:$0x1] =	stream.indirect.gather [hbm4b:s2+s6], $0x80, s28, s6, $0xb8;
	[tilespmem:$0x18800] =	vst v63  }
0x67: {  	_ = 	snop  }
0x68: {  	[tilespmem:s9], [sflag:$0x2] =	stream.indirect.gather [hbm4b:s2+s6], $0x80, s29, s6, $0xb8;
	[tilespmem:$0x18800] =	vst v63  }
0x69: {  	_ = 	snop  }
0x6a: {  	[tilespmem:s16], [sflag:$0x2] =	stream.indirect.gather [hbm4b:s2+s6], $0x80, s30, s6, $0xb8;
	[tilespmem:$0x18800] =	vst v63  }
0x6b: {  	_ = 	snop  }
0x6c: {  	[tilespmem:s17], [sflag:$0x2] =	stream.indirect.gather [hbm4b:s2+s6], $0x80, s31, s6, $0xb8;
	[tilespmem:$0x18800] =	vst v63  }
0x6d: {  	_ =	swait.ge [sflag:s7], $0xC000  }
0x6e: {  	[sflag:s7] =	ssyncset.done $0x0  }
0x6f: {  	s0 =	rddreg [dreg:$0x6];
	[sflag:s7] =	ssyncadd.s32 $0xFFFF4000  }
0x70: {  	[hbm4b:s0+s3] =	stream.linear.scatter [tilespmem:s5], [sflag:$0x3], $0xC000, $0x38;
	[tilespmem:$0x18800] =	vst v63  }
0x71: {  	_ =	swait.ge [sflag:s4], $0xC000  }
0x72: {  	[sflag:s4] =	ssyncset.done $0x0  }
0x73: {  	[sflag:s4] =	ssyncadd.s32 $0xFFFF4000  }
0x74: {  	[tilespmem:s5], [sflag:$0x1] =	stream.indirect.gather [hbm4b:s2+s6], $0x80, s24, s6, $0xb8;
	[tilespmem:$0x18800] =	vst v63  }
0x75: {  	_ = 	snop  }
0x76: {  	[tilespmem:s11], [sflag:$0x1] =	stream.indirect.gather [hbm4b:s2+s6], $0x80, s25, s6, $0xb8;
	[tilespmem:$0x18800] =	vst v63  }
0x77: {  	_ = 	snop  }
0x78: {  	[tilespmem:s12], [sflag:$0x1] =	stream.indirect.gather [hbm4b:s2+s6], $0x80, s26, s6, $0xb8;
	[tilespmem:$0x18800] =	vst v63  }
0x79: {  	_ =	swait.ge [sflag:s15], $0xC000  }
0x7a: {  	[sflag:s15] =	ssyncset.done $0x0  }
0x7b: {  	[sflag:s15] =	ssyncadd.s32 $0xFFFF4000  }
0x7c: {  	[hbm4b:s14+s3] =	stream.linear.scatter [tilespmem:s9], [sflag:$0x3], $0xC000, $0x38;
	[tilespmem:$0x18800] =	vst v63  }
0x7d: {  	_ =	swait.ge [sflag:s4], $0xC000  }
0x7e: {  	[sflag:s4] =	ssyncset.done $0x0  }
0x7f: {  	[sflag:s4] =	ssyncadd.s32 $0xFFFF4000  }
0x80: {  	[tilespmem:s9], [sflag:$0x2] =	stream.indirect.gather [hbm4b:s2+s6], $0x80, s21, s6, $0xb8;
	[tilespmem:$0x18800] =	vst v63  }
0x81: {  	_ = 	snop  }
0x82: {  	[tilespmem:s16], [sflag:$0x2] =	stream.indirect.gather [hbm4b:s2+s6], $0x80, s22, s6, $0xb8;
	[tilespmem:$0x18800] =	vst v63  }
0x83: {  	_ = 	snop  }
0x84: {  	[tilespmem:s17], [sflag:$0x2] =	stream.indirect.gather [hbm4b:s2+s6], $0x80, s23, s6, $0xb8;
	[tilespmem:$0x18800] =	vst v63  }
0x85: {  	_ =	swait.ge [sflag:s7], $0xC000  }
0x86: {  	[sflag:s7] =	ssyncset.done $0x0  }
0x87: {  	[sflag:s7] =	ssyncadd.s32 $0xFFFF4000  }
0x88: {  	[hbm4b:s10+s3] =	stream.linear.scatter [tilespmem:s5], [sflag:$0x3], $0xC000, $0x38;
	[tilespmem:$0x18800] =	vst v63  }
0x89: {  	_ =	swait.ge [sflag:s4], $0xC000  }
0x8a: {  	[sflag:s4] =	ssyncset.done $0x0  }
0x8b: {  	[sflag:s4] =	ssyncadd.s32 $0xFFFF4000  }
0x8c: {  	[tilespmem:s5], [sflag:$0x1] =	stream.indirect.gather [hbm4b:s2+s6], $0x80, s18, s6, $0xb8;
	[tilespmem:$0x18800] =	vst v63  }
0x8d: {  	_ = 	snop  }
0x8e: {  	[tilespmem:s11], [sflag:$0x1] =	stream.indirect.gather [hbm4b:s2+s6], $0x80, s19, s6, $0xb8;
	[tilespmem:$0x18800] =	vst v63  }
0x8f: {  	_ = 	snop  }
0x90: {  	[tilespmem:s12], [sflag:$0x1] =	stream.indirect.gather [hbm4b:s2+s6], $0x80, s20, s6, $0xb8;
	[tilespmem:$0x18800] =	vst v63  }
0x91: {  	_ =	swait.ge [sflag:s15], $0xC000  }
0x92: {  	[sflag:s15] =	ssyncset.done $0x0  }
0x93: {  	[sflag:s15] =	ssyncadd.s32 $0xFFFF4000  }
0x94: {  	[hbm4b:s8+s3] =	stream.linear.scatter [tilespmem:s9], [sflag:$0x3], $0xC000, $0x38;
	[tilespmem:$0x18800] =	vst v63  }
0x95: {  	_ =	swait.ge [sflag:s4], $0xC000  }
0x96: {  	[sflag:s4] =	ssyncset.done $0x0  }
0x97: {  	[sflag:s4] =	ssyncadd.s32 $0xFFFF4000  }
0x98: {  	_ =	swait.ge [sflag:s7], $0xC000  }
0x99: {  	[sflag:s7] =	ssyncset.done $0x0  }
0x9a: {  	s0 =	rddreg [dreg:$0x4];
	[sflag:s7] =	ssyncadd.s32 $0xFFFF4000  }
0x9b: {  	[hbm4b:s0+s3] =	stream.linear.scatter [tilespmem:s5], [sflag:$0x3], $0xC000, $0x38;
	[tilespmem:$0x18800] =	vst v63  }
0x9c: {  	_ =	swait.ge [sflag:s4], $0xC000  }
0x9d: {  	[sflag:s4] =	ssyncset.done $0x0  }
0x9e: {  	[sflag:s4] =	ssyncadd.s32 $0xFFFF4000  }
0x9f: {  	[tilespmem:s5], [sflag:$0x1] =	stream.indirect.gather [hbm4b:s2+s6], $0x80, s13, s6, $0xb8;
	[tilespmem:$0x18800] =	vst v63  }
0xa0: {  	p1 =	sne.s32 s1, $0x1;
	_ =	swait.ge [sflag:s7], $0x4000  }
.Ltmp2:
0xa1: {  	[sflag:s7] =	ssyncset.done $0x0;
	(pc) =	sbr.rel @p1 .LBB2_2-.Ltmp2, $4  }
0xa2: {  	s0 =	rddreg [dreg:$0x5];
	[sflag:s7] =	ssyncadd.s32 $0xFFFFC000  }
0xa3: {  	[hbm4b:s0+s3] =	stream.linear.scatter [tilespmem:s5], [sflag:$0x3], $0x4000, $0x38;
	[tilespmem:$0x18800] =	vst v63  }
0xa4: {  	_ =	swait.ge [sflag:s4], $0x4000  }
0xa5: {  	s1 =	sadd.s32 $0xFFFFFFFF, s1;
	s0 =	rddreg [dreg:$0x3];
	[sflag:s4] =	ssyncset.done $0x0  }
.LBB2_3:
0xa6: {  	[sflag:s4] =	ssyncadd.s32 @p0 $0xFFFFC000  }
0xa7: {  	[tilespmem:s3], [sflag:$0x3] =	stream.linear.gather [hbm4b:s0+s3], $0x800, $0x38;
	[tilespmem:$0x18800] =	vst v63  }
0xa8: {  	_ =	swait.ge [sflag:s4], $0x800  }
0xa9: {  	[sflag:s4] =	ssyncset.done $0x0  }
0xaa: {  	[sflag:s4] =	ssyncadd.s32 $0xFFFFF800  }
0xab: {  	[tilespmem:s5], [sflag:$0x1] =	stream.indirect.gather [hbm4b:s2+s6], $0x80, s3, s6, $0xb8;
	[tilespmem:$0x18800] =	vst v63  }
0xac: {  	_ = 	snop  }
0xad: {  	[tilespmem:s11], [sflag:$0x1] =	stream.indirect.gather [hbm4b:s2+s6], $0x80, s6, s6, $0xb8;
	[tilespmem:$0x18800] =	vst v63  }
0xae: {  	_ = 	snop  }
0xaf: {  	[tilespmem:s12], [sflag:$0x1] =	stream.indirect.gather [hbm4b:s2+s6], $0x80, s28, s6, $0xb8;
	[tilespmem:$0x18800] =	vst v63  }
0xb0: {  	_ = 	snop  }
0xb1: {  	[tilespmem:s9], [sflag:$0x2] =	stream.indirect.gather [hbm4b:s2+s6], $0x80, s29, s6, $0xb8;
	[tilespmem:$0x18800] =	vst v63  }
0xb2: {  	_ = 	snop  }
0xb3: {  	[tilespmem:s16], [sflag:$0x2] =	stream.indirect.gather [hbm4b:s2+s6], $0x80, s30, s6, $0xb8;
	[tilespmem:$0x18800] =	vst v63  }
0xb4: {  	_ = 	snop  }
0xb5: {  	[tilespmem:s17], [sflag:$0x2] =	stream.indirect.gather [hbm4b:s2+s6], $0x80, s31, s6, $0xb8;
	[tilespmem:$0x18800] =	vst v63  }
0xb6: {  	_ =	swait.ge [sflag:s7], $0xC000  }
0xb7: {  	[sflag:s7] =	ssyncset.done $0x0  }
0xb8: {  	s28 =	rddreg [dreg:$0x6];
	[sflag:s7] =	ssyncadd.s32 $0xFFFF4000  }
0xb9: {  	[hbm4b:s28+s3] =	stream.linear.scatter [tilespmem:s5], [sflag:$0x3], $0xC000, $0x38;
	[tilespmem:$0x18800] =	vst v63  }
0xba: {  	_ =	swait.ge [sflag:s4], $0xC000  }
0xbb: {  	[sflag:s4] =	ssyncset.done $0x0  }
0xbc: {  	[sflag:s4] =	ssyncadd.s32 $0xFFFF4000  }
0xbd: {  	[tilespmem:s5], [sflag:$0x1] =	stream.indirect.gather [hbm4b:s2+s6], $0x80, s24, s6, $0xb8;
	[tilespmem:$0x18800] =	vst v63  }
0xbe: {  	_ = 	snop  }
0xbf: {  	[tilespmem:s11], [sflag:$0x1] =	stream.indirect.gather [hbm4b:s2+s6], $0x80, s25, s6, $0xb8;
	[tilespmem:$0x18800] =	vst v63  }
0xc0: {  	_ = 	snop  }
0xc1: {  	[tilespmem:s12], [sflag:$0x1] =	stream.indirect.gather [hbm4b:s2+s6], $0x80, s26, s6, $0xb8;
	[tilespmem:$0x18800] =	vst v63  }
0xc2: {  	_ =	swait.ge [sflag:s15], $0xC000  }
0xc3: {  	[sflag:s15] =	ssyncset.done $0x0  }
0xc4: {  	[sflag:s15] =	ssyncadd.s32 $0xFFFF4000  }
0xc5: {  	[hbm4b:s14+s3] =	stream.linear.scatter [tilespmem:s9], [sflag:$0x3], $0xC000, $0x38;
	[tilespmem:$0x18800] =	vst v63  }
0xc6: {  	_ =	swait.ge [sflag:s4], $0xC000  }
0xc7: {  	[sflag:s4] =	ssyncset.done $0x0  }
0xc8: {  	[sflag:s4] =	ssyncadd.s32 $0xFFFF4000  }
0xc9: {  	[tilespmem:s9], [sflag:$0x2] =	stream.indirect.gather [hbm4b:s2+s6], $0x80, s21, s6, $0xb8;
	[tilespmem:$0x18800] =	vst v63  }
0xca: {  	_ = 	snop  }
0xcb: {  	[tilespmem:s16], [sflag:$0x2] =	stream.indirect.gather [hbm4b:s2+s6], $0x80, s22, s6, $0xb8;
	[tilespmem:$0x18800] =	vst v63  }
0xcc: {  	_ = 	snop  }
0xcd: {  	[tilespmem:s17], [sflag:$0x2] =	stream.indirect.gather [hbm4b:s2+s6], $0x80, s23, s6, $0xb8;
	[tilespmem:$0x18800] =	vst v63  }
0xce: {  	_ =	swait.ge [sflag:s7], $0xC000  }
0xcf: {  	[sflag:s7] =	ssyncset.done $0x0  }
0xd0: {  	[sflag:s7] =	ssyncadd.s32 $0xFFFF4000  }
0xd1: {  	[hbm4b:s10+s3] =	stream.linear.scatter [tilespmem:s5], [sflag:$0x3], $0xC000, $0x38;
	[tilespmem:$0x18800] =	vst v63  }
0xd2: {  	_ =	swait.ge [sflag:s4], $0xC000  }
0xd3: {  	[sflag:s4] =	ssyncset.done $0x0  }
0xd4: {  	[sflag:s4] =	ssyncadd.s32 $0xFFFF4000  }
0xd5: {  	[tilespmem:s5], [sflag:$0x1] =	stream.indirect.gather [hbm4b:s2+s6], $0x80, s18, s6, $0xb8;
	[tilespmem:$0x18800] =	vst v63  }
0xd6: {  	_ = 	snop  }
0xd7: {  	[tilespmem:s11], [sflag:$0x1] =	stream.indirect.gather [hbm4b:s2+s6], $0x80, s19, s6, $0xb8;
	[tilespmem:$0x18800] =	vst v63  }
0xd8: {  	_ = 	snop  }
0xd9: {  	[tilespmem:s12], [sflag:$0x1] =	stream.indirect.gather [hbm4b:s2+s6], $0x80, s20, s6, $0xb8;
	[tilespmem:$0x18800] =	vst v63  }
0xda: {  	_ =	swait.ge [sflag:s15], $0xC000  }
0xdb: {  	[sflag:s15] =	ssyncset.done $0x0  }
0xdc: {  	[sflag:s15] =	ssyncadd.s32 $0xFFFF4000  }
0xdd: {  	[hbm4b:s8+s3] =	stream.linear.scatter [tilespmem:s9], [sflag:$0x3], $0xC000, $0x38;
	[tilespmem:$0x18800] =	vst v63  }
0xde: {  	_ =	swait.ge [sflag:s4], $0xC000  }
0xdf: {  	[sflag:s4] =	ssyncset.done $0x0  }
0xe0: {  	[sflag:s4] =	ssyncadd.s32 $0xFFFF4000  }
0xe1: {  	_ =	swait.ge [sflag:s7], $0xC000  }
0xe2: {  	[sflag:s7] =	ssyncset.done $0x0  }
0xe3: {  	s29 =	rddreg [dreg:$0x4];
	[sflag:s7] =	ssyncadd.s32 $0xFFFF4000  }
0xe4: {  	[hbm4b:s29+s3] =	stream.linear.scatter [tilespmem:s5], [sflag:$0x3], $0xC000, $0x38;
	[tilespmem:$0x18800] =	vst v63  }
0xe5: {  	_ =	swait.ge [sflag:s4], $0xC000  }
0xe6: {  	[sflag:s4] =	ssyncset.done $0x0  }
0xe7: {  	[sflag:s4] =	ssyncadd.s32 $0xFFFF4000  }
0xe8: {  	[tilespmem:s5], [sflag:$0x1] =	stream.indirect.gather [hbm4b:s2+s6], $0x80, s13, s6, $0xb8;
	[tilespmem:$0x18800] =	vst v63  }
0xe9: {  	_ =	swait.ge [sflag:s7], $0x4000  }
0xea: {  	[sflag:s7] =	ssyncset.done $0x0  }
0xeb: {  	s30 =	rddreg [dreg:$0x5];
	[sflag:s7] =	ssyncadd.s32 $0xFFFFC000  }
0xec: {  	[hbm4b:s30+s3] =	stream.linear.scatter [tilespmem:s5], [sflag:$0x3], $0x4000, $0x38;
	[tilespmem:$0x18800] =	vst v63  }
0xed: {  	_ =	swait.ge [sflag:s4], $0x4000  }
0xee: {  	[sflag:s4] =	ssyncset.done $0x0  }
0xef: {  	[sflag:s4] =	ssyncadd.s32 $0xFFFFC000  }
0xf0: {  	_ =	sfence.sel $0x180000  }
0xf1: {  	[bflag:$0x0] =	sbarrier.arrive $0xFFFF  }
0xf2: {  	_ =	strace $0x90000050  }
0xf3: {  	s31 =	stileid.u32;
	[bflag:$0x2] =	sbarrier.arrive $0xFFFF  }
0xf4: {  	p0 =	sne.s32 s31, $0x0;
	s0 =	rddreg [dreg:$0x2]  }
0xf5: {  	s0 =	sadd.s32 @!p0 $0x100000, s0  }
0xf6: {  	[sflag:s0] =	ssyncadd.tile.s32 @!p0 $0x1;
	_ =	shalt  }
.Lfunc_end2:
_tile_overlayer_lowered:
.L_overlay_start_2:
0xf7: {  	(tag) =	ssettag $0x2  }
0xf8: {  	s0 =	rddreg [dreg:$0x0];
	s2 =	stileid.u32  }
0xf9: {  	s1 =	rddreg [dreg:$0x1];
	p0 =	sne.s32 s2, $0x0  }
0xfa: {  	s3 =	rddreg [dreg:$0x2];
	[bflag:$0x3] =	sbarrier.arrive $0xFFFF;
	s2 =	simm.s32 @!p0 $0x1C03  }
0xfb: {  	[timem:s3], [sflag:s2] =	dma.local @!p0 [hbm:s0], s1  }
0xfc: {  	s0 =	simm.s32 @!p0 $0x3  }
0xfd: {  	_ =	swait.ge @!p0 [sflag:s0], s1  }
0xfe: {  	s1 =	ssub.s32 @!p0 $0x0, s1;
	[sflag:s0] =	ssyncset.done @!p0 $0x0  }
0xff: {  	[sflag:s0] =	ssyncadd.s32 @!p0 s1  }
0x100: {  	[bflag:$0x3] =	sbarrier.arrive $0xFFFF  }
0x101: {  	_ =	shalt  }

// kernel: kernel.19.cloned.1.call-start
scs
__scs_entry_jumppad:
0x0: {  	(pc) =	sbr.rel $0x88, $3  }
0x1: {  	(tag) =	ssettag $0x0;
	lr =	simm.s32 $0x1  }
0x2: {  	[smem:$0x3F93] =	sst lr;
	_ =	strace $0xD0000000  }
0x3: {  	_ = 	snop  }
0x4: {  	_ = 	snop  }
0x5: {  	_ = 	snop  }
0x6: {  	_ = 	snop  }
0x7: {  	_ = 	snop  }
__scs_overlays_trampoline_lowered:
0x8: {  	[smem:$0x3FA2] =	sst s0  }
0x9: {  	[smem:$0x3FA3] =	sst s1  }
0xa: {  	[smem:$0x3FA4] =	sst s2  }
0xb: {  	[smem:$0x3FA5] =	sst s3  }
0xc: {  	[smem:$0x3FA6] =	sst s4  }
0xd: {  	[smem:$0x3FA7] =	sst s5  }
0xe: {  	[smem:$0x3FA8] =	sst s6  }
0xf: {  	[smem:$0x3FA9] =	sst s7  }
0x10: {  	[smem:$0x3FAA] =	sst s8  }
0x11: {  	[smem:$0x3FAB] =	sst s9;
	s0 =	simm.s32 @!p0 $0x0  }
0x12: {  	s1 =	sld [smem:$0x3F91];
	s0 =	simm.s32 @p0 $0x1  }
0x13: {  	[smem:$0x3FAC] =	sst s0;
	s0 =	simm.s32 @!p1 $0x0  }
0x14: {  	s2 =	sld [smem:$0x3F90];
	s0 =	simm.s32 @p1 $0x1  }
0x15: {  	[smem:$0x3FAD] =	sst s0;
	s0 =	simm.s32 @!p2 $0x0  }
0x16: {  	s3 =	sld [smem:$0x3FDB];
	s0 =	simm.s32 @p2 $0x1  }
0x17: {  	s4 =	simm.s32 $0x1BF5;
	[smem:$0x3FAF] =	sst s0  }
0x18: {  	s0 =	sld [smem:$0x3F92];
	_ =	swait.ge [sflag:s4], $0x0  }
0x19: {  	s7 =	sld [smem:$0x3F93]  }
0x1a: {  	s8 =	sadd.s32 $0xFFFFE003, lr  }
0x1b: {  	s9 =	sadd.s32 $0xFFFFFEF7, lr;
	s5 =	simm.s32 $0xFFFFFFFF;
	p2 =	slt.u32 s8, $0xFFFFF086  }
0x1c: {  	p1 =	slt.u32 s9, $0xF7A;
	s5 =	simm.s32 @!p2 $0x0  }
0x1d: {  	s5 =	simm.s32 @p1 $0x1;
	p0 =	seq.s32 s7, s2  }
0x1e: {  	s7 =	smul.u32 @!p0 $0xF7A, s2;
	p2 =	seq.s32 @!p0 s5, $0x0  }
0x1f: {  	s9 =	smul.u32 $0xF7A, s1;
	s8 =	simm.s32 @!p0 $0x1BF5;
	p2 =	por !p2, p0  }
0x20: {  	[sflag:s8] =	ssyncset.s32 @!p0 $0xFFFFF086;
	s6 =	sadd.s32 @!p0 s3, s7;
	s7 =	simm.s32 @!p0 $0x108  }
0x21: {  	s3 =	sadd.s32 s3, s9;
	s6 =	sadd.s32 @!p0 $0x88, s6;
	s7 =	simm.s32 @p2 $0x1082  }
0x22: {  	[simem:s7], [sflag:s8] =	dma.local @!p0 [hbm:s6], $0xF7A  }
0x23: {  	s9 =	sor.u32 $0xD0000000, s2;
	s6 =	simm.s32 $0x108;
	_ =	swait.ge @!p0 [sflag:s8], $0x0  }
0x24: {  	s3 =	sadd.s32 $0x88, s3;
	s6 =	simm.s32 @!p1 $0x1082;
	[sflag:s4] =	ssyncset.s32 $0xFFFFF086  }
0x25: {  	[simem:s6], [sflag:s4] =	dma.local [hbm:s3], $0xF7A  }
0x26: {  	[smem:$0x3F93] =	sst s1;
	(tag) =	ssettag s2;
	_ =	strace s9  }
0x27: {  	s1 =	sld [smem:$0x3FA3]  }
0x28: {  	s2 =	sld [smem:$0x3FA4]  }
0x29: {  	s4 =	sld [smem:$0x3FA6]  }
0x2a: {  	p0 =	seq.s32 s5, $0x0;
	s5 =	sld [smem:$0x3FA7]  }
0x2b: {  	s6 =	sld [smem:$0x3FA8]  }
0x2c: {  	s7 =	sld [smem:$0x3FA9]  }
0x2d: {  	s3 =	simm.s32 $0x108;
	s8 =	sld [smem:$0x3FAA]  }
0x2e: {  	s3 =	simm.s32 @!p0 $0x1082;
	s9 =	sld [smem:$0x3FAB]  }
0x2f: {  	lr =	sadd.s32 s0, s3;
	s0 =	sld [smem:$0x3FA2]  }
0x30: {  	s3 =	sld [smem:$0x3FA5]  }
0x31: {  	[smem:$0x3FAE] =	sst s10  }
0x32: {  	s10 =	sld [smem:$0x3FAC];
	_ =	sdelay $0x3  }
0x33: {  	p0 =	seq.s32 s10, $0x1;
	s10 =	sld [smem:$0x3FAE];
	_ =	sdelay $0x3  }
0x34: {  	[smem:$0x3FAE] =	sst s10  }
0x35: {  	s10 =	sld [smem:$0x3FAD];
	_ =	sdelay $0x3  }
0x36: {  	p1 =	seq.s32 s10, $0x1;
	s10 =	sld [smem:$0x3FAE];
	_ =	sdelay $0x3  }
0x37: {  	[smem:$0x3FAE] =	sst s10  }
0x38: {  	s10 =	sld [smem:$0x3FAF]  }
0x39: {  	_ = 	snop;
	(pc) =	sbr.ind lr, $3  }
0x3a: {  	_ = 	snop  }
0x3b: {  	_ = 	snop  }
0x3c: {  	p2 =	seq.s32 s10, $0x1;
	s10 =	sld [smem:$0x3FAE]  }
0x3d: {  	_ =	shalt  }
0x3e: {  	_ =	shalt  }
0x3f: {  	_ =	shalt  }
0x40: {  	_ =	shalt  }
0x41: {  	_ =	shalt  }
0x42: {  	_ =	shalt  }
0x43: {  	_ =	shalt  }
0x44: {  	_ =	shalt  }
0x45: {  	_ =	shalt  }
0x46: {  	_ =	shalt  }
0x47: {  	_ =	shalt  }
0x48: {  	_ =	shalt  }
0x49: {  	_ =	shalt  }
0x4a: {  	_ =	shalt  }
0x4b: {  	_ =	shalt  }
0x4c: {  	_ =	shalt  }
0x4d: {  	_ =	shalt  }
0x4e: {  	_ =	shalt  }
0x4f: {  	_ =	shalt  }
0x50: {  	_ =	shalt  }
0x51: {  	_ =	shalt  }
0x52: {  	_ =	shalt  }
0x53: {  	_ =	shalt  }
0x54: {  	_ =	shalt  }
0x55: {  	_ =	shalt  }
0x56: {  	_ =	shalt  }
0x57: {  	_ =	shalt  }
0x58: {  	_ =	shalt  }
0x59: {  	_ =	shalt  }
0x5a: {  	_ =	shalt  }
0x5b: {  	_ =	shalt  }
0x5c: {  	_ =	shalt  }
0x5d: {  	_ =	shalt  }
0x5e: {  	_ =	shalt  }
0x5f: {  	_ =	shalt  }
0x60: {  	_ =	shalt  }
0x61: {  	_ =	shalt  }
0x62: {  	_ =	shalt  }
0x63: {  	_ =	shalt  }
0x64: {  	_ =	shalt  }
0x65: {  	_ =	shalt  }
0x66: {  	_ =	shalt  }
0x67: {  	_ =	shalt  }
0x68: {  	_ =	shalt  }
0x69: {  	_ =	shalt  }
0x6a: {  	_ =	shalt  }
0x6b: {  	_ =	shalt  }
0x6c: {  	_ =	shalt  }
0x6d: {  	_ =	shalt  }
0x6e: {  	_ =	shalt  }
0x6f: {  	_ =	shalt  }
0x70: {  	_ =	shalt  }
0x71: {  	_ =	shalt  }
0x72: {  	_ =	shalt  }
0x73: {  	_ =	shalt  }
0x74: {  	_ =	shalt  }
0x75: {  	_ =	shalt  }
0x76: {  	_ =	shalt  }
0x77: {  	_ =	shalt  }
0x78: {  	_ =	shalt  }
0x79: {  	_ =	shalt  }
0x7a: {  	_ =	shalt  }
0x7b: {  	_ =	shalt  }
0x7c: {  	_ =	shalt  }
0x7d: {  	_ =	shalt  }
0x7e: {  	_ =	shalt  }
0x7f: {  	_ =	shalt  }
0x80: {  	_ =	shalt  }
0x81: {  	_ =	shalt  }
0x82: {  	_ =	shalt  }
0x83: {  	_ =	shalt  }
0x84: {  	_ =	shalt  }
0x85: {  	_ =	shalt  }
0x86: {  	_ =	shalt  }
0x87: {  	_ =	shalt  }
.Lfunc_end0:
.L_simem_size_0:
called_computation.2_lowered:
.L_overlay_start_0:
0x88: {  	s2 =	sld [smem:$0x3FD9]  }
0x89: {  	s3 =	sld [smem:$0x3FFE];
	_ =	sdelay $0x1  }
0x8a: {  	s1 =	srdreg.scid  }
0x8b: {  	s0 =	sand.u32 $0x1, s1  }
0x8c: {  	s17 =	sshll.u32 s0, $0xA;
	s2 =	sadd.s32 s3, s2  }
0x8d: {  	s2 =	sadd.s32 s2, s17  }
0x8e: {  	[smem:$0x3FBA] =	sst s2  }
0x8f: {  	_ = 	snop  }
0x90: {  	s18 =	sld [smem:$0x3FD0];
	(tm) =	ssettm $0x1  }
0x91: {  	s19 =	sld [smem:$0x3FFB];
	_ =	sdelay $0x3  }
0x92: {  	_ =	strace s19  }
0x93: {  	s2 =	sld [smem:$0x3FFC];
	_ =	sdelay $0x3  }
0x94: {  	_ =	strace s2  }
0x95: {  	s2 =	sld [smem:$0x3FFD];
	_ =	sdelay $0x3  }
0x96: {  	_ =	strace s2  }
0x97: {  	_ =	strace $0x8FFFFFFF  }
0x98: {  	s20 =	sld [smem:$0x3FDB];
	_ =	sdelay $0x1  }
0x99: {  	s4 =	simm.s32 $_scs_section_size  }
0x9a: {  	s5 =	simm.s32 $_size__tile_overlayer_lowered;
	s6 =	simm.s32 $_tile_overlayer_lowered  }
0x9b: {  	s7 =	simm.s32 $0x1BFF;
	s21 =	sshll.u32 s6, $0x1;
	s4 =	sadd.s32 s4, s20  }
0x9c: {  	s22 =	simm.s32 $0x0;
	s5 =	sshll.u32 s5, $0x1;
	s6 =	sadd.s32 s21, s4  }
0x9d: {  	[timem:s22], [sflag:s7] =	dma.local [hbm:s6], s5  }
0x9e: {  	_ =	swait.ge [sflag:s7], s5  }
0x9f: {  	s5 =	ssub.s32 $0x0, s5;
	[sflag:s7] =	ssyncset.done $0x0  }
0xa0: {  	[sflag:s7] =	ssyncadd.s32 s5;
	_ =	sdelay $0x1  }
0xa1: {  	s23 =	simm.s32 $0x1B8B  }
0xa2: {  	_ =	swait.ge [sflag:s23], $0x1  }
0xa3: {  	[sflag:s23] =	ssyncset.done $0x0  }
0xa4: {  	[sflag:s23] =	ssyncadd.s32 $0xFFFFFFFF  }
0xa5: {  	s5 =	sld [smem:$0x0]  }
0xa6: {  	s6 =	sand.u32 $0xFFFFFFFE, s1  }
0xa7: {  	p0 =	sne.s32 s1, s6  }
0xa8: {  	s6 =	sshll.u32 @p0 s6, $0xE  }
0xa9: {  	s6 =	sadd.s32 @p0 $0x11B8D, s6;
	s7 =	sshll.u32 @p0 s5, $0x11  }
0xaa: {  	s6 =	sor.u32 @p0 s7, s6  }
0xab: {  	[sflag:s6] =	ssyncadd.remote.s32 @p0 $0x1;
	_ =	sdelay $0x1  }
0xac: {  	s6 =	simm.s32 @p0 $0x1B8D  }
0xad: {  	_ =	swait.eq @p0 [sflag:s6], $0x1  }
0xae: {  	[sflag:s6] =	ssyncadd.s32 @p0 $0xFFFFFFFF  }
0xaf: {  	s7 =	sshll.u32 @!p0 s1, $0xE  }
0xb0: {  	s7 =	sor.u32 @!p0 $0x4000, s7;
	s6 =	simm.s32 @!p0 $0x1B8D  }
0xb1: {  	s5 =	sshll.u32 @!p0 s5, $0x11;
	s7 =	sadd.s32 @!p0 $0x11B8D, s7;
	_ =	swait.eq @!p0 [sflag:s6], $0x1  }
0xb2: {  	s5 =	sor.u32 @!p0 s5, s7;
	[sflag:s6] =	ssyncadd.s32 @!p0 $0xFFFFFFFF  }
0xb3: {  	s25 =	simm.s32 $0x1B8E;
	s24 =	sld [smem:$0x3FFE];
	[sflag:s5] =	ssyncadd.remote.s32 @!p0 $0x1  }
0xb4: {  	s26 =	simm.s32 $execute0_lowered;
	[smem:$0x3FD2] =	sst s25  }
0xb5: {  	s6 =	sshll.u32 s26, $0x1;
	_ =	strace $0x8000004C;
	[dreg:$0x1] =	wrdreg $0xFFFFFFFF  }
0xb6: {  	s28 =	simm.s32 $_size_execute0_lowered;
	s4 =	sadd.s32 s4, s6;
	[dreg:$0x0] =	wrdreg $0x0  }
0xb7: {  	s6 =	sshll.u32 s28, $0x1;
	[dreg:$0x2] =	wrdreg s4  }
0xb8: {  	[dreg:$0x3] =	wrdreg s6  }
0xb9: {  	[dreg:$0x4] =	wrdreg $0xC0  }
0xba: {  	_ =	task [dreg:s22], $0x5FFFF  }
0xbb: {  	[dreg:$0x1] =	wrdreg $0xFFFFFFFF  }
0xbc: {  	[dreg:$0x0] =	wrdreg $0x60  }
0xbd: {  	[dreg:$0x2] =	wrdreg s18  }
0xbe: {  	[dreg:$0x3] =	wrdreg s24  }
0xbf: {  	[dreg:$0x4] =	wrdreg $0xB  }
0xc0: {  	_ =	task.clear_ibuf [dreg:s22], $0x5FFFF;
	_ =	strace $0x9000004C  }
0xc1: {  	s29 =	simm.s32 $0xB;
	_ =	strace $0x8000004E  }
0xc2: {  	_ =	swait.ge [sflag:s29], $0x1  }
0xc3: {  	[sflag:s29] =	ssyncadd.s32 $0xFFFFFFFF  }
0xc4: {  	_ =	strace $0x9000004E  }
0xc5: {  	_ =	sfence  }
0xc6: {  	s30 =	sld [smem:$0x0];
	_ =	sdelay $0x2  }
0xc7: {  	s31 =	sshll.u32 s1, $0xD;
	s1 =	sshrl.u32 s1, $0x2  }
0xc8: {  	s4 =	sand.u32 $0x4000, s31;
	s1 =	sadd.s32 s1, s30  }
0xc9: {  	s0 =	sor.u32 s4, s0;
	s1 =	sshll.u32 s1, $0x11  }
0xca: {  	s0 =	sor.u32 s1, s0  }
0xcb: {  	s0 =	sadd.s32 $0x8F2B, s0  }
0xcc: {  	[sflag:s0] =	ssyncadd.remote.s32 $0x1  }
0xcd: {  	_ =	sfence.sel $0xFFFF  }
0xce: {  	[dreg:$0x0] =	wrdreg $0xFFFFFFFF;
	(pc) =	sbr.abs _section_cstart, $3  }
0xcf: {  	[dreg:$0x1] =	wrdreg $0xFFFFFFFF  }
0xd0: {  	_ =	task.clear_ibuf [dreg:s22], $0x2FFFF;
	_ =	strace $0x9FFFFFFF  }
0xd1: {  	(tm) =	ssettm $0x7FFFFFFF  }
tec
execute0_lowered:
.L_overlay_start_1:
0x0: {  	(tag) =	ssettag $0x1  }
0x1: {  	s0 =	srdreg.scid;
	s2 =	rddreg [dreg:$0x0]  }
0x2: {  	s1 =	stileid.u32;
	s4 =	rddreg [dreg:$0x1];
	s6 =	simm.s32 $0x80  }
0x3: {  	s11 =	simm.s32 $0x4800;
	s28 =	simm.s32 $0x100;
	s12 =	simm.s32 $0x8800  }
0x4: {  	s29 =	simm.s32 $0x180;
	s9 =	simm.s32 $0xC800;
	s30 =	simm.s32 $0x200  }
0x5: {  	s16 =	simm.s32 $0x10800;
	s31 =	simm.s32 $0x280;
	s17 =	simm.s32 $0x14800  }
0x6: {  	s7 =	simm.s32 $0x1;
	s15 =	simm.s32 $0x2;
	s21 =	simm.s32 $0x480  }
0x7: {  	p0 =	por $0x0, $0x0;
	s18 =	simm.s32 $0x600;
	s19 =	simm.s32 $0x680  }
0x8: {  	s20 =	simm.s32 $0x700;
	s13 =	simm.s32 $0x780;
	s0 =	sand.u32 $0x1, s0  }
0x9: {  	s1 =	sshll.u32 s1, $0xC;
	s3 =	sshll.u32 s0, $0xB;
	s0 =	ssub.s32 $0x2, s0  }
0xa: {  	s1 =	sor.u32 s3, s1;
	s3 =	simm.s32 $0x0;
	s24 =	sshrl.u32 s0, $0x1  }
0xb: {  	s5 =	sshrl.u32 s1, $0x3;
	[smem:$0x7FF] =	sst s3;
	s1 =	sshll.u32 s1, $0x4  }
0xc: {  	s0 =	ssub.s32 s0, s24;
	s24 =	simm.s32 $0x300;
	s5 =	sadd.s32 s5, s4  }
0xd: {  	_ =	strace $0x8000004D;
	s1 =	sadd.s32 s1, s4;
	s0 =	smax.u32 s0, $0x1  }
0xe: {  	s4 =	simm.s32 $0x3;
	s22 =	sadd.s32 $0x7400, s5;
	s23 =	sadd.s32 $0x213400, s1  }
0xf: {  	s25 =	sadd.s32 $0x214C00, s1;
	s26 =	sadd.s32 $0x20D400, s1;
	p1 =	sne.s32 s0, $0x1  }
.Ltmp0:
0x10: {  	s14 =	sadd.s32 $0x20EC00, s1;
	[dreg:$0x3] =	wrdreg s22;
	(pc) =	sbr.rel @!p1 .LBB2_3-.Ltmp0, $4  }
0x11: {  	s10 =	sadd.s32 $0x210400, s1;
	s8 =	sadd.s32 $0x211C00, s1;
	[dreg:$0x4] =	wrdreg s23  }
0x12: {  	s5 =	simm.s32 $0x800;
	s1 =	sadd.s32 $0xFFFFFFFF, s0;
	[dreg:$0x5] =	wrdreg s25  }
0x13: {  	[dreg:$0x6] =	wrdreg s26;
	s25 =	simm.s32 $0x380;
	s26 =	simm.s32 $0x400  }
0x14: {  	s22 =	simm.s32 $0x500;
	s23 =	simm.s32 $0x580;
	s0 =	rddreg [dreg:$0x3]  }
0x15: {  	[tilespmem:s3], [sflag:$0x3] =	stream.linear.gather [hbm4b:s0+s3], $0x800, $0x38;
	[tilespmem:$0x18800] =	vst v63  }
0x16: {  	_ =	swait.ge [sflag:s4], $0x800  }
0x17: {  	[sflag:s4] =	ssyncset.done $0x0  }
0x18: {  	[sflag:s4] =	ssyncadd.s32 $0xFFFFF800  }
0x19: {  	[tilespmem:s5], [sflag:$0x1] =	stream.indirect.gather [hbm4b:s2+s6], $0x80, s3, s6, $0xb8;
	[tilespmem:$0x18800] =	vst v63  }
0x1a: {  	_ = 	snop  }
0x1b: {  	[tilespmem:s11], [sflag:$0x1] =	stream.indirect.gather [hbm4b:s2+s6], $0x80, s6, s6, $0xb8;
	[tilespmem:$0x18800] =	vst v63  }
0x1c: {  	_ = 	snop  }
0x1d: {  	[tilespmem:s12], [sflag:$0x1] =	stream.indirect.gather [hbm4b:s2+s6], $0x80, s28, s6, $0xb8;
	[tilespmem:$0x18800] =	vst v63  }
0x1e: {  	_ = 	snop  }
0x1f: {  	[tilespmem:s9], [sflag:$0x2] =	stream.indirect.gather [hbm4b:s2+s6], $0x80, s29, s6, $0xb8;
	[tilespmem:$0x18800] =	vst v63  }
0x20: {  	_ = 	snop  }
0x21: {  	[tilespmem:s16], [sflag:$0x2] =	stream.indirect.gather [hbm4b:s2+s6], $0x80, s30, s6, $0xb8;
	[tilespmem:$0x18800] =	vst v63  }
0x22: {  	_ = 	snop  }
0x23: {  	[tilespmem:s17], [sflag:$0x2] =	stream.indirect.gather [hbm4b:s2+s6], $0x80, s31, s6, $0xb8;
	[tilespmem:$0x18800] =	vst v63  }
0x24: {  	_ =	swait.ge [sflag:s7], $0xC000  }
0x25: {  	[sflag:s7] =	ssyncset.done $0x0  }
0x26: {  	s0 =	rddreg [dreg:$0x6];
	[sflag:s7] =	ssyncadd.s32 $0xFFFF4000  }
0x27: {  	[hbm4b:s0+s3] =	stream.linear.scatter [tilespmem:s5], [sflag:$0x3], $0xC000, $0x38;
	[tilespmem:$0x18800] =	vst v63  }
0x28: {  	_ =	swait.ge [sflag:s4], $0xC000  }
0x29: {  	[sflag:s4] =	ssyncset.done $0x0  }
0x2a: {  	[sflag:s4] =	ssyncadd.s32 $0xFFFF4000  }
0x2b: {  	[tilespmem:s5], [sflag:$0x1] =	stream.indirect.gather [hbm4b:s2+s6], $0x80, s24, s6, $0xb8;
	[tilespmem:$0x18800] =	vst v63  }
0x2c: {  	_ = 	snop  }
0x2d: {  	[tilespmem:s11], [sflag:$0x1] =	stream.indirect.gather [hbm4b:s2+s6], $0x80, s25, s6, $0xb8;
	[tilespmem:$0x18800] =	vst v63  }
0x2e: {  	_ = 	snop  }
0x2f: {  	[tilespmem:s12], [sflag:$0x1] =	stream.indirect.gather [hbm4b:s2+s6], $0x80, s26, s6, $0xb8;
	[tilespmem:$0x18800] =	vst v63  }
0x30: {  	_ =	swait.ge [sflag:s15], $0xC000  }
0x31: {  	[sflag:s15] =	ssyncset.done $0x0  }
0x32: {  	[sflag:s15] =	ssyncadd.s32 $0xFFFF4000  }
0x33: {  	[hbm4b:s14+s3] =	stream.linear.scatter [tilespmem:s9], [sflag:$0x3], $0xC000, $0x38;
	[tilespmem:$0x18800] =	vst v63  }
0x34: {  	_ =	swait.ge [sflag:s4], $0xC000  }
0x35: {  	[sflag:s4] =	ssyncset.done $0x0  }
0x36: {  	[sflag:s4] =	ssyncadd.s32 $0xFFFF4000  }
0x37: {  	[tilespmem:s9], [sflag:$0x2] =	stream.indirect.gather [hbm4b:s2+s6], $0x80, s21, s6, $0xb8;
	[tilespmem:$0x18800] =	vst v63  }
0x38: {  	_ = 	snop  }
0x39: {  	[tilespmem:s16], [sflag:$0x2] =	stream.indirect.gather [hbm4b:s2+s6], $0x80, s22, s6, $0xb8;
	[tilespmem:$0x18800] =	vst v63  }
0x3a: {  	_ = 	snop  }
0x3b: {  	[tilespmem:s17], [sflag:$0x2] =	stream.indirect.gather [hbm4b:s2+s6], $0x80, s23, s6, $0xb8;
	[tilespmem:$0x18800] =	vst v63  }
0x3c: {  	_ =	swait.ge [sflag:s7], $0xC000  }
0x3d: {  	[sflag:s7] =	ssyncset.done $0x0  }
0x3e: {  	[sflag:s7] =	ssyncadd.s32 $0xFFFF4000  }
0x3f: {  	[hbm4b:s10+s3] =	stream.linear.scatter [tilespmem:s5], [sflag:$0x3], $0xC000, $0x38;
	[tilespmem:$0x18800] =	vst v63  }
0x40: {  	_ =	swait.ge [sflag:s4], $0xC000  }
0x41: {  	[sflag:s4] =	ssyncset.done $0x0  }
0x42: {  	[sflag:s4] =	ssyncadd.s32 $0xFFFF4000  }
0x43: {  	[tilespmem:s5], [sflag:$0x1] =	stream.indirect.gather [hbm4b:s2+s6], $0x80, s18, s6, $0xb8;
	[tilespmem:$0x18800] =	vst v63  }
0x44: {  	_ = 	snop  }
0x45: {  	[tilespmem:s11], [sflag:$0x1] =	stream.indirect.gather [hbm4b:s2+s6], $0x80, s19, s6, $0xb8;
	[tilespmem:$0x18800] =	vst v63  }
0x46: {  	_ = 	snop  }
0x47: {  	[tilespmem:s12], [sflag:$0x1] =	stream.indirect.gather [hbm4b:s2+s6], $0x80, s20, s6, $0xb8;
	[tilespmem:$0x18800] =	vst v63  }
0x48: {  	_ =	swait.ge [sflag:s15], $0xC000  }
0x49: {  	[sflag:s15] =	ssyncset.done $0x0  }
0x4a: {  	[sflag:s15] =	ssyncadd.s32 $0xFFFF4000  }
0x4b: {  	[hbm4b:s8+s3] =	stream.linear.scatter [tilespmem:s9], [sflag:$0x3], $0xC000, $0x38;
	[tilespmem:$0x18800] =	vst v63  }
0x4c: {  	_ =	swait.ge [sflag:s4], $0xC000  }
0x4d: {  	[sflag:s4] =	ssyncset.done $0x0  }
0x4e: {  	[sflag:s4] =	ssyncadd.s32 $0xFFFF4000  }
0x4f: {  	_ =	swait.ge [sflag:s7], $0xC000  }
0x50: {  	[sflag:s7] =	ssyncset.done $0x0  }
0x51: {  	s0 =	rddreg [dreg:$0x4];
	[sflag:s7] =	ssyncadd.s32 $0xFFFF4000  }
0x52: {  	[hbm4b:s0+s3] =	stream.linear.scatter [tilespmem:s5], [sflag:$0x3], $0xC000, $0x38;
	[tilespmem:$0x18800] =	vst v63  }
0x53: {  	_ =	swait.ge [sflag:s4], $0xC000  }
0x54: {  	[sflag:s4] =	ssyncset.done $0x0  }
0x55: {  	[sflag:s4] =	ssyncadd.s32 $0xFFFF4000  }
0x56: {  	[tilespmem:s5], [sflag:$0x1] =	stream.indirect.gather [hbm4b:s2+s6], $0x80, s13, s6, $0xb8;
	[tilespmem:$0x18800] =	vst v63  }
0x57: {  	p1 =	sne.s32 s1, $0x1;
	_ =	swait.ge [sflag:s7], $0x4000  }
.Ltmp1:
0x58: {  	[sflag:s7] =	ssyncset.done $0x0;
	(pc) =	sbr.rel @!p1 .LBB2_3-.Ltmp1, $4  }
0x59: {  	s0 =	rddreg [dreg:$0x5];
	[sflag:s7] =	ssyncadd.s32 $0xFFFFC000  }
0x5a: {  	[hbm4b:s0+s3] =	stream.linear.scatter [tilespmem:s5], [sflag:$0x3], $0x4000, $0x38;
	[tilespmem:$0x18800] =	vst v63  }
0x5b: {  	s1 =	sadd.s32 $0xFFFFFFFF, s1;
	_ =	swait.ge [sflag:s4], $0x4000  }
0x5c: {  	p0 =	por $0x1, $0x1;
	s0 =	rddreg [dreg:$0x3];
	[sflag:s4] =	ssyncset.done $0x0  }
.LBB2_2:
0x5d: {  	[sflag:s4] =	ssyncadd.s32 $0xFFFFC000  }
0x5e: {  	[tilespmem:s3], [sflag:$0x3] =	stream.linear.gather [hbm4b:s0+s3], $0x800, $0x38;
	[tilespmem:$0x18800] =	vst v63  }
0x5f: {  	_ =	swait.ge [sflag:s4], $0x800  }
0x60: {  	[sflag:s4] =	ssyncset.done $0x0  }
0x61: {  	[sflag:s4] =	ssyncadd.s32 $0xFFFFF800  }
0x62: {  	[tilespmem:s5], [sflag:$0x1] =	stream.indirect.gather [hbm4b:s2+s6], $0x80, s3, s6, $0xb8;
	[tilespmem:$0x18800] =	vst v63  }
0x63: {  	_ = 	snop  }
0x64: {  	[tilespmem:s11], [sflag:$0x1] =	stream.indirect.gather [hbm4b:s2+s6], $0x80, s6, s6, $0xb8;
	[tilespmem:$0x18800] =	vst v63  }
0x65: {  	_ = 	snop  }
0x66: {  	[tilespmem:s12], [sflag:$0x1] =	stream.indirect.gather [hbm4b:s2+s6], $0x80, s28, s6, $0xb8;
	[tilespmem:$0x18800] =	vst v63  }
0x67: {  	_ = 	snop  }
0x68: {  	[tilespmem:s9], [sflag:$0x2] =	stream.indirect.gather [hbm4b:s2+s6], $0x80, s29, s6, $0xb8;
	[tilespmem:$0x18800] =	vst v63  }
0x69: {  	_ = 	snop  }
0x6a: {  	[tilespmem:s16], [sflag:$0x2] =	stream.indirect.gather [hbm4b:s2+s6], $0x80, s30, s6, $0xb8;
	[tilespmem:$0x18800] =	vst v63  }
0x6b: {  	_ = 	snop  }
0x6c: {  	[tilespmem:s17], [sflag:$0x2] =	stream.indirect.gather [hbm4b:s2+s6], $0x80, s31, s6, $0xb8;
	[tilespmem:$0x18800] =	vst v63  }
0x6d: {  	_ =	swait.ge [sflag:s7], $0xC000  }
0x6e: {  	[sflag:s7] =	ssyncset.done $0x0  }
0x6f: {  	s0 =	rddreg [dreg:$0x6];
	[sflag:s7] =	ssyncadd.s32 $0xFFFF4000  }
0x70: {  	[hbm4b:s0+s3] =	stream.linear.scatter [tilespmem:s5], [sflag:$0x3], $0xC000, $0x38;
	[tilespmem:$0x18800] =	vst v63  }
0x71: {  	_ =	swait.ge [sflag:s4], $0xC000  }
0x72: {  	[sflag:s4] =	ssyncset.done $0x0  }
0x73: {  	[sflag:s4] =	ssyncadd.s32 $0xFFFF4000  }
0x74: {  	[tilespmem:s5], [sflag:$0x1] =	stream.indirect.gather [hbm4b:s2+s6], $0x80, s24, s6, $0xb8;
	[tilespmem:$0x18800] =	vst v63  }
0x75: {  	_ = 	snop  }
0x76: {  	[tilespmem:s11], [sflag:$0x1] =	stream.indirect.gather [hbm4b:s2+s6], $0x80, s25, s6, $0xb8;
	[tilespmem:$0x18800] =	vst v63  }
0x77: {  	_ = 	snop  }
0x78: {  	[tilespmem:s12], [sflag:$0x1] =	stream.indirect.gather [hbm4b:s2+s6], $0x80, s26, s6, $0xb8;
	[tilespmem:$0x18800] =	vst v63  }
0x79: {  	_ =	swait.ge [sflag:s15], $0xC000  }
0x7a: {  	[sflag:s15] =	ssyncset.done $0x0  }
0x7b: {  	[sflag:s15] =	ssyncadd.s32 $0xFFFF4000  }
0x7c: {  	[hbm4b:s14+s3] =	stream.linear.scatter [tilespmem:s9], [sflag:$0x3], $0xC000, $0x38;
	[tilespmem:$0x18800] =	vst v63  }
0x7d: {  	_ =	swait.ge [sflag:s4], $0xC000  }
0x7e: {  	[sflag:s4] =	ssyncset.done $0x0  }
0x7f: {  	[sflag:s4] =	ssyncadd.s32 $0xFFFF4000  }
0x80: {  	[tilespmem:s9], [sflag:$0x2] =	stream.indirect.gather [hbm4b:s2+s6], $0x80, s21, s6, $0xb8;
	[tilespmem:$0x18800] =	vst v63  }
0x81: {  	_ = 	snop  }
0x82: {  	[tilespmem:s16], [sflag:$0x2] =	stream.indirect.gather [hbm4b:s2+s6], $0x80, s22, s6, $0xb8;
	[tilespmem:$0x18800] =	vst v63  }
0x83: {  	_ = 	snop  }
0x84: {  	[tilespmem:s17], [sflag:$0x2] =	stream.indirect.gather [hbm4b:s2+s6], $0x80, s23, s6, $0xb8;
	[tilespmem:$0x18800] =	vst v63  }
0x85: {  	_ =	swait.ge [sflag:s7], $0xC000  }
0x86: {  	[sflag:s7] =	ssyncset.done $0x0  }
0x87: {  	[sflag:s7] =	ssyncadd.s32 $0xFFFF4000  }
0x88: {  	[hbm4b:s10+s3] =	stream.linear.scatter [tilespmem:s5], [sflag:$0x3], $0xC000, $0x38;
	[tilespmem:$0x18800] =	vst v63  }
0x89: {  	_ =	swait.ge [sflag:s4], $0xC000  }
0x8a: {  	[sflag:s4] =	ssyncset.done $0x0  }
0x8b: {  	[sflag:s4] =	ssyncadd.s32 $0xFFFF4000  }
0x8c: {  	[tilespmem:s5], [sflag:$0x1] =	stream.indirect.gather [hbm4b:s2+s6], $0x80, s18, s6, $0xb8;
	[tilespmem:$0x18800] =	vst v63  }
0x8d: {  	_ = 	snop  }
0x8e: {  	[tilespmem:s11], [sflag:$0x1] =	stream.indirect.gather [hbm4b:s2+s6], $0x80, s19, s6, $0xb8;
	[tilespmem:$0x18800] =	vst v63  }
0x8f: {  	_ = 	snop  }
0x90: {  	[tilespmem:s12], [sflag:$0x1] =	stream.indirect.gather [hbm4b:s2+s6], $0x80, s20, s6, $0xb8;
	[tilespmem:$0x18800] =	vst v63  }
0x91: {  	_ =	swait.ge [sflag:s15], $0xC000  }
0x92: {  	[sflag:s15] =	ssyncset.done $0x0  }
0x93: {  	[sflag:s15] =	ssyncadd.s32 $0xFFFF4000  }
0x94: {  	[hbm4b:s8+s3] =	stream.linear.scatter [tilespmem:s9], [sflag:$0x3], $0xC000, $0x38;
	[tilespmem:$0x18800] =	vst v63  }
0x95: {  	_ =	swait.ge [sflag:s4], $0xC000  }
0x96: {  	[sflag:s4] =	ssyncset.done $0x0  }
0x97: {  	[sflag:s4] =	ssyncadd.s32 $0xFFFF4000  }
0x98: {  	_ =	swait.ge [sflag:s7], $0xC000  }
0x99: {  	[sflag:s7] =	ssyncset.done $0x0  }
0x9a: {  	s0 =	rddreg [dreg:$0x4];
	[sflag:s7] =	ssyncadd.s32 $0xFFFF4000  }
0x9b: {  	[hbm4b:s0+s3] =	stream.linear.scatter [tilespmem:s5], [sflag:$0x3], $0xC000, $0x38;
	[tilespmem:$0x18800] =	vst v63  }
0x9c: {  	_ =	swait.ge [sflag:s4], $0xC000  }
0x9d: {  	[sflag:s4] =	ssyncset.done $0x0  }
0x9e: {  	[sflag:s4] =	ssyncadd.s32 $0xFFFF4000  }
0x9f: {  	[tilespmem:s5], [sflag:$0x1] =	stream.indirect.gather [hbm4b:s2+s6], $0x80, s13, s6, $0xb8;
	[tilespmem:$0x18800] =	vst v63  }
0xa0: {  	p1 =	sne.s32 s1, $0x1;
	_ =	swait.ge [sflag:s7], $0x4000  }
.Ltmp2:
0xa1: {  	[sflag:s7] =	ssyncset.done $0x0;
	(pc) =	sbr.rel @p1 .LBB2_2-.Ltmp2, $4  }
0xa2: {  	s0 =	rddreg [dreg:$0x5];
	[sflag:s7] =	ssyncadd.s32 $0xFFFFC000  }
0xa3: {  	[hbm4b:s0+s3] =	stream.linear.scatter [tilespmem:s5], [sflag:$0x3], $0x4000, $0x38;
	[tilespmem:$0x18800] =	vst v63  }
0xa4: {  	_ =	swait.ge [sflag:s4], $0x4000  }
0xa5: {  	s1 =	sadd.s32 $0xFFFFFFFF, s1;
	s0 =	rddreg [dreg:$0x3];
	[sflag:s4] =	ssyncset.done $0x0  }
.LBB2_3:
0xa6: {  	[sflag:s4] =	ssyncadd.s32 @p0 $0xFFFFC000  }
0xa7: {  	[tilespmem:s3], [sflag:$0x3] =	stream.linear.gather [hbm4b:s0+s3], $0x800, $0x38;
	[tilespmem:$0x18800] =	vst v63  }
0xa8: {  	_ =	swait.ge [sflag:s4], $0x800  }
0xa9: {  	[sflag:s4] =	ssyncset.done $0x0  }
0xaa: {  	[sflag:s4] =	ssyncadd.s32 $0xFFFFF800  }
0xab: {  	[tilespmem:s5], [sflag:$0x1] =	stream.indirect.gather [hbm4b:s2+s6], $0x80, s3, s6, $0xb8;
	[tilespmem:$0x18800] =	vst v63  }
0xac: {  	_ = 	snop  }
0xad: {  	[tilespmem:s11], [sflag:$0x1] =	stream.indirect.gather [hbm4b:s2+s6], $0x80, s6, s6, $0xb8;
	[tilespmem:$0x18800] =	vst v63  }
0xae: {  	_ = 	snop  }
0xaf: {  	[tilespmem:s12], [sflag:$0x1] =	stream.indirect.gather [hbm4b:s2+s6], $0x80, s28, s6, $0xb8;
	[tilespmem:$0x18800] =	vst v63  }
0xb0: {  	_ = 	snop  }
0xb1: {  	[tilespmem:s9], [sflag:$0x2] =	stream.indirect.gather [hbm4b:s2+s6], $0x80, s29, s6, $0xb8;
	[tilespmem:$0x18800] =	vst v63  }
0xb2: {  	_ = 	snop  }
0xb3: {  	[tilespmem:s16], [sflag:$0x2] =	stream.indirect.gather [hbm4b:s2+s6], $0x80, s30, s6, $0xb8;
	[tilespmem:$0x18800] =	vst v63  }
0xb4: {  	_ = 	snop  }
0xb5: {  	[tilespmem:s17], [sflag:$0x2] =	stream.indirect.gather [hbm4b:s2+s6], $0x80, s31, s6, $0xb8;
	[tilespmem:$0x18800] =	vst v63  }
0xb6: {  	_ =	swait.ge [sflag:s7], $0xC000  }
0xb7: {  	[sflag:s7] =	ssyncset.done $0x0  }
0xb8: {  	s28 =	rddreg [dreg:$0x6];
	[sflag:s7] =	ssyncadd.s32 $0xFFFF4000  }
0xb9: {  	[hbm4b:s28+s3] =	stream.linear.scatter [tilespmem:s5], [sflag:$0x3], $0xC000, $0x38;
	[tilespmem:$0x18800] =	vst v63  }
0xba: {  	_ =	swait.ge [sflag:s4], $0xC000  }
0xbb: {  	[sflag:s4] =	ssyncset.done $0x0  }
0xbc: {  	[sflag:s4] =	ssyncadd.s32 $0xFFFF4000  }
0xbd: {  	[tilespmem:s5], [sflag:$0x1] =	stream.indirect.gather [hbm4b:s2+s6], $0x80, s24, s6, $0xb8;
	[tilespmem:$0x18800] =	vst v63  }
0xbe: {  	_ = 	snop  }
0xbf: {  	[tilespmem:s11], [sflag:$0x1] =	stream.indirect.gather [hbm4b:s2+s6], $0x80, s25, s6, $0xb8;
	[tilespmem:$0x18800] =	vst v63  }
0xc0: {  	_ = 	snop  }
0xc1: {  	[tilespmem:s12], [sflag:$0x1] =	stream.indirect.gather [hbm4b:s2+s6], $0x80, s26, s6, $0xb8;
	[tilespmem:$0x18800] =	vst v63  }
0xc2: {  	_ =	swait.ge [sflag:s15], $0xC000  }
0xc3: {  	[sflag:s15] =	ssyncset.done $0x0  }
0xc4: {  	[sflag:s15] =	ssyncadd.s32 $0xFFFF4000  }
0xc5: {  	[hbm4b:s14+s3] =	stream.linear.scatter [tilespmem:s9], [sflag:$0x3], $0xC000, $0x38;
	[tilespmem:$0x18800] =	vst v63  }
0xc6: {  	_ =	swait.ge [sflag:s4], $0xC000  }
0xc7: {  	[sflag:s4] =	ssyncset.done $0x0  }
0xc8: {  	[sflag:s4] =	ssyncadd.s32 $0xFFFF4000  }
0xc9: {  	[tilespmem:s9], [sflag:$0x2] =	stream.indirect.gather [hbm4b:s2+s6], $0x80, s21, s6, $0xb8;
	[tilespmem:$0x18800] =	vst v63  }
0xca: {  	_ = 	snop  }
0xcb: {  	[tilespmem:s16], [sflag:$0x2] =	stream.indirect.gather [hbm4b:s2+s6], $0x80, s22, s6, $0xb8;
	[tilespmem:$0x18800] =	vst v63  }
0xcc: {  	_ = 	snop  }
0xcd: {  	[tilespmem:s17], [sflag:$0x2] =	stream.indirect.gather [hbm4b:s2+s6], $0x80, s23, s6, $0xb8;
	[tilespmem:$0x18800] =	vst v63  }
0xce: {  	_ =	swait.ge [sflag:s7], $0xC000  }
0xcf: {  	[sflag:s7] =	ssyncset.done $0x0  }
0xd0: {  	[sflag:s7] =	ssyncadd.s32 $0xFFFF4000  }
0xd1: {  	[hbm4b:s10+s3] =	stream.linear.scatter [tilespmem:s5], [sflag:$0x3], $0xC000, $0x38;
	[tilespmem:$0x18800] =	vst v63  }
0xd2: {  	_ =	swait.ge [sflag:s4], $0xC000  }
0xd3: {  	[sflag:s4] =	ssyncset.done $0x0  }
0xd4: {  	[sflag:s4] =	ssyncadd.s32 $0xFFFF4000  }
0xd5: {  	[tilespmem:s5], [sflag:$0x1] =	stream.indirect.gather [hbm4b:s2+s6], $0x80, s18, s6, $0xb8;
	[tilespmem:$0x18800] =	vst v63  }
0xd6: {  	_ = 	snop  }
0xd7: {  	[tilespmem:s11], [sflag:$0x1] =	stream.indirect.gather [hbm4b:s2+s6], $0x80, s19, s6, $0xb8;
	[tilespmem:$0x18800] =	vst v63  }
0xd8: {  	_ = 	snop  }
0xd9: {  	[tilespmem:s12], [sflag:$0x1] =	stream.indirect.gather [hbm4b:s2+s6], $0x80, s20, s6, $0xb8;
	[tilespmem:$0x18800] =	vst v63  }
0xda: {  	_ =	swait.ge [sflag:s15], $0xC000  }
0xdb: {  	[sflag:s15] =	ssyncset.done $0x0  }
0xdc: {  	[sflag:s15] =	ssyncadd.s32 $0xFFFF4000  }
0xdd: {  	[hbm4b:s8+s3] =	stream.linear.scatter [tilespmem:s9], [sflag:$0x3], $0xC000, $0x38;
	[tilespmem:$0x18800] =	vst v63  }
0xde: {  	_ =	swait.ge [sflag:s4], $0xC000  }
0xdf: {  	[sflag:s4] =	ssyncset.done $0x0  }
0xe0: {  	[sflag:s4] =	ssyncadd.s32 $0xFFFF4000  }
0xe1: {  	_ =	swait.ge [sflag:s7], $0xC000  }
0xe2: {  	[sflag:s7] =	ssyncset.done $0x0  }
0xe3: {  	s29 =	rddreg [dreg:$0x4];
	[sflag:s7] =	ssyncadd.s32 $0xFFFF4000  }
0xe4: {  	[hbm4b:s29+s3] =	stream.linear.scatter [tilespmem:s5], [sflag:$0x3], $0xC000, $0x38;
	[tilespmem:$0x18800] =	vst v63  }
0xe5: {  	_ =	swait.ge [sflag:s4], $0xC000  }
0xe6: {  	[sflag:s4] =	ssyncset.done $0x0  }
0xe7: {  	[sflag:s4] =	ssyncadd.s32 $0xFFFF4000  }
0xe8: {  	[tilespmem:s5], [sflag:$0x1] =	stream.indirect.gather [hbm4b:s2+s6], $0x80, s13, s6, $0xb8;
	[tilespmem:$0x18800] =	vst v63  }
0xe9: {  	_ =	swait.ge [sflag:s7], $0x4000  }
0xea: {  	[sflag:s7] =	ssyncset.done $0x0  }
0xeb: {  	s30 =	rddreg [dreg:$0x5];
	[sflag:s7] =	ssyncadd.s32 $0xFFFFC000  }
0xec: {  	[hbm4b:s30+s3] =	stream.linear.scatter [tilespmem:s5], [sflag:$0x3], $0x4000, $0x38;
	[tilespmem:$0x18800] =	vst v63  }
0xed: {  	_ =	swait.ge [sflag:s4], $0x4000  }
0xee: {  	[sflag:s4] =	ssyncset.done $0x0  }
0xef: {  	[sflag:s4] =	ssyncadd.s32 $0xFFFFC000  }
0xf0: {  	_ =	sfence.sel $0x180000  }
0xf1: {  	[bflag:$0x0] =	sbarrier.arrive $0xFFFF  }
0xf2: {  	_ =	strace $0x9000004D  }
0xf3: {  	s31 =	stileid.u32;
	[bflag:$0x2] =	sbarrier.arrive $0xFFFF  }
0xf4: {  	p0 =	sne.s32 s31, $0x0;
	s0 =	rddreg [dreg:$0x2]  }
0xf5: {  	s0 =	sadd.s32 @!p0 $0x100000, s0  }
0xf6: {  	[sflag:s0] =	ssyncadd.tile.s32 @!p0 $0x1;
	_ =	shalt  }
.Lfunc_end2:
_tile_overlayer_lowered:
.L_overlay_start_2:
0xf7: {  	(tag) =	ssettag $0x2  }
0xf8: {  	s0 =	rddreg [dreg:$0x0];
	s2 =	stileid.u32  }
0xf9: {  	s1 =	rddreg [dreg:$0x1];
	p0 =	sne.s32 s2, $0x0  }
0xfa: {  	s3 =	rddreg [dreg:$0x2];
	[bflag:$0x3] =	sbarrier.arrive $0xFFFF;
	s2 =	simm.s32 @!p0 $0x1C03  }
0xfb: {  	[timem:s3], [sflag:s2] =	dma.local @!p0 [hbm:s0], s1  }
0xfc: {  	s0 =	simm.s32 @!p0 $0x3  }
0xfd: {  	_ =	swait.ge @!p0 [sflag:s0], s1  }
0xfe: {  	s1 =	ssub.s32 @!p0 $0x0, s1;
	[sflag:s0] =	ssyncset.done @!p0 $0x0  }
0xff: {  	[sflag:s0] =	ssyncadd.s32 @!p0 s1  }
0x100: {  	[bflag:$0x3] =	sbarrier.arrive $0xFFFF  }
0x101: {  	_ =	shalt  }

// kernel: kernel.22.cloned.1.call-start
scs
__scs_entry_jumppad:
0x0: {  	(pc) =	sbr.rel $0x88, $3  }
0x1: {  	(tag) =	ssettag $0x0;
	lr =	simm.s32 $0x1  }
0x2: {  	[smem:$0x3F93] =	sst lr;
	_ =	strace $0xD0000000  }
0x3: {  	_ = 	snop  }
0x4: {  	_ = 	snop  }
0x5: {  	_ = 	snop  }
0x6: {  	_ = 	snop  }
0x7: {  	_ = 	snop  }
__scs_overlays_trampoline_lowered:
0x8: {  	[smem:$0x3FA2] =	sst s0  }
0x9: {  	[smem:$0x3FA3] =	sst s1  }
0xa: {  	[smem:$0x3FA4] =	sst s2  }
0xb: {  	[smem:$0x3FA5] =	sst s3  }
0xc: {  	[smem:$0x3FA6] =	sst s4  }
0xd: {  	[smem:$0x3FA7] =	sst s5  }
0xe: {  	[smem:$0x3FA8] =	sst s6  }
0xf: {  	[smem:$0x3FA9] =	sst s7  }
0x10: {  	[smem:$0x3FAA] =	sst s8  }
0x11: {  	[smem:$0x3FAB] =	sst s9;
	s0 =	simm.s32 @!p0 $0x0  }
0x12: {  	s1 =	sld [smem:$0x3F91];
	s0 =	simm.s32 @p0 $0x1  }
0x13: {  	[smem:$0x3FAC] =	sst s0;
	s0 =	simm.s32 @!p1 $0x0  }
0x14: {  	s2 =	sld [smem:$0x3F90];
	s0 =	simm.s32 @p1 $0x1  }
0x15: {  	[smem:$0x3FAD] =	sst s0;
	s0 =	simm.s32 @!p2 $0x0  }
0x16: {  	s3 =	sld [smem:$0x3FDB];
	s0 =	simm.s32 @p2 $0x1  }
0x17: {  	s4 =	simm.s32 $0x1BF5;
	[smem:$0x3FAF] =	sst s0  }
0x18: {  	s0 =	sld [smem:$0x3F92];
	_ =	swait.ge [sflag:s4], $0x0  }
0x19: {  	s7 =	sld [smem:$0x3F93]  }
0x1a: {  	s8 =	sadd.s32 $0xFFFFE003, lr  }
0x1b: {  	s9 =	sadd.s32 $0xFFFFFEF7, lr;
	s5 =	simm.s32 $0xFFFFFFFF;
	p2 =	slt.u32 s8, $0xFFFFF086  }
0x1c: {  	p1 =	slt.u32 s9, $0xF7A;
	s5 =	simm.s32 @!p2 $0x0  }
0x1d: {  	s5 =	simm.s32 @p1 $0x1;
	p0 =	seq.s32 s7, s2  }
0x1e: {  	s7 =	smul.u32 @!p0 $0xF7A, s2;
	p2 =	seq.s32 @!p0 s5, $0x0  }
0x1f: {  	s9 =	smul.u32 $0xF7A, s1;
	s8 =	simm.s32 @!p0 $0x1BF5;
	p2 =	por !p2, p0  }
0x20: {  	[sflag:s8] =	ssyncset.s32 @!p0 $0xFFFFF086;
	s6 =	sadd.s32 @!p0 s3, s7;
	s7 =	simm.s32 @!p0 $0x108  }
0x21: {  	s3 =	sadd.s32 s3, s9;
	s6 =	sadd.s32 @!p0 $0x88, s6;
	s7 =	simm.s32 @p2 $0x1082  }
0x22: {  	[simem:s7], [sflag:s8] =	dma.local @!p0 [hbm:s6], $0xF7A  }
0x23: {  	s9 =	sor.u32 $0xD0000000, s2;
	s6 =	simm.s32 $0x108;
	_ =	swait.ge @!p0 [sflag:s8], $0x0  }
0x24: {  	s3 =	sadd.s32 $0x88, s3;
	s6 =	simm.s32 @!p1 $0x1082;
	[sflag:s4] =	ssyncset.s32 $0xFFFFF086  }
0x25: {  	[simem:s6], [sflag:s4] =	dma.local [hbm:s3], $0xF7A  }
0x26: {  	[smem:$0x3F93] =	sst s1;
	(tag) =	ssettag s2;
	_ =	strace s9  }
0x27: {  	s1 =	sld [smem:$0x3FA3]  }
0x28: {  	s2 =	sld [smem:$0x3FA4]  }
0x29: {  	s4 =	sld [smem:$0x3FA6]  }
0x2a: {  	p0 =	seq.s32 s5, $0x0;
	s5 =	sld [smem:$0x3FA7]  }
0x2b: {  	s6 =	sld [smem:$0x3FA8]  }
0x2c: {  	s7 =	sld [smem:$0x3FA9]  }
0x2d: {  	s3 =	simm.s32 $0x108;
	s8 =	sld [smem:$0x3FAA]  }
0x2e: {  	s3 =	simm.s32 @!p0 $0x1082;
	s9 =	sld [smem:$0x3FAB]  }
0x2f: {  	lr =	sadd.s32 s0, s3;
	s0 =	sld [smem:$0x3FA2]  }
0x30: {  	s3 =	sld [smem:$0x3FA5]  }
0x31: {  	[smem:$0x3FAE] =	sst s10  }
0x32: {  	s10 =	sld [smem:$0x3FAC];
	_ =	sdelay $0x3  }
0x33: {  	p0 =	seq.s32 s10, $0x1;
	s10 =	sld [smem:$0x3FAE];
	_ =	sdelay $0x3  }
0x34: {  	[smem:$0x3FAE] =	sst s10  }
0x35: {  	s10 =	sld [smem:$0x3FAD];
	_ =	sdelay $0x3  }
0x36: {  	p1 =	seq.s32 s10, $0x1;
	s10 =	sld [smem:$0x3FAE];
	_ =	sdelay $0x3  }
0x37: {  	[smem:$0x3FAE] =	sst s10  }
0x38: {  	s10 =	sld [smem:$0x3FAF]  }
0x39: {  	_ = 	snop;
	(pc) =	sbr.ind lr, $3  }
0x3a: {  	_ = 	snop  }
0x3b: {  	_ = 	snop  }
0x3c: {  	p2 =	seq.s32 s10, $0x1;
	s10 =	sld [smem:$0x3FAE]  }
0x3d: {  	_ =	shalt  }
0x3e: {  	_ =	shalt  }
0x3f: {  	_ =	shalt  }
0x40: {  	_ =	shalt  }
0x41: {  	_ =	shalt  }
0x42: {  	_ =	shalt  }
0x43: {  	_ =	shalt  }
0x44: {  	_ =	shalt  }
0x45: {  	_ =	shalt  }
0x46: {  	_ =	shalt  }
0x47: {  	_ =	shalt  }
0x48: {  	_ =	shalt  }
0x49: {  	_ =	shalt  }
0x4a: {  	_ =	shalt  }
0x4b: {  	_ =	shalt  }
0x4c: {  	_ =	shalt  }
0x4d: {  	_ =	shalt  }
0x4e: {  	_ =	shalt  }
0x4f: {  	_ =	shalt  }
0x50: {  	_ =	shalt  }
0x51: {  	_ =	shalt  }
0x52: {  	_ =	shalt  }
0x53: {  	_ =	shalt  }
0x54: {  	_ =	shalt  }
0x55: {  	_ =	shalt  }
0x56: {  	_ =	shalt  }
0x57: {  	_ =	shalt  }
0x58: {  	_ =	shalt  }
0x59: {  	_ =	shalt  }
0x5a: {  	_ =	shalt  }
0x5b: {  	_ =	shalt  }
0x5c: {  	_ =	shalt  }
0x5d: {  	_ =	shalt  }
0x5e: {  	_ =	shalt  }
0x5f: {  	_ =	shalt  }
0x60: {  	_ =	shalt  }
0x61: {  	_ =	shalt  }
0x62: {  	_ =	shalt  }
0x63: {  	_ =	shalt  }
0x64: {  	_ =	shalt  }
0x65: {  	_ =	shalt  }
0x66: {  	_ =	shalt  }
0x67: {  	_ =	shalt  }
0x68: {  	_ =	shalt  }
0x69: {  	_ =	shalt  }
0x6a: {  	_ =	shalt  }
0x6b: {  	_ =	shalt  }
0x6c: {  	_ =	shalt  }
0x6d: {  	_ =	shalt  }
0x6e: {  	_ =	shalt  }
0x6f: {  	_ =	shalt  }
0x70: {  	_ =	shalt  }
0x71: {  	_ =	shalt  }
0x72: {  	_ =	shalt  }
0x73: {  	_ =	shalt  }
0x74: {  	_ =	shalt  }
0x75: {  	_ =	shalt  }
0x76: {  	_ =	shalt  }
0x77: {  	_ =	shalt  }
0x78: {  	_ =	shalt  }
0x79: {  	_ =	shalt  }
0x7a: {  	_ =	shalt  }
0x7b: {  	_ =	shalt  }
0x7c: {  	_ =	shalt  }
0x7d: {  	_ =	shalt  }
0x7e: {  	_ =	shalt  }
0x7f: {  	_ =	shalt  }
0x80: {  	_ =	shalt  }
0x81: {  	_ =	shalt  }
0x82: {  	_ =	shalt  }
0x83: {  	_ =	shalt  }
0x84: {  	_ =	shalt  }
0x85: {  	_ =	shalt  }
0x86: {  	_ =	shalt  }
0x87: {  	_ =	shalt  }
.Lfunc_end0:
.L_simem_size_0:
called_computation.3_lowered:
.L_overlay_start_0:
0x88: {  	s2 =	sld [smem:$0x3FD9]  }
0x89: {  	s3 =	sld [smem:$0x3FFE];
	_ =	sdelay $0x1  }
0x8a: {  	s1 =	srdreg.scid  }
0x8b: {  	s0 =	sand.u32 $0x1, s1  }
0x8c: {  	s17 =	sshll.u32 s0, $0xA;
	s2 =	sadd.s32 s3, s2  }
0x8d: {  	s2 =	sadd.s32 s2, s17  }
0x8e: {  	[smem:$0x3FBA] =	sst s2  }
0x8f: {  	_ = 	snop  }
0x90: {  	s18 =	sld [smem:$0x3FD0];
	(tm) =	ssettm $0x1  }
0x91: {  	s19 =	sld [smem:$0x3FFB];
	_ =	sdelay $0x3  }
0x92: {  	_ =	strace s19  }
0x93: {  	s2 =	sld [smem:$0x3FFC];
	_ =	sdelay $0x3  }
0x94: {  	_ =	strace s2  }
0x95: {  	s2 =	sld [smem:$0x3FFD];
	_ =	sdelay $0x3  }
0x96: {  	_ =	strace s2  }
0x97: {  	_ =	strace $0x8FFFFFFF  }
0x98: {  	s20 =	sld [smem:$0x3FDB];
	_ =	sdelay $0x1  }
0x99: {  	s4 =	simm.s32 $_scs_section_size  }
0x9a: {  	s5 =	simm.s32 $_size__tile_overlayer_lowered;
	s6 =	simm.s32 $_tile_overlayer_lowered  }
0x9b: {  	s7 =	simm.s32 $0x1BFF;
	s21 =	sshll.u32 s6, $0x1;
	s4 =	sadd.s32 s4, s20  }
0x9c: {  	s22 =	simm.s32 $0x0;
	s5 =	sshll.u32 s5, $0x1;
	s6 =	sadd.s32 s21, s4  }
0x9d: {  	[timem:s22], [sflag:s7] =	dma.local [hbm:s6], s5  }
0x9e: {  	_ =	swait.ge [sflag:s7], s5  }
0x9f: {  	s5 =	ssub.s32 $0x0, s5;
	[sflag:s7] =	ssyncset.done $0x0  }
0xa0: {  	[sflag:s7] =	ssyncadd.s32 s5;
	_ =	sdelay $0x1  }
0xa1: {  	s23 =	simm.s32 $0x1B8B  }
0xa2: {  	_ =	swait.ge [sflag:s23], $0x1  }
0xa3: {  	[sflag:s23] =	ssyncset.done $0x0  }
0xa4: {  	[sflag:s23] =	ssyncadd.s32 $0xFFFFFFFF  }
0xa5: {  	s5 =	sld [smem:$0x0]  }
0xa6: {  	s6 =	sand.u32 $0xFFFFFFFE, s1  }
0xa7: {  	p0 =	sne.s32 s1, s6  }
0xa8: {  	s6 =	sshll.u32 @p0 s6, $0xE  }
0xa9: {  	s6 =	sadd.s32 @p0 $0x11B8D, s6;
	s7 =	sshll.u32 @p0 s5, $0x11  }
0xaa: {  	s6 =	sor.u32 @p0 s7, s6  }
0xab: {  	[sflag:s6] =	ssyncadd.remote.s32 @p0 $0x1;
	_ =	sdelay $0x1  }
0xac: {  	s6 =	simm.s32 @p0 $0x1B8D  }
0xad: {  	_ =	swait.eq @p0 [sflag:s6], $0x1  }
0xae: {  	[sflag:s6] =	ssyncadd.s32 @p0 $0xFFFFFFFF  }
0xaf: {  	s7 =	sshll.u32 @!p0 s1, $0xE  }
0xb0: {  	s7 =	sor.u32 @!p0 $0x4000, s7;
	s6 =	simm.s32 @!p0 $0x1B8D  }
0xb1: {  	s5 =	sshll.u32 @!p0 s5, $0x11;
	s7 =	sadd.s32 @!p0 $0x11B8D, s7;
	_ =	swait.eq @!p0 [sflag:s6], $0x1  }
0xb2: {  	s5 =	sor.u32 @!p0 s5, s7;
	[sflag:s6] =	ssyncadd.s32 @!p0 $0xFFFFFFFF  }
0xb3: {  	s25 =	simm.s32 $0x1B8E;
	s24 =	sld [smem:$0x3FFE];
	[sflag:s5] =	ssyncadd.remote.s32 @!p0 $0x1  }
0xb4: {  	s26 =	simm.s32 $execute0_lowered;
	[smem:$0x3FD2] =	sst s25  }
0xb5: {  	s6 =	sshll.u32 s26, $0x1;
	_ =	strace $0x80000049;
	[dreg:$0x1] =	wrdreg $0xFFFFFFFF  }
0xb6: {  	s28 =	simm.s32 $_size_execute0_lowered;
	s4 =	sadd.s32 s4, s6;
	[dreg:$0x0] =	wrdreg $0x0  }
0xb7: {  	s6 =	sshll.u32 s28, $0x1;
	[dreg:$0x2] =	wrdreg s4  }
0xb8: {  	[dreg:$0x3] =	wrdreg s6  }
0xb9: {  	[dreg:$0x4] =	wrdreg $0xC0  }
0xba: {  	_ =	task [dreg:s22], $0x5FFFF  }
0xbb: {  	[dreg:$0x1] =	wrdreg $0xFFFFFFFF  }
0xbc: {  	[dreg:$0x0] =	wrdreg $0x60  }
0xbd: {  	[dreg:$0x2] =	wrdreg s18  }
0xbe: {  	[dreg:$0x3] =	wrdreg s24  }
0xbf: {  	[dreg:$0x4] =	wrdreg $0xC  }
0xc0: {  	_ =	task.clear_ibuf [dreg:s22], $0x5FFFF;
	_ =	strace $0x90000049  }
0xc1: {  	s29 =	simm.s32 $0xC;
	_ =	strace $0x8000004B  }
0xc2: {  	_ =	swait.ge [sflag:s29], $0x1  }
0xc3: {  	[sflag:s29] =	ssyncadd.s32 $0xFFFFFFFF  }
0xc4: {  	_ =	strace $0x9000004B  }
0xc5: {  	_ =	sfence  }
0xc6: {  	s30 =	sld [smem:$0x0];
	_ =	sdelay $0x2  }
0xc7: {  	s31 =	sshll.u32 s1, $0xD;
	s1 =	sshrl.u32 s1, $0x2  }
0xc8: {  	s4 =	sand.u32 $0x4000, s31;
	s1 =	sadd.s32 s1, s30  }
0xc9: {  	s0 =	sor.u32 s4, s0;
	s1 =	sshll.u32 s1, $0x11  }
0xca: {  	s0 =	sor.u32 s1, s0  }
0xcb: {  	s0 =	sadd.s32 $0x8F2B, s0  }
0xcc: {  	[sflag:s0] =	ssyncadd.remote.s32 $0x1  }
0xcd: {  	_ =	sfence.sel $0xFFFF  }
0xce: {  	[dreg:$0x0] =	wrdreg $0xFFFFFFFF;
	(pc) =	sbr.abs _section_cstart, $3  }
0xcf: {  	[dreg:$0x1] =	wrdreg $0xFFFFFFFF  }
0xd0: {  	_ =	task.clear_ibuf [dreg:s22], $0x2FFFF;
	_ =	strace $0x9FFFFFFF  }
0xd1: {  	(tm) =	ssettm $0x7FFFFFFF  }
tec
execute0_lowered:
.L_overlay_start_1:
0x0: {  	(tag) =	ssettag $0x1  }
0x1: {  	s0 =	srdreg.scid;
	s2 =	rddreg [dreg:$0x0]  }
0x2: {  	s1 =	stileid.u32;
	s4 =	rddreg [dreg:$0x1];
	s6 =	simm.s32 $0x80  }
0x3: {  	s11 =	simm.s32 $0x4800;
	s28 =	simm.s32 $0x100;
	s12 =	simm.s32 $0x8800  }
0x4: {  	s29 =	simm.s32 $0x180;
	s9 =	simm.s32 $0xC800;
	s30 =	simm.s32 $0x200  }
0x5: {  	s16 =	simm.s32 $0x10800;
	s31 =	simm.s32 $0x280;
	s17 =	simm.s32 $0x14800  }
0x6: {  	s7 =	simm.s32 $0x1;
	s15 =	simm.s32 $0x2;
	s21 =	simm.s32 $0x480  }
0x7: {  	p0 =	por $0x0, $0x0;
	s18 =	simm.s32 $0x600;
	s19 =	simm.s32 $0x680  }
0x8: {  	s20 =	simm.s32 $0x700;
	s13 =	simm.s32 $0x780;
	s0 =	sand.u32 $0x1, s0  }
0x9: {  	s1 =	sshll.u32 s1, $0xC;
	s3 =	sshll.u32 s0, $0xB;
	s0 =	ssub.s32 $0x2, s0  }
0xa: {  	s1 =	sor.u32 s3, s1;
	s3 =	simm.s32 $0x0;
	s24 =	sshrl.u32 s0, $0x1  }
0xb: {  	s5 =	sshrl.u32 s1, $0x3;
	[smem:$0x7FF] =	sst s3;
	s1 =	sshll.u32 s1, $0x4  }
0xc: {  	s0 =	ssub.s32 s0, s24;
	s24 =	simm.s32 $0x300;
	s5 =	sadd.s32 s5, s4  }
0xd: {  	_ =	strace $0x8000004A;
	s1 =	sadd.s32 s1, s4;
	s0 =	smax.u32 s0, $0x1  }
0xe: {  	s4 =	simm.s32 $0x3;
	s22 =	sadd.s32 $0x9400, s5;
	s23 =	sadd.s32 $0x113400, s1  }
0xf: {  	s25 =	sadd.s32 $0x114C00, s1;
	s26 =	sadd.s32 $0x10D400, s1;
	p1 =	sne.s32 s0, $0x1  }
.Ltmp0:
0x10: {  	s14 =	sadd.s32 $0x10EC00, s1;
	[dreg:$0x3] =	wrdreg s22;
	(pc) =	sbr.rel @!p1 .LBB2_3-.Ltmp0, $4  }
0x11: {  	s10 =	sadd.s32 $0x110400, s1;
	s8 =	sadd.s32 $0x111C00, s1;
	[dreg:$0x4] =	wrdreg s23  }
0x12: {  	s5 =	simm.s32 $0x800;
	s1 =	sadd.s32 $0xFFFFFFFF, s0;
	[dreg:$0x5] =	wrdreg s25  }
0x13: {  	[dreg:$0x6] =	wrdreg s26;
	s25 =	simm.s32 $0x380;
	s26 =	simm.s32 $0x400  }
0x14: {  	s22 =	simm.s32 $0x500;
	s23 =	simm.s32 $0x580;
	s0 =	rddreg [dreg:$0x3]  }
0x15: {  	[tilespmem:s3], [sflag:$0x3] =	stream.linear.gather [hbm4b:s0+s3], $0x800, $0x38;
	[tilespmem:$0x18800] =	vst v63  }
0x16: {  	_ =	swait.ge [sflag:s4], $0x800  }
0x17: {  	[sflag:s4] =	ssyncset.done $0x0  }
0x18: {  	[sflag:s4] =	ssyncadd.s32 $0xFFFFF800  }
0x19: {  	[tilespmem:s5], [sflag:$0x1] =	stream.indirect.gather [hbm4b:s2+s6], $0x80, s3, s6, $0xb8;
	[tilespmem:$0x18800] =	vst v63  }
0x1a: {  	_ = 	snop  }
0x1b: {  	[tilespmem:s11], [sflag:$0x1] =	stream.indirect.gather [hbm4b:s2+s6], $0x80, s6, s6, $0xb8;
	[tilespmem:$0x18800] =	vst v63  }
0x1c: {  	_ = 	snop  }
0x1d: {  	[tilespmem:s12], [sflag:$0x1] =	stream.indirect.gather [hbm4b:s2+s6], $0x80, s28, s6, $0xb8;
	[tilespmem:$0x18800] =	vst v63  }
0x1e: {  	_ = 	snop  }
0x1f: {  	[tilespmem:s9], [sflag:$0x2] =	stream.indirect.gather [hbm4b:s2+s6], $0x80, s29, s6, $0xb8;
	[tilespmem:$0x18800] =	vst v63  }
0x20: {  	_ = 	snop  }
0x21: {  	[tilespmem:s16], [sflag:$0x2] =	stream.indirect.gather [hbm4b:s2+s6], $0x80, s30, s6, $0xb8;
	[tilespmem:$0x18800] =	vst v63  }
0x22: {  	_ = 	snop  }
0x23: {  	[tilespmem:s17], [sflag:$0x2] =	stream.indirect.gather [hbm4b:s2+s6], $0x80, s31, s6, $0xb8;
	[tilespmem:$0x18800] =	vst v63  }
0x24: {  	_ =	swait.ge [sflag:s7], $0xC000  }
0x25: {  	[sflag:s7] =	ssyncset.done $0x0  }
0x26: {  	s0 =	rddreg [dreg:$0x6];
	[sflag:s7] =	ssyncadd.s32 $0xFFFF4000  }
0x27: {  	[hbm4b:s0+s3] =	stream.linear.scatter [tilespmem:s5], [sflag:$0x3], $0xC000, $0x38;
	[tilespmem:$0x18800] =	vst v63  }
0x28: {  	_ =	swait.ge [sflag:s4], $0xC000  }
0x29: {  	[sflag:s4] =	ssyncset.done $0x0  }
0x2a: {  	[sflag:s4] =	ssyncadd.s32 $0xFFFF4000  }
0x2b: {  	[tilespmem:s5], [sflag:$0x1] =	stream.indirect.gather [hbm4b:s2+s6], $0x80, s24, s6, $0xb8;
	[tilespmem:$0x18800] =	vst v63  }
0x2c: {  	_ = 	snop  }
0x2d: {  	[tilespmem:s11], [sflag:$0x1] =	stream.indirect.gather [hbm4b:s2+s6], $0x80, s25, s6, $0xb8;
	[tilespmem:$0x18800] =	vst v63  }
0x2e: {  	_ = 	snop  }
0x2f: {  	[tilespmem:s12], [sflag:$0x1] =	stream.indirect.gather [hbm4b:s2+s6], $0x80, s26, s6, $0xb8;
	[tilespmem:$0x18800] =	vst v63  }
0x30: {  	_ =	swait.ge [sflag:s15], $0xC000  }
0x31: {  	[sflag:s15] =	ssyncset.done $0x0  }
0x32: {  	[sflag:s15] =	ssyncadd.s32 $0xFFFF4000  }
0x33: {  	[hbm4b:s14+s3] =	stream.linear.scatter [tilespmem:s9], [sflag:$0x3], $0xC000, $0x38;
	[tilespmem:$0x18800] =	vst v63  }
0x34: {  	_ =	swait.ge [sflag:s4], $0xC000  }
0x35: {  	[sflag:s4] =	ssyncset.done $0x0  }
0x36: {  	[sflag:s4] =	ssyncadd.s32 $0xFFFF4000  }
0x37: {  	[tilespmem:s9], [sflag:$0x2] =	stream.indirect.gather [hbm4b:s2+s6], $0x80, s21, s6, $0xb8;
	[tilespmem:$0x18800] =	vst v63  }
0x38: {  	_ = 	snop  }
0x39: {  	[tilespmem:s16], [sflag:$0x2] =	stream.indirect.gather [hbm4b:s2+s6], $0x80, s22, s6, $0xb8;
	[tilespmem:$0x18800] =	vst v63  }
0x3a: {  	_ = 	snop  }
0x3b: {  	[tilespmem:s17], [sflag:$0x2] =	stream.indirect.gather [hbm4b:s2+s6], $0x80, s23, s6, $0xb8;
	[tilespmem:$0x18800] =	vst v63  }
0x3c: {  	_ =	swait.ge [sflag:s7], $0xC000  }
0x3d: {  	[sflag:s7] =	ssyncset.done $0x0  }
0x3e: {  	[sflag:s7] =	ssyncadd.s32 $0xFFFF4000  }
0x3f: {  	[hbm4b:s10+s3] =	stream.linear.scatter [tilespmem:s5], [sflag:$0x3], $0xC000, $0x38;
	[tilespmem:$0x18800] =	vst v63  }
0x40: {  	_ =	swait.ge [sflag:s4], $0xC000  }
0x41: {  	[sflag:s4] =	ssyncset.done $0x0  }
0x42: {  	[sflag:s4] =	ssyncadd.s32 $0xFFFF4000  }
0x43: {  	[tilespmem:s5], [sflag:$0x1] =	stream.indirect.gather [hbm4b:s2+s6], $0x80, s18, s6, $0xb8;
	[tilespmem:$0x18800] =	vst v63  }
0x44: {  	_ = 	snop  }
0x45: {  	[tilespmem:s11], [sflag:$0x1] =	stream.indirect.gather [hbm4b:s2+s6], $0x80, s19, s6, $0xb8;
	[tilespmem:$0x18800] =	vst v63  }
0x46: {  	_ = 	snop  }
0x47: {  	[tilespmem:s12], [sflag:$0x1] =	stream.indirect.gather [hbm4b:s2+s6], $0x80, s20, s6, $0xb8;
	[tilespmem:$0x18800] =	vst v63  }
0x48: {  	_ =	swait.ge [sflag:s15], $0xC000  }
0x49: {  	[sflag:s15] =	ssyncset.done $0x0  }
0x4a: {  	[sflag:s15] =	ssyncadd.s32 $0xFFFF4000  }
0x4b: {  	[hbm4b:s8+s3] =	stream.linear.scatter [tilespmem:s9], [sflag:$0x3], $0xC000, $0x38;
	[tilespmem:$0x18800] =	vst v63  }
0x4c: {  	_ =	swait.ge [sflag:s4], $0xC000  }
0x4d: {  	[sflag:s4] =	ssyncset.done $0x0  }
0x4e: {  	[sflag:s4] =	ssyncadd.s32 $0xFFFF4000  }
0x4f: {  	_ =	swait.ge [sflag:s7], $0xC000  }
0x50: {  	[sflag:s7] =	ssyncset.done $0x0  }
0x51: {  	s0 =	rddreg [dreg:$0x4];
	[sflag:s7] =	ssyncadd.s32 $0xFFFF4000  }
0x52: {  	[hbm4b:s0+s3] =	stream.linear.scatter [tilespmem:s5], [sflag:$0x3], $0xC000, $0x38;
	[tilespmem:$0x18800] =	vst v63  }
0x53: {  	_ =	swait.ge [sflag:s4], $0xC000  }
0x54: {  	[sflag:s4] =	ssyncset.done $0x0  }
0x55: {  	[sflag:s4] =	ssyncadd.s32 $0xFFFF4000  }
0x56: {  	[tilespmem:s5], [sflag:$0x1] =	stream.indirect.gather [hbm4b:s2+s6], $0x80, s13, s6, $0xb8;
	[tilespmem:$0x18800] =	vst v63  }
0x57: {  	p1 =	sne.s32 s1, $0x1;
	_ =	swait.ge [sflag:s7], $0x4000  }
.Ltmp1:
0x58: {  	[sflag:s7] =	ssyncset.done $0x0;
	(pc) =	sbr.rel @!p1 .LBB2_3-.Ltmp1, $4  }
0x59: {  	s0 =	rddreg [dreg:$0x5];
	[sflag:s7] =	ssyncadd.s32 $0xFFFFC000  }
0x5a: {  	[hbm4b:s0+s3] =	stream.linear.scatter [tilespmem:s5], [sflag:$0x3], $0x4000, $0x38;
	[tilespmem:$0x18800] =	vst v63  }
0x5b: {  	s1 =	sadd.s32 $0xFFFFFFFF, s1;
	_ =	swait.ge [sflag:s4], $0x4000  }
0x5c: {  	p0 =	por $0x1, $0x1;
	s0 =	rddreg [dreg:$0x3];
	[sflag:s4] =	ssyncset.done $0x0  }
.LBB2_2:
0x5d: {  	[sflag:s4] =	ssyncadd.s32 $0xFFFFC000  }
0x5e: {  	[tilespmem:s3], [sflag:$0x3] =	stream.linear.gather [hbm4b:s0+s3], $0x800, $0x38;
	[tilespmem:$0x18800] =	vst v63  }
0x5f: {  	_ =	swait.ge [sflag:s4], $0x800  }
0x60: {  	[sflag:s4] =	ssyncset.done $0x0  }
0x61: {  	[sflag:s4] =	ssyncadd.s32 $0xFFFFF800  }
0x62: {  	[tilespmem:s5], [sflag:$0x1] =	stream.indirect.gather [hbm4b:s2+s6], $0x80, s3, s6, $0xb8;
	[tilespmem:$0x18800] =	vst v63  }
0x63: {  	_ = 	snop  }
0x64: {  	[tilespmem:s11], [sflag:$0x1] =	stream.indirect.gather [hbm4b:s2+s6], $0x80, s6, s6, $0xb8;
	[tilespmem:$0x18800] =	vst v63  }
0x65: {  	_ = 	snop  }
0x66: {  	[tilespmem:s12], [sflag:$0x1] =	stream.indirect.gather [hbm4b:s2+s6], $0x80, s28, s6, $0xb8;
	[tilespmem:$0x18800] =	vst v63  }
0x67: {  	_ = 	snop  }
0x68: {  	[tilespmem:s9], [sflag:$0x2] =	stream.indirect.gather [hbm4b:s2+s6], $0x80, s29, s6, $0xb8;
	[tilespmem:$0x18800] =	vst v63  }
0x69: {  	_ = 	snop  }
0x6a: {  	[tilespmem:s16], [sflag:$0x2] =	stream.indirect.gather [hbm4b:s2+s6], $0x80, s30, s6, $0xb8;
	[tilespmem:$0x18800] =	vst v63  }
0x6b: {  	_ = 	snop  }
0x6c: {  	[tilespmem:s17], [sflag:$0x2] =	stream.indirect.gather [hbm4b:s2+s6], $0x80, s31, s6, $0xb8;
	[tilespmem:$0x18800] =	vst v63  }
0x6d: {  	_ =	swait.ge [sflag:s7], $0xC000  }
0x6e: {  	[sflag:s7] =	ssyncset.done $0x0  }
0x6f: {  	s0 =	rddreg [dreg:$0x6];
	[sflag:s7] =	ssyncadd.s32 $0xFFFF4000  }
0x70: {  	[hbm4b:s0+s3] =	stream.linear.scatter [tilespmem:s5], [sflag:$0x3], $0xC000, $0x38;
	[tilespmem:$0x18800] =	vst v63  }
0x71: {  	_ =	swait.ge [sflag:s4], $0xC000  }
0x72: {  	[sflag:s4] =	ssyncset.done $0x0  }
0x73: {  	[sflag:s4] =	ssyncadd.s32 $0xFFFF4000  }
0x74: {  	[tilespmem:s5], [sflag:$0x1] =	stream.indirect.gather [hbm4b:s2+s6], $0x80, s24, s6, $0xb8;
	[tilespmem:$0x18800] =	vst v63  }
0x75: {  	_ = 	snop  }
0x76: {  	[tilespmem:s11], [sflag:$0x1] =	stream.indirect.gather [hbm4b:s2+s6], $0x80, s25, s6, $0xb8;
	[tilespmem:$0x18800] =	vst v63  }
0x77: {  	_ = 	snop  }
0x78: {  	[tilespmem:s12], [sflag:$0x1] =	stream.indirect.gather [hbm4b:s2+s6], $0x80, s26, s6, $0xb8;
	[tilespmem:$0x18800] =	vst v63  }
0x79: {  	_ =	swait.ge [sflag:s15], $0xC000  }
0x7a: {  	[sflag:s15] =	ssyncset.done $0x0  }
0x7b: {  	[sflag:s15] =	ssyncadd.s32 $0xFFFF4000  }
0x7c: {  	[hbm4b:s14+s3] =	stream.linear.scatter [tilespmem:s9], [sflag:$0x3], $0xC000, $0x38;
	[tilespmem:$0x18800] =	vst v63  }
0x7d: {  	_ =	swait.ge [sflag:s4], $0xC000  }
0x7e: {  	[sflag:s4] =	ssyncset.done $0x0  }
0x7f: {  	[sflag:s4] =	ssyncadd.s32 $0xFFFF4000  }
0x80: {  	[tilespmem:s9], [sflag:$0x2] =	stream.indirect.gather [hbm4b:s2+s6], $0x80, s21, s6, $0xb8;
	[tilespmem:$0x18800] =	vst v63  }
0x81: {  	_ = 	snop  }
0x82: {  	[tilespmem:s16], [sflag:$0x2] =	stream.indirect.gather [hbm4b:s2+s6], $0x80, s22, s6, $0xb8;
	[tilespmem:$0x18800] =	vst v63  }
0x83: {  	_ = 	snop  }
0x84: {  	[tilespmem:s17], [sflag:$0x2] =	stream.indirect.gather [hbm4b:s2+s6], $0x80, s23, s6, $0xb8;
	[tilespmem:$0x18800] =	vst v63  }
0x85: {  	_ =	swait.ge [sflag:s7], $0xC000  }
0x86: {  	[sflag:s7] =	ssyncset.done $0x0  }
0x87: {  	[sflag:s7] =	ssyncadd.s32 $0xFFFF4000  }
0x88: {  	[hbm4b:s10+s3] =	stream.linear.scatter [tilespmem:s5], [sflag:$0x3], $0xC000, $0x38;
	[tilespmem:$0x18800] =	vst v63  }
0x89: {  	_ =	swait.ge [sflag:s4], $0xC000  }
0x8a: {  	[sflag:s4] =	ssyncset.done $0x0  }
0x8b: {  	[sflag:s4] =	ssyncadd.s32 $0xFFFF4000  }
0x8c: {  	[tilespmem:s5], [sflag:$0x1] =	stream.indirect.gather [hbm4b:s2+s6], $0x80, s18, s6, $0xb8;
	[tilespmem:$0x18800] =	vst v63  }
0x8d: {  	_ = 	snop  }
0x8e: {  	[tilespmem:s11], [sflag:$0x1] =	stream.indirect.gather [hbm4b:s2+s6], $0x80, s19, s6, $0xb8;
	[tilespmem:$0x18800] =	vst v63  }
0x8f: {  	_ = 	snop  }
0x90: {  	[tilespmem:s12], [sflag:$0x1] =	stream.indirect.gather [hbm4b:s2+s6], $0x80, s20, s6, $0xb8;
	[tilespmem:$0x18800] =	vst v63  }
0x91: {  	_ =	swait.ge [sflag:s15], $0xC000  }
0x92: {  	[sflag:s15] =	ssyncset.done $0x0  }
0x93: {  	[sflag:s15] =	ssyncadd.s32 $0xFFFF4000  }
0x94: {  	[hbm4b:s8+s3] =	stream.linear.scatter [tilespmem:s9], [sflag:$0x3], $0xC000, $0x38;
	[tilespmem:$0x18800] =	vst v63  }
0x95: {  	_ =	swait.ge [sflag:s4], $0xC000  }
0x96: {  	[sflag:s4] =	ssyncset.done $0x0  }
0x97: {  	[sflag:s4] =	ssyncadd.s32 $0xFFFF4000  }
0x98: {  	_ =	swait.ge [sflag:s7], $0xC000  }
0x99: {  	[sflag:s7] =	ssyncset.done $0x0  }
0x9a: {  	s0 =	rddreg [dreg:$0x4];
	[sflag:s7] =	ssyncadd.s32 $0xFFFF4000  }
0x9b: {  	[hbm4b:s0+s3] =	stream.linear.scatter [tilespmem:s5], [sflag:$0x3], $0xC000, $0x38;
	[tilespmem:$0x18800] =	vst v63  }
0x9c: {  	_ =	swait.ge [sflag:s4], $0xC000  }
0x9d: {  	[sflag:s4] =	ssyncset.done $0x0  }
0x9e: {  	[sflag:s4] =	ssyncadd.s32 $0xFFFF4000  }
0x9f: {  	[tilespmem:s5], [sflag:$0x1] =	stream.indirect.gather [hbm4b:s2+s6], $0x80, s13, s6, $0xb8;
	[tilespmem:$0x18800] =	vst v63  }
0xa0: {  	p1 =	sne.s32 s1, $0x1;
	_ =	swait.ge [sflag:s7], $0x4000  }
.Ltmp2:
0xa1: {  	[sflag:s7] =	ssyncset.done $0x0;
	(pc) =	sbr.rel @p1 .LBB2_2-.Ltmp2, $4  }
0xa2: {  	s0 =	rddreg [dreg:$0x5];
	[sflag:s7] =	ssyncadd.s32 $0xFFFFC000  }
0xa3: {  	[hbm4b:s0+s3] =	stream.linear.scatter [tilespmem:s5], [sflag:$0x3], $0x4000, $0x38;
	[tilespmem:$0x18800] =	vst v63  }
0xa4: {  	_ =	swait.ge [sflag:s4], $0x4000  }
0xa5: {  	s1 =	sadd.s32 $0xFFFFFFFF, s1;
	s0 =	rddreg [dreg:$0x3];
	[sflag:s4] =	ssyncset.done $0x0  }
.LBB2_3:
0xa6: {  	[sflag:s4] =	ssyncadd.s32 @p0 $0xFFFFC000  }
0xa7: {  	[tilespmem:s3], [sflag:$0x3] =	stream.linear.gather [hbm4b:s0+s3], $0x800, $0x38;
	[tilespmem:$0x18800] =	vst v63  }
0xa8: {  	_ =	swait.ge [sflag:s4], $0x800  }
0xa9: {  	[sflag:s4] =	ssyncset.done $0x0  }
0xaa: {  	[sflag:s4] =	ssyncadd.s32 $0xFFFFF800  }
0xab: {  	[tilespmem:s5], [sflag:$0x1] =	stream.indirect.gather [hbm4b:s2+s6], $0x80, s3, s6, $0xb8;
	[tilespmem:$0x18800] =	vst v63  }
0xac: {  	_ = 	snop  }
0xad: {  	[tilespmem:s11], [sflag:$0x1] =	stream.indirect.gather [hbm4b:s2+s6], $0x80, s6, s6, $0xb8;
	[tilespmem:$0x18800] =	vst v63  }
0xae: {  	_ = 	snop  }
0xaf: {  	[tilespmem:s12], [sflag:$0x1] =	stream.indirect.gather [hbm4b:s2+s6], $0x80, s28, s6, $0xb8;
	[tilespmem:$0x18800] =	vst v63  }
0xb0: {  	_ = 	snop  }
0xb1: {  	[tilespmem:s9], [sflag:$0x2] =	stream.indirect.gather [hbm4b:s2+s6], $0x80, s29, s6, $0xb8;
	[tilespmem:$0x18800] =	vst v63  }
0xb2: {  	_ = 	snop  }
0xb3: {  	[tilespmem:s16], [sflag:$0x2] =	stream.indirect.gather [hbm4b:s2+s6], $0x80, s30, s6, $0xb8;
	[tilespmem:$0x18800] =	vst v63  }
0xb4: {  	_ = 	snop  }
0xb5: {  	[tilespmem:s17], [sflag:$0x2] =	stream.indirect.gather [hbm4b:s2+s6], $0x80, s31, s6, $0xb8;
	[tilespmem:$0x18800] =	vst v63  }
0xb6: {  	_ =	swait.ge [sflag:s7], $0xC000  }
0xb7: {  	[sflag:s7] =	ssyncset.done $0x0  }
0xb8: {  	s28 =	rddreg [dreg:$0x6];
	[sflag:s7] =	ssyncadd.s32 $0xFFFF4000  }
0xb9: {  	[hbm4b:s28+s3] =	stream.linear.scatter [tilespmem:s5], [sflag:$0x3], $0xC000, $0x38;
	[tilespmem:$0x18800] =	vst v63  }
0xba: {  	_ =	swait.ge [sflag:s4], $0xC000  }
0xbb: {  	[sflag:s4] =	ssyncset.done $0x0  }
0xbc: {  	[sflag:s4] =	ssyncadd.s32 $0xFFFF4000  }
0xbd: {  	[tilespmem:s5], [sflag:$0x1] =	stream.indirect.gather [hbm4b:s2+s6], $0x80, s24, s6, $0xb8;
	[tilespmem:$0x18800] =	vst v63  }
0xbe: {  	_ = 	snop  }
0xbf: {  	[tilespmem:s11], [sflag:$0x1] =	stream.indirect.gather [hbm4b:s2+s6], $0x80, s25, s6, $0xb8;
	[tilespmem:$0x18800] =	vst v63  }
0xc0: {  	_ = 	snop  }
0xc1: {  	[tilespmem:s12], [sflag:$0x1] =	stream.indirect.gather [hbm4b:s2+s6], $0x80, s26, s6, $0xb8;
	[tilespmem:$0x18800] =	vst v63  }
0xc2: {  	_ =	swait.ge [sflag:s15], $0xC000  }
0xc3: {  	[sflag:s15] =	ssyncset.done $0x0  }
0xc4: {  	[sflag:s15] =	ssyncadd.s32 $0xFFFF4000  }
0xc5: {  	[hbm4b:s14+s3] =	stream.linear.scatter [tilespmem:s9], [sflag:$0x3], $0xC000, $0x38;
	[tilespmem:$0x18800] =	vst v63  }
0xc6: {  	_ =	swait.ge [sflag:s4], $0xC000  }
0xc7: {  	[sflag:s4] =	ssyncset.done $0x0  }
0xc8: {  	[sflag:s4] =	ssyncadd.s32 $0xFFFF4000  }
0xc9: {  	[tilespmem:s9], [sflag:$0x2] =	stream.indirect.gather [hbm4b:s2+s6], $0x80, s21, s6, $0xb8;
	[tilespmem:$0x18800] =	vst v63  }
0xca: {  	_ = 	snop  }
0xcb: {  	[tilespmem:s16], [sflag:$0x2] =	stream.indirect.gather [hbm4b:s2+s6], $0x80, s22, s6, $0xb8;
	[tilespmem:$0x18800] =	vst v63  }
0xcc: {  	_ = 	snop  }
0xcd: {  	[tilespmem:s17], [sflag:$0x2] =	stream.indirect.gather [hbm4b:s2+s6], $0x80, s23, s6, $0xb8;
	[tilespmem:$0x18800] =	vst v63  }
0xce: {  	_ =	swait.ge [sflag:s7], $0xC000  }
0xcf: {  	[sflag:s7] =	ssyncset.done $0x0  }
0xd0: {  	[sflag:s7] =	ssyncadd.s32 $0xFFFF4000  }
0xd1: {  	[hbm4b:s10+s3] =	stream.linear.scatter [tilespmem:s5], [sflag:$0x3], $0xC000, $0x38;
	[tilespmem:$0x18800] =	vst v63  }
0xd2: {  	_ =	swait.ge [sflag:s4], $0xC000  }
0xd3: {  	[sflag:s4] =	ssyncset.done $0x0  }
0xd4: {  	[sflag:s4] =	ssyncadd.s32 $0xFFFF4000  }
0xd5: {  	[tilespmem:s5], [sflag:$0x1] =	stream.indirect.gather [hbm4b:s2+s6], $0x80, s18, s6, $0xb8;
	[tilespmem:$0x18800] =	vst v63  }
0xd6: {  	_ = 	snop  }
0xd7: {  	[tilespmem:s11], [sflag:$0x1] =	stream.indirect.gather [hbm4b:s2+s6], $0x80, s19, s6, $0xb8;
	[tilespmem:$0x18800] =	vst v63  }
0xd8: {  	_ = 	snop  }
0xd9: {  	[tilespmem:s12], [sflag:$0x1] =	stream.indirect.gather [hbm4b:s2+s6], $0x80, s20, s6, $0xb8;
	[tilespmem:$0x18800] =	vst v63  }
0xda: {  	_ =	swait.ge [sflag:s15], $0xC000  }
0xdb: {  	[sflag:s15] =	ssyncset.done $0x0  }
0xdc: {  	[sflag:s15] =	ssyncadd.s32 $0xFFFF4000  }
0xdd: {  	[hbm4b:s8+s3] =	stream.linear.scatter [tilespmem:s9], [sflag:$0x3], $0xC000, $0x38;
	[tilespmem:$0x18800] =	vst v63  }
0xde: {  	_ =	swait.ge [sflag:s4], $0xC000  }
0xdf: {  	[sflag:s4] =	ssyncset.done $0x0  }
0xe0: {  	[sflag:s4] =	ssyncadd.s32 $0xFFFF4000  }
0xe1: {  	_ =	swait.ge [sflag:s7], $0xC000  }
0xe2: {  	[sflag:s7] =	ssyncset.done $0x0  }
0xe3: {  	s29 =	rddreg [dreg:$0x4];
	[sflag:s7] =	ssyncadd.s32 $0xFFFF4000  }
0xe4: {  	[hbm4b:s29+s3] =	stream.linear.scatter [tilespmem:s5], [sflag:$0x3], $0xC000, $0x38;
	[tilespmem:$0x18800] =	vst v63  }
0xe5: {  	_ =	swait.ge [sflag:s4], $0xC000  }
0xe6: {  	[sflag:s4] =	ssyncset.done $0x0  }
0xe7: {  	[sflag:s4] =	ssyncadd.s32 $0xFFFF4000  }
0xe8: {  	[tilespmem:s5], [sflag:$0x1] =	stream.indirect.gather [hbm4b:s2+s6], $0x80, s13, s6, $0xb8;
	[tilespmem:$0x18800] =	vst v63  }
0xe9: {  	_ =	swait.ge [sflag:s7], $0x4000  }
0xea: {  	[sflag:s7] =	ssyncset.done $0x0  }
0xeb: {  	s30 =	rddreg [dreg:$0x5];
	[sflag:s7] =	ssyncadd.s32 $0xFFFFC000  }
0xec: {  	[hbm4b:s30+s3] =	stream.linear.scatter [tilespmem:s5], [sflag:$0x3], $0x4000, $0x38;
	[tilespmem:$0x18800] =	vst v63  }
0xed: {  	_ =	swait.ge [sflag:s4], $0x4000  }
0xee: {  	[sflag:s4] =	ssyncset.done $0x0  }
0xef: {  	[sflag:s4] =	ssyncadd.s32 $0xFFFFC000  }
0xf0: {  	_ =	sfence.sel $0x180000  }
0xf1: {  	[bflag:$0x0] =	sbarrier.arrive $0xFFFF  }
0xf2: {  	_ =	strace $0x9000004A  }
0xf3: {  	s31 =	stileid.u32;
	[bflag:$0x2] =	sbarrier.arrive $0xFFFF  }
0xf4: {  	p0 =	sne.s32 s31, $0x0;
	s0 =	rddreg [dreg:$0x2]  }
0xf5: {  	s0 =	sadd.s32 @!p0 $0x100000, s0  }
0xf6: {  	[sflag:s0] =	ssyncadd.tile.s32 @!p0 $0x1;
	_ =	shalt  }
.Lfunc_end2:
_tile_overlayer_lowered:
.L_overlay_start_2:
0xf7: {  	(tag) =	ssettag $0x2  }
0xf8: {  	s0 =	rddreg [dreg:$0x0];
	s2 =	stileid.u32  }
0xf9: {  	s1 =	rddreg [dreg:$0x1];
	p0 =	sne.s32 s2, $0x0  }
0xfa: {  	s3 =	rddreg [dreg:$0x2];
	[bflag:$0x3] =	sbarrier.arrive $0xFFFF;
	s2 =	simm.s32 @!p0 $0x1C03  }
0xfb: {  	[timem:s3], [sflag:s2] =	dma.local @!p0 [hbm:s0], s1  }
0xfc: {  	s0 =	simm.s32 @!p0 $0x3  }
0xfd: {  	_ =	swait.ge @!p0 [sflag:s0], s1  }
0xfe: {  	s1 =	ssub.s32 @!p0 $0x0, s1;
	[sflag:s0] =	ssyncset.done @!p0 $0x0  }
0xff: {  	[sflag:s0] =	ssyncadd.s32 @!p0 s1  }
0x100: {  	[bflag:$0x3] =	sbarrier.arrive $0xFFFF  }
0x101: {  	_ =	shalt  }

// kernel: kernel.25.cloned.1.call-start
scs
__scs_entry_jumppad:
0x0: {  	(pc) =	sbr.rel $0x88, $3  }
0x1: {  	(tag) =	ssettag $0x0;
	lr =	simm.s32 $0x1  }
0x2: {  	[smem:$0x3F93] =	sst lr;
	_ =	strace $0xD0000000  }
0x3: {  	_ = 	snop  }
0x4: {  	_ = 	snop  }
0x5: {  	_ = 	snop  }
0x6: {  	_ = 	snop  }
0x7: {  	_ = 	snop  }
__scs_overlays_trampoline_lowered:
0x8: {  	[smem:$0x3FA2] =	sst s0  }
0x9: {  	[smem:$0x3FA3] =	sst s1  }
0xa: {  	[smem:$0x3FA4] =	sst s2  }
0xb: {  	[smem:$0x3FA5] =	sst s3  }
0xc: {  	[smem:$0x3FA6] =	sst s4  }
0xd: {  	[smem:$0x3FA7] =	sst s5  }
0xe: {  	[smem:$0x3FA8] =	sst s6  }
0xf: {  	[smem:$0x3FA9] =	sst s7  }
0x10: {  	[smem:$0x3FAA] =	sst s8  }
0x11: {  	[smem:$0x3FAB] =	sst s9;
	s0 =	simm.s32 @!p0 $0x0  }
0x12: {  	s1 =	sld [smem:$0x3F91];
	s0 =	simm.s32 @p0 $0x1  }
0x13: {  	[smem:$0x3FAC] =	sst s0;
	s0 =	simm.s32 @!p1 $0x0  }
0x14: {  	s2 =	sld [smem:$0x3F90];
	s0 =	simm.s32 @p1 $0x1  }
0x15: {  	[smem:$0x3FAD] =	sst s0;
	s0 =	simm.s32 @!p2 $0x0  }
0x16: {  	s3 =	sld [smem:$0x3FDB];
	s0 =	simm.s32 @p2 $0x1  }
0x17: {  	s4 =	simm.s32 $0x1BF5;
	[smem:$0x3FAF] =	sst s0  }
0x18: {  	s0 =	sld [smem:$0x3F92];
	_ =	swait.ge [sflag:s4], $0x0  }
0x19: {  	s7 =	sld [smem:$0x3F93]  }
0x1a: {  	s8 =	sadd.s32 $0xFFFFE003, lr  }
0x1b: {  	s9 =	sadd.s32 $0xFFFFFEF7, lr;
	s5 =	simm.s32 $0xFFFFFFFF;
	p2 =	slt.u32 s8, $0xFFFFF086  }
0x1c: {  	p1 =	slt.u32 s9, $0xF7A;
	s5 =	simm.s32 @!p2 $0x0  }
0x1d: {  	s5 =	simm.s32 @p1 $0x1;
	p0 =	seq.s32 s7, s2  }
0x1e: {  	s7 =	smul.u32 @!p0 $0xF7A, s2;
	p2 =	seq.s32 @!p0 s5, $0x0  }
0x1f: {  	s9 =	smul.u32 $0xF7A, s1;
	s8 =	simm.s32 @!p0 $0x1BF5;
	p2 =	por !p2, p0  }
0x20: {  	[sflag:s8] =	ssyncset.s32 @!p0 $0xFFFFF086;
	s6 =	sadd.s32 @!p0 s3, s7;
	s7 =	simm.s32 @!p0 $0x108  }
0x21: {  	s3 =	sadd.s32 s3, s9;
	s6 =	sadd.s32 @!p0 $0x88, s6;
	s7 =	simm.s32 @p2 $0x1082  }
0x22: {  	[simem:s7], [sflag:s8] =	dma.local @!p0 [hbm:s6], $0xF7A  }
0x23: {  	s9 =	sor.u32 $0xD0000000, s2;
	s6 =	simm.s32 $0x108;
	_ =	swait.ge @!p0 [sflag:s8], $0x0  }
0x24: {  	s3 =	sadd.s32 $0x88, s3;
	s6 =	simm.s32 @!p1 $0x1082;
	[sflag:s4] =	ssyncset.s32 $0xFFFFF086  }
0x25: {  	[simem:s6], [sflag:s4] =	dma.local [hbm:s3], $0xF7A  }
0x26: {  	[smem:$0x3F93] =	sst s1;
	(tag) =	ssettag s2;
	_ =	strace s9  }
0x27: {  	s1 =	sld [smem:$0x3FA3]  }
0x28: {  	s2 =	sld [smem:$0x3FA4]  }
0x29: {  	s4 =	sld [smem:$0x3FA6]  }
0x2a: {  	p0 =	seq.s32 s5, $0x0;
	s5 =	sld [smem:$0x3FA7]  }
0x2b: {  	s6 =	sld [smem:$0x3FA8]  }
0x2c: {  	s7 =	sld [smem:$0x3FA9]  }
0x2d: {  	s3 =	simm.s32 $0x108;
	s8 =	sld [smem:$0x3FAA]  }
0x2e: {  	s3 =	simm.s32 @!p0 $0x1082;
	s9 =	sld [smem:$0x3FAB]  }
0x2f: {  	lr =	sadd.s32 s0, s3;
	s0 =	sld [smem:$0x3FA2]  }
0x30: {  	s3 =	sld [smem:$0x3FA5]  }
0x31: {  	[smem:$0x3FAE] =	sst s10  }
0x32: {  	s10 =	sld [smem:$0x3FAC];
	_ =	sdelay $0x3  }
0x33: {  	p0 =	seq.s32 s10, $0x1;
	s10 =	sld [smem:$0x3FAE];
	_ =	sdelay $0x3  }
0x34: {  	[smem:$0x3FAE] =	sst s10  }
0x35: {  	s10 =	sld [smem:$0x3FAD];
	_ =	sdelay $0x3  }
0x36: {  	p1 =	seq.s32 s10, $0x1;
	s10 =	sld [smem:$0x3FAE];
	_ =	sdelay $0x3  }
0x37: {  	[smem:$0x3FAE] =	sst s10  }
0x38: {  	s10 =	sld [smem:$0x3FAF]  }
0x39: {  	_ = 	snop;
	(pc) =	sbr.ind lr, $3  }
0x3a: {  	_ = 	snop  }
0x3b: {  	_ = 	snop  }
0x3c: {  	p2 =	seq.s32 s10, $0x1;
	s10 =	sld [smem:$0x3FAE]  }
0x3d: {  	_ =	shalt  }
0x3e: {  	_ =	shalt  }
0x3f: {  	_ =	shalt  }
0x40: {  	_ =	shalt  }
0x41: {  	_ =	shalt  }
0x42: {  	_ =	shalt  }
0x43: {  	_ =	shalt  }
0x44: {  	_ =	shalt  }
0x45: {  	_ =	shalt  }
0x46: {  	_ =	shalt  }
0x47: {  	_ =	shalt  }
0x48: {  	_ =	shalt  }
0x49: {  	_ =	shalt  }
0x4a: {  	_ =	shalt  }
0x4b: {  	_ =	shalt  }
0x4c: {  	_ =	shalt  }
0x4d: {  	_ =	shalt  }
0x4e: {  	_ =	shalt  }
0x4f: {  	_ =	shalt  }
0x50: {  	_ =	shalt  }
0x51: {  	_ =	shalt  }
0x52: {  	_ =	shalt  }
0x53: {  	_ =	shalt  }
0x54: {  	_ =	shalt  }
0x55: {  	_ =	shalt  }
0x56: {  	_ =	shalt  }
0x57: {  	_ =	shalt  }
0x58: {  	_ =	shalt  }
0x59: {  	_ =	shalt  }
0x5a: {  	_ =	shalt  }
0x5b: {  	_ =	shalt  }
0x5c: {  	_ =	shalt  }
0x5d: {  	_ =	shalt  }
0x5e: {  	_ =	shalt  }
0x5f: {  	_ =	shalt  }
0x60: {  	_ =	shalt  }
0x61: {  	_ =	shalt  }
0x62: {  	_ =	shalt  }
0x63: {  	_ =	shalt  }
0x64: {  	_ =	shalt  }
0x65: {  	_ =	shalt  }
0x66: {  	_ =	shalt  }
0x67: {  	_ =	shalt  }
0x68: {  	_ =	shalt  }
0x69: {  	_ =	shalt  }
0x6a: {  	_ =	shalt  }
0x6b: {  	_ =	shalt  }
0x6c: {  	_ =	shalt  }
0x6d: {  	_ =	shalt  }
0x6e: {  	_ =	shalt  }
0x6f: {  	_ =	shalt  }
0x70: {  	_ =	shalt  }
0x71: {  	_ =	shalt  }
0x72: {  	_ =	shalt  }
0x73: {  	_ =	shalt  }
0x74: {  	_ =	shalt  }
0x75: {  	_ =	shalt  }
0x76: {  	_ =	shalt  }
0x77: {  	_ =	shalt  }
0x78: {  	_ =	shalt  }
0x79: {  	_ =	shalt  }
0x7a: {  	_ =	shalt  }
0x7b: {  	_ =	shalt  }
0x7c: {  	_ =	shalt  }
0x7d: {  	_ =	shalt  }
0x7e: {  	_ =	shalt  }
0x7f: {  	_ =	shalt  }
0x80: {  	_ =	shalt  }
0x81: {  	_ =	shalt  }
0x82: {  	_ =	shalt  }
0x83: {  	_ =	shalt  }
0x84: {  	_ =	shalt  }
0x85: {  	_ =	shalt  }
0x86: {  	_ =	shalt  }
0x87: {  	_ =	shalt  }
.Lfunc_end0:
.L_simem_size_0:
called_computation.4_lowered:
.L_overlay_start_0:
0x88: {  	s2 =	sld [smem:$0x3FD9]  }
0x89: {  	s3 =	sld [smem:$0x3FFE];
	_ =	sdelay $0x1  }
0x8a: {  	s1 =	srdreg.scid  }
0x8b: {  	s0 =	sand.u32 $0x1, s1  }
0x8c: {  	s17 =	sshll.u32 s0, $0xA;
	s2 =	sadd.s32 s3, s2  }
0x8d: {  	s2 =	sadd.s32 s2, s17  }
0x8e: {  	[smem:$0x3FBA] =	sst s2  }
0x8f: {  	_ = 	snop  }
0x90: {  	s2 =	sld [smem:$0x3FD0];
	(tm) =	ssettm $0x1  }
0x91: {  	s18 =	sld [smem:$0x3FFB];
	_ =	sdelay $0x3  }
0x92: {  	_ =	strace s18  }
0x93: {  	s3 =	sld [smem:$0x3FFC];
	_ =	sdelay $0x3  }
0x94: {  	_ =	strace s3  }
0x95: {  	s3 =	sld [smem:$0x3FFD];
	_ =	sdelay $0x3  }
0x96: {  	_ =	strace s3  }
0x97: {  	_ =	strace $0x8FFFFFFF  }
0x98: {  	s19 =	sld [smem:$0x3FDB];
	_ =	sdelay $0x1  }
0x99: {  	s4 =	simm.s32 $_scs_section_size  }
0x9a: {  	s5 =	simm.s32 $_size__tile_overlayer_lowered;
	s6 =	simm.s32 $_tile_overlayer_lowered  }
0x9b: {  	s22 =	simm.s32 $0x1BFF;
	s21 =	sshll.u32 s6, $0x1;
	s3 =	sadd.s32 s4, s19  }
0x9c: {  	s7 =	simm.s32 $0x0;
	s20 =	sshll.u32 s5, $0x1;
	s5 =	sadd.s32 s21, s3  }
0x9d: {  	[timem:s7], [sflag:s22] =	dma.local [hbm:s5], s20  }
0x9e: {  	_ =	swait.ge [sflag:s22], s20  }
0x9f: {  	s4 =	ssub.s32 $0x0, s20;
	[sflag:s22] =	ssyncset.done $0x0  }
0xa0: {  	[sflag:s22] =	ssyncadd.s32 s4;
	_ =	sdelay $0x1  }
0xa1: {  	s23 =	simm.s32 $0x1B8B  }
0xa2: {  	_ =	swait.ge [sflag:s23], $0x1  }
0xa3: {  	[sflag:s23] =	ssyncset.done $0x0  }
0xa4: {  	s25 =	simm.s32 $0x1B8E;
	s24 =	sld [smem:$0x3FFE];
	[sflag:s23] =	ssyncadd.s32 $0xFFFFFFFF  }
0xa5: {  	s26 =	simm.s32 $execute0_lowered;
	[smem:$0x3FD2] =	sst s25  }
0xa6: {  	s5 =	sshll.u32 s26, $0x1;
	_ =	strace $0x80000046;
	[dreg:$0x1] =	wrdreg $0xFFFFFFFF  }
0xa7: {  	s28 =	simm.s32 $_size_execute0_lowered;
	s3 =	sadd.s32 s3, s5;
	[dreg:$0x0] =	wrdreg $0x0  }
0xa8: {  	s5 =	sshll.u32 s28, $0x1;
	[dreg:$0x2] =	wrdreg s3  }
0xa9: {  	[dreg:$0x3] =	wrdreg s5  }
0xaa: {  	[dreg:$0x4] =	wrdreg $0xC0  }
0xab: {  	_ =	task [dreg:s7], $0x5FFFF  }
0xac: {  	[dreg:$0x1] =	wrdreg $0xFFFFFFFF  }
0xad: {  	[dreg:$0x0] =	wrdreg $0x60  }
0xae: {  	[dreg:$0x2] =	wrdreg s2  }
0xaf: {  	[dreg:$0x3] =	wrdreg s24  }
0xb0: {  	[dreg:$0x4] =	wrdreg $0xD  }
0xb1: {  	_ =	task.clear_ibuf [dreg:s7], $0x5FFFF;
	_ =	strace $0x90000046  }
0xb2: {  	s29 =	simm.s32 $0xD;
	_ =	strace $0x80000048  }
0xb3: {  	_ =	swait.ge [sflag:s29], $0x1  }
0xb4: {  	[sflag:s29] =	ssyncadd.s32 $0xFFFFFFFF  }
0xb5: {  	_ =	strace $0x90000048  }
0xb6: {  	_ =	sfence  }
0xb7: {  	s30 =	sld [smem:$0x0];
	_ =	sdelay $0x2  }
0xb8: {  	s31 =	sshll.u32 s1, $0xD;
	s1 =	sshrl.u32 s1, $0x2  }
0xb9: {  	s3 =	sand.u32 $0x4000, s31;
	s1 =	sadd.s32 s1, s30  }
0xba: {  	s0 =	sor.u32 s3, s0;
	s1 =	sshll.u32 s1, $0x11  }
0xbb: {  	s0 =	sor.u32 s1, s0  }
0xbc: {  	s0 =	sadd.s32 $0x8F2B, s0  }
0xbd: {  	[sflag:s0] =	ssyncadd.remote.s32 $0x1  }
0xbe: {  	_ =	sfence.sel $0xFFFF  }
0xbf: {  	[dreg:$0x0] =	wrdreg $0xFFFFFFFF;
	(pc) =	sbr.abs _section_cstart, $3  }
0xc0: {  	[dreg:$0x1] =	wrdreg $0xFFFFFFFF  }
0xc1: {  	_ =	task.clear_ibuf [dreg:s7], $0x2FFFF;
	_ =	strace $0x9FFFFFFF  }
0xc2: {  	(tm) =	ssettm $0x7FFFFFFF  }
0xc3: {  	_ =	shalt  }
tec
execute0_lowered:
.L_overlay_start_1:
0x0: {  	(tag) =	ssettag $0x1  }
0x1: {  	s0 =	srdreg.scid;
	s2 =	rddreg [dreg:$0x0]  }
0x2: {  	s1 =	stileid.u32;
	s4 =	rddreg [dreg:$0x1];
	s6 =	simm.s32 $0x80  }
0x3: {  	s11 =	simm.s32 $0x4800;
	s28 =	simm.s32 $0x100;
	s12 =	simm.s32 $0x8800  }
0x4: {  	s29 =	simm.s32 $0x180;
	s9 =	simm.s32 $0xC800;
	s30 =	simm.s32 $0x200  }
0x5: {  	s16 =	simm.s32 $0x10800;
	s31 =	simm.s32 $0x280;
	s17 =	simm.s32 $0x14800  }
0x6: {  	s7 =	simm.s32 $0x1;
	s15 =	simm.s32 $0x2;
	s21 =	simm.s32 $0x480  }
0x7: {  	p0 =	por $0x0, $0x0;
	s18 =	simm.s32 $0x600;
	s19 =	simm.s32 $0x680  }
0x8: {  	s20 =	simm.s32 $0x700;
	s13 =	simm.s32 $0x780;
	s0 =	sand.u32 $0x1, s0  }
0x9: {  	s1 =	sshll.u32 s1, $0xC;
	s3 =	sshll.u32 s0, $0xB;
	s0 =	ssub.s32 $0x2, s0  }
0xa: {  	s1 =	sor.u32 s3, s1;
	s3 =	simm.s32 $0x0;
	s24 =	sshrl.u32 s0, $0x1  }
0xb: {  	s5 =	sshrl.u32 s1, $0x3;
	[smem:$0x7FF] =	sst s3;
	s1 =	sshll.u32 s1, $0x4  }
0xc: {  	s0 =	ssub.s32 s0, s24;
	s24 =	simm.s32 $0x300;
	s5 =	sadd.s32 s5, s4  }
0xd: {  	_ =	strace $0x80000047;
	s1 =	sadd.s32 s1, s4;
	s0 =	smax.u32 s0, $0x1  }
0xe: {  	s4 =	simm.s32 $0x3;
	s22 =	sadd.s32 $0xB400, s5;
	s23 =	sadd.s32 $0x13400, s1  }
0xf: {  	s25 =	sadd.s32 $0x14C00, s1;
	s26 =	sadd.s32 $0xD400, s1;
	p1 =	sne.s32 s0, $0x1  }
.Ltmp0:
0x10: {  	s14 =	sadd.s32 $0xEC00, s1;
	[dreg:$0x3] =	wrdreg s22;
	(pc) =	sbr.rel @!p1 .LBB2_3-.Ltmp0, $4  }
0x11: {  	s10 =	sadd.s32 $0x10400, s1;
	s8 =	sadd.s32 $0x11C00, s1;
	[dreg:$0x4] =	wrdreg s23  }
0x12: {  	s5 =	simm.s32 $0x800;
	s1 =	sadd.s32 $0xFFFFFFFF, s0;
	[dreg:$0x5] =	wrdreg s25  }
0x13: {  	[dreg:$0x6] =	wrdreg s26;
	s25 =	simm.s32 $0x380;
	s26 =	simm.s32 $0x400  }
0x14: {  	s22 =	simm.s32 $0x500;
	s23 =	simm.s32 $0x580;
	s0 =	rddreg [dreg:$0x3]  }
0x15: {  	[tilespmem:s3], [sflag:$0x3] =	stream.linear.gather [hbm4b:s0+s3], $0x800, $0x38;
	[tilespmem:$0x18800] =	vst v63  }
0x16: {  	_ =	swait.ge [sflag:s4], $0x800  }
0x17: {  	[sflag:s4] =	ssyncset.done $0x0  }
0x18: {  	[sflag:s4] =	ssyncadd.s32 $0xFFFFF800  }
0x19: {  	[tilespmem:s5], [sflag:$0x1] =	stream.indirect.gather [hbm4b:s2+s6], $0x80, s3, s6, $0xb8;
	[tilespmem:$0x18800] =	vst v63  }
0x1a: {  	_ = 	snop  }
0x1b: {  	[tilespmem:s11], [sflag:$0x1] =	stream.indirect.gather [hbm4b:s2+s6], $0x80, s6, s6, $0xb8;
	[tilespmem:$0x18800] =	vst v63  }
0x1c: {  	_ = 	snop  }
0x1d: {  	[tilespmem:s12], [sflag:$0x1] =	stream.indirect.gather [hbm4b:s2+s6], $0x80, s28, s6, $0xb8;
	[tilespmem:$0x18800] =	vst v63  }
0x1e: {  	_ = 	snop  }
0x1f: {  	[tilespmem:s9], [sflag:$0x2] =	stream.indirect.gather [hbm4b:s2+s6], $0x80, s29, s6, $0xb8;
	[tilespmem:$0x18800] =	vst v63  }
0x20: {  	_ = 	snop  }
0x21: {  	[tilespmem:s16], [sflag:$0x2] =	stream.indirect.gather [hbm4b:s2+s6], $0x80, s30, s6, $0xb8;
	[tilespmem:$0x18800] =	vst v63  }
0x22: {  	_ = 	snop  }
0x23: {  	[tilespmem:s17], [sflag:$0x2] =	stream.indirect.gather [hbm4b:s2+s6], $0x80, s31, s6, $0xb8;
	[tilespmem:$0x18800] =	vst v63  }
0x24: {  	_ =	swait.ge [sflag:s7], $0xC000  }
0x25: {  	[sflag:s7] =	ssyncset.done $0x0  }
0x26: {  	s0 =	rddreg [dreg:$0x6];
	[sflag:s7] =	ssyncadd.s32 $0xFFFF4000  }
0x27: {  	[hbm4b:s0+s3] =	stream.linear.scatter [tilespmem:s5], [sflag:$0x3], $0xC000, $0x38;
	[tilespmem:$0x18800] =	vst v63  }
0x28: {  	_ =	swait.ge [sflag:s4], $0xC000  }
0x29: {  	[sflag:s4] =	ssyncset.done $0x0  }
0x2a: {  	[sflag:s4] =	ssyncadd.s32 $0xFFFF4000  }
0x2b: {  	[tilespmem:s5], [sflag:$0x1] =	stream.indirect.gather [hbm4b:s2+s6], $0x80, s24, s6, $0xb8;
	[tilespmem:$0x18800] =	vst v63  }
0x2c: {  	_ = 	snop  }
0x2d: {  	[tilespmem:s11], [sflag:$0x1] =	stream.indirect.gather [hbm4b:s2+s6], $0x80, s25, s6, $0xb8;
	[tilespmem:$0x18800] =	vst v63  }
0x2e: {  	_ = 	snop  }
0x2f: {  	[tilespmem:s12], [sflag:$0x1] =	stream.indirect.gather [hbm4b:s2+s6], $0x80, s26, s6, $0xb8;
	[tilespmem:$0x18800] =	vst v63  }
0x30: {  	_ =	swait.ge [sflag:s15], $0xC000  }
0x31: {  	[sflag:s15] =	ssyncset.done $0x0  }
0x32: {  	[sflag:s15] =	ssyncadd.s32 $0xFFFF4000  }
0x33: {  	[hbm4b:s14+s3] =	stream.linear.scatter [tilespmem:s9], [sflag:$0x3], $0xC000, $0x38;
	[tilespmem:$0x18800] =	vst v63  }
0x34: {  	_ =	swait.ge [sflag:s4], $0xC000  }
0x35: {  	[sflag:s4] =	ssyncset.done $0x0  }
0x36: {  	[sflag:s4] =	ssyncadd.s32 $0xFFFF4000  }
0x37: {  	[tilespmem:s9], [sflag:$0x2] =	stream.indirect.gather [hbm4b:s2+s6], $0x80, s21, s6, $0xb8;
	[tilespmem:$0x18800] =	vst v63  }
0x38: {  	_ = 	snop  }
0x39: {  	[tilespmem:s16], [sflag:$0x2] =	stream.indirect.gather [hbm4b:s2+s6], $0x80, s22, s6, $0xb8;
	[tilespmem:$0x18800] =	vst v63  }
0x3a: {  	_ = 	snop  }
0x3b: {  	[tilespmem:s17], [sflag:$0x2] =	stream.indirect.gather [hbm4b:s2+s6], $0x80, s23, s6, $0xb8;
	[tilespmem:$0x18800] =	vst v63  }
0x3c: {  	_ =	swait.ge [sflag:s7], $0xC000  }
0x3d: {  	[sflag:s7] =	ssyncset.done $0x0  }
0x3e: {  	[sflag:s7] =	ssyncadd.s32 $0xFFFF4000  }
0x3f: {  	[hbm4b:s10+s3] =	stream.linear.scatter [tilespmem:s5], [sflag:$0x3], $0xC000, $0x38;
	[tilespmem:$0x18800] =	vst v63  }
0x40: {  	_ =	swait.ge [sflag:s4], $0xC000  }
0x41: {  	[sflag:s4] =	ssyncset.done $0x0  }
0x42: {  	[sflag:s4] =	ssyncadd.s32 $0xFFFF4000  }
0x43: {  	[tilespmem:s5], [sflag:$0x1] =	stream.indirect.gather [hbm4b:s2+s6], $0x80, s18, s6, $0xb8;
	[tilespmem:$0x18800] =	vst v63  }
0x44: {  	_ = 	snop  }
0x45: {  	[tilespmem:s11], [sflag:$0x1] =	stream.indirect.gather [hbm4b:s2+s6], $0x80, s19, s6, $0xb8;
	[tilespmem:$0x18800] =	vst v63  }
0x46: {  	_ = 	snop  }
0x47: {  	[tilespmem:s12], [sflag:$0x1] =	stream.indirect.gather [hbm4b:s2+s6], $0x80, s20, s6, $0xb8;
	[tilespmem:$0x18800] =	vst v63  }
0x48: {  	_ =	swait.ge [sflag:s15], $0xC000  }
0x49: {  	[sflag:s15] =	ssyncset.done $0x0  }
0x4a: {  	[sflag:s15] =	ssyncadd.s32 $0xFFFF4000  }
0x4b: {  	[hbm4b:s8+s3] =	stream.linear.scatter [tilespmem:s9], [sflag:$0x3], $0xC000, $0x38;
	[tilespmem:$0x18800] =	vst v63  }
0x4c: {  	_ =	swait.ge [sflag:s4], $0xC000  }
0x4d: {  	[sflag:s4] =	ssyncset.done $0x0  }
0x4e: {  	[sflag:s4] =	ssyncadd.s32 $0xFFFF4000  }
0x4f: {  	_ =	swait.ge [sflag:s7], $0xC000  }
0x50: {  	[sflag:s7] =	ssyncset.done $0x0  }
0x51: {  	s0 =	rddreg [dreg:$0x4];
	[sflag:s7] =	ssyncadd.s32 $0xFFFF4000  }
0x52: {  	[hbm4b:s0+s3] =	stream.linear.scatter [tilespmem:s5], [sflag:$0x3], $0xC000, $0x38;
	[tilespmem:$0x18800] =	vst v63  }
0x53: {  	_ =	swait.ge [sflag:s4], $0xC000  }
0x54: {  	[sflag:s4] =	ssyncset.done $0x0  }
0x55: {  	[sflag:s4] =	ssyncadd.s32 $0xFFFF4000  }
0x56: {  	[tilespmem:s5], [sflag:$0x1] =	stream.indirect.gather [hbm4b:s2+s6], $0x80, s13, s6, $0xb8;
	[tilespmem:$0x18800] =	vst v63  }
0x57: {  	p1 =	sne.s32 s1, $0x1;
	_ =	swait.ge [sflag:s7], $0x4000  }
.Ltmp1:
0x58: {  	[sflag:s7] =	ssyncset.done $0x0;
	(pc) =	sbr.rel @!p1 .LBB2_3-.Ltmp1, $4  }
0x59: {  	s0 =	rddreg [dreg:$0x5];
	[sflag:s7] =	ssyncadd.s32 $0xFFFFC000  }
0x5a: {  	[hbm4b:s0+s3] =	stream.linear.scatter [tilespmem:s5], [sflag:$0x3], $0x4000, $0x38;
	[tilespmem:$0x18800] =	vst v63  }
0x5b: {  	s1 =	sadd.s32 $0xFFFFFFFF, s1;
	_ =	swait.ge [sflag:s4], $0x4000  }
0x5c: {  	p0 =	por $0x1, $0x1;
	s0 =	rddreg [dreg:$0x3];
	[sflag:s4] =	ssyncset.done $0x0  }
.LBB2_2:
0x5d: {  	[sflag:s4] =	ssyncadd.s32 $0xFFFFC000  }
0x5e: {  	[tilespmem:s3], [sflag:$0x3] =	stream.linear.gather [hbm4b:s0+s3], $0x800, $0x38;
	[tilespmem:$0x18800] =	vst v63  }
0x5f: {  	_ =	swait.ge [sflag:s4], $0x800  }
0x60: {  	[sflag:s4] =	ssyncset.done $0x0  }
0x61: {  	[sflag:s4] =	ssyncadd.s32 $0xFFFFF800  }
0x62: {  	[tilespmem:s5], [sflag:$0x1] =	stream.indirect.gather [hbm4b:s2+s6], $0x80, s3, s6, $0xb8;
	[tilespmem:$0x18800] =	vst v63  }
0x63: {  	_ = 	snop  }
0x64: {  	[tilespmem:s11], [sflag:$0x1] =	stream.indirect.gather [hbm4b:s2+s6], $0x80, s6, s6, $0xb8;
	[tilespmem:$0x18800] =	vst v63  }
0x65: {  	_ = 	snop  }
0x66: {  	[tilespmem:s12], [sflag:$0x1] =	stream.indirect.gather [hbm4b:s2+s6], $0x80, s28, s6, $0xb8;
	[tilespmem:$0x18800] =	vst v63  }
0x67: {  	_ = 	snop  }
0x68: {  	[tilespmem:s9], [sflag:$0x2] =	stream.indirect.gather [hbm4b:s2+s6], $0x80, s29, s6, $0xb8;
	[tilespmem:$0x18800] =	vst v63  }
0x69: {  	_ = 	snop  }
0x6a: {  	[tilespmem:s16], [sflag:$0x2] =	stream.indirect.gather [hbm4b:s2+s6], $0x80, s30, s6, $0xb8;
	[tilespmem:$0x18800] =	vst v63  }
0x6b: {  	_ = 	snop  }
0x6c: {  	[tilespmem:s17], [sflag:$0x2] =	stream.indirect.gather [hbm4b:s2+s6], $0x80, s31, s6, $0xb8;
	[tilespmem:$0x18800] =	vst v63  }
0x6d: {  	_ =	swait.ge [sflag:s7], $0xC000  }
0x6e: {  	[sflag:s7] =	ssyncset.done $0x0  }
0x6f: {  	s0 =	rddreg [dreg:$0x6];
	[sflag:s7] =	ssyncadd.s32 $0xFFFF4000  }
0x70: {  	[hbm4b:s0+s3] =	stream.linear.scatter [tilespmem:s5], [sflag:$0x3], $0xC000, $0x38;
	[tilespmem:$0x18800] =	vst v63  }
0x71: {  	_ =	swait.ge [sflag:s4], $0xC000  }
0x72: {  	[sflag:s4] =	ssyncset.done $0x0  }
0x73: {  	[sflag:s4] =	ssyncadd.s32 $0xFFFF4000  }
0x74: {  	[tilespmem:s5], [sflag:$0x1] =	stream.indirect.gather [hbm4b:s2+s6], $0x80, s24, s6, $0xb8;
	[tilespmem:$0x18800] =	vst v63  }
0x75: {  	_ = 	snop  }
0x76: {  	[tilespmem:s11], [sflag:$0x1] =	stream.indirect.gather [hbm4b:s2+s6], $0x80, s25, s6, $0xb8;
	[tilespmem:$0x18800] =	vst v63  }
0x77: {  	_ = 	snop  }
0x78: {  	[tilespmem:s12], [sflag:$0x1] =	stream.indirect.gather [hbm4b:s2+s6], $0x80, s26, s6, $0xb8;
	[tilespmem:$0x18800] =	vst v63  }
0x79: {  	_ =	swait.ge [sflag:s15], $0xC000  }
0x7a: {  	[sflag:s15] =	ssyncset.done $0x0  }
0x7b: {  	[sflag:s15] =	ssyncadd.s32 $0xFFFF4000  }
0x7c: {  	[hbm4b:s14+s3] =	stream.linear.scatter [tilespmem:s9], [sflag:$0x3], $0xC000, $0x38;
	[tilespmem:$0x18800] =	vst v63  }
0x7d: {  	_ =	swait.ge [sflag:s4], $0xC000  }
0x7e: {  	[sflag:s4] =	ssyncset.done $0x0  }
0x7f: {  	[sflag:s4] =	ssyncadd.s32 $0xFFFF4000  }
0x80: {  	[tilespmem:s9], [sflag:$0x2] =	stream.indirect.gather [hbm4b:s2+s6], $0x80, s21, s6, $0xb8;
	[tilespmem:$0x18800] =	vst v63  }
0x81: {  	_ = 	snop  }
0x82: {  	[tilespmem:s16], [sflag:$0x2] =	stream.indirect.gather [hbm4b:s2+s6], $0x80, s22, s6, $0xb8;
	[tilespmem:$0x18800] =	vst v63  }
0x83: {  	_ = 	snop  }
0x84: {  	[tilespmem:s17], [sflag:$0x2] =	stream.indirect.gather [hbm4b:s2+s6], $0x80, s23, s6, $0xb8;
	[tilespmem:$0x18800] =	vst v63  }
0x85: {  	_ =	swait.ge [sflag:s7], $0xC000  }
0x86: {  	[sflag:s7] =	ssyncset.done $0x0  }
0x87: {  	[sflag:s7] =	ssyncadd.s32 $0xFFFF4000  }
0x88: {  	[hbm4b:s10+s3] =	stream.linear.scatter [tilespmem:s5], [sflag:$0x3], $0xC000, $0x38;
	[tilespmem:$0x18800] =	vst v63  }
0x89: {  	_ =	swait.ge [sflag:s4], $0xC000  }
0x8a: {  	[sflag:s4] =	ssyncset.done $0x0  }
0x8b: {  	[sflag:s4] =	ssyncadd.s32 $0xFFFF4000  }
0x8c: {  	[tilespmem:s5], [sflag:$0x1] =	stream.indirect.gather [hbm4b:s2+s6], $0x80, s18, s6, $0xb8;
	[tilespmem:$0x18800] =	vst v63  }
0x8d: {  	_ = 	snop  }
0x8e: {  	[tilespmem:s11], [sflag:$0x1] =	stream.indirect.gather [hbm4b:s2+s6], $0x80, s19, s6, $0xb8;
	[tilespmem:$0x18800] =	vst v63  }
0x8f: {  	_ = 	snop  }
0x90: {  	[tilespmem:s12], [sflag:$0x1] =	stream.indirect.gather [hbm4b:s2+s6], $0x80, s20, s6, $0xb8;
	[tilespmem:$0x18800] =	vst v63  }
0x91: {  	_ =	swait.ge [sflag:s15], $0xC000  }
0x92: {  	[sflag:s15] =	ssyncset.done $0x0  }
0x93: {  	[sflag:s15] =	ssyncadd.s32 $0xFFFF4000  }
0x94: {  	[hbm4b:s8+s3] =	stream.linear.scatter [tilespmem:s9], [sflag:$0x3], $0xC000, $0x38;
	[tilespmem:$0x18800] =	vst v63  }
0x95: {  	_ =	swait.ge [sflag:s4], $0xC000  }
0x96: {  	[sflag:s4] =	ssyncset.done $0x0  }
0x97: {  	[sflag:s4] =	ssyncadd.s32 $0xFFFF4000  }
0x98: {  	_ =	swait.ge [sflag:s7], $0xC000  }
0x99: {  	[sflag:s7] =	ssyncset.done $0x0  }
0x9a: {  	s0 =	rddreg [dreg:$0x4];
	[sflag:s7] =	ssyncadd.s32 $0xFFFF4000  }
0x9b: {  	[hbm4b:s0+s3] =	stream.linear.scatter [tilespmem:s5], [sflag:$0x3], $0xC000, $0x38;
	[tilespmem:$0x18800] =	vst v63  }
0x9c: {  	_ =	swait.ge [sflag:s4], $0xC000  }
0x9d: {  	[sflag:s4] =	ssyncset.done $0x0  }
0x9e: {  	[sflag:s4] =	ssyncadd.s32 $0xFFFF4000  }
0x9f: {  	[tilespmem:s5], [sflag:$0x1] =	stream.indirect.gather [hbm4b:s2+s6], $0x80, s13, s6, $0xb8;
	[tilespmem:$0x18800] =	vst v63  }
0xa0: {  	p1 =	sne.s32 s1, $0x1;
	_ =	swait.ge [sflag:s7], $0x4000  }
.Ltmp2:
0xa1: {  	[sflag:s7] =	ssyncset.done $0x0;
	(pc) =	sbr.rel @p1 .LBB2_2-.Ltmp2, $4  }
0xa2: {  	s0 =	rddreg [dreg:$0x5];
	[sflag:s7] =	ssyncadd.s32 $0xFFFFC000  }
0xa3: {  	[hbm4b:s0+s3] =	stream.linear.scatter [tilespmem:s5], [sflag:$0x3], $0x4000, $0x38;
	[tilespmem:$0x18800] =	vst v63  }
0xa4: {  	_ =	swait.ge [sflag:s4], $0x4000  }
0xa5: {  	s1 =	sadd.s32 $0xFFFFFFFF, s1;
	s0 =	rddreg [dreg:$0x3];
	[sflag:s4] =	ssyncset.done $0x0  }
.LBB2_3:
0xa6: {  	[sflag:s4] =	ssyncadd.s32 @p0 $0xFFFFC000  }
0xa7: {  	[tilespmem:s3], [sflag:$0x3] =	stream.linear.gather [hbm4b:s0+s3], $0x800, $0x38;
	[tilespmem:$0x18800] =	vst v63  }
0xa8: {  	_ =	swait.ge [sflag:s4], $0x800  }
0xa9: {  	[sflag:s4] =	ssyncset.done $0x0  }
0xaa: {  	[sflag:s4] =	ssyncadd.s32 $0xFFFFF800  }
0xab: {  	[tilespmem:s5], [sflag:$0x1] =	stream.indirect.gather [hbm4b:s2+s6], $0x80, s3, s6, $0xb8;
	[tilespmem:$0x18800] =	vst v63  }
0xac: {  	_ = 	snop  }
0xad: {  	[tilespmem:s11], [sflag:$0x1] =	stream.indirect.gather [hbm4b:s2+s6], $0x80, s6, s6, $0xb8;
	[tilespmem:$0x18800] =	vst v63  }
0xae: {  	_ = 	snop  }
0xaf: {  	[tilespmem:s12], [sflag:$0x1] =	stream.indirect.gather [hbm4b:s2+s6], $0x80, s28, s6, $0xb8;
	[tilespmem:$0x18800] =	vst v63  }
0xb0: {  	_ = 	snop  }
0xb1: {  	[tilespmem:s9], [sflag:$0x2] =	stream.indirect.gather [hbm4b:s2+s6], $0x80, s29, s6, $0xb8;
	[tilespmem:$0x18800] =	vst v63  }
0xb2: {  	_ = 	snop  }
0xb3: {  	[tilespmem:s16], [sflag:$0x2] =	stream.indirect.gather [hbm4b:s2+s6], $0x80, s30, s6, $0xb8;
	[tilespmem:$0x18800] =	vst v63  }
0xb4: {  	_ = 	snop  }
0xb5: {  	[tilespmem:s17], [sflag:$0x2] =	stream.indirect.gather [hbm4b:s2+s6], $0x80, s31, s6, $0xb8;
	[tilespmem:$0x18800] =	vst v63  }
0xb6: {  	_ =	swait.ge [sflag:s7], $0xC000  }
0xb7: {  	[sflag:s7] =	ssyncset.done $0x0  }
0xb8: {  	s28 =	rddreg [dreg:$0x6];
	[sflag:s7] =	ssyncadd.s32 $0xFFFF4000  }
0xb9: {  	[hbm4b:s28+s3] =	stream.linear.scatter [tilespmem:s5], [sflag:$0x3], $0xC000, $0x38;
	[tilespmem:$0x18800] =	vst v63  }
0xba: {  	_ =	swait.ge [sflag:s4], $0xC000  }
0xbb: {  	[sflag:s4] =	ssyncset.done $0x0  }
0xbc: {  	[sflag:s4] =	ssyncadd.s32 $0xFFFF4000  }
0xbd: {  	[tilespmem:s5], [sflag:$0x1] =	stream.indirect.gather [hbm4b:s2+s6], $0x80, s24, s6, $0xb8;
	[tilespmem:$0x18800] =	vst v63  }
0xbe: {  	_ = 	snop  }
0xbf: {  	[tilespmem:s11], [sflag:$0x1] =	stream.indirect.gather [hbm4b:s2+s6], $0x80, s25, s6, $0xb8;
	[tilespmem:$0x18800] =	vst v63  }
0xc0: {  	_ = 	snop  }
0xc1: {  	[tilespmem:s12], [sflag:$0x1] =	stream.indirect.gather [hbm4b:s2+s6], $0x80, s26, s6, $0xb8;
	[tilespmem:$0x18800] =	vst v63  }
0xc2: {  	_ =	swait.ge [sflag:s15], $0xC000  }
0xc3: {  	[sflag:s15] =	ssyncset.done $0x0  }
0xc4: {  	[sflag:s15] =	ssyncadd.s32 $0xFFFF4000  }
0xc5: {  	[hbm4b:s14+s3] =	stream.linear.scatter [tilespmem:s9], [sflag:$0x3], $0xC000, $0x38;
	[tilespmem:$0x18800] =	vst v63  }
0xc6: {  	_ =	swait.ge [sflag:s4], $0xC000  }
0xc7: {  	[sflag:s4] =	ssyncset.done $0x0  }
0xc8: {  	[sflag:s4] =	ssyncadd.s32 $0xFFFF4000  }
0xc9: {  	[tilespmem:s9], [sflag:$0x2] =	stream.indirect.gather [hbm4b:s2+s6], $0x80, s21, s6, $0xb8;
	[tilespmem:$0x18800] =	vst v63  }
0xca: {  	_ = 	snop  }
0xcb: {  	[tilespmem:s16], [sflag:$0x2] =	stream.indirect.gather [hbm4b:s2+s6], $0x80, s22, s6, $0xb8;
	[tilespmem:$0x18800] =	vst v63  }
0xcc: {  	_ = 	snop  }
0xcd: {  	[tilespmem:s17], [sflag:$0x2] =	stream.indirect.gather [hbm4b:s2+s6], $0x80, s23, s6, $0xb8;
	[tilespmem:$0x18800] =	vst v63  }
0xce: {  	_ =	swait.ge [sflag:s7], $0xC000  }
0xcf: {  	[sflag:s7] =	ssyncset.done $0x0  }
0xd0: {  	[sflag:s7] =	ssyncadd.s32 $0xFFFF4000  }
0xd1: {  	[hbm4b:s10+s3] =	stream.linear.scatter [tilespmem:s5], [sflag:$0x3], $0xC000, $0x38;
	[tilespmem:$0x18800] =	vst v63  }
0xd2: {  	_ =	swait.ge [sflag:s4], $0xC000  }
0xd3: {  	[sflag:s4] =	ssyncset.done $0x0  }
0xd4: {  	[sflag:s4] =	ssyncadd.s32 $0xFFFF4000  }
0xd5: {  	[tilespmem:s5], [sflag:$0x1] =	stream.indirect.gather [hbm4b:s2+s6], $0x80, s18, s6, $0xb8;
	[tilespmem:$0x18800] =	vst v63  }
0xd6: {  	_ = 	snop  }
0xd7: {  	[tilespmem:s11], [sflag:$0x1] =	stream.indirect.gather [hbm4b:s2+s6], $0x80, s19, s6, $0xb8;
	[tilespmem:$0x18800] =	vst v63  }
0xd8: {  	_ = 	snop  }
0xd9: {  	[tilespmem:s12], [sflag:$0x1] =	stream.indirect.gather [hbm4b:s2+s6], $0x80, s20, s6, $0xb8;
	[tilespmem:$0x18800] =	vst v63  }
0xda: {  	_ =	swait.ge [sflag:s15], $0xC000  }
0xdb: {  	[sflag:s15] =	ssyncset.done $0x0  }
0xdc: {  	[sflag:s15] =	ssyncadd.s32 $0xFFFF4000  }
0xdd: {  	[hbm4b:s8+s3] =	stream.linear.scatter [tilespmem:s9], [sflag:$0x3], $0xC000, $0x38;
	[tilespmem:$0x18800] =	vst v63  }
0xde: {  	_ =	swait.ge [sflag:s4], $0xC000  }
0xdf: {  	[sflag:s4] =	ssyncset.done $0x0  }
0xe0: {  	[sflag:s4] =	ssyncadd.s32 $0xFFFF4000  }
0xe1: {  	_ =	swait.ge [sflag:s7], $0xC000  }
0xe2: {  	[sflag:s7] =	ssyncset.done $0x0  }
0xe3: {  	s29 =	rddreg [dreg:$0x4];
	[sflag:s7] =	ssyncadd.s32 $0xFFFF4000  }
0xe4: {  	[hbm4b:s29+s3] =	stream.linear.scatter [tilespmem:s5], [sflag:$0x3], $0xC000, $0x38;
	[tilespmem:$0x18800] =	vst v63  }
0xe5: {  	_ =	swait.ge [sflag:s4], $0xC000  }
0xe6: {  	[sflag:s4] =	ssyncset.done $0x0  }
0xe7: {  	[sflag:s4] =	ssyncadd.s32 $0xFFFF4000  }
0xe8: {  	[tilespmem:s5], [sflag:$0x1] =	stream.indirect.gather [hbm4b:s2+s6], $0x80, s13, s6, $0xb8;
	[tilespmem:$0x18800] =	vst v63  }
0xe9: {  	_ =	swait.ge [sflag:s7], $0x4000  }
0xea: {  	[sflag:s7] =	ssyncset.done $0x0  }
0xeb: {  	s30 =	rddreg [dreg:$0x5];
	[sflag:s7] =	ssyncadd.s32 $0xFFFFC000  }
0xec: {  	[hbm4b:s30+s3] =	stream.linear.scatter [tilespmem:s5], [sflag:$0x3], $0x4000, $0x38;
	[tilespmem:$0x18800] =	vst v63  }
0xed: {  	_ =	swait.ge [sflag:s4], $0x4000  }
0xee: {  	[sflag:s4] =	ssyncset.done $0x0  }
0xef: {  	[sflag:s4] =	ssyncadd.s32 $0xFFFFC000  }
0xf0: {  	_ =	sfence.sel $0x180000  }
0xf1: {  	[bflag:$0x0] =	sbarrier.arrive $0xFFFF  }
0xf2: {  	_ =	strace $0x90000047  }
0xf3: {  	s31 =	stileid.u32;
	[bflag:$0x2] =	sbarrier.arrive $0xFFFF  }
0xf4: {  	p0 =	sne.s32 s31, $0x0;
	s0 =	rddreg [dreg:$0x2]  }
0xf5: {  	s0 =	sadd.s32 @!p0 $0x100000, s0  }
0xf6: {  	[sflag:s0] =	ssyncadd.tile.s32 @!p0 $0x1;
	_ =	shalt  }
.Lfunc_end2:
_tile_overlayer_lowered:
.L_overlay_start_2:
0xf7: {  	(tag) =	ssettag $0x2  }
0xf8: {  	s0 =	rddreg [dreg:$0x0];
	s2 =	stileid.u32  }
0xf9: {  	s1 =	rddreg [dreg:$0x1];
	p0 =	sne.s32 s2, $0x0  }
0xfa: {  	s3 =	rddreg [dreg:$0x2];
	[bflag:$0x3] =	sbarrier.arrive $0xFFFF;
	s2 =	simm.s32 @!p0 $0x1C03  }
0xfb: {  	[timem:s3], [sflag:s2] =	dma.local @!p0 [hbm:s0], s1  }
0xfc: {  	s0 =	simm.s32 @!p0 $0x3  }
0xfd: {  	_ =	swait.ge @!p0 [sflag:s0], s1  }
0xfe: {  	s1 =	ssub.s32 @!p0 $0x0, s1;
	[sflag:s0] =	ssyncset.done @!p0 $0x0  }
0xff: {  	[sflag:s0] =	ssyncadd.s32 @!p0 s1  }
0x100: {  	[bflag:$0x3] =	sbarrier.arrive $0xFFFF  }
0x101: {  	_ =	shalt  }

</sc_bundles>
